<compile_context>
chip_gen: v7x
topology: tpu7x:2x2x1
jax: 0.10.2.dev20260603
libtpu: 0.0.44.dev20260713+nightly
codegen_flags: <defaults>
</compile_context>

<pallas_src>
import functools

import jax
import jax.numpy as jnp
from jax import lax
from jax.experimental import pallas as pl
from jax.experimental.pallas import tpu as pltpu
from jax.experimental.pallas import tpu_sc as plsc

N = 10000
D = 128
E = 320000
NC = 2
NS = 16
L = 16
NW = NC * NS
C = 128
CH = 80
CP = 40
CP8 = CP // 8
NPH0 = 3
NPH1 = 1
CH0 = NPH0 * CP
CH1 = NPH1 * CP
G = NS * (CH0 + CH1)
G8 = G // 8
EPT = C * CH
EPAD = NW * EPT
NPR = 10240
RPT = NPR // NS

_mesh = plsc.VectorSubcoreMesh(core_axis_name="c", subcore_axis_name="s")


@functools.partial(
    pl.kernel,
    out_type=(
        jax.ShapeDtypeStruct((NC, NPR), jnp.float32),
        jax.ShapeDtypeStruct((NC, NPR), jnp.float32),
    ),
    mesh=_mesh,
    compiler_params=pltpu.CompilerParams(needs_layout_passes=False),
    scratch_types=[
        pltpu.VMEM((CH, C), jnp.int32),
        pltpu.VMEM((CH, C), jnp.int32),
        pltpu.VMEM((NPR,), jnp.float32),
        pltpu.VMEM((NPR,), jnp.float32),
        pltpu.VMEM((NS, RPT), jnp.float32),
        pltpu.VMEM((RPT,), jnp.float32),
        pltpu.VMEM_SHARED((NS, NPR), jnp.float32),
    ],
)
def _deg_kernel(src3, dst3, dego, degi, idxs, idxd, ho, hi, tmp, res, sh):
    c = lax.axis_index("c")
    s = lax.axis_index("s")
    wid = c * NS + s

    def z(i, carry):
        ho[pl.ds(i * L, L)] = jnp.zeros((L,), jnp.float32)
        hi[pl.ds(i * L, L)] = jnp.zeros((L,), jnp.float32)
        return carry

    lax.fori_loop(0, NPR // L, z, 0)
    pltpu.sync_copy(src3.at[wid], idxs)
    pltpu.sync_copy(dst3.at[wid], idxd)

    ones = jnp.full((L,), 1.0, jnp.float32)

    def scat(j, carry):
        for k in range(C // L):
            plsc.addupdate_scatter(ho, [idxs[j, pl.ds(k * L, L)]], ones)
            plsc.addupdate_scatter(hi, [idxd[j, pl.ds(k * L, L)]], ones)
        return carry

    lax.fori_loop(0, CH, scat, 0)

    for h_v, out in ((ho, dego), (hi, degi)):
        pltpu.sync_copy(h_v, sh.at[s])
        plsc.subcore_barrier()
        for r in range(NS):
            pltpu.sync_copy(sh.at[r, pl.ds(s * RPT, RPT)], tmp.at[r])

        def red(g, carry):
            acc = tmp[0, pl.ds(g * L, L)]
            for r in range(1, NS):
                acc = acc + tmp[r, pl.ds(g * L, L)]
            res[pl.ds(g * L, L)] = acc
            return carry

        lax.fori_loop(0, RPT // L, red, 0)
        pltpu.sync_copy(res, out.at[c, pl.ds(s * RPT, RPT)])
        plsc.subcore_barrier()


@functools.partial(
    pl.kernel,
    out_type=jax.ShapeDtypeStruct((NC, NPR, D), jnp.float32),
    mesh=_mesh,
    scratch_types=[
        pltpu.VMEM((CP8, 8, C), jnp.int32),
        pltpu.VMEM((CP8, 8, C), jnp.int32),
        pltpu.VMEM((C, D), jnp.float32),
        pltpu.VMEM((C, D), jnp.float32),
        pltpu.VMEM_SHARED((NPR, D), jnp.float32),
        pltpu.SemaphoreType.DMA,
        pltpu.SemaphoreType.DMA,
    ],
)
def _agg_kernel(h_hbm, src3d, dst3d, aggp, idxs, idxd, vb0, vb1, sh_a,
                sem0, sem1):
    c = lax.axis_index("c")
    s = lax.axis_index("s")

    def zfill(i, carry):
        for g in range(D // L):
            vb0[i, pl.ds(g * L, L)] = jnp.zeros((L,), jnp.float32)
        return carry

    lax.fori_loop(0, C, zfill, 0)
    for k in range(RPT // C):
        pltpu.sync_copy(vb0, sh_a.at[pl.ds(s * RPT + k * C, C)])
    plsc.subcore_barrier()

    def _row(ref, j):
        return ref.at[j // 8, j - (j // 8) * 8]

    base8 = jnp.where(c == 0, s * (CH0 // 8),
                      NS * (CH0 // 8) + s * (CH1 // 8))
    nph = jnp.where(c == 0, NPH0, 0)

    def phase(p, carry):
        pltpu.sync_copy(src3d.at[pl.ds(base8 + p * CP8, CP8)], idxs)
        pltpu.sync_copy(dst3d.at[pl.ds(base8 + p * CP8, CP8)], idxd)

        pltpu.async_copy(h_hbm.at[idxs.at[0, 0]], vb0, sem0)
        pltpu.async_copy(h_hbm.at[idxs.at[0, 1]], vb1, sem1)

        def step(jj, carry2):
            j = jj * 2
            pltpu.make_async_copy(h_hbm.at[_row(idxs, j)], vb0, sem0).wait()
            pltpu.sync_copy(vb0, sh_a.at[_row(idxd, j)], add=True)
            pltpu.async_copy(h_hbm.at[_row(idxs, j + 2)], vb0, sem0)
            pltpu.make_async_copy(h_hbm.at[_row(idxs, j + 1)], vb1, sem1).wait()
            pltpu.sync_copy(vb1, sh_a.at[_row(idxd, j + 1)], add=True)
            pltpu.async_copy(h_hbm.at[_row(idxs, j + 3)], vb1, sem1)
            return carry2

        lax.fori_loop(0, CP // 2 - 1, step, 0)
        jt = CP - 2
        pltpu.make_async_copy(h_hbm.at[_row(idxs, jt)], vb0, sem0).wait()
        pltpu.sync_copy(vb0, sh_a.at[_row(idxd, jt)], add=True)
        pltpu.make_async_copy(h_hbm.at[_row(idxs, jt + 1)], vb1, sem1).wait()
        pltpu.sync_copy(vb1, sh_a.at[_row(idxd, jt + 1)], add=True)
        return carry

    lax.fori_loop(0, nph, phase, 0)

    plsc.subcore_barrier()
    pltpu.sync_copy(sh_a.at[pl.ds(s * RPT, RPT)], aggp.at[c, pl.ds(s * RPT, RPT)])


def _scale_body(dego_ref, x_ref, h_ref):
    d = dego_ref[0] + dego_ref[1]
    nrm = lax.rsqrt(jnp.maximum(d, 1.0))
    h_ref[...] = x_ref[...] * nrm[:, None]


_scale = pl.pallas_call(
    _scale_body,
    out_shape=jax.ShapeDtypeStruct((NPR, D), jnp.float32),
)


def _out_body(degi_ref, agg_ref, x_ref, w_ref, b_ref, o_ref):
    d = degi_ref[0] + degi_ref[1]
    nrm = lax.rsqrt(jnp.maximum(d, 1.0))
    a = (agg_ref[0] + agg_ref[1]) * nrm[:, None]
    a = a[:N]
    o_ref[...] = (
        jnp.dot(a, w_ref[...], preferred_element_type=jnp.float32)
        + b_ref[...][None, :]
        + x_ref[...]
    )


_finish = pl.pallas_call(
    _out_body,
    out_shape=jax.ShapeDtypeStruct((N, D), jnp.float32),
)


def kernel(x, edge_index, W, b):
    src = edge_index[0].astype(jnp.int32)
    dst = edge_index[1].astype(jnp.int32)
    pad = jnp.full((EPAD - E,), N, jnp.int32)
    src3 = jnp.concatenate([src, pad]).reshape(NW, CH, C)
    dst3 = jnp.concatenate([dst, pad]).reshape(NW, CH, C)
    x_pad = jnp.concatenate([x, jnp.zeros((NPR - N, D), jnp.float32)])

    dego, degi = _deg_kernel(src3, dst3)
    h_pad = _scale(dego, x_pad)
    aggp = _agg_kernel(h_pad, src3.reshape(G8, 8, C), dst3.reshape(G8, 8, C))
    out = _finish(degi, aggp, x, W, b)
    return out

# --- scband reference (transcript-rebuilt; emitter-appended) ---
"""Pipeline reference for scband-gcn-27616639713349 (READ-ONLY COPY).

The authoritative reference and input builder live on the scoring server;
editing this copy changes nothing except your own understanding.
"""

import jax, jax.numpy as jnp
import numpy as np

N_NODES = 10000
N_EDGES = 320000
D = 128

def setup_inputs(seed: int = 0) -> dict:
    key = jax.random.key(seed)
    k1, k2, k3 = jax.random.split(key, 3)
    x = jax.random.normal(k1, (N_NODES, D), dtype=jnp.float32)
    edge_index = jax.random.randint(k2, (2, N_EDGES), 0, N_NODES, dtype=jnp.int64)
    W = jax.random.normal(k3, (D, D), dtype=jnp.float32) * (1.0 / np.sqrt(D))
    b = jnp.zeros((D,), dtype=jnp.float32)
    return {"x": x, "edge_index": edge_index, "W": W, "b": b}

def reference(x, edge_index, W, b):
    # GCN layer (DGL GraphConv norm='both') with identity residual (in==out), activation=None
    N = x.shape[0]
    src = edge_index[0]
    dst = edge_index[1]
    deg_out = jnp.zeros((N,), dtype=jnp.float32).at[src].add(1.0)
    deg_in = jnp.zeros((N,), dtype=jnp.float32).at[dst].add(1.0)
    norm_src = jax.lax.rsqrt(jnp.clip(deg_out, 1.0))
    norm_dst = jax.lax.rsqrt(jnp.clip(deg_in, 1.0))
    h = x * norm_src[:, None]
    msgs = jnp.take(h, src, axis=0)
    agg = jnp.zeros_like(x).at[dst].add(msgs)
    agg = agg * norm_dst[:, None]
    out = agg @ W + b + x
    return out

if __name__ == "__main__":
    import jax
    _d = setup_inputs()
    print(jax.jit(kernel)(*tuple(_d.values())))

</pallas_src>

<mosaic_0001>
#map = affine_map<(d0, d1) -> (0, 0)>
#map1 = affine_map<(d0, d1) -> (0, 0, 0)>
module attributes {stable_mosaic.version = 14 : i64} {
  func.func @_agg_kernel(%arg0: i32, %arg1: i32, %arg2: memref<10240x128xf32, #tpu.memory_space<hbm>>, %arg3: memref<320x8x128xi32, #tpu.memory_space<hbm>>, %arg4: memref<320x8x128xi32, #tpu.memory_space<hbm>>, %arg5: memref<2x10240x128xf32, #tpu.memory_space<hbm>>, %arg6: memref<5x8x128xi32, #tpu.memory_space<vmem>>, %arg7: memref<5x8x128xi32, #tpu.memory_space<vmem>>, %arg8: memref<128x128xf32, #tpu.memory_space<vmem>>, %arg9: memref<128x128xf32, #tpu.memory_space<vmem>>, %arg10: memref<10240x128xf32, #tpu.memory_space<vmem_shared>>, %arg11: memref<!tpu.dma_semaphore, #tpu.memory_space<semaphore_mem>>, %arg12: memref<!tpu.dma_semaphore, #tpu.memory_space<semaphore_mem>>) attributes {dimension_semantics = [#tpu.dimension_semantics<core_parallel>, #tpu.dimension_semantics<subcore_parallel>], iteration_bounds = array<i64: 2, 16>, scalar_prefetch = 0 : i64, scratch_operands = 7 : i64, tpu.core_type = #tpu.core_type<sc_vector_subcore>, window_params = [{transform_indices = #map}, {transform_indices = #map1}, {transform_indices = #map1}, {transform_indices = #map1}]} {
    %scan3A = arith.constant 0 : i32
    %scan3A_0 = arith.constant 0 : i32
    %scan3A_1 = arith.constant 128 : i32
    %scan3A_2 = arith.addi %scan3A_0, %scan3A_1 : i32
    %scan3A_3 = arith.constant 1 : i32
    scf.for %scan3A_48 = %scan3A_0 to %scan3A_2 step %scan3A_3  : i32 {
      %broadcast_in_dim3A = arith.constant 0.000000e+00 : f32
      %broadcast_in_dim3A_49 = vector.broadcast %broadcast_in_dim3A : f32 to vector<16xf32>
      %swap3A = arith.index_cast %scan3A_48 : i32 to index
      %swap3A_50 = arith.constant 0 : index
      %swap3A_51 = tpu.vector_load %arg8[%swap3A, %swap3A_50] {strides = array<i32>} : memref<128x128xf32, #tpu.memory_space<vmem>>, vector<1x16xf32>,
      %swap3A_52 = vector.shape_cast %swap3A_51 : vector<1x16xf32> to vector<16xf32>
      %swap3A_53 = vector.shape_cast %broadcast_in_dim3A_49 : vector<16xf32> to vector<1x16xf32>
      tpu.vector_store %arg8[%swap3A, %swap3A_50], %swap3A_53 {strides = array<i32>} : memref<128x128xf32, #tpu.memory_space<vmem>>, vector<1x16xf32>,
      %broadcast_in_dim3A_54 = arith.constant 0.000000e+00 : f32
      %broadcast_in_dim3A_55 = vector.broadcast %broadcast_in_dim3A_54 : f32 to vector<16xf32>
      %swap3A_56 = arith.index_cast %scan3A_48 : i32 to index
      %swap3A_57 = arith.constant 16 : index
      %swap3A_58 = tpu.vector_load %arg8[%swap3A_56, %swap3A_57] {strides = array<i32>} : memref<128x128xf32, #tpu.memory_space<vmem>>, vector<1x16xf32>,
      %swap3A_59 = vector.shape_cast %swap3A_58 : vector<1x16xf32> to vector<16xf32>
      %swap3A_60 = vector.shape_cast %broadcast_in_dim3A_55 : vector<16xf32> to vector<1x16xf32>
      tpu.vector_store %arg8[%swap3A_56, %swap3A_57], %swap3A_60 {strides = array<i32>} : memref<128x128xf32, #tpu.memory_space<vmem>>, vector<1x16xf32>,
      %broadcast_in_dim3A_61 = arith.constant 0.000000e+00 : f32
      %broadcast_in_dim3A_62 = vector.broadcast %broadcast_in_dim3A_61 : f32 to vector<16xf32>
      %swap3A_63 = arith.index_cast %scan3A_48 : i32 to index
      %swap3A_64 = arith.constant 32 : index
      %swap3A_65 = tpu.vector_load %arg8[%swap3A_63, %swap3A_64] {strides = array<i32>} : memref<128x128xf32, #tpu.memory_space<vmem>>, vector<1x16xf32>,
      %swap3A_66 = vector.shape_cast %swap3A_65 : vector<1x16xf32> to vector<16xf32>
      %swap3A_67 = vector.shape_cast %broadcast_in_dim3A_62 : vector<16xf32> to vector<1x16xf32>
      tpu.vector_store %arg8[%swap3A_63, %swap3A_64], %swap3A_67 {strides = array<i32>} : memref<128x128xf32, #tpu.memory_space<vmem>>, vector<1x16xf32>,
      %broadcast_in_dim3A_68 = arith.constant 0.000000e+00 : f32
      %broadcast_in_dim3A_69 = vector.broadcast %broadcast_in_dim3A_68 : f32 to vector<16xf32>
      %swap3A_70 = arith.index_cast %scan3A_48 : i32 to index
      %swap3A_71 = arith.constant 48 : index
      %swap3A_72 = tpu.vector_load %arg8[%swap3A_70, %swap3A_71] {strides = array<i32>} : memref<128x128xf32, #tpu.memory_space<vmem>>, vector<1x16xf32>,
      %swap3A_73 = vector.shape_cast %swap3A_72 : vector<1x16xf32> to vector<16xf32>
      %swap3A_74 = vector.shape_cast %broadcast_in_dim3A_69 : vector<16xf32> to vector<1x16xf32>
      tpu.vector_store %arg8[%swap3A_70, %swap3A_71], %swap3A_74 {strides = array<i32>} : memref<128x128xf32, #tpu.memory_space<vmem>>, vector<1x16xf32>,
      %broadcast_in_dim3A_75 = arith.constant 0.000000e+00 : f32
      %broadcast_in_dim3A_76 = vector.broadcast %broadcast_in_dim3A_75 : f32 to vector<16xf32>
      %swap3A_77 = arith.index_cast %scan3A_48 : i32 to index
      %swap3A_78 = arith.constant 64 : index
      %swap3A_79 = tpu.vector_load %arg8[%swap3A_77, %swap3A_78] {strides = array<i32>} : memref<128x128xf32, #tpu.memory_space<vmem>>, vector<1x16xf32>,
      %swap3A_80 = vector.shape_cast %swap3A_79 : vector<1x16xf32> to vector<16xf32>
      %swap3A_81 = vector.shape_cast %broadcast_in_dim3A_76 : vector<16xf32> to vector<1x16xf32>
      tpu.vector_store %arg8[%swap3A_77, %swap3A_78], %swap3A_81 {strides = array<i32>} : memref<128x128xf32, #tpu.memory_space<vmem>>, vector<1x16xf32>,
      %broadcast_in_dim3A_82 = arith.constant 0.000000e+00 : f32
      %broadcast_in_dim3A_83 = vector.broadcast %broadcast_in_dim3A_82 : f32 to vector<16xf32>
      %swap3A_84 = arith.index_cast %scan3A_48 : i32 to index
      %swap3A_85 = arith.constant 80 : index
      %swap3A_86 = tpu.vector_load %arg8[%swap3A_84, %swap3A_85] {strides = array<i32>} : memref<128x128xf32, #tpu.memory_space<vmem>>, vector<1x16xf32>,
      %swap3A_87 = vector.shape_cast %swap3A_86 : vector<1x16xf32> to vector<16xf32>
      %swap3A_88 = vector.shape_cast %broadcast_in_dim3A_83 : vector<16xf32> to vector<1x16xf32>
      tpu.vector_store %arg8[%swap3A_84, %swap3A_85], %swap3A_88 {strides = array<i32>} : memref<128x128xf32, #tpu.memory_space<vmem>>, vector<1x16xf32>,
      %broadcast_in_dim3A_89 = arith.constant 0.000000e+00 : f32
      %broadcast_in_dim3A_90 = vector.broadcast %broadcast_in_dim3A_89 : f32 to vector<16xf32>
      %swap3A_91 = arith.index_cast %scan3A_48 : i32 to index
      %swap3A_92 = arith.constant 96 : index
      %swap3A_93 = tpu.vector_load %arg8[%swap3A_91, %swap3A_92] {strides = array<i32>} : memref<128x128xf32, #tpu.memory_space<vmem>>, vector<1x16xf32>,
      %swap3A_94 = vector.shape_cast %swap3A_93 : vector<1x16xf32> to vector<16xf32>
      %swap3A_95 = vector.shape_cast %broadcast_in_dim3A_90 : vector<16xf32> to vector<1x16xf32>
      tpu.vector_store %arg8[%swap3A_91, %swap3A_92], %swap3A_95 {strides = array<i32>} : memref<128x128xf32, #tpu.memory_space<vmem>>, vector<1x16xf32>,
      %broadcast_in_dim3A_96 = arith.constant 0.000000e+00 : f32
      %broadcast_in_dim3A_97 = vector.broadcast %broadcast_in_dim3A_96 : f32 to vector<16xf32>
      %swap3A_98 = arith.index_cast %scan3A_48 : i32 to index
      %swap3A_99 = arith.constant 112 : index
      %swap3A_100 = tpu.vector_load %arg8[%swap3A_98, %swap3A_99] {strides = array<i32>} : memref<128x128xf32, #tpu.memory_space<vmem>>, vector<1x16xf32>,
      %swap3A_101 = vector.shape_cast %swap3A_100 : vector<1x16xf32> to vector<16xf32>
      %swap3A_102 = vector.shape_cast %broadcast_in_dim3A_97 : vector<16xf32> to vector<1x16xf32>
      tpu.vector_store %arg8[%swap3A_98, %swap3A_99], %swap3A_102 {strides = array<i32>} : memref<128x128xf32, #tpu.memory_space<vmem>>, vector<1x16xf32>,
    }
    %scan3A_4 = arith.constant 128 : i32
    %mul3A = arith.constant 640 : i32
    %mul3A_5 = arith.muli %arg1, %mul3A : i32
    %add3A = arith.constant 0 : i32
    %add3A_6 = arith.addi %mul3A_5, %add3A : i32
    "tpu.region"() ({
      %run_scoped3A = tpu.sem_alloc : memref<!tpu.dma_semaphore, #tpu.memory_space<semaphore_mem>>
      %dma_start3A = arith.constant 0 : i32
      %dma_start3A_48 = tpu.memref_slice %arg10[%add3A_6, %dma_start3A] : memref<10240x128xf32, #tpu.memory_space<vmem_shared>> -> memref<128x128xf32, #tpu.memory_space<vmem_shared>>
      %dma_start3A_49 = arith.constant 0 : i32
      %dma_start3A_50 = tpu.memref_slice %arg10[%add3A_6, %dma_start3A_49] : memref<10240x128xf32, #tpu.memory_space<vmem_shared>> -> memref<128x128xf32, #tpu.memory_space<vmem_shared>>
      tpu.enqueue_dma source(%arg8 : memref<128x128xf32, #tpu.memory_space<vmem>>) target(%dma_start3A_50 : memref<128x128xf32, #tpu.memory_space<vmem_shared>>) target_semaphore(%run_scoped3A : memref<!tpu.dma_semaphore, #tpu.memory_space<semaphore_mem>>)
      %dma_wait3A = arith.constant 0 : i32
      %dma_wait3A_51 = tpu.memref_slice %arg10[%add3A_6, %dma_wait3A] : memref<10240x128xf32, #tpu.memory_space<vmem_shared>> -> memref<128x128xf32, #tpu.memory_space<vmem_shared>>
      %dma_wait3A_52 = arith.constant 0 : i32
      %dma_wait3A_53 = tpu.memref_slice %arg10[%add3A_6, %dma_wait3A_52] : memref<10240x128xf32, #tpu.memory_space<vmem_shared>> -> memref<128x128xf32, #tpu.memory_space<vmem_shared>>
      tpu.wait_dma2 semaphore(%run_scoped3A : memref<!tpu.dma_semaphore, #tpu.memory_space<semaphore_mem>>) src(%arg8 : memref<128x128xf32, #tpu.memory_space<vmem>>) dst(%dma_wait3A_53 : memref<128x128xf32, #tpu.memory_space<vmem_shared>>)
      tpu.yield
    }) : () -> ()
    %mul3A_7 = arith.constant 640 : i32
    %mul3A_8 = arith.muli %arg1, %mul3A_7 : i32
    %add3A_9 = arith.constant 128 : i32
    %add3A_10 = arith.addi %mul3A_8, %add3A_9 : i32
    "tpu.region"() ({
      %run_scoped3A = tpu.sem_alloc : memref<!tpu.dma_semaphore, #tpu.memory_space<semaphore_mem>>
      %dma_start3A = arith.constant 0 : i32
      %dma_start3A_48 = tpu.memref_slice %arg10[%add3A_10, %dma_start3A] : memref<10240x128xf32, #tpu.memory_space<vmem_shared>> -> memref<128x128xf32, #tpu.memory_space<vmem_shared>>
      %dma_start3A_49 = arith.constant 0 : i32
      %dma_start3A_50 = tpu.memref_slice %arg10[%add3A_10, %dma_start3A_49] : memref<10240x128xf32, #tpu.memory_space<vmem_shared>> -> memref<128x128xf32, #tpu.memory_space<vmem_shared>>
      tpu.enqueue_dma source(%arg8 : memref<128x128xf32, #tpu.memory_space<vmem>>) target(%dma_start3A_50 : memref<128x128xf32, #tpu.memory_space<vmem_shared>>) target_semaphore(%run_scoped3A : memref<!tpu.dma_semaphore, #tpu.memory_space<semaphore_mem>>)
      %dma_wait3A = arith.constant 0 : i32
      %dma_wait3A_51 = tpu.memref_slice %arg10[%add3A_10, %dma_wait3A] : memref<10240x128xf32, #tpu.memory_space<vmem_shared>> -> memref<128x128xf32, #tpu.memory_space<vmem_shared>>
      %dma_wait3A_52 = arith.constant 0 : i32
      %dma_wait3A_53 = tpu.memref_slice %arg10[%add3A_10, %dma_wait3A_52] : memref<10240x128xf32, #tpu.memory_space<vmem_shared>> -> memref<128x128xf32, #tpu.memory_space<vmem_shared>>
      tpu.wait_dma2 semaphore(%run_scoped3A : memref<!tpu.dma_semaphore, #tpu.memory_space<semaphore_mem>>) src(%arg8 : memref<128x128xf32, #tpu.memory_space<vmem>>) dst(%dma_wait3A_53 : memref<128x128xf32, #tpu.memory_space<vmem_shared>>)
      tpu.yield
    }) : () -> ()
    %mul3A_11 = arith.constant 640 : i32
    %mul3A_12 = arith.muli %arg1, %mul3A_11 : i32
    %add3A_13 = arith.constant 256 : i32
    %add3A_14 = arith.addi %mul3A_12, %add3A_13 : i32
    "tpu.region"() ({
      %run_scoped3A = tpu.sem_alloc : memref<!tpu.dma_semaphore, #tpu.memory_space<semaphore_mem>>
      %dma_start3A = arith.constant 0 : i32
      %dma_start3A_48 = tpu.memref_slice %arg10[%add3A_14, %dma_start3A] : memref<10240x128xf32, #tpu.memory_space<vmem_shared>> -> memref<128x128xf32, #tpu.memory_space<vmem_shared>>
      %dma_start3A_49 = arith.constant 0 : i32
      %dma_start3A_50 = tpu.memref_slice %arg10[%add3A_14, %dma_start3A_49] : memref<10240x128xf32, #tpu.memory_space<vmem_shared>> -> memref<128x128xf32, #tpu.memory_space<vmem_shared>>
      tpu.enqueue_dma source(%arg8 : memref<128x128xf32, #tpu.memory_space<vmem>>) target(%dma_start3A_50 : memref<128x128xf32, #tpu.memory_space<vmem_shared>>) target_semaphore(%run_scoped3A : memref<!tpu.dma_semaphore, #tpu.memory_space<semaphore_mem>>)
      %dma_wait3A = arith.constant 0 : i32
      %dma_wait3A_51 = tpu.memref_slice %arg10[%add3A_14, %dma_wait3A] : memref<10240x128xf32, #tpu.memory_space<vmem_shared>> -> memref<128x128xf32, #tpu.memory_space<vmem_shared>>
      %dma_wait3A_52 = arith.constant 0 : i32
      %dma_wait3A_53 = tpu.memref_slice %arg10[%add3A_14, %dma_wait3A_52] : memref<10240x128xf32, #tpu.memory_space<vmem_shared>> -> memref<128x128xf32, #tpu.memory_space<vmem_shared>>
      tpu.wait_dma2 semaphore(%run_scoped3A : memref<!tpu.dma_semaphore, #tpu.memory_space<semaphore_mem>>) src(%arg8 : memref<128x128xf32, #tpu.memory_space<vmem>>) dst(%dma_wait3A_53 : memref<128x128xf32, #tpu.memory_space<vmem_shared>>)
      tpu.yield
    }) : () -> ()
    %mul3A_15 = arith.constant 640 : i32
    %mul3A_16 = arith.muli %arg1, %mul3A_15 : i32
    %add3A_17 = arith.constant 384 : i32
    %add3A_18 = arith.addi %mul3A_16, %add3A_17 : i32
    "tpu.region"() ({
      %run_scoped3A = tpu.sem_alloc : memref<!tpu.dma_semaphore, #tpu.memory_space<semaphore_mem>>
      %dma_start3A = arith.constant 0 : i32
      %dma_start3A_48 = tpu.memref_slice %arg10[%add3A_18, %dma_start3A] : memref<10240x128xf32, #tpu.memory_space<vmem_shared>> -> memref<128x128xf32, #tpu.memory_space<vmem_shared>>
      %dma_start3A_49 = arith.constant 0 : i32
      %dma_start3A_50 = tpu.memref_slice %arg10[%add3A_18, %dma_start3A_49] : memref<10240x128xf32, #tpu.memory_space<vmem_shared>> -> memref<128x128xf32, #tpu.memory_space<vmem_shared>>
      tpu.enqueue_dma source(%arg8 : memref<128x128xf32, #tpu.memory_space<vmem>>) target(%dma_start3A_50 : memref<128x128xf32, #tpu.memory_space<vmem_shared>>) target_semaphore(%run_scoped3A : memref<!tpu.dma_semaphore, #tpu.memory_space<semaphore_mem>>)
      %dma_wait3A = arith.constant 0 : i32
      %dma_wait3A_51 = tpu.memref_slice %arg10[%add3A_18, %dma_wait3A] : memref<10240x128xf32, #tpu.memory_space<vmem_shared>> -> memref<128x128xf32, #tpu.memory_space<vmem_shared>>
      %dma_wait3A_52 = arith.constant 0 : i32
      %dma_wait3A_53 = tpu.memref_slice %arg10[%add3A_18, %dma_wait3A_52] : memref<10240x128xf32, #tpu.memory_space<vmem_shared>> -> memref<128x128xf32, #tpu.memory_space<vmem_shared>>
      tpu.wait_dma2 semaphore(%run_scoped3A : memref<!tpu.dma_semaphore, #tpu.memory_space<semaphore_mem>>) src(%arg8 : memref<128x128xf32, #tpu.memory_space<vmem>>) dst(%dma_wait3A_53 : memref<128x128xf32, #tpu.memory_space<vmem_shared>>)
      tpu.yield
    }) : () -> ()
    %mul3A_19 = arith.constant 640 : i32
    %mul3A_20 = arith.muli %arg1, %mul3A_19 : i32
    %add3A_21 = arith.constant 512 : i32
    %add3A_22 = arith.addi %mul3A_20, %add3A_21 : i32
    "tpu.region"() ({
      %run_scoped3A = tpu.sem_alloc : memref<!tpu.dma_semaphore, #tpu.memory_space<semaphore_mem>>
      %dma_start3A = arith.constant 0 : i32
      %dma_start3A_48 = tpu.memref_slice %arg10[%add3A_22, %dma_start3A] : memref<10240x128xf32, #tpu.memory_space<vmem_shared>> -> memref<128x128xf32, #tpu.memory_space<vmem_shared>>
      %dma_start3A_49 = arith.constant 0 : i32
      %dma_start3A_50 = tpu.memref_slice %arg10[%add3A_22, %dma_start3A_49] : memref<10240x128xf32, #tpu.memory_space<vmem_shared>> -> memref<128x128xf32, #tpu.memory_space<vmem_shared>>
      tpu.enqueue_dma source(%arg8 : memref<128x128xf32, #tpu.memory_space<vmem>>) target(%dma_start3A_50 : memref<128x128xf32, #tpu.memory_space<vmem_shared>>) target_semaphore(%run_scoped3A : memref<!tpu.dma_semaphore, #tpu.memory_space<semaphore_mem>>)
      %dma_wait3A = arith.constant 0 : i32
      %dma_wait3A_51 = tpu.memref_slice %arg10[%add3A_22, %dma_wait3A] : memref<10240x128xf32, #tpu.memory_space<vmem_shared>> -> memref<128x128xf32, #tpu.memory_space<vmem_shared>>
      %dma_wait3A_52 = arith.constant 0 : i32
      %dma_wait3A_53 = tpu.memref_slice %arg10[%add3A_22, %dma_wait3A_52] : memref<10240x128xf32, #tpu.memory_space<vmem_shared>> -> memref<128x128xf32, #tpu.memory_space<vmem_shared>>
      tpu.wait_dma2 semaphore(%run_scoped3A : memref<!tpu.dma_semaphore, #tpu.memory_space<semaphore_mem>>) src(%arg8 : memref<128x128xf32, #tpu.memory_space<vmem>>) dst(%dma_wait3A_53 : memref<128x128xf32, #tpu.memory_space<vmem_shared>>)
      tpu.yield
    }) : () -> ()
    %barrier3A = arith.constant 0 : index
    tpu.barrier barrier_id(%barrier3A)
    %eq3A = arith.constant 0 : i32
    %eq3A_23 = arith.cmpi eq, %arg0, %eq3A : i32
    %mul3A_24 = arith.constant 15 : i32
    %mul3A_25 = arith.muli %arg1, %mul3A_24 : i32
    %mul3A_26 = arith.constant 5 : i32
    %mul3A_27 = arith.muli %arg1, %mul3A_26 : i32
    %add3A_28 = arith.constant 240 : i32
    %add3A_29 = arith.addi %add3A_28, %mul3A_27 : i32
    %select_n3A = arith.select %eq3A_23, %mul3A_25, %add3A_29 : i32
    %eq3A_30 = arith.constant 0 : i32
    %eq3A_31 = arith.cmpi eq, %arg0, %eq3A_30 : i32
    %jit3A = arith.constant 3 : i32
    %jit3A_32 = arith.constant 0 : i32
    %select_n3A_33 = arith.select %eq3A_31, %jit3A, %jit3A_32 : i32
    %while3A = arith.constant 0 : i32
    %while3A_34 = arith.constant 0 : i32
    %while3A_35 = arith.subi %select_n3A_33, %while3A_34 : i32
    %while3A_36 = arith.addi %while3A_34, %while3A_35 : i32
    %while3A_37 = arith.constant 1 : i32
    %while3A_38 = arith.divsi %while3A_35, %while3A_37 : i32
    %while3A_39 = arith.muli %while3A_38, %while3A_37 : i32
    %while3A_40 = arith.addi %while3A_34, %while3A_39 : i32
    %while3A_41 = arith.constant 1 : i32
    scf.for %while3A_48 = %while3A_34 to %while3A_40 step %while3A_41  : i32 {
      %mul3A_49 = arith.constant 5 : i32
      %mul3A_50 = arith.muli %while3A_48, %mul3A_49 : i32
      %add3A_51 = arith.addi %select_n3A, %mul3A_50 : i32
      "tpu.region"() ({
        %run_scoped3A_94 = tpu.sem_alloc : memref<!tpu.dma_semaphore, #tpu.memory_space<semaphore_mem>>
        %dma_start3A_95 = arith.constant 0 : i32
        %dma_start3A_96 = arith.constant 0 : i32
        %dma_start3A_97 = tpu.memref_slice %arg3[%add3A_51, %dma_start3A_95, %dma_start3A_96] : memref<320x8x128xi32, #tpu.memory_space<hbm>> -> memref<5x8x128xi32, #tpu.memory_space<hbm>>
        %dma_start3A_98 = arith.constant 0 : i32
        %dma_start3A_99 = arith.constant 0 : i32
        %dma_start3A_100 = tpu.memref_slice %arg3[%add3A_51, %dma_start3A_98, %dma_start3A_99] : memref<320x8x128xi32, #tpu.memory_space<hbm>> -> memref<5x8x128xi32, #tpu.memory_space<hbm>>
        tpu.enqueue_dma source(%dma_start3A_100 : memref<5x8x128xi32, #tpu.memory_space<hbm>>) target(%arg6 : memref<5x8x128xi32, #tpu.memory_space<vmem>>) target_semaphore(%run_scoped3A_94 : memref<!tpu.dma_semaphore, #tpu.memory_space<semaphore_mem>>)
        %dma_wait3A_101 = arith.constant 0 : i32
        %dma_wait3A_102 = arith.constant 0 : i32
        %dma_wait3A_103 = tpu.memref_slice %arg3[%add3A_51, %dma_wait3A_101, %dma_wait3A_102] : memref<320x8x128xi32, #tpu.memory_space<hbm>> -> memref<5x8x128xi32, #tpu.memory_space<hbm>>
        %dma_wait3A_104 = arith.constant 0 : i32
        %dma_wait3A_105 = arith.constant 0 : i32
        %dma_wait3A_106 = tpu.memref_slice %arg3[%add3A_51, %dma_wait3A_104, %dma_wait3A_105] : memref<320x8x128xi32, #tpu.memory_space<hbm>> -> memref<5x8x128xi32, #tpu.memory_space<hbm>>
        tpu.wait_dma2 semaphore(%run_scoped3A_94 : memref<!tpu.dma_semaphore, #tpu.memory_space<semaphore_mem>>) src(%dma_wait3A_106 : memref<5x8x128xi32, #tpu.memory_space<hbm>>) dst(%arg6 : memref<5x8x128xi32, #tpu.memory_space<vmem>>)
        tpu.yield
      }) : () -> ()
      %mul3A_52 = arith.constant 5 : i32
      %mul3A_53 = arith.muli %while3A_48, %mul3A_52 : i32
      %add3A_54 = arith.addi %select_n3A, %mul3A_53 : i32
      "tpu.region"() ({
        %run_scoped3A_94 = tpu.sem_alloc : memref<!tpu.dma_semaphore, #tpu.memory_space<semaphore_mem>>
        %dma_start3A_95 = arith.constant 0 : i32
        %dma_start3A_96 = arith.constant 0 : i32
        %dma_start3A_97 = tpu.memref_slice %arg4[%add3A_54, %dma_start3A_95, %dma_start3A_96] : memref<320x8x128xi32, #tpu.memory_space<hbm>> -> memref<5x8x128xi32, #tpu.memory_space<hbm>>
        %dma_start3A_98 = arith.constant 0 : i32
        %dma_start3A_99 = arith.constant 0 : i32
        %dma_start3A_100 = tpu.memref_slice %arg4[%add3A_54, %dma_start3A_98, %dma_start3A_99] : memref<320x8x128xi32, #tpu.memory_space<hbm>> -> memref<5x8x128xi32, #tpu.memory_space<hbm>>
        tpu.enqueue_dma source(%dma_start3A_100 : memref<5x8x128xi32, #tpu.memory_space<hbm>>) target(%arg7 : memref<5x8x128xi32, #tpu.memory_space<vmem>>) target_semaphore(%run_scoped3A_94 : memref<!tpu.dma_semaphore, #tpu.memory_space<semaphore_mem>>)
        %dma_wait3A_101 = arith.constant 0 : i32
        %dma_wait3A_102 = arith.constant 0 : i32
        %dma_wait3A_103 = tpu.memref_slice %arg4[%add3A_54, %dma_wait3A_101, %dma_wait3A_102] : memref<320x8x128xi32, #tpu.memory_space<hbm>> -> memref<5x8x128xi32, #tpu.memory_space<hbm>>
        %dma_wait3A_104 = arith.constant 0 : i32
        %dma_wait3A_105 = arith.constant 0 : i32
        %dma_wait3A_106 = tpu.memref_slice %arg4[%add3A_54, %dma_wait3A_104, %dma_wait3A_105] : memref<320x8x128xi32, #tpu.memory_space<hbm>> -> memref<5x8x128xi32, #tpu.memory_space<hbm>>
        tpu.wait_dma2 semaphore(%run_scoped3A_94 : memref<!tpu.dma_semaphore, #tpu.memory_space<semaphore_mem>>) src(%dma_wait3A_106 : memref<5x8x128xi32, #tpu.memory_space<hbm>>) dst(%arg7 : memref<5x8x128xi32, #tpu.memory_space<vmem>>)
        tpu.yield
      }) : () -> ()
      %dma_start3A = arith.constant 0 : i32
      %dma_start3A_55 = arith.constant 0 : i32
      %dma_start3A_56 = arith.constant 0 : i32
      %dma_start3A_57 = tpu.memref_slice %arg6[%dma_start3A, %dma_start3A_55, %dma_start3A_56] : memref<5x8x128xi32, #tpu.memory_space<vmem>> -> memref<1x1x128xi32, #tpu.memory_space<vmem>>
      %dma_start3A_58 = tpu.memref_squeeze %dma_start3A_57 : memref<1x1x128xi32, #tpu.memory_space<vmem>> -> memref<128xi32, #tpu.memory_space<vmem>>
      %dma_start3A_59 = arith.constant 0 : i32
      %dma_start3A_60 = arith.constant 0 : i32
      %dma_start3A_61 = tpu.memref_slice %arg2[%dma_start3A_59, %dma_start3A_60] : memref<10240x128xf32, #tpu.memory_space<hbm>> -> memref<10240x128xf32, #tpu.memory_space<hbm>>
      tpu.enqueue_indirect_dma source(%dma_start3A_61 : memref<10240x128xf32, #tpu.memory_space<hbm>>) target(%arg8 : memref<128x128xf32, #tpu.memory_space<vmem>>) offsets(%dma_start3A_58 : memref<128xi32, #tpu.memory_space<vmem>>) semaphore(%arg11 : memref<!tpu.dma_semaphore, #tpu.memory_space<semaphore_mem>>)
      %dma_start3A_62 = arith.constant 0 : i32
      %dma_start3A_63 = arith.constant 1 : i32
      %dma_start3A_64 = arith.constant 0 : i32
      %dma_start3A_65 = tpu.memref_slice %arg6[%dma_start3A_62, %dma_start3A_63, %dma_start3A_64] : memref<5x8x128xi32, #tpu.memory_space<vmem>> -> memref<1x1x128xi32, #tpu.memory_space<vmem>>
      %dma_start3A_66 = tpu.memref_squeeze %dma_start3A_65 : memref<1x1x128xi32, #tpu.memory_space<vmem>> -> memref<128xi32, #tpu.memory_space<vmem>>
      %dma_start3A_67 = arith.constant 0 : i32
      %dma_start3A_68 = arith.constant 0 : i32
      %dma_start3A_69 = tpu.memref_slice %arg2[%dma_start3A_67, %dma_start3A_68] : memref<10240x128xf32, #tpu.memory_space<hbm>> -> memref<10240x128xf32, #tpu.memory_space<hbm>>
      tpu.enqueue_indirect_dma source(%dma_start3A_69 : memref<10240x128xf32, #tpu.memory_space<hbm>>) target(%arg9 : memref<128x128xf32, #tpu.memory_space<vmem>>) offsets(%dma_start3A_66 : memref<128xi32, #tpu.memory_space<vmem>>) semaphore(%arg12 : memref<!tpu.dma_semaphore, #tpu.memory_space<semaphore_mem>>)
      %scan3A_70 = arith.constant 0 : i32
      %scan3A_71 = arith.constant 0 : i32
      %scan3A_72 = arith.constant 19 : i32
      %scan3A_73 = arith.addi %scan3A_71, %scan3A_72 : i32
      %scan3A_74 = arith.constant 1 : i32
      scf.for %scan3A_94 = %scan3A_71 to %scan3A_73 step %scan3A_74  : i32 {
        %mul3A_95 = arith.constant 2 : i32
        %mul3A_96 = arith.muli %scan3A_94, %mul3A_95 : i32
        %jit3A_97 = arith.constant 8 : i32
        %div3A = arith.divsi %mul3A_96, %jit3A_97 : i32
        %sign3A = arith.constant 0 : i32
        %sign3A_98 = arith.cmpi sgt, %mul3A_96, %sign3A : i32
        %sign3A_99 = arith.extui %sign3A_98 : i1 to i32
        %sign3A_100 = arith.constant 0 : i32
        %sign3A_101 = arith.cmpi slt, %mul3A_96, %sign3A_100 : i32
        %sign3A_102 = arith.extui %sign3A_101 : i1 to i32
        %sign3A_103 = arith.subi %sign3A_99, %sign3A_102 : i32
        %sign3A_104 = arith.constant 0 : i32
        %sign3A_105 = arith.cmpi sgt, %jit3A_97, %sign3A_104 : i32
        %sign3A_106 = arith.extui %sign3A_105 : i1 to i32
        %sign3A_107 = arith.constant 0 : i32
        %sign3A_108 = arith.cmpi slt, %jit3A_97, %sign3A_107 : i32
        %sign3A_109 = arith.extui %sign3A_108 : i1 to i32
        %sign3A_110 = arith.subi %sign3A_106, %sign3A_109 : i32
        %ne3A = arith.cmpi ne, %sign3A_103, %sign3A_110 : i32
        %rem3A = arith.remsi %mul3A_96, %jit3A_97 : i32
        %ne3A_111 = arith.constant 0 : i32
        %ne3A_112 = arith.cmpi ne, %rem3A, %ne3A_111 : i32
        %and3A = arith.andi %ne3A, %ne3A_112 : i1
        %sub3A = arith.constant 1 : i32
        %sub3A_113 = arith.subi %div3A, %sub3A : i32
        %select_n3A_114 = arith.select %and3A, %sub3A_113, %div3A : i32
        %jit3A_115 = arith.constant 8 : i32
        %div3A_116 = arith.divsi %mul3A_96, %jit3A_115 : i32
        %sign3A_117 = arith.constant 0 : i32
        %sign3A_118 = arith.cmpi sgt, %mul3A_96, %sign3A_117 : i32
        %sign3A_119 = arith.extui %sign3A_118 : i1 to i32
        %sign3A_120 = arith.constant 0 : i32
        %sign3A_121 = arith.cmpi slt, %mul3A_96, %sign3A_120 : i32
        %sign3A_122 = arith.extui %sign3A_121 : i1 to i32
        %sign3A_123 = arith.subi %sign3A_119, %sign3A_122 : i32
        %sign3A_124 = arith.constant 0 : i32
        %sign3A_125 = arith.cmpi sgt, %jit3A_115, %sign3A_124 : i32
        %sign3A_126 = arith.extui %sign3A_125 : i1 to i32
        %sign3A_127 = arith.constant 0 : i32
        %sign3A_128 = arith.cmpi slt, %jit3A_115, %sign3A_127 : i32
        %sign3A_129 = arith.extui %sign3A_128 : i1 to i32
        %sign3A_130 = arith.subi %sign3A_126, %sign3A_129 : i32
        %ne3A_131 = arith.cmpi ne, %sign3A_123, %sign3A_130 : i32
        %rem3A_132 = arith.remsi %mul3A_96, %jit3A_115 : i32
        %ne3A_133 = arith.constant 0 : i32
        %ne3A_134 = arith.cmpi ne, %rem3A_132, %ne3A_133 : i32
        %and3A_135 = arith.andi %ne3A_131, %ne3A_134 : i1
        %sub3A_136 = arith.constant 1 : i32
        %sub3A_137 = arith.subi %div3A_116, %sub3A_136 : i32
        %select_n3A_138 = arith.select %and3A_135, %sub3A_137, %div3A_116 : i32
        %mul3A_139 = arith.constant 8 : i32
        %mul3A_140 = arith.muli %select_n3A_138, %mul3A_139 : i32
        %sub3A_141 = arith.subi %mul3A_96, %mul3A_140 : i32
        %dma_wait3A_142 = arith.constant 0 : i32
        %dma_wait3A_143 = tpu.memref_slice %arg6[%select_n3A_114, %sub3A_141, %dma_wait3A_142] : memref<5x8x128xi32, #tpu.memory_space<vmem>> -> memref<1x1x128xi32, #tpu.memory_space<vmem>>
        %dma_wait3A_144 = tpu.memref_squeeze %dma_wait3A_143 : memref<1x1x128xi32, #tpu.memory_space<vmem>> -> memref<128xi32, #tpu.memory_space<vmem>>
        %dma_wait3A_145 = arith.constant 0 : i32
        %dma_wait3A_146 = arith.constant 0 : i32
        %dma_wait3A_147 = tpu.memref_slice %arg2[%dma_wait3A_145, %dma_wait3A_146] : memref<10240x128xf32, #tpu.memory_space<hbm>> -> memref<10240x128xf32, #tpu.memory_space<hbm>>
        tpu.wait_indirect_dma semaphore(%arg11 : memref<!tpu.dma_semaphore, #tpu.memory_space<semaphore_mem>>) src(%dma_wait3A_147 : memref<10240x128xf32, #tpu.memory_space<hbm>>) dst(%arg8 : memref<128x128xf32, #tpu.memory_space<vmem>>)
        %jit3A_148 = arith.constant 8 : i32
        %div3A_149 = arith.divsi %mul3A_96, %jit3A_148 : i32
        %sign3A_150 = arith.constant 0 : i32
        %sign3A_151 = arith.cmpi sgt, %mul3A_96, %sign3A_150 : i32
        %sign3A_152 = arith.extui %sign3A_151 : i1 to i32
        %sign3A_153 = arith.constant 0 : i32
        %sign3A_154 = arith.cmpi slt, %mul3A_96, %sign3A_153 : i32
        %sign3A_155 = arith.extui %sign3A_154 : i1 to i32
        %sign3A_156 = arith.subi %sign3A_152, %sign3A_155 : i32
        %sign3A_157 = arith.constant 0 : i32
        %sign3A_158 = arith.cmpi sgt, %jit3A_148, %sign3A_157 : i32
        %sign3A_159 = arith.extui %sign3A_158 : i1 to i32
        %sign3A_160 = arith.constant 0 : i32
        %sign3A_161 = arith.cmpi slt, %jit3A_148, %sign3A_160 : i32
        %sign3A_162 = arith.extui %sign3A_161 : i1 to i32
        %sign3A_163 = arith.subi %sign3A_159, %sign3A_162 : i32
        %ne3A_164 = arith.cmpi ne, %sign3A_156, %sign3A_163 : i32
        %rem3A_165 = arith.remsi %mul3A_96, %jit3A_148 : i32
        %ne3A_166 = arith.constant 0 : i32
        %ne3A_167 = arith.cmpi ne, %rem3A_165, %ne3A_166 : i32
        %and3A_168 = arith.andi %ne3A_164, %ne3A_167 : i1
        %sub3A_169 = arith.constant 1 : i32
        %sub3A_170 = arith.subi %div3A_149, %sub3A_169 : i32
        %select_n3A_171 = arith.select %and3A_168, %sub3A_170, %div3A_149 : i32
        %jit3A_172 = arith.constant 8 : i32
        %div3A_173 = arith.divsi %mul3A_96, %jit3A_172 : i32
        %sign3A_174 = arith.constant 0 : i32
        %sign3A_175 = arith.cmpi sgt, %mul3A_96, %sign3A_174 : i32
        %sign3A_176 = arith.extui %sign3A_175 : i1 to i32
        %sign3A_177 = arith.constant 0 : i32
        %sign3A_178 = arith.cmpi slt, %mul3A_96, %sign3A_177 : i32
        %sign3A_179 = arith.extui %sign3A_178 : i1 to i32
        %sign3A_180 = arith.subi %sign3A_176, %sign3A_179 : i32
        %sign3A_181 = arith.constant 0 : i32
        %sign3A_182 = arith.cmpi sgt, %jit3A_172, %sign3A_181 : i32
        %sign3A_183 = arith.extui %sign3A_182 : i1 to i32
        %sign3A_184 = arith.constant 0 : i32
        %sign3A_185 = arith.cmpi slt, %jit3A_172, %sign3A_184 : i32
        %sign3A_186 = arith.extui %sign3A_185 : i1 to i32
        %sign3A_187 = arith.subi %sign3A_183, %sign3A_186 : i32
        %ne3A_188 = arith.cmpi ne, %sign3A_180, %sign3A_187 : i32
        %rem3A_189 = arith.remsi %mul3A_96, %jit3A_172 : i32
        %ne3A_190 = arith.constant 0 : i32
        %ne3A_191 = arith.cmpi ne, %rem3A_189, %ne3A_190 : i32
        %and3A_192 = arith.andi %ne3A_188, %ne3A_191 : i1
        %sub3A_193 = arith.constant 1 : i32
        %sub3A_194 = arith.subi %div3A_173, %sub3A_193 : i32
        %select_n3A_195 = arith.select %and3A_192, %sub3A_194, %div3A_173 : i32
        %mul3A_196 = arith.constant 8 : i32
        %mul3A_197 = arith.muli %select_n3A_195, %mul3A_196 : i32
        %sub3A_198 = arith.subi %mul3A_96, %mul3A_197 : i32
        "tpu.region"() ({
          %run_scoped3A_429 = tpu.sem_alloc : memref<!tpu.dma_semaphore, #tpu.memory_space<semaphore_mem>>
          %dma_start3A_430 = arith.constant 0 : i32
          %dma_start3A_431 = tpu.memref_slice %arg7[%select_n3A_171, %sub3A_198, %dma_start3A_430] : memref<5x8x128xi32, #tpu.memory_space<vmem>> -> memref<1x1x128xi32, #tpu.memory_space<vmem>>
          %dma_start3A_432 = tpu.memref_squeeze %dma_start3A_431 : memref<1x1x128xi32, #tpu.memory_space<vmem>> -> memref<128xi32, #tpu.memory_space<vmem>>
          %dma_start3A_433 = arith.constant 0 : i32
          %dma_start3A_434 = arith.constant 0 : i32
          %dma_start3A_435 = tpu.memref_slice %arg10[%dma_start3A_433, %dma_start3A_434] : memref<10240x128xf32, #tpu.memory_space<vmem_shared>> -> memref<10240x128xf32, #tpu.memory_space<vmem_shared>>
          tpu.enqueue_indirect_dma source(%arg8 : memref<128x128xf32, #tpu.memory_space<vmem>>) target(%dma_start3A_435 : memref<10240x128xf32, #tpu.memory_space<vmem_shared>>) offsets(%dma_start3A_432 : memref<128xi32, #tpu.memory_space<vmem>>) semaphore(%run_scoped3A_429 : memref<!tpu.dma_semaphore, #tpu.memory_space<semaphore_mem>>) {add = true}
          %dma_wait3A_436 = arith.constant 0 : i32
          %dma_wait3A_437 = tpu.memref_slice %arg7[%select_n3A_171, %sub3A_198, %dma_wait3A_436] : memref<5x8x128xi32, #tpu.memory_space<vmem>> -> memref<1x1x128xi32, #tpu.memory_space<vmem>>
          %dma_wait3A_438 = tpu.memref_squeeze %dma_wait3A_437 : memref<1x1x128xi32, #tpu.memory_space<vmem>> -> memref<128xi32, #tpu.memory_space<vmem>>
          %dma_wait3A_439 = arith.constant 0 : i32
          %dma_wait3A_440 = arith.constant 0 : i32
          %dma_wait3A_441 = tpu.memref_slice %arg10[%dma_wait3A_439, %dma_wait3A_440] : memref<10240x128xf32, #tpu.memory_space<vmem_shared>> -> memref<10240x128xf32, #tpu.memory_space<vmem_shared>>
          tpu.wait_indirect_dma semaphore(%run_scoped3A_429 : memref<!tpu.dma_semaphore, #tpu.memory_space<semaphore_mem>>) src(%arg8 : memref<128x128xf32, #tpu.memory_space<vmem>>) dst(%dma_wait3A_441 : memref<10240x128xf32, #tpu.memory_space<vmem_shared>>)
          tpu.yield
        }) : () -> ()
        %add3A_199 = arith.constant 2 : i32
        %add3A_200 = arith.addi %mul3A_96, %add3A_199 : i32
        %jit3A_201 = arith.constant 8 : i32
        %div3A_202 = arith.divsi %add3A_200, %jit3A_201 : i32
        %sign3A_203 = arith.constant 0 : i32
        %sign3A_204 = arith.cmpi sgt, %add3A_200, %sign3A_203 : i32
        %sign3A_205 = arith.extui %sign3A_204 : i1 to i32
        %sign3A_206 = arith.constant 0 : i32
        %sign3A_207 = arith.cmpi slt, %add3A_200, %sign3A_206 : i32
        %sign3A_208 = arith.extui %sign3A_207 : i1 to i32
        %sign3A_209 = arith.subi %sign3A_205, %sign3A_208 : i32
        %sign3A_210 = arith.constant 0 : i32
        %sign3A_211 = arith.cmpi sgt, %jit3A_201, %sign3A_210 : i32
        %sign3A_212 = arith.extui %sign3A_211 : i1 to i32
        %sign3A_213 = arith.constant 0 : i32
        %sign3A_214 = arith.cmpi slt, %jit3A_201, %sign3A_213 : i32
        %sign3A_215 = arith.extui %sign3A_214 : i1 to i32
        %sign3A_216 = arith.subi %sign3A_212, %sign3A_215 : i32
        %ne3A_217 = arith.cmpi ne, %sign3A_209, %sign3A_216 : i32
        %rem3A_218 = arith.remsi %add3A_200, %jit3A_201 : i32
        %ne3A_219 = arith.constant 0 : i32
        %ne3A_220 = arith.cmpi ne, %rem3A_218, %ne3A_219 : i32
        %and3A_221 = arith.andi %ne3A_217, %ne3A_220 : i1
        %sub3A_222 = arith.constant 1 : i32
        %sub3A_223 = arith.subi %div3A_202, %sub3A_222 : i32
        %select_n3A_224 = arith.select %and3A_221, %sub3A_223, %div3A_202 : i32
        %jit3A_225 = arith.constant 8 : i32
        %div3A_226 = arith.divsi %add3A_200, %jit3A_225 : i32
        %sign3A_227 = arith.constant 0 : i32
        %sign3A_228 = arith.cmpi sgt, %add3A_200, %sign3A_227 : i32
        %sign3A_229 = arith.extui %sign3A_228 : i1 to i32
        %sign3A_230 = arith.constant 0 : i32
        %sign3A_231 = arith.cmpi slt, %add3A_200, %sign3A_230 : i32
        %sign3A_232 = arith.extui %sign3A_231 : i1 to i32
        %sign3A_233 = arith.subi %sign3A_229, %sign3A_232 : i32
        %sign3A_234 = arith.constant 0 : i32
        %sign3A_235 = arith.cmpi sgt, %jit3A_225, %sign3A_234 : i32
        %sign3A_236 = arith.extui %sign3A_235 : i1 to i32
        %sign3A_237 = arith.constant 0 : i32
        %sign3A_238 = arith.cmpi slt, %jit3A_225, %sign3A_237 : i32
        %sign3A_239 = arith.extui %sign3A_238 : i1 to i32
        %sign3A_240 = arith.subi %sign3A_236, %sign3A_239 : i32
        %ne3A_241 = arith.cmpi ne, %sign3A_233, %sign3A_240 : i32
        %rem3A_242 = arith.remsi %add3A_200, %jit3A_225 : i32
        %ne3A_243 = arith.constant 0 : i32
        %ne3A_244 = arith.cmpi ne, %rem3A_242, %ne3A_243 : i32
        %and3A_245 = arith.andi %ne3A_241, %ne3A_244 : i1
        %sub3A_246 = arith.constant 1 : i32
        %sub3A_247 = arith.subi %div3A_226, %sub3A_246 : i32
        %select_n3A_248 = arith.select %and3A_245, %sub3A_247, %div3A_226 : i32
        %mul3A_249 = arith.constant 8 : i32
        %mul3A_250 = arith.muli %select_n3A_248, %mul3A_249 : i32
        %sub3A_251 = arith.subi %add3A_200, %mul3A_250 : i32
        %dma_start3A_252 = arith.constant 0 : i32
        %dma_start3A_253 = tpu.memref_slice %arg6[%select_n3A_224, %sub3A_251, %dma_start3A_252] : memref<5x8x128xi32, #tpu.memory_space<vmem>> -> memref<1x1x128xi32, #tpu.memory_space<vmem>>
        %dma_start3A_254 = tpu.memref_squeeze %dma_start3A_253 : memref<1x1x128xi32, #tpu.memory_space<vmem>> -> memref<128xi32, #tpu.memory_space<vmem>>
        %dma_start3A_255 = arith.constant 0 : i32
        %dma_start3A_256 = arith.constant 0 : i32
        %dma_start3A_257 = tpu.memref_slice %arg2[%dma_start3A_255, %dma_start3A_256] : memref<10240x128xf32, #tpu.memory_space<hbm>> -> memref<10240x128xf32, #tpu.memory_space<hbm>>
        tpu.enqueue_indirect_dma source(%dma_start3A_257 : memref<10240x128xf32, #tpu.memory_space<hbm>>) target(%arg8 : memref<128x128xf32, #tpu.memory_space<vmem>>) offsets(%dma_start3A_254 : memref<128xi32, #tpu.memory_space<vmem>>) semaphore(%arg11 : memref<!tpu.dma_semaphore, #tpu.memory_space<semaphore_mem>>)
        %add3A_258 = arith.constant 1 : i32
        %add3A_259 = arith.addi %mul3A_96, %add3A_258 : i32
        %jit3A_260 = arith.constant 8 : i32
        %div3A_261 = arith.divsi %add3A_259, %jit3A_260 : i32
        %sign3A_262 = arith.constant 0 : i32
        %sign3A_263 = arith.cmpi sgt, %add3A_259, %sign3A_262 : i32
        %sign3A_264 = arith.extui %sign3A_263 : i1 to i32
        %sign3A_265 = arith.constant 0 : i32
        %sign3A_266 = arith.cmpi slt, %add3A_259, %sign3A_265 : i32
        %sign3A_267 = arith.extui %sign3A_266 : i1 to i32
        %sign3A_268 = arith.subi %sign3A_264, %sign3A_267 : i32
        %sign3A_269 = arith.constant 0 : i32
        %sign3A_270 = arith.cmpi sgt, %jit3A_260, %sign3A_269 : i32
        %sign3A_271 = arith.extui %sign3A_270 : i1 to i32
        %sign3A_272 = arith.constant 0 : i32
        %sign3A_273 = arith.cmpi slt, %jit3A_260, %sign3A_272 : i32
        %sign3A_274 = arith.extui %sign3A_273 : i1 to i32
        %sign3A_275 = arith.subi %sign3A_271, %sign3A_274 : i32
        %ne3A_276 = arith.cmpi ne, %sign3A_268, %sign3A_275 : i32
        %rem3A_277 = arith.remsi %add3A_259, %jit3A_260 : i32
        %ne3A_278 = arith.constant 0 : i32
        %ne3A_279 = arith.cmpi ne, %rem3A_277, %ne3A_278 : i32
        %and3A_280 = arith.andi %ne3A_276, %ne3A_279 : i1
        %sub3A_281 = arith.constant 1 : i32
        %sub3A_282 = arith.subi %div3A_261, %sub3A_281 : i32
        %select_n3A_283 = arith.select %and3A_280, %sub3A_282, %div3A_261 : i32
        %jit3A_284 = arith.constant 8 : i32
        %div3A_285 = arith.divsi %add3A_259, %jit3A_284 : i32
        %sign3A_286 = arith.constant 0 : i32
        %sign3A_287 = arith.cmpi sgt, %add3A_259, %sign3A_286 : i32
        %sign3A_288 = arith.extui %sign3A_287 : i1 to i32
        %sign3A_289 = arith.constant 0 : i32
        %sign3A_290 = arith.cmpi slt, %add3A_259, %sign3A_289 : i32
        %sign3A_291 = arith.extui %sign3A_290 : i1 to i32
        %sign3A_292 = arith.subi %sign3A_288, %sign3A_291 : i32
        %sign3A_293 = arith.constant 0 : i32
        %sign3A_294 = arith.cmpi sgt, %jit3A_284, %sign3A_293 : i32
        %sign3A_295 = arith.extui %sign3A_294 : i1 to i32
        %sign3A_296 = arith.constant 0 : i32
        %sign3A_297 = arith.cmpi slt, %jit3A_284, %sign3A_296 : i32
        %sign3A_298 = arith.extui %sign3A_297 : i1 to i32
        %sign3A_299 = arith.subi %sign3A_295, %sign3A_298 : i32
        %ne3A_300 = arith.cmpi ne, %sign3A_292, %sign3A_299 : i32
        %rem3A_301 = arith.remsi %add3A_259, %jit3A_284 : i32
        %ne3A_302 = arith.constant 0 : i32
        %ne3A_303 = arith.cmpi ne, %rem3A_301, %ne3A_302 : i32
        %and3A_304 = arith.andi %ne3A_300, %ne3A_303 : i1
        %sub3A_305 = arith.constant 1 : i32
        %sub3A_306 = arith.subi %div3A_285, %sub3A_305 : i32
        %select_n3A_307 = arith.select %and3A_304, %sub3A_306, %div3A_285 : i32
        %mul3A_308 = arith.constant 8 : i32
        %mul3A_309 = arith.muli %select_n3A_307, %mul3A_308 : i32
        %sub3A_310 = arith.subi %add3A_259, %mul3A_309 : i32
        %dma_wait3A_311 = arith.constant 0 : i32
        %dma_wait3A_312 = tpu.memref_slice %arg6[%select_n3A_283, %sub3A_310, %dma_wait3A_311] : memref<5x8x128xi32, #tpu.memory_space<vmem>> -> memref<1x1x128xi32, #tpu.memory_space<vmem>>
        %dma_wait3A_313 = tpu.memref_squeeze %dma_wait3A_312 : memref<1x1x128xi32, #tpu.memory_space<vmem>> -> memref<128xi32, #tpu.memory_space<vmem>>
        %dma_wait3A_314 = arith.constant 0 : i32
        %dma_wait3A_315 = arith.constant 0 : i32
        %dma_wait3A_316 = tpu.memref_slice %arg2[%dma_wait3A_314, %dma_wait3A_315] : memref<10240x128xf32, #tpu.memory_space<hbm>> -> memref<10240x128xf32, #tpu.memory_space<hbm>>
        tpu.wait_indirect_dma semaphore(%arg12 : memref<!tpu.dma_semaphore, #tpu.memory_space<semaphore_mem>>) src(%dma_wait3A_316 : memref<10240x128xf32, #tpu.memory_space<hbm>>) dst(%arg9 : memref<128x128xf32, #tpu.memory_space<vmem>>)
        %add3A_317 = arith.constant 1 : i32
        %add3A_318 = arith.addi %mul3A_96, %add3A_317 : i32
        %jit3A_319 = arith.constant 8 : i32
        %div3A_320 = arith.divsi %add3A_318, %jit3A_319 : i32
        %sign3A_321 = arith.constant 0 : i32
        %sign3A_322 = arith.cmpi sgt, %add3A_318, %sign3A_321 : i32
        %sign3A_323 = arith.extui %sign3A_322 : i1 to i32
        %sign3A_324 = arith.constant 0 : i32
        %sign3A_325 = arith.cmpi slt, %add3A_318, %sign3A_324 : i32
        %sign3A_326 = arith.extui %sign3A_325 : i1 to i32
        %sign3A_327 = arith.subi %sign3A_323, %sign3A_326 : i32
        %sign3A_328 = arith.constant 0 : i32
        %sign3A_329 = arith.cmpi sgt, %jit3A_319, %sign3A_328 : i32
        %sign3A_330 = arith.extui %sign3A_329 : i1 to i32
        %sign3A_331 = arith.constant 0 : i32
        %sign3A_332 = arith.cmpi slt, %jit3A_319, %sign3A_331 : i32
        %sign3A_333 = arith.extui %sign3A_332 : i1 to i32
        %sign3A_334 = arith.subi %sign3A_330, %sign3A_333 : i32
        %ne3A_335 = arith.cmpi ne, %sign3A_327, %sign3A_334 : i32
        %rem3A_336 = arith.remsi %add3A_318, %jit3A_319 : i32
        %ne3A_337 = arith.constant 0 : i32
        %ne3A_338 = arith.cmpi ne, %rem3A_336, %ne3A_337 : i32
        %and3A_339 = arith.andi %ne3A_335, %ne3A_338 : i1
        %sub3A_340 = arith.constant 1 : i32
        %sub3A_341 = arith.subi %div3A_320, %sub3A_340 : i32
        %select_n3A_342 = arith.select %and3A_339, %sub3A_341, %div3A_320 : i32
        %jit3A_343 = arith.constant 8 : i32
        %div3A_344 = arith.divsi %add3A_318, %jit3A_343 : i32
        %sign3A_345 = arith.constant 0 : i32
        %sign3A_346 = arith.cmpi sgt, %add3A_318, %sign3A_345 : i32
        %sign3A_347 = arith.extui %sign3A_346 : i1 to i32
        %sign3A_348 = arith.constant 0 : i32
        %sign3A_349 = arith.cmpi slt, %add3A_318, %sign3A_348 : i32
        %sign3A_350 = arith.extui %sign3A_349 : i1 to i32
        %sign3A_351 = arith.subi %sign3A_347, %sign3A_350 : i32
        %sign3A_352 = arith.constant 0 : i32
        %sign3A_353 = arith.cmpi sgt, %jit3A_343, %sign3A_352 : i32
        %sign3A_354 = arith.extui %sign3A_353 : i1 to i32
        %sign3A_355 = arith.constant 0 : i32
        %sign3A_356 = arith.cmpi slt, %jit3A_343, %sign3A_355 : i32
        %sign3A_357 = arith.extui %sign3A_356 : i1 to i32
        %sign3A_358 = arith.subi %sign3A_354, %sign3A_357 : i32
        %ne3A_359 = arith.cmpi ne, %sign3A_351, %sign3A_358 : i32
        %rem3A_360 = arith.remsi %add3A_318, %jit3A_343 : i32
        %ne3A_361 = arith.constant 0 : i32
        %ne3A_362 = arith.cmpi ne, %rem3A_360, %ne3A_361 : i32
        %and3A_363 = arith.andi %ne3A_359, %ne3A_362 : i1
        %sub3A_364 = arith.constant 1 : i32
        %sub3A_365 = arith.subi %div3A_344, %sub3A_364 : i32
        %select_n3A_366 = arith.select %and3A_363, %sub3A_365, %div3A_344 : i32
        %mul3A_367 = arith.constant 8 : i32
        %mul3A_368 = arith.muli %select_n3A_366, %mul3A_367 : i32
        %sub3A_369 = arith.subi %add3A_318, %mul3A_368 : i32
        "tpu.region"() ({
          %run_scoped3A_429 = tpu.sem_alloc : memref<!tpu.dma_semaphore, #tpu.memory_space<semaphore_mem>>
          %dma_start3A_430 = arith.constant 0 : i32
          %dma_start3A_431 = tpu.memref_slice %arg7[%select_n3A_342, %sub3A_369, %dma_start3A_430] : memref<5x8x128xi32, #tpu.memory_space<vmem>> -> memref<1x1x128xi32, #tpu.memory_space<vmem>>
          %dma_start3A_432 = tpu.memref_squeeze %dma_start3A_431 : memref<1x1x128xi32, #tpu.memory_space<vmem>> -> memref<128xi32, #tpu.memory_space<vmem>>
          %dma_start3A_433 = arith.constant 0 : i32
          %dma_start3A_434 = arith.constant 0 : i32
          %dma_start3A_435 = tpu.memref_slice %arg10[%dma_start3A_433, %dma_start3A_434] : memref<10240x128xf32, #tpu.memory_space<vmem_shared>> -> memref<10240x128xf32, #tpu.memory_space<vmem_shared>>
          tpu.enqueue_indirect_dma source(%arg9 : memref<128x128xf32, #tpu.memory_space<vmem>>) target(%dma_start3A_435 : memref<10240x128xf32, #tpu.memory_space<vmem_shared>>) offsets(%dma_start3A_432 : memref<128xi32, #tpu.memory_space<vmem>>) semaphore(%run_scoped3A_429 : memref<!tpu.dma_semaphore, #tpu.memory_space<semaphore_mem>>) {add = true}
          %dma_wait3A_436 = arith.constant 0 : i32
          %dma_wait3A_437 = tpu.memref_slice %arg7[%select_n3A_342, %sub3A_369, %dma_wait3A_436] : memref<5x8x128xi32, #tpu.memory_space<vmem>> -> memref<1x1x128xi32, #tpu.memory_space<vmem>>
          %dma_wait3A_438 = tpu.memref_squeeze %dma_wait3A_437 : memref<1x1x128xi32, #tpu.memory_space<vmem>> -> memref<128xi32, #tpu.memory_space<vmem>>
          %dma_wait3A_439 = arith.constant 0 : i32
          %dma_wait3A_440 = arith.constant 0 : i32
          %dma_wait3A_441 = tpu.memref_slice %arg10[%dma_wait3A_439, %dma_wait3A_440] : memref<10240x128xf32, #tpu.memory_space<vmem_shared>> -> memref<10240x128xf32, #tpu.memory_space<vmem_shared>>
          tpu.wait_indirect_dma semaphore(%run_scoped3A_429 : memref<!tpu.dma_semaphore, #tpu.memory_space<semaphore_mem>>) src(%arg9 : memref<128x128xf32, #tpu.memory_space<vmem>>) dst(%dma_wait3A_441 : memref<10240x128xf32, #tpu.memory_space<vmem_shared>>)
          tpu.yield
        }) : () -> ()
        %add3A_370 = arith.constant 3 : i32
        %add3A_371 = arith.addi %mul3A_96, %add3A_370 : i32
        %jit3A_372 = arith.constant 8 : i32
        %div3A_373 = arith.divsi %add3A_371, %jit3A_372 : i32
        %sign3A_374 = arith.constant 0 : i32
        %sign3A_375 = arith.cmpi sgt, %add3A_371, %sign3A_374 : i32
        %sign3A_376 = arith.extui %sign3A_375 : i1 to i32
        %sign3A_377 = arith.constant 0 : i32
        %sign3A_378 = arith.cmpi slt, %add3A_371, %sign3A_377 : i32
        %sign3A_379 = arith.extui %sign3A_378 : i1 to i32
        %sign3A_380 = arith.subi %sign3A_376, %sign3A_379 : i32
        %sign3A_381 = arith.constant 0 : i32
        %sign3A_382 = arith.cmpi sgt, %jit3A_372, %sign3A_381 : i32
        %sign3A_383 = arith.extui %sign3A_382 : i1 to i32
        %sign3A_384 = arith.constant 0 : i32
        %sign3A_385 = arith.cmpi slt, %jit3A_372, %sign3A_384 : i32
        %sign3A_386 = arith.extui %sign3A_385 : i1 to i32
        %sign3A_387 = arith.subi %sign3A_383, %sign3A_386 : i32
        %ne3A_388 = arith.cmpi ne, %sign3A_380, %sign3A_387 : i32
        %rem3A_389 = arith.remsi %add3A_371, %jit3A_372 : i32
        %ne3A_390 = arith.constant 0 : i32
        %ne3A_391 = arith.cmpi ne, %rem3A_389, %ne3A_390 : i32
        %and3A_392 = arith.andi %ne3A_388, %ne3A_391 : i1
        %sub3A_393 = arith.constant 1 : i32
        %sub3A_394 = arith.subi %div3A_373, %sub3A_393 : i32
        %select_n3A_395 = arith.select %and3A_392, %sub3A_394, %div3A_373 : i32
        %jit3A_396 = arith.constant 8 : i32
        %div3A_397 = arith.divsi %add3A_371, %jit3A_396 : i32
        %sign3A_398 = arith.constant 0 : i32
        %sign3A_399 = arith.cmpi sgt, %add3A_371, %sign3A_398 : i32
        %sign3A_400 = arith.extui %sign3A_399 : i1 to i32
        %sign3A_401 = arith.constant 0 : i32
        %sign3A_402 = arith.cmpi slt, %add3A_371, %sign3A_401 : i32
        %sign3A_403 = arith.extui %sign3A_402 : i1 to i32
        %sign3A_404 = arith.subi %sign3A_400, %sign3A_403 : i32
        %sign3A_405 = arith.constant 0 : i32
        %sign3A_406 = arith.cmpi sgt, %jit3A_396, %sign3A_405 : i32
        %sign3A_407 = arith.extui %sign3A_406 : i1 to i32
        %sign3A_408 = arith.constant 0 : i32
        %sign3A_409 = arith.cmpi slt, %jit3A_396, %sign3A_408 : i32
        %sign3A_410 = arith.extui %sign3A_409 : i1 to i32
        %sign3A_411 = arith.subi %sign3A_407, %sign3A_410 : i32
        %ne3A_412 = arith.cmpi ne, %sign3A_404, %sign3A_411 : i32
        %rem3A_413 = arith.remsi %add3A_371, %jit3A_396 : i32
        %ne3A_414 = arith.constant 0 : i32
        %ne3A_415 = arith.cmpi ne, %rem3A_413, %ne3A_414 : i32
        %and3A_416 = arith.andi %ne3A_412, %ne3A_415 : i1
        %sub3A_417 = arith.constant 1 : i32
        %sub3A_418 = arith.subi %div3A_397, %sub3A_417 : i32
        %select_n3A_419 = arith.select %and3A_416, %sub3A_418, %div3A_397 : i32
        %mul3A_420 = arith.constant 8 : i32
        %mul3A_421 = arith.muli %select_n3A_419, %mul3A_420 : i32
        %sub3A_422 = arith.subi %add3A_371, %mul3A_421 : i32
        %dma_start3A_423 = arith.constant 0 : i32
        %dma_start3A_424 = tpu.memref_slice %arg6[%select_n3A_395, %sub3A_422, %dma_start3A_423] : memref<5x8x128xi32, #tpu.memory_space<vmem>> -> memref<1x1x128xi32, #tpu.memory_space<vmem>>
        %dma_start3A_425 = tpu.memref_squeeze %dma_start3A_424 : memref<1x1x128xi32, #tpu.memory_space<vmem>> -> memref<128xi32, #tpu.memory_space<vmem>>
        %dma_start3A_426 = arith.constant 0 : i32
        %dma_start3A_427 = arith.constant 0 : i32
        %dma_start3A_428 = tpu.memref_slice %arg2[%dma_start3A_426, %dma_start3A_427] : memref<10240x128xf32, #tpu.memory_space<hbm>> -> memref<10240x128xf32, #tpu.memory_space<hbm>>
        tpu.enqueue_indirect_dma source(%dma_start3A_428 : memref<10240x128xf32, #tpu.memory_space<hbm>>) target(%arg9 : memref<128x128xf32, #tpu.memory_space<vmem>>) offsets(%dma_start3A_425 : memref<128xi32, #tpu.memory_space<vmem>>) semaphore(%arg12 : memref<!tpu.dma_semaphore, #tpu.memory_space<semaphore_mem>>)
      }
      %scan3A_75 = arith.constant 19 : i32
      %dma_wait3A = arith.constant 4 : i32
      %dma_wait3A_76 = arith.constant 6 : i32
      %dma_wait3A_77 = arith.constant 0 : i32
      %dma_wait3A_78 = tpu.memref_slice %arg6[%dma_wait3A, %dma_wait3A_76, %dma_wait3A_77] : memref<5x8x128xi32, #tpu.memory_space<vmem>> -> memref<1x1x128xi32, #tpu.memory_space<vmem>>
      %dma_wait3A_79 = tpu.memref_squeeze %dma_wait3A_78 : memref<1x1x128xi32, #tpu.memory_space<vmem>> -> memref<128xi32, #tpu.memory_space<vmem>>
      %dma_wait3A_80 = arith.constant 0 : i32
      %dma_wait3A_81 = arith.constant 0 : i32
      %dma_wait3A_82 = tpu.memref_slice %arg2[%dma_wait3A_80, %dma_wait3A_81] : memref<10240x128xf32, #tpu.memory_space<hbm>> -> memref<10240x128xf32, #tpu.memory_space<hbm>>
      tpu.wait_indirect_dma semaphore(%arg11 : memref<!tpu.dma_semaphore, #tpu.memory_space<semaphore_mem>>) src(%dma_wait3A_82 : memref<10240x128xf32, #tpu.memory_space<hbm>>) dst(%arg8 : memref<128x128xf32, #tpu.memory_space<vmem>>)
      %run_scoped3A = arith.constant 4 : i32
      %run_scoped3A_83 = arith.constant 6 : i32
      "tpu.region"() ({
        %run_scoped3A_94 = tpu.sem_alloc : memref<!tpu.dma_semaphore, #tpu.memory_space<semaphore_mem>>
        %dma_start3A_95 = arith.constant 0 : i32
        %dma_start3A_96 = tpu.memref_slice %arg7[%run_scoped3A, %run_scoped3A_83, %dma_start3A_95] : memref<5x8x128xi32, #tpu.memory_space<vmem>> -> memref<1x1x128xi32, #tpu.memory_space<vmem>>
        %dma_start3A_97 = tpu.memref_squeeze %dma_start3A_96 : memref<1x1x128xi32, #tpu.memory_space<vmem>> -> memref<128xi32, #tpu.memory_space<vmem>>
        %dma_start3A_98 = arith.constant 0 : i32
        %dma_start3A_99 = arith.constant 0 : i32
        %dma_start3A_100 = tpu.memref_slice %arg10[%dma_start3A_98, %dma_start3A_99] : memref<10240x128xf32, #tpu.memory_space<vmem_shared>> -> memref<10240x128xf32, #tpu.memory_space<vmem_shared>>
        tpu.enqueue_indirect_dma source(%arg8 : memref<128x128xf32, #tpu.memory_space<vmem>>) target(%dma_start3A_100 : memref<10240x128xf32, #tpu.memory_space<vmem_shared>>) offsets(%dma_start3A_97 : memref<128xi32, #tpu.memory_space<vmem>>) semaphore(%run_scoped3A_94 : memref<!tpu.dma_semaphore, #tpu.memory_space<semaphore_mem>>) {add = true}
        %dma_wait3A_101 = arith.constant 0 : i32
        %dma_wait3A_102 = tpu.memref_slice %arg7[%run_scoped3A, %run_scoped3A_83, %dma_wait3A_101] : memref<5x8x128xi32, #tpu.memory_space<vmem>> -> memref<1x1x128xi32, #tpu.memory_space<vmem>>
        %dma_wait3A_103 = tpu.memref_squeeze %dma_wait3A_102 : memref<1x1x128xi32, #tpu.memory_space<vmem>> -> memref<128xi32, #tpu.memory_space<vmem>>
        %dma_wait3A_104 = arith.constant 0 : i32
        %dma_wait3A_105 = arith.constant 0 : i32
        %dma_wait3A_106 = tpu.memref_slice %arg10[%dma_wait3A_104, %dma_wait3A_105] : memref<10240x128xf32, #tpu.memory_space<vmem_shared>> -> memref<10240x128xf32, #tpu.memory_space<vmem_shared>>
        tpu.wait_indirect_dma semaphore(%run_scoped3A_94 : memref<!tpu.dma_semaphore, #tpu.memory_space<semaphore_mem>>) src(%arg8 : memref<128x128xf32, #tpu.memory_space<vmem>>) dst(%dma_wait3A_106 : memref<10240x128xf32, #tpu.memory_space<vmem_shared>>)
        tpu.yield
      }) : () -> ()
      %dma_wait3A_84 = arith.constant 4 : i32
      %dma_wait3A_85 = arith.constant 7 : i32
      %dma_wait3A_86 = arith.constant 0 : i32
      %dma_wait3A_87 = tpu.memref_slice %arg6[%dma_wait3A_84, %dma_wait3A_85, %dma_wait3A_86] : memref<5x8x128xi32, #tpu.memory_space<vmem>> -> memref<1x1x128xi32, #tpu.memory_space<vmem>>
      %dma_wait3A_88 = tpu.memref_squeeze %dma_wait3A_87 : memref<1x1x128xi32, #tpu.memory_space<vmem>> -> memref<128xi32, #tpu.memory_space<vmem>>
      %dma_wait3A_89 = arith.constant 0 : i32
      %dma_wait3A_90 = arith.constant 0 : i32
      %dma_wait3A_91 = tpu.memref_slice %arg2[%dma_wait3A_89, %dma_wait3A_90] : memref<10240x128xf32, #tpu.memory_space<hbm>> -> memref<10240x128xf32, #tpu.memory_space<hbm>>
      tpu.wait_indirect_dma semaphore(%arg12 : memref<!tpu.dma_semaphore, #tpu.memory_space<semaphore_mem>>) src(%dma_wait3A_91 : memref<10240x128xf32, #tpu.memory_space<hbm>>) dst(%arg9 : memref<128x128xf32, #tpu.memory_space<vmem>>)
      %run_scoped3A_92 = arith.constant 4 : i32
      %run_scoped3A_93 = arith.constant 7 : i32
      "tpu.region"() ({
        %run_scoped3A_94 = tpu.sem_alloc : memref<!tpu.dma_semaphore, #tpu.memory_space<semaphore_mem>>
        %dma_start3A_95 = arith.constant 0 : i32
        %dma_start3A_96 = tpu.memref_slice %arg7[%run_scoped3A_92, %run_scoped3A_93, %dma_start3A_95] : memref<5x8x128xi32, #tpu.memory_space<vmem>> -> memref<1x1x128xi32, #tpu.memory_space<vmem>>
        %dma_start3A_97 = tpu.memref_squeeze %dma_start3A_96 : memref<1x1x128xi32, #tpu.memory_space<vmem>> -> memref<128xi32, #tpu.memory_space<vmem>>
        %dma_start3A_98 = arith.constant 0 : i32
        %dma_start3A_99 = arith.constant 0 : i32
        %dma_start3A_100 = tpu.memref_slice %arg10[%dma_start3A_98, %dma_start3A_99] : memref<10240x128xf32, #tpu.memory_space<vmem_shared>> -> memref<10240x128xf32, #tpu.memory_space<vmem_shared>>
        tpu.enqueue_indirect_dma source(%arg9 : memref<128x128xf32, #tpu.memory_space<vmem>>) target(%dma_start3A_100 : memref<10240x128xf32, #tpu.memory_space<vmem_shared>>) offsets(%dma_start3A_97 : memref<128xi32, #tpu.memory_space<vmem>>) semaphore(%run_scoped3A_94 : memref<!tpu.dma_semaphore, #tpu.memory_space<semaphore_mem>>) {add = true}
        %dma_wait3A_101 = arith.constant 0 : i32
        %dma_wait3A_102 = tpu.memref_slice %arg7[%run_scoped3A_92, %run_scoped3A_93, %dma_wait3A_101] : memref<5x8x128xi32, #tpu.memory_space<vmem>> -> memref<1x1x128xi32, #tpu.memory_space<vmem>>
        %dma_wait3A_103 = tpu.memref_squeeze %dma_wait3A_102 : memref<1x1x128xi32, #tpu.memory_space<vmem>> -> memref<128xi32, #tpu.memory_space<vmem>>
        %dma_wait3A_104 = arith.constant 0 : i32
        %dma_wait3A_105 = arith.constant 0 : i32
        %dma_wait3A_106 = tpu.memref_slice %arg10[%dma_wait3A_104, %dma_wait3A_105] : memref<10240x128xf32, #tpu.memory_space<vmem_shared>> -> memref<10240x128xf32, #tpu.memory_space<vmem_shared>>
        tpu.wait_indirect_dma semaphore(%run_scoped3A_94 : memref<!tpu.dma_semaphore, #tpu.memory_space<semaphore_mem>>) src(%arg9 : memref<128x128xf32, #tpu.memory_space<vmem>>) dst(%dma_wait3A_106 : memref<10240x128xf32, #tpu.memory_space<vmem_shared>>)
        tpu.yield
      }) : () -> ()
    }
    %while3A_42 = arith.constant 1 : i32
    scf.for %while3A_48 = %while3A_40 to %while3A_36 step %while3A_42  : i32 {
      %mul3A_49 = arith.constant 5 : i32
      %mul3A_50 = arith.muli %while3A_48, %mul3A_49 : i32
      %add3A_51 = arith.addi %select_n3A, %mul3A_50 : i32
      "tpu.region"() ({
        %run_scoped3A_94 = tpu.sem_alloc : memref<!tpu.dma_semaphore, #tpu.memory_space<semaphore_mem>>
        %dma_start3A_95 = arith.constant 0 : i32
        %dma_start3A_96 = arith.constant 0 : i32
        %dma_start3A_97 = tpu.memref_slice %arg3[%add3A_51, %dma_start3A_95, %dma_start3A_96] : memref<320x8x128xi32, #tpu.memory_space<hbm>> -> memref<5x8x128xi32, #tpu.memory_space<hbm>>
        %dma_start3A_98 = arith.constant 0 : i32
        %dma_start3A_99 = arith.constant 0 : i32
        %dma_start3A_100 = tpu.memref_slice %arg3[%add3A_51, %dma_start3A_98, %dma_start3A_99] : memref<320x8x128xi32, #tpu.memory_space<hbm>> -> memref<5x8x128xi32, #tpu.memory_space<hbm>>
        tpu.enqueue_dma source(%dma_start3A_100 : memref<5x8x128xi32, #tpu.memory_space<hbm>>) target(%arg6 : memref<5x8x128xi32, #tpu.memory_space<vmem>>) target_semaphore(%run_scoped3A_94 : memref<!tpu.dma_semaphore, #tpu.memory_space<semaphore_mem>>)
        %dma_wait3A_101 = arith.constant 0 : i32
        %dma_wait3A_102 = arith.constant 0 : i32
        %dma_wait3A_103 = tpu.memref_slice %arg3[%add3A_51, %dma_wait3A_101, %dma_wait3A_102] : memref<320x8x128xi32, #tpu.memory_space<hbm>> -> memref<5x8x128xi32, #tpu.memory_space<hbm>>
        %dma_wait3A_104 = arith.constant 0 : i32
        %dma_wait3A_105 = arith.constant 0 : i32
        %dma_wait3A_106 = tpu.memref_slice %arg3[%add3A_51, %dma_wait3A_104, %dma_wait3A_105] : memref<320x8x128xi32, #tpu.memory_space<hbm>> -> memref<5x8x128xi32, #tpu.memory_space<hbm>>
        tpu.wait_dma2 semaphore(%run_scoped3A_94 : memref<!tpu.dma_semaphore, #tpu.memory_space<semaphore_mem>>) src(%dma_wait3A_106 : memref<5x8x128xi32, #tpu.memory_space<hbm>>) dst(%arg6 : memref<5x8x128xi32, #tpu.memory_space<vmem>>)
        tpu.yield
      }) : () -> ()
      %mul3A_52 = arith.constant 5 : i32
      %mul3A_53 = arith.muli %while3A_48, %mul3A_52 : i32
      %add3A_54 = arith.addi %select_n3A, %mul3A_53 : i32
      "tpu.region"() ({
        %run_scoped3A_94 = tpu.sem_alloc : memref<!tpu.dma_semaphore, #tpu.memory_space<semaphore_mem>>
        %dma_start3A_95 = arith.constant 0 : i32
        %dma_start3A_96 = arith.constant 0 : i32
        %dma_start3A_97 = tpu.memref_slice %arg4[%add3A_54, %dma_start3A_95, %dma_start3A_96] : memref<320x8x128xi32, #tpu.memory_space<hbm>> -> memref<5x8x128xi32, #tpu.memory_space<hbm>>
        %dma_start3A_98 = arith.constant 0 : i32
        %dma_start3A_99 = arith.constant 0 : i32
        %dma_start3A_100 = tpu.memref_slice %arg4[%add3A_54, %dma_start3A_98, %dma_start3A_99] : memref<320x8x128xi32, #tpu.memory_space<hbm>> -> memref<5x8x128xi32, #tpu.memory_space<hbm>>
        tpu.enqueue_dma source(%dma_start3A_100 : memref<5x8x128xi32, #tpu.memory_space<hbm>>) target(%arg7 : memref<5x8x128xi32, #tpu.memory_space<vmem>>) target_semaphore(%run_scoped3A_94 : memref<!tpu.dma_semaphore, #tpu.memory_space<semaphore_mem>>)
        %dma_wait3A_101 = arith.constant 0 : i32
        %dma_wait3A_102 = arith.constant 0 : i32
        %dma_wait3A_103 = tpu.memref_slice %arg4[%add3A_54, %dma_wait3A_101, %dma_wait3A_102] : memref<320x8x128xi32, #tpu.memory_space<hbm>> -> memref<5x8x128xi32, #tpu.memory_space<hbm>>
        %dma_wait3A_104 = arith.constant 0 : i32
        %dma_wait3A_105 = arith.constant 0 : i32
        %dma_wait3A_106 = tpu.memref_slice %arg4[%add3A_54, %dma_wait3A_104, %dma_wait3A_105] : memref<320x8x128xi32, #tpu.memory_space<hbm>> -> memref<5x8x128xi32, #tpu.memory_space<hbm>>
        tpu.wait_dma2 semaphore(%run_scoped3A_94 : memref<!tpu.dma_semaphore, #tpu.memory_space<semaphore_mem>>) src(%dma_wait3A_106 : memref<5x8x128xi32, #tpu.memory_space<hbm>>) dst(%arg7 : memref<5x8x128xi32, #tpu.memory_space<vmem>>)
        tpu.yield
      }) : () -> ()
      %dma_start3A = arith.constant 0 : i32
      %dma_start3A_55 = arith.constant 0 : i32
      %dma_start3A_56 = arith.constant 0 : i32
      %dma_start3A_57 = tpu.memref_slice %arg6[%dma_start3A, %dma_start3A_55, %dma_start3A_56] : memref<5x8x128xi32, #tpu.memory_space<vmem>> -> memref<1x1x128xi32, #tpu.memory_space<vmem>>
      %dma_start3A_58 = tpu.memref_squeeze %dma_start3A_57 : memref<1x1x128xi32, #tpu.memory_space<vmem>> -> memref<128xi32, #tpu.memory_space<vmem>>
      %dma_start3A_59 = arith.constant 0 : i32
      %dma_start3A_60 = arith.constant 0 : i32
      %dma_start3A_61 = tpu.memref_slice %arg2[%dma_start3A_59, %dma_start3A_60] : memref<10240x128xf32, #tpu.memory_space<hbm>> -> memref<10240x128xf32, #tpu.memory_space<hbm>>
      tpu.enqueue_indirect_dma source(%dma_start3A_61 : memref<10240x128xf32, #tpu.memory_space<hbm>>) target(%arg8 : memref<128x128xf32, #tpu.memory_space<vmem>>) offsets(%dma_start3A_58 : memref<128xi32, #tpu.memory_space<vmem>>) semaphore(%arg11 : memref<!tpu.dma_semaphore, #tpu.memory_space<semaphore_mem>>)
      %dma_start3A_62 = arith.constant 0 : i32
      %dma_start3A_63 = arith.constant 1 : i32
      %dma_start3A_64 = arith.constant 0 : i32
      %dma_start3A_65 = tpu.memref_slice %arg6[%dma_start3A_62, %dma_start3A_63, %dma_start3A_64] : memref<5x8x128xi32, #tpu.memory_space<vmem>> -> memref<1x1x128xi32, #tpu.memory_space<vmem>>
      %dma_start3A_66 = tpu.memref_squeeze %dma_start3A_65 : memref<1x1x128xi32, #tpu.memory_space<vmem>> -> memref<128xi32, #tpu.memory_space<vmem>>
      %dma_start3A_67 = arith.constant 0 : i32
      %dma_start3A_68 = arith.constant 0 : i32
      %dma_start3A_69 = tpu.memref_slice %arg2[%dma_start3A_67, %dma_start3A_68] : memref<10240x128xf32, #tpu.memory_space<hbm>> -> memref<10240x128xf32, #tpu.memory_space<hbm>>
      tpu.enqueue_indirect_dma source(%dma_start3A_69 : memref<10240x128xf32, #tpu.memory_space<hbm>>) target(%arg9 : memref<128x128xf32, #tpu.memory_space<vmem>>) offsets(%dma_start3A_66 : memref<128xi32, #tpu.memory_space<vmem>>) semaphore(%arg12 : memref<!tpu.dma_semaphore, #tpu.memory_space<semaphore_mem>>)
      %scan3A_70 = arith.constant 0 : i32
      %scan3A_71 = arith.constant 0 : i32
      %scan3A_72 = arith.constant 19 : i32
      %scan3A_73 = arith.addi %scan3A_71, %scan3A_72 : i32
      %scan3A_74 = arith.constant 1 : i32
      scf.for %scan3A_94 = %scan3A_71 to %scan3A_73 step %scan3A_74  : i32 {
        %mul3A_95 = arith.constant 2 : i32
        %mul3A_96 = arith.muli %scan3A_94, %mul3A_95 : i32
        %jit3A_97 = arith.constant 8 : i32
        %div3A = arith.divsi %mul3A_96, %jit3A_97 : i32
        %sign3A = arith.constant 0 : i32
        %sign3A_98 = arith.cmpi sgt, %mul3A_96, %sign3A : i32
        %sign3A_99 = arith.extui %sign3A_98 : i1 to i32
        %sign3A_100 = arith.constant 0 : i32
        %sign3A_101 = arith.cmpi slt, %mul3A_96, %sign3A_100 : i32
        %sign3A_102 = arith.extui %sign3A_101 : i1 to i32
        %sign3A_103 = arith.subi %sign3A_99, %sign3A_102 : i32
        %sign3A_104 = arith.constant 0 : i32
        %sign3A_105 = arith.cmpi sgt, %jit3A_97, %sign3A_104 : i32
        %sign3A_106 = arith.extui %sign3A_105 : i1 to i32
        %sign3A_107 = arith.constant 0 : i32
        %sign3A_108 = arith.cmpi slt, %jit3A_97, %sign3A_107 : i32
        %sign3A_109 = arith.extui %sign3A_108 : i1 to i32
        %sign3A_110 = arith.subi %sign3A_106, %sign3A_109 : i32
        %ne3A = arith.cmpi ne, %sign3A_103, %sign3A_110 : i32
        %rem3A = arith.remsi %mul3A_96, %jit3A_97 : i32
        %ne3A_111 = arith.constant 0 : i32
        %ne3A_112 = arith.cmpi ne, %rem3A, %ne3A_111 : i32
        %and3A = arith.andi %ne3A, %ne3A_112 : i1
        %sub3A = arith.constant 1 : i32
        %sub3A_113 = arith.subi %div3A, %sub3A : i32
        %select_n3A_114 = arith.select %and3A, %sub3A_113, %div3A : i32
        %jit3A_115 = arith.constant 8 : i32
        %div3A_116 = arith.divsi %mul3A_96, %jit3A_115 : i32
        %sign3A_117 = arith.constant 0 : i32
        %sign3A_118 = arith.cmpi sgt, %mul3A_96, %sign3A_117 : i32
        %sign3A_119 = arith.extui %sign3A_118 : i1 to i32
        %sign3A_120 = arith.constant 0 : i32
        %sign3A_121 = arith.cmpi slt, %mul3A_96, %sign3A_120 : i32
        %sign3A_122 = arith.extui %sign3A_121 : i1 to i32
        %sign3A_123 = arith.subi %sign3A_119, %sign3A_122 : i32
        %sign3A_124 = arith.constant 0 : i32
        %sign3A_125 = arith.cmpi sgt, %jit3A_115, %sign3A_124 : i32
        %sign3A_126 = arith.extui %sign3A_125 : i1 to i32
        %sign3A_127 = arith.constant 0 : i32
        %sign3A_128 = arith.cmpi slt, %jit3A_115, %sign3A_127 : i32
        %sign3A_129 = arith.extui %sign3A_128 : i1 to i32
        %sign3A_130 = arith.subi %sign3A_126, %sign3A_129 : i32
        %ne3A_131 = arith.cmpi ne, %sign3A_123, %sign3A_130 : i32
        %rem3A_132 = arith.remsi %mul3A_96, %jit3A_115 : i32
        %ne3A_133 = arith.constant 0 : i32
        %ne3A_134 = arith.cmpi ne, %rem3A_132, %ne3A_133 : i32
        %and3A_135 = arith.andi %ne3A_131, %ne3A_134 : i1
        %sub3A_136 = arith.constant 1 : i32
        %sub3A_137 = arith.subi %div3A_116, %sub3A_136 : i32
        %select_n3A_138 = arith.select %and3A_135, %sub3A_137, %div3A_116 : i32
        %mul3A_139 = arith.constant 8 : i32
        %mul3A_140 = arith.muli %select_n3A_138, %mul3A_139 : i32
        %sub3A_141 = arith.subi %mul3A_96, %mul3A_140 : i32
        %dma_wait3A_142 = arith.constant 0 : i32
        %dma_wait3A_143 = tpu.memref_slice %arg6[%select_n3A_114, %sub3A_141, %dma_wait3A_142] : memref<5x8x128xi32, #tpu.memory_space<vmem>> -> memref<1x1x128xi32, #tpu.memory_space<vmem>>
        %dma_wait3A_144 = tpu.memref_squeeze %dma_wait3A_143 : memref<1x1x128xi32, #tpu.memory_space<vmem>> -> memref<128xi32, #tpu.memory_space<vmem>>
        %dma_wait3A_145 = arith.constant 0 : i32
        %dma_wait3A_146 = arith.constant 0 : i32
        %dma_wait3A_147 = tpu.memref_slice %arg2[%dma_wait3A_145, %dma_wait3A_146] : memref<10240x128xf32, #tpu.memory_space<hbm>> -> memref<10240x128xf32, #tpu.memory_space<hbm>>
        tpu.wait_indirect_dma semaphore(%arg11 : memref<!tpu.dma_semaphore, #tpu.memory_space<semaphore_mem>>) src(%dma_wait3A_147 : memref<10240x128xf32, #tpu.memory_space<hbm>>) dst(%arg8 : memref<128x128xf32, #tpu.memory_space<vmem>>)
        %jit3A_148 = arith.constant 8 : i32
        %div3A_149 = arith.divsi %mul3A_96, %jit3A_148 : i32
        %sign3A_150 = arith.constant 0 : i32
        %sign3A_151 = arith.cmpi sgt, %mul3A_96, %sign3A_150 : i32
        %sign3A_152 = arith.extui %sign3A_151 : i1 to i32
        %sign3A_153 = arith.constant 0 : i32
        %sign3A_154 = arith.cmpi slt, %mul3A_96, %sign3A_153 : i32
        %sign3A_155 = arith.extui %sign3A_154 : i1 to i32
        %sign3A_156 = arith.subi %sign3A_152, %sign3A_155 : i32
        %sign3A_157 = arith.constant 0 : i32
        %sign3A_158 = arith.cmpi sgt, %jit3A_148, %sign3A_157 : i32
        %sign3A_159 = arith.extui %sign3A_158 : i1 to i32
        %sign3A_160 = arith.constant 0 : i32
        %sign3A_161 = arith.cmpi slt, %jit3A_148, %sign3A_160 : i32
        %sign3A_162 = arith.extui %sign3A_161 : i1 to i32
        %sign3A_163 = arith.subi %sign3A_159, %sign3A_162 : i32
        %ne3A_164 = arith.cmpi ne, %sign3A_156, %sign3A_163 : i32
        %rem3A_165 = arith.remsi %mul3A_96, %jit3A_148 : i32
        %ne3A_166 = arith.constant 0 : i32
        %ne3A_167 = arith.cmpi ne, %rem3A_165, %ne3A_166 : i32
        %and3A_168 = arith.andi %ne3A_164, %ne3A_167 : i1
        %sub3A_169 = arith.constant 1 : i32
        %sub3A_170 = arith.subi %div3A_149, %sub3A_169 : i32
        %select_n3A_171 = arith.select %and3A_168, %sub3A_170, %div3A_149 : i32
        %jit3A_172 = arith.constant 8 : i32
        %div3A_173 = arith.divsi %mul3A_96, %jit3A_172 : i32
        %sign3A_174 = arith.constant 0 : i32
        %sign3A_175 = arith.cmpi sgt, %mul3A_96, %sign3A_174 : i32
        %sign3A_176 = arith.extui %sign3A_175 : i1 to i32
        %sign3A_177 = arith.constant 0 : i32
        %sign3A_178 = arith.cmpi slt, %mul3A_96, %sign3A_177 : i32
        %sign3A_179 = arith.extui %sign3A_178 : i1 to i32
        %sign3A_180 = arith.subi %sign3A_176, %sign3A_179 : i32
        %sign3A_181 = arith.constant 0 : i32
        %sign3A_182 = arith.cmpi sgt, %jit3A_172, %sign3A_181 : i32
        %sign3A_183 = arith.extui %sign3A_182 : i1 to i32
        %sign3A_184 = arith.constant 0 : i32
        %sign3A_185 = arith.cmpi slt, %jit3A_172, %sign3A_184 : i32
        %sign3A_186 = arith.extui %sign3A_185 : i1 to i32
        %sign3A_187 = arith.subi %sign3A_183, %sign3A_186 : i32
        %ne3A_188 = arith.cmpi ne, %sign3A_180, %sign3A_187 : i32
        %rem3A_189 = arith.remsi %mul3A_96, %jit3A_172 : i32
        %ne3A_190 = arith.constant 0 : i32
        %ne3A_191 = arith.cmpi ne, %rem3A_189, %ne3A_190 : i32
        %and3A_192 = arith.andi %ne3A_188, %ne3A_191 : i1
        %sub3A_193 = arith.constant 1 : i32
        %sub3A_194 = arith.subi %div3A_173, %sub3A_193 : i32
        %select_n3A_195 = arith.select %and3A_192, %sub3A_194, %div3A_173 : i32
        %mul3A_196 = arith.constant 8 : i32
        %mul3A_197 = arith.muli %select_n3A_195, %mul3A_196 : i32
        %sub3A_198 = arith.subi %mul3A_96, %mul3A_197 : i32
        "tpu.region"() ({
          %run_scoped3A_429 = tpu.sem_alloc : memref<!tpu.dma_semaphore, #tpu.memory_space<semaphore_mem>>
          %dma_start3A_430 = arith.constant 0 : i32
          %dma_start3A_431 = tpu.memref_slice %arg7[%select_n3A_171, %sub3A_198, %dma_start3A_430] : memref<5x8x128xi32, #tpu.memory_space<vmem>> -> memref<1x1x128xi32, #tpu.memory_space<vmem>>
          %dma_start3A_432 = tpu.memref_squeeze %dma_start3A_431 : memref<1x1x128xi32, #tpu.memory_space<vmem>> -> memref<128xi32, #tpu.memory_space<vmem>>
          %dma_start3A_433 = arith.constant 0 : i32
          %dma_start3A_434 = arith.constant 0 : i32
          %dma_start3A_435 = tpu.memref_slice %arg10[%dma_start3A_433, %dma_start3A_434] : memref<10240x128xf32, #tpu.memory_space<vmem_shared>> -> memref<10240x128xf32, #tpu.memory_space<vmem_shared>>
          tpu.enqueue_indirect_dma source(%arg8 : memref<128x128xf32, #tpu.memory_space<vmem>>) target(%dma_start3A_435 : memref<10240x128xf32, #tpu.memory_space<vmem_shared>>) offsets(%dma_start3A_432 : memref<128xi32, #tpu.memory_space<vmem>>) semaphore(%run_scoped3A_429 : memref<!tpu.dma_semaphore, #tpu.memory_space<semaphore_mem>>) {add = true}
          %dma_wait3A_436 = arith.constant 0 : i32
          %dma_wait3A_437 = tpu.memref_slice %arg7[%select_n3A_171, %sub3A_198, %dma_wait3A_436] : memref<5x8x128xi32, #tpu.memory_space<vmem>> -> memref<1x1x128xi32, #tpu.memory_space<vmem>>
          %dma_wait3A_438 = tpu.memref_squeeze %dma_wait3A_437 : memref<1x1x128xi32, #tpu.memory_space<vmem>> -> memref<128xi32, #tpu.memory_space<vmem>>
          %dma_wait3A_439 = arith.constant 0 : i32
          %dma_wait3A_440 = arith.constant 0 : i32
          %dma_wait3A_441 = tpu.memref_slice %arg10[%dma_wait3A_439, %dma_wait3A_440] : memref<10240x128xf32, #tpu.memory_space<vmem_shared>> -> memref<10240x128xf32, #tpu.memory_space<vmem_shared>>
          tpu.wait_indirect_dma semaphore(%run_scoped3A_429 : memref<!tpu.dma_semaphore, #tpu.memory_space<semaphore_mem>>) src(%arg8 : memref<128x128xf32, #tpu.memory_space<vmem>>) dst(%dma_wait3A_441 : memref<10240x128xf32, #tpu.memory_space<vmem_shared>>)
          tpu.yield
        }) : () -> ()
        %add3A_199 = arith.constant 2 : i32
        %add3A_200 = arith.addi %mul3A_96, %add3A_199 : i32
        %jit3A_201 = arith.constant 8 : i32
        %div3A_202 = arith.divsi %add3A_200, %jit3A_201 : i32
        %sign3A_203 = arith.constant 0 : i32
        %sign3A_204 = arith.cmpi sgt, %add3A_200, %sign3A_203 : i32
        %sign3A_205 = arith.extui %sign3A_204 : i1 to i32
        %sign3A_206 = arith.constant 0 : i32
        %sign3A_207 = arith.cmpi slt, %add3A_200, %sign3A_206 : i32
        %sign3A_208 = arith.extui %sign3A_207 : i1 to i32
        %sign3A_209 = arith.subi %sign3A_205, %sign3A_208 : i32
        %sign3A_210 = arith.constant 0 : i32
        %sign3A_211 = arith.cmpi sgt, %jit3A_201, %sign3A_210 : i32
        %sign3A_212 = arith.extui %sign3A_211 : i1 to i32
        %sign3A_213 = arith.constant 0 : i32
        %sign3A_214 = arith.cmpi slt, %jit3A_201, %sign3A_213 : i32
        %sign3A_215 = arith.extui %sign3A_214 : i1 to i32
        %sign3A_216 = arith.subi %sign3A_212, %sign3A_215 : i32
        %ne3A_217 = arith.cmpi ne, %sign3A_209, %sign3A_216 : i32
        %rem3A_218 = arith.remsi %add3A_200, %jit3A_201 : i32
        %ne3A_219 = arith.constant 0 : i32
        %ne3A_220 = arith.cmpi ne, %rem3A_218, %ne3A_219 : i32
        %and3A_221 = arith.andi %ne3A_217, %ne3A_220 : i1
        %sub3A_222 = arith.constant 1 : i32
        %sub3A_223 = arith.subi %div3A_202, %sub3A_222 : i32
        %select_n3A_224 = arith.select %and3A_221, %sub3A_223, %div3A_202 : i32
        %jit3A_225 = arith.constant 8 : i32
        %div3A_226 = arith.divsi %add3A_200, %jit3A_225 : i32
        %sign3A_227 = arith.constant 0 : i32
        %sign3A_228 = arith.cmpi sgt, %add3A_200, %sign3A_227 : i32
        %sign3A_229 = arith.extui %sign3A_228 : i1 to i32
        %sign3A_230 = arith.constant 0 : i32
        %sign3A_231 = arith.cmpi slt, %add3A_200, %sign3A_230 : i32
        %sign3A_232 = arith.extui %sign3A_231 : i1 to i32
        %sign3A_233 = arith.subi %sign3A_229, %sign3A_232 : i32
        %sign3A_234 = arith.constant 0 : i32
        %sign3A_235 = arith.cmpi sgt, %jit3A_225, %sign3A_234 : i32
        %sign3A_236 = arith.extui %sign3A_235 : i1 to i32
        %sign3A_237 = arith.constant 0 : i32
        %sign3A_238 = arith.cmpi slt, %jit3A_225, %sign3A_237 : i32
        %sign3A_239 = arith.extui %sign3A_238 : i1 to i32
        %sign3A_240 = arith.subi %sign3A_236, %sign3A_239 : i32
        %ne3A_241 = arith.cmpi ne, %sign3A_233, %sign3A_240 : i32
        %rem3A_242 = arith.remsi %add3A_200, %jit3A_225 : i32
        %ne3A_243 = arith.constant 0 : i32
        %ne3A_244 = arith.cmpi ne, %rem3A_242, %ne3A_243 : i32
        %and3A_245 = arith.andi %ne3A_241, %ne3A_244 : i1
        %sub3A_246 = arith.constant 1 : i32
        %sub3A_247 = arith.subi %div3A_226, %sub3A_246 : i32
        %select_n3A_248 = arith.select %and3A_245, %sub3A_247, %div3A_226 : i32
        %mul3A_249 = arith.constant 8 : i32
        %mul3A_250 = arith.muli %select_n3A_248, %mul3A_249 : i32
        %sub3A_251 = arith.subi %add3A_200, %mul3A_250 : i32
        %dma_start3A_252 = arith.constant 0 : i32
        %dma_start3A_253 = tpu.memref_slice %arg6[%select_n3A_224, %sub3A_251, %dma_start3A_252] : memref<5x8x128xi32, #tpu.memory_space<vmem>> -> memref<1x1x128xi32, #tpu.memory_space<vmem>>
        %dma_start3A_254 = tpu.memref_squeeze %dma_start3A_253 : memref<1x1x128xi32, #tpu.memory_space<vmem>> -> memref<128xi32, #tpu.memory_space<vmem>>
        %dma_start3A_255 = arith.constant 0 : i32
        %dma_start3A_256 = arith.constant 0 : i32
        %dma_start3A_257 = tpu.memref_slice %arg2[%dma_start3A_255, %dma_start3A_256] : memref<10240x128xf32, #tpu.memory_space<hbm>> -> memref<10240x128xf32, #tpu.memory_space<hbm>>
        tpu.enqueue_indirect_dma source(%dma_start3A_257 : memref<10240x128xf32, #tpu.memory_space<hbm>>) target(%arg8 : memref<128x128xf32, #tpu.memory_space<vmem>>) offsets(%dma_start3A_254 : memref<128xi32, #tpu.memory_space<vmem>>) semaphore(%arg11 : memref<!tpu.dma_semaphore, #tpu.memory_space<semaphore_mem>>)
        %add3A_258 = arith.constant 1 : i32
        %add3A_259 = arith.addi %mul3A_96, %add3A_258 : i32
        %jit3A_260 = arith.constant 8 : i32
        %div3A_261 = arith.divsi %add3A_259, %jit3A_260 : i32
        %sign3A_262 = arith.constant 0 : i32
        %sign3A_263 = arith.cmpi sgt, %add3A_259, %sign3A_262 : i32
        %sign3A_264 = arith.extui %sign3A_263 : i1 to i32
        %sign3A_265 = arith.constant 0 : i32
        %sign3A_266 = arith.cmpi slt, %add3A_259, %sign3A_265 : i32
        %sign3A_267 = arith.extui %sign3A_266 : i1 to i32
        %sign3A_268 = arith.subi %sign3A_264, %sign3A_267 : i32
        %sign3A_269 = arith.constant 0 : i32
        %sign3A_270 = arith.cmpi sgt, %jit3A_260, %sign3A_269 : i32
        %sign3A_271 = arith.extui %sign3A_270 : i1 to i32
        %sign3A_272 = arith.constant 0 : i32
        %sign3A_273 = arith.cmpi slt, %jit3A_260, %sign3A_272 : i32
        %sign3A_274 = arith.extui %sign3A_273 : i1 to i32
        %sign3A_275 = arith.subi %sign3A_271, %sign3A_274 : i32
        %ne3A_276 = arith.cmpi ne, %sign3A_268, %sign3A_275 : i32
        %rem3A_277 = arith.remsi %add3A_259, %jit3A_260 : i32
        %ne3A_278 = arith.constant 0 : i32
        %ne3A_279 = arith.cmpi ne, %rem3A_277, %ne3A_278 : i32
        %and3A_280 = arith.andi %ne3A_276, %ne3A_279 : i1
        %sub3A_281 = arith.constant 1 : i32
        %sub3A_282 = arith.subi %div3A_261, %sub3A_281 : i32
        %select_n3A_283 = arith.select %and3A_280, %sub3A_282, %div3A_261 : i32
        %jit3A_284 = arith.constant 8 : i32
        %div3A_285 = arith.divsi %add3A_259, %jit3A_284 : i32
        %sign3A_286 = arith.constant 0 : i32
        %sign3A_287 = arith.cmpi sgt, %add3A_259, %sign3A_286 : i32
        %sign3A_288 = arith.extui %sign3A_287 : i1 to i32
        %sign3A_289 = arith.constant 0 : i32
        %sign3A_290 = arith.cmpi slt, %add3A_259, %sign3A_289 : i32
        %sign3A_291 = arith.extui %sign3A_290 : i1 to i32
        %sign3A_292 = arith.subi %sign3A_288, %sign3A_291 : i32
        %sign3A_293 = arith.constant 0 : i32
        %sign3A_294 = arith.cmpi sgt, %jit3A_284, %sign3A_293 : i32
        %sign3A_295 = arith.extui %sign3A_294 : i1 to i32
        %sign3A_296 = arith.constant 0 : i32
        %sign3A_297 = arith.cmpi slt, %jit3A_284, %sign3A_296 : i32
        %sign3A_298 = arith.extui %sign3A_297 : i1 to i32
        %sign3A_299 = arith.subi %sign3A_295, %sign3A_298 : i32
        %ne3A_300 = arith.cmpi ne, %sign3A_292, %sign3A_299 : i32
        %rem3A_301 = arith.remsi %add3A_259, %jit3A_284 : i32
        %ne3A_302 = arith.constant 0 : i32
        %ne3A_303 = arith.cmpi ne, %rem3A_301, %ne3A_302 : i32
        %and3A_304 = arith.andi %ne3A_300, %ne3A_303 : i1
        %sub3A_305 = arith.constant 1 : i32
        %sub3A_306 = arith.subi %div3A_285, %sub3A_305 : i32
        %select_n3A_307 = arith.select %and3A_304, %sub3A_306, %div3A_285 : i32
        %mul3A_308 = arith.constant 8 : i32
        %mul3A_309 = arith.muli %select_n3A_307, %mul3A_308 : i32
        %sub3A_310 = arith.subi %add3A_259, %mul3A_309 : i32
        %dma_wait3A_311 = arith.constant 0 : i32
        %dma_wait3A_312 = tpu.memref_slice %arg6[%select_n3A_283, %sub3A_310, %dma_wait3A_311] : memref<5x8x128xi32, #tpu.memory_space<vmem>> -> memref<1x1x128xi32, #tpu.memory_space<vmem>>
        %dma_wait3A_313 = tpu.memref_squeeze %dma_wait3A_312 : memref<1x1x128xi32, #tpu.memory_space<vmem>> -> memref<128xi32, #tpu.memory_space<vmem>>
        %dma_wait3A_314 = arith.constant 0 : i32
        %dma_wait3A_315 = arith.constant 0 : i32
        %dma_wait3A_316 = tpu.memref_slice %arg2[%dma_wait3A_314, %dma_wait3A_315] : memref<10240x128xf32, #tpu.memory_space<hbm>> -> memref<10240x128xf32, #tpu.memory_space<hbm>>
        tpu.wait_indirect_dma semaphore(%arg12 : memref<!tpu.dma_semaphore, #tpu.memory_space<semaphore_mem>>) src(%dma_wait3A_316 : memref<10240x128xf32, #tpu.memory_space<hbm>>) dst(%arg9 : memref<128x128xf32, #tpu.memory_space<vmem>>)
        %add3A_317 = arith.constant 1 : i32
        %add3A_318 = arith.addi %mul3A_96, %add3A_317 : i32
        %jit3A_319 = arith.constant 8 : i32
        %div3A_320 = arith.divsi %add3A_318, %jit3A_319 : i32
        %sign3A_321 = arith.constant 0 : i32
        %sign3A_322 = arith.cmpi sgt, %add3A_318, %sign3A_321 : i32
        %sign3A_323 = arith.extui %sign3A_322 : i1 to i32
        %sign3A_324 = arith.constant 0 : i32
        %sign3A_325 = arith.cmpi slt, %add3A_318, %sign3A_324 : i32
        %sign3A_326 = arith.extui %sign3A_325 : i1 to i32
        %sign3A_327 = arith.subi %sign3A_323, %sign3A_326 : i32
        %sign3A_328 = arith.constant 0 : i32
        %sign3A_329 = arith.cmpi sgt, %jit3A_319, %sign3A_328 : i32
        %sign3A_330 = arith.extui %sign3A_329 : i1 to i32
        %sign3A_331 = arith.constant 0 : i32
        %sign3A_332 = arith.cmpi slt, %jit3A_319, %sign3A_331 : i32
        %sign3A_333 = arith.extui %sign3A_332 : i1 to i32
        %sign3A_334 = arith.subi %sign3A_330, %sign3A_333 : i32
        %ne3A_335 = arith.cmpi ne, %sign3A_327, %sign3A_334 : i32
        %rem3A_336 = arith.remsi %add3A_318, %jit3A_319 : i32
        %ne3A_337 = arith.constant 0 : i32
        %ne3A_338 = arith.cmpi ne, %rem3A_336, %ne3A_337 : i32
        %and3A_339 = arith.andi %ne3A_335, %ne3A_338 : i1
        %sub3A_340 = arith.constant 1 : i32
        %sub3A_341 = arith.subi %div3A_320, %sub3A_340 : i32
        %select_n3A_342 = arith.select %and3A_339, %sub3A_341, %div3A_320 : i32
        %jit3A_343 = arith.constant 8 : i32
        %div3A_344 = arith.divsi %add3A_318, %jit3A_343 : i32
        %sign3A_345 = arith.constant 0 : i32
        %sign3A_346 = arith.cmpi sgt, %add3A_318, %sign3A_345 : i32
        %sign3A_347 = arith.extui %sign3A_346 : i1 to i32
        %sign3A_348 = arith.constant 0 : i32
        %sign3A_349 = arith.cmpi slt, %add3A_318, %sign3A_348 : i32
        %sign3A_350 = arith.extui %sign3A_349 : i1 to i32
        %sign3A_351 = arith.subi %sign3A_347, %sign3A_350 : i32
        %sign3A_352 = arith.constant 0 : i32
        %sign3A_353 = arith.cmpi sgt, %jit3A_343, %sign3A_352 : i32
        %sign3A_354 = arith.extui %sign3A_353 : i1 to i32
        %sign3A_355 = arith.constant 0 : i32
        %sign3A_356 = arith.cmpi slt, %jit3A_343, %sign3A_355 : i32
        %sign3A_357 = arith.extui %sign3A_356 : i1 to i32
        %sign3A_358 = arith.subi %sign3A_354, %sign3A_357 : i32
        %ne3A_359 = arith.cmpi ne, %sign3A_351, %sign3A_358 : i32
        %rem3A_360 = arith.remsi %add3A_318, %jit3A_343 : i32
        %ne3A_361 = arith.constant 0 : i32
        %ne3A_362 = arith.cmpi ne, %rem3A_360, %ne3A_361 : i32
        %and3A_363 = arith.andi %ne3A_359, %ne3A_362 : i1
        %sub3A_364 = arith.constant 1 : i32
        %sub3A_365 = arith.subi %div3A_344, %sub3A_364 : i32
        %select_n3A_366 = arith.select %and3A_363, %sub3A_365, %div3A_344 : i32
        %mul3A_367 = arith.constant 8 : i32
        %mul3A_368 = arith.muli %select_n3A_366, %mul3A_367 : i32
        %sub3A_369 = arith.subi %add3A_318, %mul3A_368 : i32
        "tpu.region"() ({
          %run_scoped3A_429 = tpu.sem_alloc : memref<!tpu.dma_semaphore, #tpu.memory_space<semaphore_mem>>
          %dma_start3A_430 = arith.constant 0 : i32
          %dma_start3A_431 = tpu.memref_slice %arg7[%select_n3A_342, %sub3A_369, %dma_start3A_430] : memref<5x8x128xi32, #tpu.memory_space<vmem>> -> memref<1x1x128xi32, #tpu.memory_space<vmem>>
          %dma_start3A_432 = tpu.memref_squeeze %dma_start3A_431 : memref<1x1x128xi32, #tpu.memory_space<vmem>> -> memref<128xi32, #tpu.memory_space<vmem>>
          %dma_start3A_433 = arith.constant 0 : i32
          %dma_start3A_434 = arith.constant 0 : i32
          %dma_start3A_435 = tpu.memref_slice %arg10[%dma_start3A_433, %dma_start3A_434] : memref<10240x128xf32, #tpu.memory_space<vmem_shared>> -> memref<10240x128xf32, #tpu.memory_space<vmem_shared>>
          tpu.enqueue_indirect_dma source(%arg9 : memref<128x128xf32, #tpu.memory_space<vmem>>) target(%dma_start3A_435 : memref<10240x128xf32, #tpu.memory_space<vmem_shared>>) offsets(%dma_start3A_432 : memref<128xi32, #tpu.memory_space<vmem>>) semaphore(%run_scoped3A_429 : memref<!tpu.dma_semaphore, #tpu.memory_space<semaphore_mem>>) {add = true}
          %dma_wait3A_436 = arith.constant 0 : i32
          %dma_wait3A_437 = tpu.memref_slice %arg7[%select_n3A_342, %sub3A_369, %dma_wait3A_436] : memref<5x8x128xi32, #tpu.memory_space<vmem>> -> memref<1x1x128xi32, #tpu.memory_space<vmem>>
          %dma_wait3A_438 = tpu.memref_squeeze %dma_wait3A_437 : memref<1x1x128xi32, #tpu.memory_space<vmem>> -> memref<128xi32, #tpu.memory_space<vmem>>
          %dma_wait3A_439 = arith.constant 0 : i32
          %dma_wait3A_440 = arith.constant 0 : i32
          %dma_wait3A_441 = tpu.memref_slice %arg10[%dma_wait3A_439, %dma_wait3A_440] : memref<10240x128xf32, #tpu.memory_space<vmem_shared>> -> memref<10240x128xf32, #tpu.memory_space<vmem_shared>>
          tpu.wait_indirect_dma semaphore(%run_scoped3A_429 : memref<!tpu.dma_semaphore, #tpu.memory_space<semaphore_mem>>) src(%arg9 : memref<128x128xf32, #tpu.memory_space<vmem>>) dst(%dma_wait3A_441 : memref<10240x128xf32, #tpu.memory_space<vmem_shared>>)
          tpu.yield
        }) : () -> ()
        %add3A_370 = arith.constant 3 : i32
        %add3A_371 = arith.addi %mul3A_96, %add3A_370 : i32
        %jit3A_372 = arith.constant 8 : i32
        %div3A_373 = arith.divsi %add3A_371, %jit3A_372 : i32
        %sign3A_374 = arith.constant 0 : i32
        %sign3A_375 = arith.cmpi sgt, %add3A_371, %sign3A_374 : i32
        %sign3A_376 = arith.extui %sign3A_375 : i1 to i32
        %sign3A_377 = arith.constant 0 : i32
        %sign3A_378 = arith.cmpi slt, %add3A_371, %sign3A_377 : i32
        %sign3A_379 = arith.extui %sign3A_378 : i1 to i32
        %sign3A_380 = arith.subi %sign3A_376, %sign3A_379 : i32
        %sign3A_381 = arith.constant 0 : i32
        %sign3A_382 = arith.cmpi sgt, %jit3A_372, %sign3A_381 : i32
        %sign3A_383 = arith.extui %sign3A_382 : i1 to i32
        %sign3A_384 = arith.constant 0 : i32
        %sign3A_385 = arith.cmpi slt, %jit3A_372, %sign3A_384 : i32
        %sign3A_386 = arith.extui %sign3A_385 : i1 to i32
        %sign3A_387 = arith.subi %sign3A_383, %sign3A_386 : i32
        %ne3A_388 = arith.cmpi ne, %sign3A_380, %sign3A_387 : i32
        %rem3A_389 = arith.remsi %add3A_371, %jit3A_372 : i32
        %ne3A_390 = arith.constant 0 : i32
        %ne3A_391 = arith.cmpi ne, %rem3A_389, %ne3A_390 : i32
        %and3A_392 = arith.andi %ne3A_388, %ne3A_391 : i1
        %sub3A_393 = arith.constant 1 : i32
        %sub3A_394 = arith.subi %div3A_373, %sub3A_393 : i32
        %select_n3A_395 = arith.select %and3A_392, %sub3A_394, %div3A_373 : i32
        %jit3A_396 = arith.constant 8 : i32
        %div3A_397 = arith.divsi %add3A_371, %jit3A_396 : i32
        %sign3A_398 = arith.constant 0 : i32
        %sign3A_399 = arith.cmpi sgt, %add3A_371, %sign3A_398 : i32
        %sign3A_400 = arith.extui %sign3A_399 : i1 to i32
        %sign3A_401 = arith.constant 0 : i32
        %sign3A_402 = arith.cmpi slt, %add3A_371, %sign3A_401 : i32
        %sign3A_403 = arith.extui %sign3A_402 : i1 to i32
        %sign3A_404 = arith.subi %sign3A_400, %sign3A_403 : i32
        %sign3A_405 = arith.constant 0 : i32
        %sign3A_406 = arith.cmpi sgt, %jit3A_396, %sign3A_405 : i32
        %sign3A_407 = arith.extui %sign3A_406 : i1 to i32
        %sign3A_408 = arith.constant 0 : i32
        %sign3A_409 = arith.cmpi slt, %jit3A_396, %sign3A_408 : i32
        %sign3A_410 = arith.extui %sign3A_409 : i1 to i32
        %sign3A_411 = arith.subi %sign3A_407, %sign3A_410 : i32
        %ne3A_412 = arith.cmpi ne, %sign3A_404, %sign3A_411 : i32
        %rem3A_413 = arith.remsi %add3A_371, %jit3A_396 : i32
        %ne3A_414 = arith.constant 0 : i32
        %ne3A_415 = arith.cmpi ne, %rem3A_413, %ne3A_414 : i32
        %and3A_416 = arith.andi %ne3A_412, %ne3A_415 : i1
        %sub3A_417 = arith.constant 1 : i32
        %sub3A_418 = arith.subi %div3A_397, %sub3A_417 : i32
        %select_n3A_419 = arith.select %and3A_416, %sub3A_418, %div3A_397 : i32
        %mul3A_420 = arith.constant 8 : i32
        %mul3A_421 = arith.muli %select_n3A_419, %mul3A_420 : i32
        %sub3A_422 = arith.subi %add3A_371, %mul3A_421 : i32
        %dma_start3A_423 = arith.constant 0 : i32
        %dma_start3A_424 = tpu.memref_slice %arg6[%select_n3A_395, %sub3A_422, %dma_start3A_423] : memref<5x8x128xi32, #tpu.memory_space<vmem>> -> memref<1x1x128xi32, #tpu.memory_space<vmem>>
        %dma_start3A_425 = tpu.memref_squeeze %dma_start3A_424 : memref<1x1x128xi32, #tpu.memory_space<vmem>> -> memref<128xi32, #tpu.memory_space<vmem>>
        %dma_start3A_426 = arith.constant 0 : i32
        %dma_start3A_427 = arith.constant 0 : i32
        %dma_start3A_428 = tpu.memref_slice %arg2[%dma_start3A_426, %dma_start3A_427] : memref<10240x128xf32, #tpu.memory_space<hbm>> -> memref<10240x128xf32, #tpu.memory_space<hbm>>
        tpu.enqueue_indirect_dma source(%dma_start3A_428 : memref<10240x128xf32, #tpu.memory_space<hbm>>) target(%arg9 : memref<128x128xf32, #tpu.memory_space<vmem>>) offsets(%dma_start3A_425 : memref<128xi32, #tpu.memory_space<vmem>>) semaphore(%arg12 : memref<!tpu.dma_semaphore, #tpu.memory_space<semaphore_mem>>)
      }
      %scan3A_75 = arith.constant 19 : i32
      %dma_wait3A = arith.constant 4 : i32
      %dma_wait3A_76 = arith.constant 6 : i32
      %dma_wait3A_77 = arith.constant 0 : i32
      %dma_wait3A_78 = tpu.memref_slice %arg6[%dma_wait3A, %dma_wait3A_76, %dma_wait3A_77] : memref<5x8x128xi32, #tpu.memory_space<vmem>> -> memref<1x1x128xi32, #tpu.memory_space<vmem>>
      %dma_wait3A_79 = tpu.memref_squeeze %dma_wait3A_78 : memref<1x1x128xi32, #tpu.memory_space<vmem>> -> memref<128xi32, #tpu.memory_space<vmem>>
      %dma_wait3A_80 = arith.constant 0 : i32
      %dma_wait3A_81 = arith.constant 0 : i32
      %dma_wait3A_82 = tpu.memref_slice %arg2[%dma_wait3A_80, %dma_wait3A_81] : memref<10240x128xf32, #tpu.memory_space<hbm>> -> memref<10240x128xf32, #tpu.memory_space<hbm>>
      tpu.wait_indirect_dma semaphore(%arg11 : memref<!tpu.dma_semaphore, #tpu.memory_space<semaphore_mem>>) src(%dma_wait3A_82 : memref<10240x128xf32, #tpu.memory_space<hbm>>) dst(%arg8 : memref<128x128xf32, #tpu.memory_space<vmem>>)
      %run_scoped3A = arith.constant 4 : i32
      %run_scoped3A_83 = arith.constant 6 : i32
      "tpu.region"() ({
        %run_scoped3A_94 = tpu.sem_alloc : memref<!tpu.dma_semaphore, #tpu.memory_space<semaphore_mem>>
        %dma_start3A_95 = arith.constant 0 : i32
        %dma_start3A_96 = tpu.memref_slice %arg7[%run_scoped3A, %run_scoped3A_83, %dma_start3A_95] : memref<5x8x128xi32, #tpu.memory_space<vmem>> -> memref<1x1x128xi32, #tpu.memory_space<vmem>>
        %dma_start3A_97 = tpu.memref_squeeze %dma_start3A_96 : memref<1x1x128xi32, #tpu.memory_space<vmem>> -> memref<128xi32, #tpu.memory_space<vmem>>
        %dma_start3A_98 = arith.constant 0 : i32
        %dma_start3A_99 = arith.constant 0 : i32
        %dma_start3A_100 = tpu.memref_slice %arg10[%dma_start3A_98, %dma_start3A_99] : memref<10240x128xf32, #tpu.memory_space<vmem_shared>> -> memref<10240x128xf32, #tpu.memory_space<vmem_shared>>
        tpu.enqueue_indirect_dma source(%arg8 : memref<128x128xf32, #tpu.memory_space<vmem>>) target(%dma_start3A_100 : memref<10240x128xf32, #tpu.memory_space<vmem_shared>>) offsets(%dma_start3A_97 : memref<128xi32, #tpu.memory_space<vmem>>) semaphore(%run_scoped3A_94 : memref<!tpu.dma_semaphore, #tpu.memory_space<semaphore_mem>>) {add = true}
        %dma_wait3A_101 = arith.constant 0 : i32
        %dma_wait3A_102 = tpu.memref_slice %arg7[%run_scoped3A, %run_scoped3A_83, %dma_wait3A_101] : memref<5x8x128xi32, #tpu.memory_space<vmem>> -> memref<1x1x128xi32, #tpu.memory_space<vmem>>
        %dma_wait3A_103 = tpu.memref_squeeze %dma_wait3A_102 : memref<1x1x128xi32, #tpu.memory_space<vmem>> -> memref<128xi32, #tpu.memory_space<vmem>>
        %dma_wait3A_104 = arith.constant 0 : i32
        %dma_wait3A_105 = arith.constant 0 : i32
        %dma_wait3A_106 = tpu.memref_slice %arg10[%dma_wait3A_104, %dma_wait3A_105] : memref<10240x128xf32, #tpu.memory_space<vmem_shared>> -> memref<10240x128xf32, #tpu.memory_space<vmem_shared>>
        tpu.wait_indirect_dma semaphore(%run_scoped3A_94 : memref<!tpu.dma_semaphore, #tpu.memory_space<semaphore_mem>>) src(%arg8 : memref<128x128xf32, #tpu.memory_space<vmem>>) dst(%dma_wait3A_106 : memref<10240x128xf32, #tpu.memory_space<vmem_shared>>)
        tpu.yield
      }) : () -> ()
      %dma_wait3A_84 = arith.constant 4 : i32
      %dma_wait3A_85 = arith.constant 7 : i32
      %dma_wait3A_86 = arith.constant 0 : i32
      %dma_wait3A_87 = tpu.memref_slice %arg6[%dma_wait3A_84, %dma_wait3A_85, %dma_wait3A_86] : memref<5x8x128xi32, #tpu.memory_space<vmem>> -> memref<1x1x128xi32, #tpu.memory_space<vmem>>
      %dma_wait3A_88 = tpu.memref_squeeze %dma_wait3A_87 : memref<1x1x128xi32, #tpu.memory_space<vmem>> -> memref<128xi32, #tpu.memory_space<vmem>>
      %dma_wait3A_89 = arith.constant 0 : i32
      %dma_wait3A_90 = arith.constant 0 : i32
      %dma_wait3A_91 = tpu.memref_slice %arg2[%dma_wait3A_89, %dma_wait3A_90] : memref<10240x128xf32, #tpu.memory_space<hbm>> -> memref<10240x128xf32, #tpu.memory_space<hbm>>
      tpu.wait_indirect_dma semaphore(%arg12 : memref<!tpu.dma_semaphore, #tpu.memory_space<semaphore_mem>>) src(%dma_wait3A_91 : memref<10240x128xf32, #tpu.memory_space<hbm>>) dst(%arg9 : memref<128x128xf32, #tpu.memory_space<vmem>>)
      %run_scoped3A_92 = arith.constant 4 : i32
      %run_scoped3A_93 = arith.constant 7 : i32
      "tpu.region"() ({
        %run_scoped3A_94 = tpu.sem_alloc : memref<!tpu.dma_semaphore, #tpu.memory_space<semaphore_mem>>
        %dma_start3A_95 = arith.constant 0 : i32
        %dma_start3A_96 = tpu.memref_slice %arg7[%run_scoped3A_92, %run_scoped3A_93, %dma_start3A_95] : memref<5x8x128xi32, #tpu.memory_space<vmem>> -> memref<1x1x128xi32, #tpu.memory_space<vmem>>
        %dma_start3A_97 = tpu.memref_squeeze %dma_start3A_96 : memref<1x1x128xi32, #tpu.memory_space<vmem>> -> memref<128xi32, #tpu.memory_space<vmem>>
        %dma_start3A_98 = arith.constant 0 : i32
        %dma_start3A_99 = arith.constant 0 : i32
        %dma_start3A_100 = tpu.memref_slice %arg10[%dma_start3A_98, %dma_start3A_99] : memref<10240x128xf32, #tpu.memory_space<vmem_shared>> -> memref<10240x128xf32, #tpu.memory_space<vmem_shared>>
        tpu.enqueue_indirect_dma source(%arg9 : memref<128x128xf32, #tpu.memory_space<vmem>>) target(%dma_start3A_100 : memref<10240x128xf32, #tpu.memory_space<vmem_shared>>) offsets(%dma_start3A_97 : memref<128xi32, #tpu.memory_space<vmem>>) semaphore(%run_scoped3A_94 : memref<!tpu.dma_semaphore, #tpu.memory_space<semaphore_mem>>) {add = true}
        %dma_wait3A_101 = arith.constant 0 : i32
        %dma_wait3A_102 = tpu.memref_slice %arg7[%run_scoped3A_92, %run_scoped3A_93, %dma_wait3A_101] : memref<5x8x128xi32, #tpu.memory_space<vmem>> -> memref<1x1x128xi32, #tpu.memory_space<vmem>>
        %dma_wait3A_103 = tpu.memref_squeeze %dma_wait3A_102 : memref<1x1x128xi32, #tpu.memory_space<vmem>> -> memref<128xi32, #tpu.memory_space<vmem>>
        %dma_wait3A_104 = arith.constant 0 : i32
        %dma_wait3A_105 = arith.constant 0 : i32
        %dma_wait3A_106 = tpu.memref_slice %arg10[%dma_wait3A_104, %dma_wait3A_105] : memref<10240x128xf32, #tpu.memory_space<vmem_shared>> -> memref<10240x128xf32, #tpu.memory_space<vmem_shared>>
        tpu.wait_indirect_dma semaphore(%run_scoped3A_94 : memref<!tpu.dma_semaphore, #tpu.memory_space<semaphore_mem>>) src(%arg9 : memref<128x128xf32, #tpu.memory_space<vmem>>) dst(%dma_wait3A_106 : memref<10240x128xf32, #tpu.memory_space<vmem_shared>>)
        tpu.yield
      }) : () -> ()
    }
    %barrier3A_43 = arith.constant 0 : index
    tpu.barrier barrier_id(%barrier3A_43)
    %mul3A_44 = arith.constant 640 : i32
    %mul3A_45 = arith.muli %arg1, %mul3A_44 : i32
    %mul3A_46 = arith.constant 640 : i32
    %mul3A_47 = arith.muli %arg1, %mul3A_46 : i32
    "tpu.region"() ({
      %run_scoped3A = tpu.sem_alloc : memref<!tpu.dma_semaphore, #tpu.memory_space<semaphore_mem>>
      %dma_start3A = arith.constant 0 : i32
      %dma_start3A_48 = tpu.memref_slice %arg5[%arg0, %mul3A_47, %dma_start3A] : memref<2x10240x128xf32, #tpu.memory_space<hbm>> -> memref<1x640x128xf32, #tpu.memory_space<hbm>>
      %dma_start3A_49 = tpu.memref_squeeze %dma_start3A_48 : memref<1x640x128xf32, #tpu.memory_space<hbm>> -> memref<640x128xf32, #tpu.memory_space<hbm>>
      %dma_start3A_50 = arith.constant 0 : i32
      %dma_start3A_51 = tpu.memref_slice %arg10[%mul3A_45, %dma_start3A_50] : memref<10240x128xf32, #tpu.memory_space<vmem_shared>> -> memref<640x128xf32, #tpu.memory_space<vmem_shared>>
      tpu.enqueue_dma source(%dma_start3A_51 : memref<640x128xf32, #tpu.memory_space<vmem_shared>>) target(%dma_start3A_49 : memref<640x128xf32, #tpu.memory_space<hbm>>) target_semaphore(%run_scoped3A : memref<!tpu.dma_semaphore, #tpu.memory_space<semaphore_mem>>)
      %dma_wait3A = arith.constant 0 : i32
      %dma_wait3A_52 = tpu.memref_slice %arg5[%arg0, %mul3A_47, %dma_wait3A] : memref<2x10240x128xf32, #tpu.memory_space<hbm>> -> memref<1x640x128xf32, #tpu.memory_space<hbm>>
      %dma_wait3A_53 = tpu.memref_squeeze %dma_wait3A_52 : memref<1x640x128xf32, #tpu.memory_space<hbm>> -> memref<640x128xf32, #tpu.memory_space<hbm>>
      %dma_wait3A_54 = arith.constant 0 : i32
      %dma_wait3A_55 = tpu.memref_slice %arg10[%mul3A_45, %dma_wait3A_54] : memref<10240x128xf32, #tpu.memory_space<vmem_shared>> -> memref<640x128xf32, #tpu.memory_space<vmem_shared>>
      tpu.wait_dma2 semaphore(%run_scoped3A : memref<!tpu.dma_semaphore, #tpu.memory_space<semaphore_mem>>) src(%dma_wait3A_55 : memref<640x128xf32, #tpu.memory_space<vmem_shared>>) dst(%dma_wait3A_53 : memref<640x128xf32, #tpu.memory_space<hbm>>)
      tpu.yield
    }) : () -> ()
    return
  }
}

#map = affine_map<(d0, d1) -> (0, 0, 0)>
#map1 = affine_map<(d0, d1) -> (0, 0)>
module attributes {stable_mosaic.version = 14 : i64} {
  func.func @_deg_kernel(%arg0: i32, %arg1: i32, %arg2: memref<32x80x128xi32, #tpu.memory_space<hbm>>, %arg3: memref<32x80x128xi32, #tpu.memory_space<hbm>>, %arg4: memref<2x10240xf32, #tpu.memory_space<hbm>>, %arg5: memref<2x10240xf32, #tpu.memory_space<hbm>>, %arg6: memref<80x128xi32, #tpu.memory_space<vmem>>, %arg7: memref<80x128xi32, #tpu.memory_space<vmem>>, %arg8: memref<10240xf32, #tpu.memory_space<vmem>>, %arg9: memref<10240xf32, #tpu.memory_space<vmem>>, %arg10: memref<16x640xf32, #tpu.memory_space<vmem>>, %arg11: memref<640xf32, #tpu.memory_space<vmem>>, %arg12: memref<16x10240xf32, #tpu.memory_space<vmem_shared>>) attributes {dimension_semantics = [#tpu.dimension_semantics<core_parallel>, #tpu.dimension_semantics<subcore_parallel>], iteration_bounds = array<i64: 2, 16>, scalar_prefetch = 0 : i64, scratch_operands = 7 : i64, tpu.core_type = #tpu.core_type<sc_vector_subcore>, window_params = [{transform_indices = #map}, {transform_indices = #map}, {transform_indices = #map1}, {transform_indices = #map1}]} {
    %mul3A = arith.constant 16 : i32
    %mul3A_0 = arith.muli %arg0, %mul3A : i32
    %add3A = arith.addi %mul3A_0, %arg1 : i32
    %scan3A = arith.constant 0 : i32
    %scan3A_1 = arith.constant 0 : i32
    %scan3A_2 = arith.constant 640 : i32
    %scan3A_3 = arith.addi %scan3A_1, %scan3A_2 : i32
    %scan3A_4 = arith.constant 1 : i32
    scf.for %scan3A_159 = %scan3A_1 to %scan3A_3 step %scan3A_4  : i32 {
      %broadcast_in_dim3A_160 = arith.constant 0.000000e+00 : f32
      %broadcast_in_dim3A_161 = vector.broadcast %broadcast_in_dim3A_160 : f32 to vector<16xf32>
      %mul3A_162 = arith.constant 16 : i32
      %mul3A_163 = arith.muli %scan3A_159, %mul3A_162 : i32
      %swap3A = arith.index_cast %mul3A_163 : i32 to index
      %swap3A_164 = tpu.vector_load %arg8[%swap3A] {strides = array<i32>} : memref<10240xf32, #tpu.memory_space<vmem>>, vector<16xf32>,
      tpu.vector_store %arg8[%swap3A], %broadcast_in_dim3A_161 {strides = array<i32>} : memref<10240xf32, #tpu.memory_space<vmem>>, vector<16xf32>,
      %broadcast_in_dim3A_165 = arith.constant 0.000000e+00 : f32
      %broadcast_in_dim3A_166 = vector.broadcast %broadcast_in_dim3A_165 : f32 to vector<16xf32>
      %mul3A_167 = arith.constant 16 : i32
      %mul3A_168 = arith.muli %scan3A_159, %mul3A_167 : i32
      %swap3A_169 = arith.index_cast %mul3A_168 : i32 to index
      %swap3A_170 = tpu.vector_load %arg9[%swap3A_169] {strides = array<i32>} : memref<10240xf32, #tpu.memory_space<vmem>>, vector<16xf32>,
      tpu.vector_store %arg9[%swap3A_169], %broadcast_in_dim3A_166 {strides = array<i32>} : memref<10240xf32, #tpu.memory_space<vmem>>, vector<16xf32>,
    }
    %scan3A_5 = arith.constant 640 : i32
    "tpu.region"() ({
      %run_scoped3A_159 = tpu.sem_alloc : memref<!tpu.dma_semaphore, #tpu.memory_space<semaphore_mem>>
      %dma_start3A = arith.constant 0 : i32
      %dma_start3A_160 = arith.constant 0 : i32
      %dma_start3A_161 = tpu.memref_slice %arg2[%add3A, %dma_start3A, %dma_start3A_160] : memref<32x80x128xi32, #tpu.memory_space<hbm>> -> memref<1x80x128xi32, #tpu.memory_space<hbm>>
      %dma_start3A_162 = tpu.memref_squeeze %dma_start3A_161 : memref<1x80x128xi32, #tpu.memory_space<hbm>> -> memref<80x128xi32, #tpu.memory_space<hbm>>
      %dma_start3A_163 = arith.constant 0 : i32
      %dma_start3A_164 = arith.constant 0 : i32
      %dma_start3A_165 = tpu.memref_slice %arg2[%add3A, %dma_start3A_163, %dma_start3A_164] : memref<32x80x128xi32, #tpu.memory_space<hbm>> -> memref<1x80x128xi32, #tpu.memory_space<hbm>>
      %dma_start3A_166 = tpu.memref_squeeze %dma_start3A_165 : memref<1x80x128xi32, #tpu.memory_space<hbm>> -> memref<80x128xi32, #tpu.memory_space<hbm>>
      tpu.enqueue_dma source(%dma_start3A_166 : memref<80x128xi32, #tpu.memory_space<hbm>>) target(%arg6 : memref<80x128xi32, #tpu.memory_space<vmem>>) target_semaphore(%run_scoped3A_159 : memref<!tpu.dma_semaphore, #tpu.memory_space<semaphore_mem>>)
      %dma_wait3A = arith.constant 0 : i32
      %dma_wait3A_167 = arith.constant 0 : i32
      %dma_wait3A_168 = tpu.memref_slice %arg2[%add3A, %dma_wait3A, %dma_wait3A_167] : memref<32x80x128xi32, #tpu.memory_space<hbm>> -> memref<1x80x128xi32, #tpu.memory_space<hbm>>
      %dma_wait3A_169 = tpu.memref_squeeze %dma_wait3A_168 : memref<1x80x128xi32, #tpu.memory_space<hbm>> -> memref<80x128xi32, #tpu.memory_space<hbm>>
      %dma_wait3A_170 = arith.constant 0 : i32
      %dma_wait3A_171 = arith.constant 0 : i32
      %dma_wait3A_172 = tpu.memref_slice %arg2[%add3A, %dma_wait3A_170, %dma_wait3A_171] : memref<32x80x128xi32, #tpu.memory_space<hbm>> -> memref<1x80x128xi32, #tpu.memory_space<hbm>>
      %dma_wait3A_173 = tpu.memref_squeeze %dma_wait3A_172 : memref<1x80x128xi32, #tpu.memory_space<hbm>> -> memref<80x128xi32, #tpu.memory_space<hbm>>
      tpu.wait_dma2 semaphore(%run_scoped3A_159 : memref<!tpu.dma_semaphore, #tpu.memory_space<semaphore_mem>>) src(%dma_wait3A_173 : memref<80x128xi32, #tpu.memory_space<hbm>>) dst(%arg6 : memref<80x128xi32, #tpu.memory_space<vmem>>)
      tpu.yield
    }) : () -> ()
    "tpu.region"() ({
      %run_scoped3A_159 = tpu.sem_alloc : memref<!tpu.dma_semaphore, #tpu.memory_space<semaphore_mem>>
      %dma_start3A = arith.constant 0 : i32
      %dma_start3A_160 = arith.constant 0 : i32
      %dma_start3A_161 = tpu.memref_slice %arg3[%add3A, %dma_start3A, %dma_start3A_160] : memref<32x80x128xi32, #tpu.memory_space<hbm>> -> memref<1x80x128xi32, #tpu.memory_space<hbm>>
      %dma_start3A_162 = tpu.memref_squeeze %dma_start3A_161 : memref<1x80x128xi32, #tpu.memory_space<hbm>> -> memref<80x128xi32, #tpu.memory_space<hbm>>
      %dma_start3A_163 = arith.constant 0 : i32
      %dma_start3A_164 = arith.constant 0 : i32
      %dma_start3A_165 = tpu.memref_slice %arg3[%add3A, %dma_start3A_163, %dma_start3A_164] : memref<32x80x128xi32, #tpu.memory_space<hbm>> -> memref<1x80x128xi32, #tpu.memory_space<hbm>>
      %dma_start3A_166 = tpu.memref_squeeze %dma_start3A_165 : memref<1x80x128xi32, #tpu.memory_space<hbm>> -> memref<80x128xi32, #tpu.memory_space<hbm>>
      tpu.enqueue_dma source(%dma_start3A_166 : memref<80x128xi32, #tpu.memory_space<hbm>>) target(%arg7 : memref<80x128xi32, #tpu.memory_space<vmem>>) target_semaphore(%run_scoped3A_159 : memref<!tpu.dma_semaphore, #tpu.memory_space<semaphore_mem>>)
      %dma_wait3A = arith.constant 0 : i32
      %dma_wait3A_167 = arith.constant 0 : i32
      %dma_wait3A_168 = tpu.memref_slice %arg3[%add3A, %dma_wait3A, %dma_wait3A_167] : memref<32x80x128xi32, #tpu.memory_space<hbm>> -> memref<1x80x128xi32, #tpu.memory_space<hbm>>
      %dma_wait3A_169 = tpu.memref_squeeze %dma_wait3A_168 : memref<1x80x128xi32, #tpu.memory_space<hbm>> -> memref<80x128xi32, #tpu.memory_space<hbm>>
      %dma_wait3A_170 = arith.constant 0 : i32
      %dma_wait3A_171 = arith.constant 0 : i32
      %dma_wait3A_172 = tpu.memref_slice %arg3[%add3A, %dma_wait3A_170, %dma_wait3A_171] : memref<32x80x128xi32, #tpu.memory_space<hbm>> -> memref<1x80x128xi32, #tpu.memory_space<hbm>>
      %dma_wait3A_173 = tpu.memref_squeeze %dma_wait3A_172 : memref<1x80x128xi32, #tpu.memory_space<hbm>> -> memref<80x128xi32, #tpu.memory_space<hbm>>
      tpu.wait_dma2 semaphore(%run_scoped3A_159 : memref<!tpu.dma_semaphore, #tpu.memory_space<semaphore_mem>>) src(%dma_wait3A_173 : memref<80x128xi32, #tpu.memory_space<hbm>>) dst(%arg7 : memref<80x128xi32, #tpu.memory_space<vmem>>)
      tpu.yield
    }) : () -> ()
    %broadcast_in_dim3A = arith.constant 1.000000e+00 : f32
    %broadcast_in_dim3A_6 = vector.broadcast %broadcast_in_dim3A : f32 to vector<16xf32>
    %scan3A_7 = arith.constant 0 : i32
    %scan3A_8 = arith.constant 0 : i32
    %scan3A_9 = arith.constant 80 : i32
    %scan3A_10 = arith.addi %scan3A_8, %scan3A_9 : i32
    %scan3A_11 = arith.constant 1 : i32
    scf.for %scan3A_159 = %scan3A_8 to %scan3A_10 step %scan3A_11  : i32 {
      %get3A = arith.index_cast %scan3A_159 : i32 to index
      %get3A_160 = arith.constant 0 : index
      %get3A_161 = tpu.vector_load %arg6[%get3A, %get3A_160] {strides = array<i32>} : memref<80x128xi32, #tpu.memory_space<vmem>>, vector<16xi32>,
      tpu.vector_store_idx %arg8[%get3A_161], %broadcast_in_dim3A_6 {add = true} : memref<10240xf32, #tpu.memory_space<vmem>>[vector<16xi32>], vector<16xf32>,
      %get3A_162 = arith.index_cast %scan3A_159 : i32 to index
      %get3A_163 = arith.constant 0 : index
      %get3A_164 = tpu.vector_load %arg7[%get3A_162, %get3A_163] {strides = array<i32>} : memref<80x128xi32, #tpu.memory_space<vmem>>, vector<16xi32>,
      tpu.vector_store_idx %arg9[%get3A_164], %broadcast_in_dim3A_6 {add = true} : memref<10240xf32, #tpu.memory_space<vmem>>[vector<16xi32>], vector<16xf32>,
      %get3A_165 = arith.index_cast %scan3A_159 : i32 to index
      %get3A_166 = arith.constant 16 : index
      %get3A_167 = tpu.vector_load %arg6[%get3A_165, %get3A_166] {strides = array<i32>} : memref<80x128xi32, #tpu.memory_space<vmem>>, vector<16xi32>,
      tpu.vector_store_idx %arg8[%get3A_167], %broadcast_in_dim3A_6 {add = true} : memref<10240xf32, #tpu.memory_space<vmem>>[vector<16xi32>], vector<16xf32>,
      %get3A_168 = arith.index_cast %scan3A_159 : i32 to index
      %get3A_169 = arith.constant 16 : index
      %get3A_170 = tpu.vector_load %arg7[%get3A_168, %get3A_169] {strides = array<i32>} : memref<80x128xi32, #tpu.memory_space<vmem>>, vector<16xi32>,
      tpu.vector_store_idx %arg9[%get3A_170], %broadcast_in_dim3A_6 {add = true} : memref<10240xf32, #tpu.memory_space<vmem>>[vector<16xi32>], vector<16xf32>,
      %get3A_171 = arith.index_cast %scan3A_159 : i32 to index
      %get3A_172 = arith.constant 32 : index
      %get3A_173 = tpu.vector_load %arg6[%get3A_171, %get3A_172] {strides = array<i32>} : memref<80x128xi32, #tpu.memory_space<vmem>>, vector<16xi32>,
      tpu.vector_store_idx %arg8[%get3A_173], %broadcast_in_dim3A_6 {add = true} : memref<10240xf32, #tpu.memory_space<vmem>>[vector<16xi32>], vector<16xf32>,
      %get3A_174 = arith.index_cast %scan3A_159 : i32 to index
      %get3A_175 = arith.constant 32 : index
      %get3A_176 = tpu.vector_load %arg7[%get3A_174, %get3A_175] {strides = array<i32>} : memref<80x128xi32, #tpu.memory_space<vmem>>, vector<16xi32>,
      tpu.vector_store_idx %arg9[%get3A_176], %broadcast_in_dim3A_6 {add = true} : memref<10240xf32, #tpu.memory_space<vmem>>[vector<16xi32>], vector<16xf32>,
      %get3A_177 = arith.index_cast %scan3A_159 : i32 to index
      %get3A_178 = arith.constant 48 : index
      %get3A_179 = tpu.vector_load %arg6[%get3A_177, %get3A_178] {strides = array<i32>} : memref<80x128xi32, #tpu.memory_space<vmem>>, vector<16xi32>,
      tpu.vector_store_idx %arg8[%get3A_179], %broadcast_in_dim3A_6 {add = true} : memref<10240xf32, #tpu.memory_space<vmem>>[vector<16xi32>], vector<16xf32>,
      %get3A_180 = arith.index_cast %scan3A_159 : i32 to index
      %get3A_181 = arith.constant 48 : index
      %get3A_182 = tpu.vector_load %arg7[%get3A_180, %get3A_181] {strides = array<i32>} : memref<80x128xi32, #tpu.memory_space<vmem>>, vector<16xi32>,
      tpu.vector_store_idx %arg9[%get3A_182], %broadcast_in_dim3A_6 {add = true} : memref<10240xf32, #tpu.memory_space<vmem>>[vector<16xi32>], vector<16xf32>,
      %get3A_183 = arith.index_cast %scan3A_159 : i32 to index
      %get3A_184 = arith.constant 64 : index
      %get3A_185 = tpu.vector_load %arg6[%get3A_183, %get3A_184] {strides = array<i32>} : memref<80x128xi32, #tpu.memory_space<vmem>>, vector<16xi32>,
      tpu.vector_store_idx %arg8[%get3A_185], %broadcast_in_dim3A_6 {add = true} : memref<10240xf32, #tpu.memory_space<vmem>>[vector<16xi32>], vector<16xf32>,
      %get3A_186 = arith.index_cast %scan3A_159 : i32 to index
      %get3A_187 = arith.constant 64 : index
      %get3A_188 = tpu.vector_load %arg7[%get3A_186, %get3A_187] {strides = array<i32>} : memref<80x128xi32, #tpu.memory_space<vmem>>, vector<16xi32>,
      tpu.vector_store_idx %arg9[%get3A_188], %broadcast_in_dim3A_6 {add = true} : memref<10240xf32, #tpu.memory_space<vmem>>[vector<16xi32>], vector<16xf32>,
      %get3A_189 = arith.index_cast %scan3A_159 : i32 to index
      %get3A_190 = arith.constant 80 : index
      %get3A_191 = tpu.vector_load %arg6[%get3A_189, %get3A_190] {strides = array<i32>} : memref<80x128xi32, #tpu.memory_space<vmem>>, vector<16xi32>,
      tpu.vector_store_idx %arg8[%get3A_191], %broadcast_in_dim3A_6 {add = true} : memref<10240xf32, #tpu.memory_space<vmem>>[vector<16xi32>], vector<16xf32>,
      %get3A_192 = arith.index_cast %scan3A_159 : i32 to index
      %get3A_193 = arith.constant 80 : index
      %get3A_194 = tpu.vector_load %arg7[%get3A_192, %get3A_193] {strides = array<i32>} : memref<80x128xi32, #tpu.memory_space<vmem>>, vector<16xi32>,
      tpu.vector_store_idx %arg9[%get3A_194], %broadcast_in_dim3A_6 {add = true} : memref<10240xf32, #tpu.memory_space<vmem>>[vector<16xi32>], vector<16xf32>,
      %get3A_195 = arith.index_cast %scan3A_159 : i32 to index
      %get3A_196 = arith.constant 96 : index
      %get3A_197 = tpu.vector_load %arg6[%get3A_195, %get3A_196] {strides = array<i32>} : memref<80x128xi32, #tpu.memory_space<vmem>>, vector<16xi32>,
      tpu.vector_store_idx %arg8[%get3A_197], %broadcast_in_dim3A_6 {add = true} : memref<10240xf32, #tpu.memory_space<vmem>>[vector<16xi32>], vector<16xf32>,
      %get3A_198 = arith.index_cast %scan3A_159 : i32 to index
      %get3A_199 = arith.constant 96 : index
      %get3A_200 = tpu.vector_load %arg7[%get3A_198, %get3A_199] {strides = array<i32>} : memref<80x128xi32, #tpu.memory_space<vmem>>, vector<16xi32>,
      tpu.vector_store_idx %arg9[%get3A_200], %broadcast_in_dim3A_6 {add = true} : memref<10240xf32, #tpu.memory_space<vmem>>[vector<16xi32>], vector<16xf32>,
      %get3A_201 = arith.index_cast %scan3A_159 : i32 to index
      %get3A_202 = arith.constant 112 : index
      %get3A_203 = tpu.vector_load %arg6[%get3A_201, %get3A_202] {strides = array<i32>} : memref<80x128xi32, #tpu.memory_space<vmem>>, vector<16xi32>,
      tpu.vector_store_idx %arg8[%get3A_203], %broadcast_in_dim3A_6 {add = true} : memref<10240xf32, #tpu.memory_space<vmem>>[vector<16xi32>], vector<16xf32>,
      %get3A_204 = arith.index_cast %scan3A_159 : i32 to index
      %get3A_205 = arith.constant 112 : index
      %get3A_206 = tpu.vector_load %arg7[%get3A_204, %get3A_205] {strides = array<i32>} : memref<80x128xi32, #tpu.memory_space<vmem>>, vector<16xi32>,
      tpu.vector_store_idx %arg9[%get3A_206], %broadcast_in_dim3A_6 {add = true} : memref<10240xf32, #tpu.memory_space<vmem>>[vector<16xi32>], vector<16xf32>,
    }
    %scan3A_12 = arith.constant 80 : i32
    "tpu.region"() ({
      %run_scoped3A_159 = tpu.sem_alloc : memref<!tpu.dma_semaphore, #tpu.memory_space<semaphore_mem>>
      %dma_start3A = arith.constant 0 : i32
      %dma_start3A_160 = tpu.memref_slice %arg12[%arg1, %dma_start3A] : memref<16x10240xf32, #tpu.memory_space<vmem_shared>> -> memref<1x10240xf32, #tpu.memory_space<vmem_shared>>
      %dma_start3A_161 = tpu.memref_squeeze %dma_start3A_160 : memref<1x10240xf32, #tpu.memory_space<vmem_shared>> -> memref<10240xf32, #tpu.memory_space<vmem_shared>>
      %dma_start3A_162 = arith.constant 0 : i32
      %dma_start3A_163 = tpu.memref_slice %arg12[%arg1, %dma_start3A_162] : memref<16x10240xf32, #tpu.memory_space<vmem_shared>> -> memref<1x10240xf32, #tpu.memory_space<vmem_shared>>
      %dma_start3A_164 = tpu.memref_squeeze %dma_start3A_163 : memref<1x10240xf32, #tpu.memory_space<vmem_shared>> -> memref<10240xf32, #tpu.memory_space<vmem_shared>>
      tpu.enqueue_dma source(%arg8 : memref<10240xf32, #tpu.memory_space<vmem>>) target(%dma_start3A_164 : memref<10240xf32, #tpu.memory_space<vmem_shared>>) target_semaphore(%run_scoped3A_159 : memref<!tpu.dma_semaphore, #tpu.memory_space<semaphore_mem>>)
      %dma_wait3A = arith.constant 0 : i32
      %dma_wait3A_165 = tpu.memref_slice %arg12[%arg1, %dma_wait3A] : memref<16x10240xf32, #tpu.memory_space<vmem_shared>> -> memref<1x10240xf32, #tpu.memory_space<vmem_shared>>
      %dma_wait3A_166 = tpu.memref_squeeze %dma_wait3A_165 : memref<1x10240xf32, #tpu.memory_space<vmem_shared>> -> memref<10240xf32, #tpu.memory_space<vmem_shared>>
      %dma_wait3A_167 = arith.constant 0 : i32
      %dma_wait3A_168 = tpu.memref_slice %arg12[%arg1, %dma_wait3A_167] : memref<16x10240xf32, #tpu.memory_space<vmem_shared>> -> memref<1x10240xf32, #tpu.memory_space<vmem_shared>>
      %dma_wait3A_169 = tpu.memref_squeeze %dma_wait3A_168 : memref<1x10240xf32, #tpu.memory_space<vmem_shared>> -> memref<10240xf32, #tpu.memory_space<vmem_shared>>
      tpu.wait_dma2 semaphore(%run_scoped3A_159 : memref<!tpu.dma_semaphore, #tpu.memory_space<semaphore_mem>>) src(%arg8 : memref<10240xf32, #tpu.memory_space<vmem>>) dst(%dma_wait3A_169 : memref<10240xf32, #tpu.memory_space<vmem_shared>>)
      tpu.yield
    }) : () -> ()
    %barrier3A = arith.constant 0 : index
    tpu.barrier barrier_id(%barrier3A)
    %mul3A_13 = arith.constant 640 : i32
    %mul3A_14 = arith.muli %arg1, %mul3A_13 : i32
    %run_scoped3A = arith.constant 0 : i32
    %run_scoped3A_15 = arith.constant 0 : i32
    "tpu.region"() ({
      %run_scoped3A_159 = tpu.sem_alloc : memref<!tpu.dma_semaphore, #tpu.memory_space<semaphore_mem>>
      %dma_start3A = arith.constant 0 : i32
      %dma_start3A_160 = tpu.memref_slice %arg10[%run_scoped3A_15, %dma_start3A] : memref<16x640xf32, #tpu.memory_space<vmem>> -> memref<1x640xf32, #tpu.memory_space<vmem>>
      %dma_start3A_161 = tpu.memref_squeeze %dma_start3A_160 : memref<1x640xf32, #tpu.memory_space<vmem>> -> memref<640xf32, #tpu.memory_space<vmem>>
      %dma_start3A_162 = tpu.memref_slice %arg12[%run_scoped3A, %mul3A_14] : memref<16x10240xf32, #tpu.memory_space<vmem_shared>> -> memref<1x640xf32, #tpu.memory_space<vmem_shared>>
      %dma_start3A_163 = tpu.memref_squeeze %dma_start3A_162 : memref<1x640xf32, #tpu.memory_space<vmem_shared>> -> memref<640xf32, #tpu.memory_space<vmem_shared>>
      %dma_start3A_164 = arith.constant 0 : i32
      %dma_start3A_165 = tpu.memref_slice %arg10[%run_scoped3A_15, %dma_start3A_164] : memref<16x640xf32, #tpu.memory_space<vmem>> -> memref<1x640xf32, #tpu.memory_space<vmem>>
      %dma_start3A_166 = tpu.memref_squeeze %dma_start3A_165 : memref<1x640xf32, #tpu.memory_space<vmem>> -> memref<640xf32, #tpu.memory_space<vmem>>
      %dma_start3A_167 = tpu.memref_slice %arg12[%run_scoped3A, %mul3A_14] : memref<16x10240xf32, #tpu.memory_space<vmem_shared>> -> memref<1x640xf32, #tpu.memory_space<vmem_shared>>
      %dma_start3A_168 = tpu.memref_squeeze %dma_start3A_167 : memref<1x640xf32, #tpu.memory_space<vmem_shared>> -> memref<640xf32, #tpu.memory_space<vmem_shared>>
      tpu.enqueue_dma source(%dma_start3A_168 : memref<640xf32, #tpu.memory_space<vmem_shared>>) target(%dma_start3A_166 : memref<640xf32, #tpu.memory_space<vmem>>) target_semaphore(%run_scoped3A_159 : memref<!tpu.dma_semaphore, #tpu.memory_space<semaphore_mem>>)
      %dma_wait3A = arith.constant 0 : i32
      %dma_wait3A_169 = tpu.memref_slice %arg10[%run_scoped3A_15, %dma_wait3A] : memref<16x640xf32, #tpu.memory_space<vmem>> -> memref<1x640xf32, #tpu.memory_space<vmem>>
      %dma_wait3A_170 = tpu.memref_squeeze %dma_wait3A_169 : memref<1x640xf32, #tpu.memory_space<vmem>> -> memref<640xf32, #tpu.memory_space<vmem>>
      %dma_wait3A_171 = tpu.memref_slice %arg12[%run_scoped3A, %mul3A_14] : memref<16x10240xf32, #tpu.memory_space<vmem_shared>> -> memref<1x640xf32, #tpu.memory_space<vmem_shared>>
      %dma_wait3A_172 = tpu.memref_squeeze %dma_wait3A_171 : memref<1x640xf32, #tpu.memory_space<vmem_shared>> -> memref<640xf32, #tpu.memory_space<vmem_shared>>
      %dma_wait3A_173 = arith.constant 0 : i32
      %dma_wait3A_174 = tpu.memref_slice %arg10[%run_scoped3A_15, %dma_wait3A_173] : memref<16x640xf32, #tpu.memory_space<vmem>> -> memref<1x640xf32, #tpu.memory_space<vmem>>
      %dma_wait3A_175 = tpu.memref_squeeze %dma_wait3A_174 : memref<1x640xf32, #tpu.memory_space<vmem>> -> memref<640xf32, #tpu.memory_space<vmem>>
      %dma_wait3A_176 = tpu.memref_slice %arg12[%run_scoped3A, %mul3A_14] : memref<16x10240xf32, #tpu.memory_space<vmem_shared>> -> memref<1x640xf32, #tpu.memory_space<vmem_shared>>
      %dma_wait3A_177 = tpu.memref_squeeze %dma_wait3A_176 : memref<1x640xf32, #tpu.memory_space<vmem_shared>> -> memref<640xf32, #tpu.memory_space<vmem_shared>>
      tpu.wait_dma2 semaphore(%run_scoped3A_159 : memref<!tpu.dma_semaphore, #tpu.memory_space<semaphore_mem>>) src(%dma_wait3A_177 : memref<640xf32, #tpu.memory_space<vmem_shared>>) dst(%dma_wait3A_175 : memref<640xf32, #tpu.memory_space<vmem>>)
      tpu.yield
    }) : () -> ()
    %mul3A_16 = arith.constant 640 : i32
    %mul3A_17 = arith.muli %arg1, %mul3A_16 : i32
    %run_scoped3A_18 = arith.constant 1 : i32
    %run_scoped3A_19 = arith.constant 1 : i32
    "tpu.region"() ({
      %run_scoped3A_159 = tpu.sem_alloc : memref<!tpu.dma_semaphore, #tpu.memory_space<semaphore_mem>>
      %dma_start3A = arith.constant 0 : i32
      %dma_start3A_160 = tpu.memref_slice %arg10[%run_scoped3A_19, %dma_start3A] : memref<16x640xf32, #tpu.memory_space<vmem>> -> memref<1x640xf32, #tpu.memory_space<vmem>>
      %dma_start3A_161 = tpu.memref_squeeze %dma_start3A_160 : memref<1x640xf32, #tpu.memory_space<vmem>> -> memref<640xf32, #tpu.memory_space<vmem>>
      %dma_start3A_162 = tpu.memref_slice %arg12[%run_scoped3A_18, %mul3A_17] : memref<16x10240xf32, #tpu.memory_space<vmem_shared>> -> memref<1x640xf32, #tpu.memory_space<vmem_shared>>
      %dma_start3A_163 = tpu.memref_squeeze %dma_start3A_162 : memref<1x640xf32, #tpu.memory_space<vmem_shared>> -> memref<640xf32, #tpu.memory_space<vmem_shared>>
      %dma_start3A_164 = arith.constant 0 : i32
      %dma_start3A_165 = tpu.memref_slice %arg10[%run_scoped3A_19, %dma_start3A_164] : memref<16x640xf32, #tpu.memory_space<vmem>> -> memref<1x640xf32, #tpu.memory_space<vmem>>
      %dma_start3A_166 = tpu.memref_squeeze %dma_start3A_165 : memref<1x640xf32, #tpu.memory_space<vmem>> -> memref<640xf32, #tpu.memory_space<vmem>>
      %dma_start3A_167 = tpu.memref_slice %arg12[%run_scoped3A_18, %mul3A_17] : memref<16x10240xf32, #tpu.memory_space<vmem_shared>> -> memref<1x640xf32, #tpu.memory_space<vmem_shared>>
      %dma_start3A_168 = tpu.memref_squeeze %dma_start3A_167 : memref<1x640xf32, #tpu.memory_space<vmem_shared>> -> memref<640xf32, #tpu.memory_space<vmem_shared>>
      tpu.enqueue_dma source(%dma_start3A_168 : memref<640xf32, #tpu.memory_space<vmem_shared>>) target(%dma_start3A_166 : memref<640xf32, #tpu.memory_space<vmem>>) target_semaphore(%run_scoped3A_159 : memref<!tpu.dma_semaphore, #tpu.memory_space<semaphore_mem>>)
      %dma_wait3A = arith.constant 0 : i32
      %dma_wait3A_169 = tpu.memref_slice %arg10[%run_scoped3A_19, %dma_wait3A] : memref<16x640xf32, #tpu.memory_space<vmem>> -> memref<1x640xf32, #tpu.memory_space<vmem>>
      %dma_wait3A_170 = tpu.memref_squeeze %dma_wait3A_169 : memref<1x640xf32, #tpu.memory_space<vmem>> -> memref<640xf32, #tpu.memory_space<vmem>>
      %dma_wait3A_171 = tpu.memref_slice %arg12[%run_scoped3A_18, %mul3A_17] : memref<16x10240xf32, #tpu.memory_space<vmem_shared>> -> memref<1x640xf32, #tpu.memory_space<vmem_shared>>
      %dma_wait3A_172 = tpu.memref_squeeze %dma_wait3A_171 : memref<1x640xf32, #tpu.memory_space<vmem_shared>> -> memref<640xf32, #tpu.memory_space<vmem_shared>>
      %dma_wait3A_173 = arith.constant 0 : i32
      %dma_wait3A_174 = tpu.memref_slice %arg10[%run_scoped3A_19, %dma_wait3A_173] : memref<16x640xf32, #tpu.memory_space<vmem>> -> memref<1x640xf32, #tpu.memory_space<vmem>>
      %dma_wait3A_175 = tpu.memref_squeeze %dma_wait3A_174 : memref<1x640xf32, #tpu.memory_space<vmem>> -> memref<640xf32, #tpu.memory_space<vmem>>
      %dma_wait3A_176 = tpu.memref_slice %arg12[%run_scoped3A_18, %mul3A_17] : memref<16x10240xf32, #tpu.memory_space<vmem_shared>> -> memref<1x640xf32, #tpu.memory_space<vmem_shared>>
      %dma_wait3A_177 = tpu.memref_squeeze %dma_wait3A_176 : memref<1x640xf32, #tpu.memory_space<vmem_shared>> -> memref<640xf32, #tpu.memory_space<vmem_shared>>
      tpu.wait_dma2 semaphore(%run_scoped3A_159 : memref<!tpu.dma_semaphore, #tpu.memory_space<semaphore_mem>>) src(%dma_wait3A_177 : memref<640xf32, #tpu.memory_space<vmem_shared>>) dst(%dma_wait3A_175 : memref<640xf32, #tpu.memory_space<vmem>>)
      tpu.yield
    }) : () -> ()
    %mul3A_20 = arith.constant 640 : i32
    %mul3A_21 = arith.muli %arg1, %mul3A_20 : i32
    %run_scoped3A_22 = arith.constant 2 : i32
    %run_scoped3A_23 = arith.constant 2 : i32
    "tpu.region"() ({
      %run_scoped3A_159 = tpu.sem_alloc : memref<!tpu.dma_semaphore, #tpu.memory_space<semaphore_mem>>
      %dma_start3A = arith.constant 0 : i32
      %dma_start3A_160 = tpu.memref_slice %arg10[%run_scoped3A_23, %dma_start3A] : memref<16x640xf32, #tpu.memory_space<vmem>> -> memref<1x640xf32, #tpu.memory_space<vmem>>
      %dma_start3A_161 = tpu.memref_squeeze %dma_start3A_160 : memref<1x640xf32, #tpu.memory_space<vmem>> -> memref<640xf32, #tpu.memory_space<vmem>>
      %dma_start3A_162 = tpu.memref_slice %arg12[%run_scoped3A_22, %mul3A_21] : memref<16x10240xf32, #tpu.memory_space<vmem_shared>> -> memref<1x640xf32, #tpu.memory_space<vmem_shared>>
      %dma_start3A_163 = tpu.memref_squeeze %dma_start3A_162 : memref<1x640xf32, #tpu.memory_space<vmem_shared>> -> memref<640xf32, #tpu.memory_space<vmem_shared>>
      %dma_start3A_164 = arith.constant 0 : i32
      %dma_start3A_165 = tpu.memref_slice %arg10[%run_scoped3A_23, %dma_start3A_164] : memref<16x640xf32, #tpu.memory_space<vmem>> -> memref<1x640xf32, #tpu.memory_space<vmem>>
      %dma_start3A_166 = tpu.memref_squeeze %dma_start3A_165 : memref<1x640xf32, #tpu.memory_space<vmem>> -> memref<640xf32, #tpu.memory_space<vmem>>
      %dma_start3A_167 = tpu.memref_slice %arg12[%run_scoped3A_22, %mul3A_21] : memref<16x10240xf32, #tpu.memory_space<vmem_shared>> -> memref<1x640xf32, #tpu.memory_space<vmem_shared>>
      %dma_start3A_168 = tpu.memref_squeeze %dma_start3A_167 : memref<1x640xf32, #tpu.memory_space<vmem_shared>> -> memref<640xf32, #tpu.memory_space<vmem_shared>>
      tpu.enqueue_dma source(%dma_start3A_168 : memref<640xf32, #tpu.memory_space<vmem_shared>>) target(%dma_start3A_166 : memref<640xf32, #tpu.memory_space<vmem>>) target_semaphore(%run_scoped3A_159 : memref<!tpu.dma_semaphore, #tpu.memory_space<semaphore_mem>>)
      %dma_wait3A = arith.constant 0 : i32
      %dma_wait3A_169 = tpu.memref_slice %arg10[%run_scoped3A_23, %dma_wait3A] : memref<16x640xf32, #tpu.memory_space<vmem>> -> memref<1x640xf32, #tpu.memory_space<vmem>>
      %dma_wait3A_170 = tpu.memref_squeeze %dma_wait3A_169 : memref<1x640xf32, #tpu.memory_space<vmem>> -> memref<640xf32, #tpu.memory_space<vmem>>
      %dma_wait3A_171 = tpu.memref_slice %arg12[%run_scoped3A_22, %mul3A_21] : memref<16x10240xf32, #tpu.memory_space<vmem_shared>> -> memref<1x640xf32, #tpu.memory_space<vmem_shared>>
      %dma_wait3A_172 = tpu.memref_squeeze %dma_wait3A_171 : memref<1x640xf32, #tpu.memory_space<vmem_shared>> -> memref<640xf32, #tpu.memory_space<vmem_shared>>
      %dma_wait3A_173 = arith.constant 0 : i32
      %dma_wait3A_174 = tpu.memref_slice %arg10[%run_scoped3A_23, %dma_wait3A_173] : memref<16x640xf32, #tpu.memory_space<vmem>> -> memref<1x640xf32, #tpu.memory_space<vmem>>
      %dma_wait3A_175 = tpu.memref_squeeze %dma_wait3A_174 : memref<1x640xf32, #tpu.memory_space<vmem>> -> memref<640xf32, #tpu.memory_space<vmem>>
      %dma_wait3A_176 = tpu.memref_slice %arg12[%run_scoped3A_22, %mul3A_21] : memref<16x10240xf32, #tpu.memory_space<vmem_shared>> -> memref<1x640xf32, #tpu.memory_space<vmem_shared>>
      %dma_wait3A_177 = tpu.memref_squeeze %dma_wait3A_176 : memref<1x640xf32, #tpu.memory_space<vmem_shared>> -> memref<640xf32, #tpu.memory_space<vmem_shared>>
      tpu.wait_dma2 semaphore(%run_scoped3A_159 : memref<!tpu.dma_semaphore, #tpu.memory_space<semaphore_mem>>) src(%dma_wait3A_177 : memref<640xf32, #tpu.memory_space<vmem_shared>>) dst(%dma_wait3A_175 : memref<640xf32, #tpu.memory_space<vmem>>)
      tpu.yield
    }) : () -> ()
    %mul3A_24 = arith.constant 640 : i32
    %mul3A_25 = arith.muli %arg1, %mul3A_24 : i32
    %run_scoped3A_26 = arith.constant 3 : i32
    %run_scoped3A_27 = arith.constant 3 : i32
    "tpu.region"() ({
      %run_scoped3A_159 = tpu.sem_alloc : memref<!tpu.dma_semaphore, #tpu.memory_space<semaphore_mem>>
      %dma_start3A = arith.constant 0 : i32
      %dma_start3A_160 = tpu.memref_slice %arg10[%run_scoped3A_27, %dma_start3A] : memref<16x640xf32, #tpu.memory_space<vmem>> -> memref<1x640xf32, #tpu.memory_space<vmem>>
      %dma_start3A_161 = tpu.memref_squeeze %dma_start3A_160 : memref<1x640xf32, #tpu.memory_space<vmem>> -> memref<640xf32, #tpu.memory_space<vmem>>
      %dma_start3A_162 = tpu.memref_slice %arg12[%run_scoped3A_26, %mul3A_25] : memref<16x10240xf32, #tpu.memory_space<vmem_shared>> -> memref<1x640xf32, #tpu.memory_space<vmem_shared>>
      %dma_start3A_163 = tpu.memref_squeeze %dma_start3A_162 : memref<1x640xf32, #tpu.memory_space<vmem_shared>> -> memref<640xf32, #tpu.memory_space<vmem_shared>>
      %dma_start3A_164 = arith.constant 0 : i32
      %dma_start3A_165 = tpu.memref_slice %arg10[%run_scoped3A_27, %dma_start3A_164] : memref<16x640xf32, #tpu.memory_space<vmem>> -> memref<1x640xf32, #tpu.memory_space<vmem>>
      %dma_start3A_166 = tpu.memref_squeeze %dma_start3A_165 : memref<1x640xf32, #tpu.memory_space<vmem>> -> memref<640xf32, #tpu.memory_space<vmem>>
      %dma_start3A_167 = tpu.memref_slice %arg12[%run_scoped3A_26, %mul3A_25] : memref<16x10240xf32, #tpu.memory_space<vmem_shared>> -> memref<1x640xf32, #tpu.memory_space<vmem_shared>>
      %dma_start3A_168 = tpu.memref_squeeze %dma_start3A_167 : memref<1x640xf32, #tpu.memory_space<vmem_shared>> -> memref<640xf32, #tpu.memory_space<vmem_shared>>
      tpu.enqueue_dma source(%dma_start3A_168 : memref<640xf32, #tpu.memory_space<vmem_shared>>) target(%dma_start3A_166 : memref<640xf32, #tpu.memory_space<vmem>>) target_semaphore(%run_scoped3A_159 : memref<!tpu.dma_semaphore, #tpu.memory_space<semaphore_mem>>)
      %dma_wait3A = arith.constant 0 : i32
      %dma_wait3A_169 = tpu.memref_slice %arg10[%run_scoped3A_27, %dma_wait3A] : memref<16x640xf32, #tpu.memory_space<vmem>> -> memref<1x640xf32, #tpu.memory_space<vmem>>
      %dma_wait3A_170 = tpu.memref_squeeze %dma_wait3A_169 : memref<1x640xf32, #tpu.memory_space<vmem>> -> memref<640xf32, #tpu.memory_space<vmem>>
      %dma_wait3A_171 = tpu.memref_slice %arg12[%run_scoped3A_26, %mul3A_25] : memref<16x10240xf32, #tpu.memory_space<vmem_shared>> -> memref<1x640xf32, #tpu.memory_space<vmem_shared>>
      %dma_wait3A_172 = tpu.memref_squeeze %dma_wait3A_171 : memref<1x640xf32, #tpu.memory_space<vmem_shared>> -> memref<640xf32, #tpu.memory_space<vmem_shared>>
      %dma_wait3A_173 = arith.constant 0 : i32
      %dma_wait3A_174 = tpu.memref_slice %arg10[%run_scoped3A_27, %dma_wait3A_173] : memref<16x640xf32, #tpu.memory_space<vmem>> -> memref<1x640xf32, #tpu.memory_space<vmem>>
      %dma_wait3A_175 = tpu.memref_squeeze %dma_wait3A_174 : memref<1x640xf32, #tpu.memory_space<vmem>> -> memref<640xf32, #tpu.memory_space<vmem>>
      %dma_wait3A_176 = tpu.memref_slice %arg12[%run_scoped3A_26, %mul3A_25] : memref<16x10240xf32, #tpu.memory_space<vmem_shared>> -> memref<1x640xf32, #tpu.memory_space<vmem_shared>>
      %dma_wait3A_177 = tpu.memref_squeeze %dma_wait3A_176 : memref<1x640xf32, #tpu.memory_space<vmem_shared>> -> memref<640xf32, #tpu.memory_space<vmem_shared>>
      tpu.wait_dma2 semaphore(%run_scoped3A_159 : memref<!tpu.dma_semaphore, #tpu.memory_space<semaphore_mem>>) src(%dma_wait3A_177 : memref<640xf32, #tpu.memory_space<vmem_shared>>) dst(%dma_wait3A_175 : memref<640xf32, #tpu.memory_space<vmem>>)
      tpu.yield
    }) : () -> ()
    %mul3A_28 = arith.constant 640 : i32
    %mul3A_29 = arith.muli %arg1, %mul3A_28 : i32
    %run_scoped3A_30 = arith.constant 4 : i32
    %run_scoped3A_31 = arith.constant 4 : i32
    "tpu.region"() ({
      %run_scoped3A_159 = tpu.sem_alloc : memref<!tpu.dma_semaphore, #tpu.memory_space<semaphore_mem>>
      %dma_start3A = arith.constant 0 : i32
      %dma_start3A_160 = tpu.memref_slice %arg10[%run_scoped3A_31, %dma_start3A] : memref<16x640xf32, #tpu.memory_space<vmem>> -> memref<1x640xf32, #tpu.memory_space<vmem>>
      %dma_start3A_161 = tpu.memref_squeeze %dma_start3A_160 : memref<1x640xf32, #tpu.memory_space<vmem>> -> memref<640xf32, #tpu.memory_space<vmem>>
      %dma_start3A_162 = tpu.memref_slice %arg12[%run_scoped3A_30, %mul3A_29] : memref<16x10240xf32, #tpu.memory_space<vmem_shared>> -> memref<1x640xf32, #tpu.memory_space<vmem_shared>>
      %dma_start3A_163 = tpu.memref_squeeze %dma_start3A_162 : memref<1x640xf32, #tpu.memory_space<vmem_shared>> -> memref<640xf32, #tpu.memory_space<vmem_shared>>
      %dma_start3A_164 = arith.constant 0 : i32
      %dma_start3A_165 = tpu.memref_slice %arg10[%run_scoped3A_31, %dma_start3A_164] : memref<16x640xf32, #tpu.memory_space<vmem>> -> memref<1x640xf32, #tpu.memory_space<vmem>>
      %dma_start3A_166 = tpu.memref_squeeze %dma_start3A_165 : memref<1x640xf32, #tpu.memory_space<vmem>> -> memref<640xf32, #tpu.memory_space<vmem>>
      %dma_start3A_167 = tpu.memref_slice %arg12[%run_scoped3A_30, %mul3A_29] : memref<16x10240xf32, #tpu.memory_space<vmem_shared>> -> memref<1x640xf32, #tpu.memory_space<vmem_shared>>
      %dma_start3A_168 = tpu.memref_squeeze %dma_start3A_167 : memref<1x640xf32, #tpu.memory_space<vmem_shared>> -> memref<640xf32, #tpu.memory_space<vmem_shared>>
      tpu.enqueue_dma source(%dma_start3A_168 : memref<640xf32, #tpu.memory_space<vmem_shared>>) target(%dma_start3A_166 : memref<640xf32, #tpu.memory_space<vmem>>) target_semaphore(%run_scoped3A_159 : memref<!tpu.dma_semaphore, #tpu.memory_space<semaphore_mem>>)
      %dma_wait3A = arith.constant 0 : i32
      %dma_wait3A_169 = tpu.memref_slice %arg10[%run_scoped3A_31, %dma_wait3A] : memref<16x640xf32, #tpu.memory_space<vmem>> -> memref<1x640xf32, #tpu.memory_space<vmem>>
      %dma_wait3A_170 = tpu.memref_squeeze %dma_wait3A_169 : memref<1x640xf32, #tpu.memory_space<vmem>> -> memref<640xf32, #tpu.memory_space<vmem>>
      %dma_wait3A_171 = tpu.memref_slice %arg12[%run_scoped3A_30, %mul3A_29] : memref<16x10240xf32, #tpu.memory_space<vmem_shared>> -> memref<1x640xf32, #tpu.memory_space<vmem_shared>>
      %dma_wait3A_172 = tpu.memref_squeeze %dma_wait3A_171 : memref<1x640xf32, #tpu.memory_space<vmem_shared>> -> memref<640xf32, #tpu.memory_space<vmem_shared>>
      %dma_wait3A_173 = arith.constant 0 : i32
      %dma_wait3A_174 = tpu.memref_slice %arg10[%run_scoped3A_31, %dma_wait3A_173] : memref<16x640xf32, #tpu.memory_space<vmem>> -> memref<1x640xf32, #tpu.memory_space<vmem>>
      %dma_wait3A_175 = tpu.memref_squeeze %dma_wait3A_174 : memref<1x640xf32, #tpu.memory_space<vmem>> -> memref<640xf32, #tpu.memory_space<vmem>>
      %dma_wait3A_176 = tpu.memref_slice %arg12[%run_scoped3A_30, %mul3A_29] : memref<16x10240xf32, #tpu.memory_space<vmem_shared>> -> memref<1x640xf32, #tpu.memory_space<vmem_shared>>
      %dma_wait3A_177 = tpu.memref_squeeze %dma_wait3A_176 : memref<1x640xf32, #tpu.memory_space<vmem_shared>> -> memref<640xf32, #tpu.memory_space<vmem_shared>>
      tpu.wait_dma2 semaphore(%run_scoped3A_159 : memref<!tpu.dma_semaphore, #tpu.memory_space<semaphore_mem>>) src(%dma_wait3A_177 : memref<640xf32, #tpu.memory_space<vmem_shared>>) dst(%dma_wait3A_175 : memref<640xf32, #tpu.memory_space<vmem>>)
      tpu.yield
    }) : () -> ()
    %mul3A_32 = arith.constant 640 : i32
    %mul3A_33 = arith.muli %arg1, %mul3A_32 : i32
    %run_scoped3A_34 = arith.constant 5 : i32
    %run_scoped3A_35 = arith.constant 5 : i32
    "tpu.region"() ({
      %run_scoped3A_159 = tpu.sem_alloc : memref<!tpu.dma_semaphore, #tpu.memory_space<semaphore_mem>>
      %dma_start3A = arith.constant 0 : i32
      %dma_start3A_160 = tpu.memref_slice %arg10[%run_scoped3A_35, %dma_start3A] : memref<16x640xf32, #tpu.memory_space<vmem>> -> memref<1x640xf32, #tpu.memory_space<vmem>>
      %dma_start3A_161 = tpu.memref_squeeze %dma_start3A_160 : memref<1x640xf32, #tpu.memory_space<vmem>> -> memref<640xf32, #tpu.memory_space<vmem>>
      %dma_start3A_162 = tpu.memref_slice %arg12[%run_scoped3A_34, %mul3A_33] : memref<16x10240xf32, #tpu.memory_space<vmem_shared>> -> memref<1x640xf32, #tpu.memory_space<vmem_shared>>
      %dma_start3A_163 = tpu.memref_squeeze %dma_start3A_162 : memref<1x640xf32, #tpu.memory_space<vmem_shared>> -> memref<640xf32, #tpu.memory_space<vmem_shared>>
      %dma_start3A_164 = arith.constant 0 : i32
      %dma_start3A_165 = tpu.memref_slice %arg10[%run_scoped3A_35, %dma_start3A_164] : memref<16x640xf32, #tpu.memory_space<vmem>> -> memref<1x640xf32, #tpu.memory_space<vmem>>
      %dma_start3A_166 = tpu.memref_squeeze %dma_start3A_165 : memref<1x640xf32, #tpu.memory_space<vmem>> -> memref<640xf32, #tpu.memory_space<vmem>>
      %dma_start3A_167 = tpu.memref_slice %arg12[%run_scoped3A_34, %mul3A_33] : memref<16x10240xf32, #tpu.memory_space<vmem_shared>> -> memref<1x640xf32, #tpu.memory_space<vmem_shared>>
      %dma_start3A_168 = tpu.memref_squeeze %dma_start3A_167 : memref<1x640xf32, #tpu.memory_space<vmem_shared>> -> memref<640xf32, #tpu.memory_space<vmem_shared>>
      tpu.enqueue_dma source(%dma_start3A_168 : memref<640xf32, #tpu.memory_space<vmem_shared>>) target(%dma_start3A_166 : memref<640xf32, #tpu.memory_space<vmem>>) target_semaphore(%run_scoped3A_159 : memref<!tpu.dma_semaphore, #tpu.memory_space<semaphore_mem>>)
      %dma_wait3A = arith.constant 0 : i32
      %dma_wait3A_169 = tpu.memref_slice %arg10[%run_scoped3A_35, %dma_wait3A] : memref<16x640xf32, #tpu.memory_space<vmem>> -> memref<1x640xf32, #tpu.memory_space<vmem>>
      %dma_wait3A_170 = tpu.memref_squeeze %dma_wait3A_169 : memref<1x640xf32, #tpu.memory_space<vmem>> -> memref<640xf32, #tpu.memory_space<vmem>>
      %dma_wait3A_171 = tpu.memref_slice %arg12[%run_scoped3A_34, %mul3A_33] : memref<16x10240xf32, #tpu.memory_space<vmem_shared>> -> memref<1x640xf32, #tpu.memory_space<vmem_shared>>
      %dma_wait3A_172 = tpu.memref_squeeze %dma_wait3A_171 : memref<1x640xf32, #tpu.memory_space<vmem_shared>> -> memref<640xf32, #tpu.memory_space<vmem_shared>>
      %dma_wait3A_173 = arith.constant 0 : i32
      %dma_wait3A_174 = tpu.memref_slice %arg10[%run_scoped3A_35, %dma_wait3A_173] : memref<16x640xf32, #tpu.memory_space<vmem>> -> memref<1x640xf32, #tpu.memory_space<vmem>>
      %dma_wait3A_175 = tpu.memref_squeeze %dma_wait3A_174 : memref<1x640xf32, #tpu.memory_space<vmem>> -> memref<640xf32, #tpu.memory_space<vmem>>
      %dma_wait3A_176 = tpu.memref_slice %arg12[%run_scoped3A_34, %mul3A_33] : memref<16x10240xf32, #tpu.memory_space<vmem_shared>> -> memref<1x640xf32, #tpu.memory_space<vmem_shared>>
      %dma_wait3A_177 = tpu.memref_squeeze %dma_wait3A_176 : memref<1x640xf32, #tpu.memory_space<vmem_shared>> -> memref<640xf32, #tpu.memory_space<vmem_shared>>
      tpu.wait_dma2 semaphore(%run_scoped3A_159 : memref<!tpu.dma_semaphore, #tpu.memory_space<semaphore_mem>>) src(%dma_wait3A_177 : memref<640xf32, #tpu.memory_space<vmem_shared>>) dst(%dma_wait3A_175 : memref<640xf32, #tpu.memory_space<vmem>>)
      tpu.yield
    }) : () -> ()
    %mul3A_36 = arith.constant 640 : i32
    %mul3A_37 = arith.muli %arg1, %mul3A_36 : i32
    %run_scoped3A_38 = arith.constant 6 : i32
    %run_scoped3A_39 = arith.constant 6 : i32
    "tpu.region"() ({
      %run_scoped3A_159 = tpu.sem_alloc : memref<!tpu.dma_semaphore, #tpu.memory_space<semaphore_mem>>
      %dma_start3A = arith.constant 0 : i32
      %dma_start3A_160 = tpu.memref_slice %arg10[%run_scoped3A_39, %dma_start3A] : memref<16x640xf32, #tpu.memory_space<vmem>> -> memref<1x640xf32, #tpu.memory_space<vmem>>
      %dma_start3A_161 = tpu.memref_squeeze %dma_start3A_160 : memref<1x640xf32, #tpu.memory_space<vmem>> -> memref<640xf32, #tpu.memory_space<vmem>>
      %dma_start3A_162 = tpu.memref_slice %arg12[%run_scoped3A_38, %mul3A_37] : memref<16x10240xf32, #tpu.memory_space<vmem_shared>> -> memref<1x640xf32, #tpu.memory_space<vmem_shared>>
      %dma_start3A_163 = tpu.memref_squeeze %dma_start3A_162 : memref<1x640xf32, #tpu.memory_space<vmem_shared>> -> memref<640xf32, #tpu.memory_space<vmem_shared>>
      %dma_start3A_164 = arith.constant 0 : i32
      %dma_start3A_165 = tpu.memref_slice %arg10[%run_scoped3A_39, %dma_start3A_164] : memref<16x640xf32, #tpu.memory_space<vmem>> -> memref<1x640xf32, #tpu.memory_space<vmem>>
      %dma_start3A_166 = tpu.memref_squeeze %dma_start3A_165 : memref<1x640xf32, #tpu.memory_space<vmem>> -> memref<640xf32, #tpu.memory_space<vmem>>
      %dma_start3A_167 = tpu.memref_slice %arg12[%run_scoped3A_38, %mul3A_37] : memref<16x10240xf32, #tpu.memory_space<vmem_shared>> -> memref<1x640xf32, #tpu.memory_space<vmem_shared>>
      %dma_start3A_168 = tpu.memref_squeeze %dma_start3A_167 : memref<1x640xf32, #tpu.memory_space<vmem_shared>> -> memref<640xf32, #tpu.memory_space<vmem_shared>>
      tpu.enqueue_dma source(%dma_start3A_168 : memref<640xf32, #tpu.memory_space<vmem_shared>>) target(%dma_start3A_166 : memref<640xf32, #tpu.memory_space<vmem>>) target_semaphore(%run_scoped3A_159 : memref<!tpu.dma_semaphore, #tpu.memory_space<semaphore_mem>>)
      %dma_wait3A = arith.constant 0 : i32
      %dma_wait3A_169 = tpu.memref_slice %arg10[%run_scoped3A_39, %dma_wait3A] : memref<16x640xf32, #tpu.memory_space<vmem>> -> memref<1x640xf32, #tpu.memory_space<vmem>>
      %dma_wait3A_170 = tpu.memref_squeeze %dma_wait3A_169 : memref<1x640xf32, #tpu.memory_space<vmem>> -> memref<640xf32, #tpu.memory_space<vmem>>
      %dma_wait3A_171 = tpu.memref_slice %arg12[%run_scoped3A_38, %mul3A_37] : memref<16x10240xf32, #tpu.memory_space<vmem_shared>> -> memref<1x640xf32, #tpu.memory_space<vmem_shared>>
      %dma_wait3A_172 = tpu.memref_squeeze %dma_wait3A_171 : memref<1x640xf32, #tpu.memory_space<vmem_shared>> -> memref<640xf32, #tpu.memory_space<vmem_shared>>
      %dma_wait3A_173 = arith.constant 0 : i32
      %dma_wait3A_174 = tpu.memref_slice %arg10[%run_scoped3A_39, %dma_wait3A_173] : memref<16x640xf32, #tpu.memory_space<vmem>> -> memref<1x640xf32, #tpu.memory_space<vmem>>
      %dma_wait3A_175 = tpu.memref_squeeze %dma_wait3A_174 : memref<1x640xf32, #tpu.memory_space<vmem>> -> memref<640xf32, #tpu.memory_space<vmem>>
      %dma_wait3A_176 = tpu.memref_slice %arg12[%run_scoped3A_38, %mul3A_37] : memref<16x10240xf32, #tpu.memory_space<vmem_shared>> -> memref<1x640xf32, #tpu.memory_space<vmem_shared>>
      %dma_wait3A_177 = tpu.memref_squeeze %dma_wait3A_176 : memref<1x640xf32, #tpu.memory_space<vmem_shared>> -> memref<640xf32, #tpu.memory_space<vmem_shared>>
      tpu.wait_dma2 semaphore(%run_scoped3A_159 : memref<!tpu.dma_semaphore, #tpu.memory_space<semaphore_mem>>) src(%dma_wait3A_177 : memref<640xf32, #tpu.memory_space<vmem_shared>>) dst(%dma_wait3A_175 : memref<640xf32, #tpu.memory_space<vmem>>)
      tpu.yield
    }) : () -> ()
    %mul3A_40 = arith.constant 640 : i32
    %mul3A_41 = arith.muli %arg1, %mul3A_40 : i32
    %run_scoped3A_42 = arith.constant 7 : i32
    %run_scoped3A_43 = arith.constant 7 : i32
    "tpu.region"() ({
      %run_scoped3A_159 = tpu.sem_alloc : memref<!tpu.dma_semaphore, #tpu.memory_space<semaphore_mem>>
      %dma_start3A = arith.constant 0 : i32
      %dma_start3A_160 = tpu.memref_slice %arg10[%run_scoped3A_43, %dma_start3A] : memref<16x640xf32, #tpu.memory_space<vmem>> -> memref<1x640xf32, #tpu.memory_space<vmem>>
      %dma_start3A_161 = tpu.memref_squeeze %dma_start3A_160 : memref<1x640xf32, #tpu.memory_space<vmem>> -> memref<640xf32, #tpu.memory_space<vmem>>
      %dma_start3A_162 = tpu.memref_slice %arg12[%run_scoped3A_42, %mul3A_41] : memref<16x10240xf32, #tpu.memory_space<vmem_shared>> -> memref<1x640xf32, #tpu.memory_space<vmem_shared>>
      %dma_start3A_163 = tpu.memref_squeeze %dma_start3A_162 : memref<1x640xf32, #tpu.memory_space<vmem_shared>> -> memref<640xf32, #tpu.memory_space<vmem_shared>>
      %dma_start3A_164 = arith.constant 0 : i32
      %dma_start3A_165 = tpu.memref_slice %arg10[%run_scoped3A_43, %dma_start3A_164] : memref<16x640xf32, #tpu.memory_space<vmem>> -> memref<1x640xf32, #tpu.memory_space<vmem>>
      %dma_start3A_166 = tpu.memref_squeeze %dma_start3A_165 : memref<1x640xf32, #tpu.memory_space<vmem>> -> memref<640xf32, #tpu.memory_space<vmem>>
      %dma_start3A_167 = tpu.memref_slice %arg12[%run_scoped3A_42, %mul3A_41] : memref<16x10240xf32, #tpu.memory_space<vmem_shared>> -> memref<1x640xf32, #tpu.memory_space<vmem_shared>>
      %dma_start3A_168 = tpu.memref_squeeze %dma_start3A_167 : memref<1x640xf32, #tpu.memory_space<vmem_shared>> -> memref<640xf32, #tpu.memory_space<vmem_shared>>
      tpu.enqueue_dma source(%dma_start3A_168 : memref<640xf32, #tpu.memory_space<vmem_shared>>) target(%dma_start3A_166 : memref<640xf32, #tpu.memory_space<vmem>>) target_semaphore(%run_scoped3A_159 : memref<!tpu.dma_semaphore, #tpu.memory_space<semaphore_mem>>)
      %dma_wait3A = arith.constant 0 : i32
      %dma_wait3A_169 = tpu.memref_slice %arg10[%run_scoped3A_43, %dma_wait3A] : memref<16x640xf32, #tpu.memory_space<vmem>> -> memref<1x640xf32, #tpu.memory_space<vmem>>
      %dma_wait3A_170 = tpu.memref_squeeze %dma_wait3A_169 : memref<1x640xf32, #tpu.memory_space<vmem>> -> memref<640xf32, #tpu.memory_space<vmem>>
      %dma_wait3A_171 = tpu.memref_slice %arg12[%run_scoped3A_42, %mul3A_41] : memref<16x10240xf32, #tpu.memory_space<vmem_shared>> -> memref<1x640xf32, #tpu.memory_space<vmem_shared>>
      %dma_wait3A_172 = tpu.memref_squeeze %dma_wait3A_171 : memref<1x640xf32, #tpu.memory_space<vmem_shared>> -> memref<640xf32, #tpu.memory_space<vmem_shared>>
      %dma_wait3A_173 = arith.constant 0 : i32
      %dma_wait3A_174 = tpu.memref_slice %arg10[%run_scoped3A_43, %dma_wait3A_173] : memref<16x640xf32, #tpu.memory_space<vmem>> -> memref<1x640xf32, #tpu.memory_space<vmem>>
      %dma_wait3A_175 = tpu.memref_squeeze %dma_wait3A_174 : memref<1x640xf32, #tpu.memory_space<vmem>> -> memref<640xf32, #tpu.memory_space<vmem>>
      %dma_wait3A_176 = tpu.memref_slice %arg12[%run_scoped3A_42, %mul3A_41] : memref<16x10240xf32, #tpu.memory_space<vmem_shared>> -> memref<1x640xf32, #tpu.memory_space<vmem_shared>>
      %dma_wait3A_177 = tpu.memref_squeeze %dma_wait3A_176 : memref<1x640xf32, #tpu.memory_space<vmem_shared>> -> memref<640xf32, #tpu.memory_space<vmem_shared>>
      tpu.wait_dma2 semaphore(%run_scoped3A_159 : memref<!tpu.dma_semaphore, #tpu.memory_space<semaphore_mem>>) src(%dma_wait3A_177 : memref<640xf32, #tpu.memory_space<vmem_shared>>) dst(%dma_wait3A_175 : memref<640xf32, #tpu.memory_space<vmem>>)
      tpu.yield
    }) : () -> ()
    %mul3A_44 = arith.constant 640 : i32
    %mul3A_45 = arith.muli %arg1, %mul3A_44 : i32
    %run_scoped3A_46 = arith.constant 8 : i32
    %run_scoped3A_47 = arith.constant 8 : i32
    "tpu.region"() ({
      %run_scoped3A_159 = tpu.sem_alloc : memref<!tpu.dma_semaphore, #tpu.memory_space<semaphore_mem>>
      %dma_start3A = arith.constant 0 : i32
      %dma_start3A_160 = tpu.memref_slice %arg10[%run_scoped3A_47, %dma_start3A] : memref<16x640xf32, #tpu.memory_space<vmem>> -> memref<1x640xf32, #tpu.memory_space<vmem>>
      %dma_start3A_161 = tpu.memref_squeeze %dma_start3A_160 : memref<1x640xf32, #tpu.memory_space<vmem>> -> memref<640xf32, #tpu.memory_space<vmem>>
      %dma_start3A_162 = tpu.memref_slice %arg12[%run_scoped3A_46, %mul3A_45] : memref<16x10240xf32, #tpu.memory_space<vmem_shared>> -> memref<1x640xf32, #tpu.memory_space<vmem_shared>>
      %dma_start3A_163 = tpu.memref_squeeze %dma_start3A_162 : memref<1x640xf32, #tpu.memory_space<vmem_shared>> -> memref<640xf32, #tpu.memory_space<vmem_shared>>
      %dma_start3A_164 = arith.constant 0 : i32
      %dma_start3A_165 = tpu.memref_slice %arg10[%run_scoped3A_47, %dma_start3A_164] : memref<16x640xf32, #tpu.memory_space<vmem>> -> memref<1x640xf32, #tpu.memory_space<vmem>>
      %dma_start3A_166 = tpu.memref_squeeze %dma_start3A_165 : memref<1x640xf32, #tpu.memory_space<vmem>> -> memref<640xf32, #tpu.memory_space<vmem>>
      %dma_start3A_167 = tpu.memref_slice %arg12[%run_scoped3A_46, %mul3A_45] : memref<16x10240xf32, #tpu.memory_space<vmem_shared>> -> memref<1x640xf32, #tpu.memory_space<vmem_shared>>
      %dma_start3A_168 = tpu.memref_squeeze %dma_start3A_167 : memref<1x640xf32, #tpu.memory_space<vmem_shared>> -> memref<640xf32, #tpu.memory_space<vmem_shared>>
      tpu.enqueue_dma source(%dma_start3A_168 : memref<640xf32, #tpu.memory_space<vmem_shared>>) target(%dma_start3A_166 : memref<640xf32, #tpu.memory_space<vmem>>) target_semaphore(%run_scoped3A_159 : memref<!tpu.dma_semaphore, #tpu.memory_space<semaphore_mem>>)
      %dma_wait3A = arith.constant 0 : i32
      %dma_wait3A_169 = tpu.memref_slice %arg10[%run_scoped3A_47, %dma_wait3A] : memref<16x640xf32, #tpu.memory_space<vmem>> -> memref<1x640xf32, #tpu.memory_space<vmem>>
      %dma_wait3A_170 = tpu.memref_squeeze %dma_wait3A_169 : memref<1x640xf32, #tpu.memory_space<vmem>> -> memref<640xf32, #tpu.memory_space<vmem>>
      %dma_wait3A_171 = tpu.memref_slice %arg12[%run_scoped3A_46, %mul3A_45] : memref<16x10240xf32, #tpu.memory_space<vmem_shared>> -> memref<1x640xf32, #tpu.memory_space<vmem_shared>>
      %dma_wait3A_172 = tpu.memref_squeeze %dma_wait3A_171 : memref<1x640xf32, #tpu.memory_space<vmem_shared>> -> memref<640xf32, #tpu.memory_space<vmem_shared>>
      %dma_wait3A_173 = arith.constant 0 : i32
      %dma_wait3A_174 = tpu.memref_slice %arg10[%run_scoped3A_47, %dma_wait3A_173] : memref<16x640xf32, #tpu.memory_space<vmem>> -> memref<1x640xf32, #tpu.memory_space<vmem>>
      %dma_wait3A_175 = tpu.memref_squeeze %dma_wait3A_174 : memref<1x640xf32, #tpu.memory_space<vmem>> -> memref<640xf32, #tpu.memory_space<vmem>>
      %dma_wait3A_176 = tpu.memref_slice %arg12[%run_scoped3A_46, %mul3A_45] : memref<16x10240xf32, #tpu.memory_space<vmem_shared>> -> memref<1x640xf32, #tpu.memory_space<vmem_shared>>
      %dma_wait3A_177 = tpu.memref_squeeze %dma_wait3A_176 : memref<1x640xf32, #tpu.memory_space<vmem_shared>> -> memref<640xf32, #tpu.memory_space<vmem_shared>>
      tpu.wait_dma2 semaphore(%run_scoped3A_159 : memref<!tpu.dma_semaphore, #tpu.memory_space<semaphore_mem>>) src(%dma_wait3A_177 : memref<640xf32, #tpu.memory_space<vmem_shared>>) dst(%dma_wait3A_175 : memref<640xf32, #tpu.memory_space<vmem>>)
      tpu.yield
    }) : () -> ()
    %mul3A_48 = arith.constant 640 : i32
    %mul3A_49 = arith.muli %arg1, %mul3A_48 : i32
    %run_scoped3A_50 = arith.constant 9 : i32
    %run_scoped3A_51 = arith.constant 9 : i32
    "tpu.region"() ({
      %run_scoped3A_159 = tpu.sem_alloc : memref<!tpu.dma_semaphore, #tpu.memory_space<semaphore_mem>>
      %dma_start3A = arith.constant 0 : i32
      %dma_start3A_160 = tpu.memref_slice %arg10[%run_scoped3A_51, %dma_start3A] : memref<16x640xf32, #tpu.memory_space<vmem>> -> memref<1x640xf32, #tpu.memory_space<vmem>>
      %dma_start3A_161 = tpu.memref_squeeze %dma_start3A_160 : memref<1x640xf32, #tpu.memory_space<vmem>> -> memref<640xf32, #tpu.memory_space<vmem>>
      %dma_start3A_162 = tpu.memref_slice %arg12[%run_scoped3A_50, %mul3A_49] : memref<16x10240xf32, #tpu.memory_space<vmem_shared>> -> memref<1x640xf32, #tpu.memory_space<vmem_shared>>
      %dma_start3A_163 = tpu.memref_squeeze %dma_start3A_162 : memref<1x640xf32, #tpu.memory_space<vmem_shared>> -> memref<640xf32, #tpu.memory_space<vmem_shared>>
      %dma_start3A_164 = arith.constant 0 : i32
      %dma_start3A_165 = tpu.memref_slice %arg10[%run_scoped3A_51, %dma_start3A_164] : memref<16x640xf32, #tpu.memory_space<vmem>> -> memref<1x640xf32, #tpu.memory_space<vmem>>
      %dma_start3A_166 = tpu.memref_squeeze %dma_start3A_165 : memref<1x640xf32, #tpu.memory_space<vmem>> -> memref<640xf32, #tpu.memory_space<vmem>>
      %dma_start3A_167 = tpu.memref_slice %arg12[%run_scoped3A_50, %mul3A_49] : memref<16x10240xf32, #tpu.memory_space<vmem_shared>> -> memref<1x640xf32, #tpu.memory_space<vmem_shared>>
      %dma_start3A_168 = tpu.memref_squeeze %dma_start3A_167 : memref<1x640xf32, #tpu.memory_space<vmem_shared>> -> memref<640xf32, #tpu.memory_space<vmem_shared>>
      tpu.enqueue_dma source(%dma_start3A_168 : memref<640xf32, #tpu.memory_space<vmem_shared>>) target(%dma_start3A_166 : memref<640xf32, #tpu.memory_space<vmem>>) target_semaphore(%run_scoped3A_159 : memref<!tpu.dma_semaphore, #tpu.memory_space<semaphore_mem>>)
      %dma_wait3A = arith.constant 0 : i32
      %dma_wait3A_169 = tpu.memref_slice %arg10[%run_scoped3A_51, %dma_wait3A] : memref<16x640xf32, #tpu.memory_space<vmem>> -> memref<1x640xf32, #tpu.memory_space<vmem>>
      %dma_wait3A_170 = tpu.memref_squeeze %dma_wait3A_169 : memref<1x640xf32, #tpu.memory_space<vmem>> -> memref<640xf32, #tpu.memory_space<vmem>>
      %dma_wait3A_171 = tpu.memref_slice %arg12[%run_scoped3A_50, %mul3A_49] : memref<16x10240xf32, #tpu.memory_space<vmem_shared>> -> memref<1x640xf32, #tpu.memory_space<vmem_shared>>
      %dma_wait3A_172 = tpu.memref_squeeze %dma_wait3A_171 : memref<1x640xf32, #tpu.memory_space<vmem_shared>> -> memref<640xf32, #tpu.memory_space<vmem_shared>>
      %dma_wait3A_173 = arith.constant 0 : i32
      %dma_wait3A_174 = tpu.memref_slice %arg10[%run_scoped3A_51, %dma_wait3A_173] : memref<16x640xf32, #tpu.memory_space<vmem>> -> memref<1x640xf32, #tpu.memory_space<vmem>>
      %dma_wait3A_175 = tpu.memref_squeeze %dma_wait3A_174 : memref<1x640xf32, #tpu.memory_space<vmem>> -> memref<640xf32, #tpu.memory_space<vmem>>
      %dma_wait3A_176 = tpu.memref_slice %arg12[%run_scoped3A_50, %mul3A_49] : memref<16x10240xf32, #tpu.memory_space<vmem_shared>> -> memref<1x640xf32, #tpu.memory_space<vmem_shared>>
      %dma_wait3A_177 = tpu.memref_squeeze %dma_wait3A_176 : memref<1x640xf32, #tpu.memory_space<vmem_shared>> -> memref<640xf32, #tpu.memory_space<vmem_shared>>
      tpu.wait_dma2 semaphore(%run_scoped3A_159 : memref<!tpu.dma_semaphore, #tpu.memory_space<semaphore_mem>>) src(%dma_wait3A_177 : memref<640xf32, #tpu.memory_space<vmem_shared>>) dst(%dma_wait3A_175 : memref<640xf32, #tpu.memory_space<vmem>>)
      tpu.yield
    }) : () -> ()
    %mul3A_52 = arith.constant 640 : i32
    %mul3A_53 = arith.muli %arg1, %mul3A_52 : i32
    %run_scoped3A_54 = arith.constant 10 : i32
    %run_scoped3A_55 = arith.constant 10 : i32
    "tpu.region"() ({
      %run_scoped3A_159 = tpu.sem_alloc : memref<!tpu.dma_semaphore, #tpu.memory_space<semaphore_mem>>
      %dma_start3A = arith.constant 0 : i32
      %dma_start3A_160 = tpu.memref_slice %arg10[%run_scoped3A_55, %dma_start3A] : memref<16x640xf32, #tpu.memory_space<vmem>> -> memref<1x640xf32, #tpu.memory_space<vmem>>
      %dma_start3A_161 = tpu.memref_squeeze %dma_start3A_160 : memref<1x640xf32, #tpu.memory_space<vmem>> -> memref<640xf32, #tpu.memory_space<vmem>>
      %dma_start3A_162 = tpu.memref_slice %arg12[%run_scoped3A_54, %mul3A_53] : memref<16x10240xf32, #tpu.memory_space<vmem_shared>> -> memref<1x640xf32, #tpu.memory_space<vmem_shared>>
      %dma_start3A_163 = tpu.memref_squeeze %dma_start3A_162 : memref<1x640xf32, #tpu.memory_space<vmem_shared>> -> memref<640xf32, #tpu.memory_space<vmem_shared>>
      %dma_start3A_164 = arith.constant 0 : i32
      %dma_start3A_165 = tpu.memref_slice %arg10[%run_scoped3A_55, %dma_start3A_164] : memref<16x640xf32, #tpu.memory_space<vmem>> -> memref<1x640xf32, #tpu.memory_space<vmem>>
      %dma_start3A_166 = tpu.memref_squeeze %dma_start3A_165 : memref<1x640xf32, #tpu.memory_space<vmem>> -> memref<640xf32, #tpu.memory_space<vmem>>
      %dma_start3A_167 = tpu.memref_slice %arg12[%run_scoped3A_54, %mul3A_53] : memref<16x10240xf32, #tpu.memory_space<vmem_shared>> -> memref<1x640xf32, #tpu.memory_space<vmem_shared>>
      %dma_start3A_168 = tpu.memref_squeeze %dma_start3A_167 : memref<1x640xf32, #tpu.memory_space<vmem_shared>> -> memref<640xf32, #tpu.memory_space<vmem_shared>>
      tpu.enqueue_dma source(%dma_start3A_168 : memref<640xf32, #tpu.memory_space<vmem_shared>>) target(%dma_start3A_166 : memref<640xf32, #tpu.memory_space<vmem>>) target_semaphore(%run_scoped3A_159 : memref<!tpu.dma_semaphore, #tpu.memory_space<semaphore_mem>>)
      %dma_wait3A = arith.constant 0 : i32
      %dma_wait3A_169 = tpu.memref_slice %arg10[%run_scoped3A_55, %dma_wait3A] : memref<16x640xf32, #tpu.memory_space<vmem>> -> memref<1x640xf32, #tpu.memory_space<vmem>>
      %dma_wait3A_170 = tpu.memref_squeeze %dma_wait3A_169 : memref<1x640xf32, #tpu.memory_space<vmem>> -> memref<640xf32, #tpu.memory_space<vmem>>
      %dma_wait3A_171 = tpu.memref_slice %arg12[%run_scoped3A_54, %mul3A_53] : memref<16x10240xf32, #tpu.memory_space<vmem_shared>> -> memref<1x640xf32, #tpu.memory_space<vmem_shared>>
      %dma_wait3A_172 = tpu.memref_squeeze %dma_wait3A_171 : memref<1x640xf32, #tpu.memory_space<vmem_shared>> -> memref<640xf32, #tpu.memory_space<vmem_shared>>
      %dma_wait3A_173 = arith.constant 0 : i32
      %dma_wait3A_174 = tpu.memref_slice %arg10[%run_scoped3A_55, %dma_wait3A_173] : memref<16x640xf32, #tpu.memory_space<vmem>> -> memref<1x640xf32, #tpu.memory_space<vmem>>
      %dma_wait3A_175 = tpu.memref_squeeze %dma_wait3A_174 : memref<1x640xf32, #tpu.memory_space<vmem>> -> memref<640xf32, #tpu.memory_space<vmem>>
      %dma_wait3A_176 = tpu.memref_slice %arg12[%run_scoped3A_54, %mul3A_53] : memref<16x10240xf32, #tpu.memory_space<vmem_shared>> -> memref<1x640xf32, #tpu.memory_space<vmem_shared>>
      %dma_wait3A_177 = tpu.memref_squeeze %dma_wait3A_176 : memref<1x640xf32, #tpu.memory_space<vmem_shared>> -> memref<640xf32, #tpu.memory_space<vmem_shared>>
      tpu.wait_dma2 semaphore(%run_scoped3A_159 : memref<!tpu.dma_semaphore, #tpu.memory_space<semaphore_mem>>) src(%dma_wait3A_177 : memref<640xf32, #tpu.memory_space<vmem_shared>>) dst(%dma_wait3A_175 : memref<640xf32, #tpu.memory_space<vmem>>)
      tpu.yield
    }) : () -> ()
    %mul3A_56 = arith.constant 640 : i32
    %mul3A_57 = arith.muli %arg1, %mul3A_56 : i32
    %run_scoped3A_58 = arith.constant 11 : i32
    %run_scoped3A_59 = arith.constant 11 : i32
    "tpu.region"() ({
      %run_scoped3A_159 = tpu.sem_alloc : memref<!tpu.dma_semaphore, #tpu.memory_space<semaphore_mem>>
      %dma_start3A = arith.constant 0 : i32
      %dma_start3A_160 = tpu.memref_slice %arg10[%run_scoped3A_59, %dma_start3A] : memref<16x640xf32, #tpu.memory_space<vmem>> -> memref<1x640xf32, #tpu.memory_space<vmem>>
      %dma_start3A_161 = tpu.memref_squeeze %dma_start3A_160 : memref<1x640xf32, #tpu.memory_space<vmem>> -> memref<640xf32, #tpu.memory_space<vmem>>
      %dma_start3A_162 = tpu.memref_slice %arg12[%run_scoped3A_58, %mul3A_57] : memref<16x10240xf32, #tpu.memory_space<vmem_shared>> -> memref<1x640xf32, #tpu.memory_space<vmem_shared>>
      %dma_start3A_163 = tpu.memref_squeeze %dma_start3A_162 : memref<1x640xf32, #tpu.memory_space<vmem_shared>> -> memref<640xf32, #tpu.memory_space<vmem_shared>>
      %dma_start3A_164 = arith.constant 0 : i32
      %dma_start3A_165 = tpu.memref_slice %arg10[%run_scoped3A_59, %dma_start3A_164] : memref<16x640xf32, #tpu.memory_space<vmem>> -> memref<1x640xf32, #tpu.memory_space<vmem>>
      %dma_start3A_166 = tpu.memref_squeeze %dma_start3A_165 : memref<1x640xf32, #tpu.memory_space<vmem>> -> memref<640xf32, #tpu.memory_space<vmem>>
      %dma_start3A_167 = tpu.memref_slice %arg12[%run_scoped3A_58, %mul3A_57] : memref<16x10240xf32, #tpu.memory_space<vmem_shared>> -> memref<1x640xf32, #tpu.memory_space<vmem_shared>>
      %dma_start3A_168 = tpu.memref_squeeze %dma_start3A_167 : memref<1x640xf32, #tpu.memory_space<vmem_shared>> -> memref<640xf32, #tpu.memory_space<vmem_shared>>
      tpu.enqueue_dma source(%dma_start3A_168 : memref<640xf32, #tpu.memory_space<vmem_shared>>) target(%dma_start3A_166 : memref<640xf32, #tpu.memory_space<vmem>>) target_semaphore(%run_scoped3A_159 : memref<!tpu.dma_semaphore, #tpu.memory_space<semaphore_mem>>)
      %dma_wait3A = arith.constant 0 : i32
      %dma_wait3A_169 = tpu.memref_slice %arg10[%run_scoped3A_59, %dma_wait3A] : memref<16x640xf32, #tpu.memory_space<vmem>> -> memref<1x640xf32, #tpu.memory_space<vmem>>
      %dma_wait3A_170 = tpu.memref_squeeze %dma_wait3A_169 : memref<1x640xf32, #tpu.memory_space<vmem>> -> memref<640xf32, #tpu.memory_space<vmem>>
      %dma_wait3A_171 = tpu.memref_slice %arg12[%run_scoped3A_58, %mul3A_57] : memref<16x10240xf32, #tpu.memory_space<vmem_shared>> -> memref<1x640xf32, #tpu.memory_space<vmem_shared>>
      %dma_wait3A_172 = tpu.memref_squeeze %dma_wait3A_171 : memref<1x640xf32, #tpu.memory_space<vmem_shared>> -> memref<640xf32, #tpu.memory_space<vmem_shared>>
      %dma_wait3A_173 = arith.constant 0 : i32
      %dma_wait3A_174 = tpu.memref_slice %arg10[%run_scoped3A_59, %dma_wait3A_173] : memref<16x640xf32, #tpu.memory_space<vmem>> -> memref<1x640xf32, #tpu.memory_space<vmem>>
      %dma_wait3A_175 = tpu.memref_squeeze %dma_wait3A_174 : memref<1x640xf32, #tpu.memory_space<vmem>> -> memref<640xf32, #tpu.memory_space<vmem>>
      %dma_wait3A_176 = tpu.memref_slice %arg12[%run_scoped3A_58, %mul3A_57] : memref<16x10240xf32, #tpu.memory_space<vmem_shared>> -> memref<1x640xf32, #tpu.memory_space<vmem_shared>>
      %dma_wait3A_177 = tpu.memref_squeeze %dma_wait3A_176 : memref<1x640xf32, #tpu.memory_space<vmem_shared>> -> memref<640xf32, #tpu.memory_space<vmem_shared>>
      tpu.wait_dma2 semaphore(%run_scoped3A_159 : memref<!tpu.dma_semaphore, #tpu.memory_space<semaphore_mem>>) src(%dma_wait3A_177 : memref<640xf32, #tpu.memory_space<vmem_shared>>) dst(%dma_wait3A_175 : memref<640xf32, #tpu.memory_space<vmem>>)
      tpu.yield
    }) : () -> ()
    %mul3A_60 = arith.constant 640 : i32
    %mul3A_61 = arith.muli %arg1, %mul3A_60 : i32
    %run_scoped3A_62 = arith.constant 12 : i32
    %run_scoped3A_63 = arith.constant 12 : i32
    "tpu.region"() ({
      %run_scoped3A_159 = tpu.sem_alloc : memref<!tpu.dma_semaphore, #tpu.memory_space<semaphore_mem>>
      %dma_start3A = arith.constant 0 : i32
      %dma_start3A_160 = tpu.memref_slice %arg10[%run_scoped3A_63, %dma_start3A] : memref<16x640xf32, #tpu.memory_space<vmem>> -> memref<1x640xf32, #tpu.memory_space<vmem>>
      %dma_start3A_161 = tpu.memref_squeeze %dma_start3A_160 : memref<1x640xf32, #tpu.memory_space<vmem>> -> memref<640xf32, #tpu.memory_space<vmem>>
      %dma_start3A_162 = tpu.memref_slice %arg12[%run_scoped3A_62, %mul3A_61] : memref<16x10240xf32, #tpu.memory_space<vmem_shared>> -> memref<1x640xf32, #tpu.memory_space<vmem_shared>>
      %dma_start3A_163 = tpu.memref_squeeze %dma_start3A_162 : memref<1x640xf32, #tpu.memory_space<vmem_shared>> -> memref<640xf32, #tpu.memory_space<vmem_shared>>
      %dma_start3A_164 = arith.constant 0 : i32
      %dma_start3A_165 = tpu.memref_slice %arg10[%run_scoped3A_63, %dma_start3A_164] : memref<16x640xf32, #tpu.memory_space<vmem>> -> memref<1x640xf32, #tpu.memory_space<vmem>>
      %dma_start3A_166 = tpu.memref_squeeze %dma_start3A_165 : memref<1x640xf32, #tpu.memory_space<vmem>> -> memref<640xf32, #tpu.memory_space<vmem>>
      %dma_start3A_167 = tpu.memref_slice %arg12[%run_scoped3A_62, %mul3A_61] : memref<16x10240xf32, #tpu.memory_space<vmem_shared>> -> memref<1x640xf32, #tpu.memory_space<vmem_shared>>
      %dma_start3A_168 = tpu.memref_squeeze %dma_start3A_167 : memref<1x640xf32, #tpu.memory_space<vmem_shared>> -> memref<640xf32, #tpu.memory_space<vmem_shared>>
      tpu.enqueue_dma source(%dma_start3A_168 : memref<640xf32, #tpu.memory_space<vmem_shared>>) target(%dma_start3A_166 : memref<640xf32, #tpu.memory_space<vmem>>) target_semaphore(%run_scoped3A_159 : memref<!tpu.dma_semaphore, #tpu.memory_space<semaphore_mem>>)
      %dma_wait3A = arith.constant 0 : i32
      %dma_wait3A_169 = tpu.memref_slice %arg10[%run_scoped3A_63, %dma_wait3A] : memref<16x640xf32, #tpu.memory_space<vmem>> -> memref<1x640xf32, #tpu.memory_space<vmem>>
      %dma_wait3A_170 = tpu.memref_squeeze %dma_wait3A_169 : memref<1x640xf32, #tpu.memory_space<vmem>> -> memref<640xf32, #tpu.memory_space<vmem>>
      %dma_wait3A_171 = tpu.memref_slice %arg12[%run_scoped3A_62, %mul3A_61] : memref<16x10240xf32, #tpu.memory_space<vmem_shared>> -> memref<1x640xf32, #tpu.memory_space<vmem_shared>>
      %dma_wait3A_172 = tpu.memref_squeeze %dma_wait3A_171 : memref<1x640xf32, #tpu.memory_space<vmem_shared>> -> memref<640xf32, #tpu.memory_space<vmem_shared>>
      %dma_wait3A_173 = arith.constant 0 : i32
      %dma_wait3A_174 = tpu.memref_slice %arg10[%run_scoped3A_63, %dma_wait3A_173] : memref<16x640xf32, #tpu.memory_space<vmem>> -> memref<1x640xf32, #tpu.memory_space<vmem>>
      %dma_wait3A_175 = tpu.memref_squeeze %dma_wait3A_174 : memref<1x640xf32, #tpu.memory_space<vmem>> -> memref<640xf32, #tpu.memory_space<vmem>>
      %dma_wait3A_176 = tpu.memref_slice %arg12[%run_scoped3A_62, %mul3A_61] : memref<16x10240xf32, #tpu.memory_space<vmem_shared>> -> memref<1x640xf32, #tpu.memory_space<vmem_shared>>
      %dma_wait3A_177 = tpu.memref_squeeze %dma_wait3A_176 : memref<1x640xf32, #tpu.memory_space<vmem_shared>> -> memref<640xf32, #tpu.memory_space<vmem_shared>>
      tpu.wait_dma2 semaphore(%run_scoped3A_159 : memref<!tpu.dma_semaphore, #tpu.memory_space<semaphore_mem>>) src(%dma_wait3A_177 : memref<640xf32, #tpu.memory_space<vmem_shared>>) dst(%dma_wait3A_175 : memref<640xf32, #tpu.memory_space<vmem>>)
      tpu.yield
    }) : () -> ()
    %mul3A_64 = arith.constant 640 : i32
    %mul3A_65 = arith.muli %arg1, %mul3A_64 : i32
    %run_scoped3A_66 = arith.constant 13 : i32
    %run_scoped3A_67 = arith.constant 13 : i32
    "tpu.region"() ({
      %run_scoped3A_159 = tpu.sem_alloc : memref<!tpu.dma_semaphore, #tpu.memory_space<semaphore_mem>>
      %dma_start3A = arith.constant 0 : i32
      %dma_start3A_160 = tpu.memref_slice %arg10[%run_scoped3A_67, %dma_start3A] : memref<16x640xf32, #tpu.memory_space<vmem>> -> memref<1x640xf32, #tpu.memory_space<vmem>>
      %dma_start3A_161 = tpu.memref_squeeze %dma_start3A_160 : memref<1x640xf32, #tpu.memory_space<vmem>> -> memref<640xf32, #tpu.memory_space<vmem>>
      %dma_start3A_162 = tpu.memref_slice %arg12[%run_scoped3A_66, %mul3A_65] : memref<16x10240xf32, #tpu.memory_space<vmem_shared>> -> memref<1x640xf32, #tpu.memory_space<vmem_shared>>
      %dma_start3A_163 = tpu.memref_squeeze %dma_start3A_162 : memref<1x640xf32, #tpu.memory_space<vmem_shared>> -> memref<640xf32, #tpu.memory_space<vmem_shared>>
      %dma_start3A_164 = arith.constant 0 : i32
      %dma_start3A_165 = tpu.memref_slice %arg10[%run_scoped3A_67, %dma_start3A_164] : memref<16x640xf32, #tpu.memory_space<vmem>> -> memref<1x640xf32, #tpu.memory_space<vmem>>
      %dma_start3A_166 = tpu.memref_squeeze %dma_start3A_165 : memref<1x640xf32, #tpu.memory_space<vmem>> -> memref<640xf32, #tpu.memory_space<vmem>>
      %dma_start3A_167 = tpu.memref_slice %arg12[%run_scoped3A_66, %mul3A_65] : memref<16x10240xf32, #tpu.memory_space<vmem_shared>> -> memref<1x640xf32, #tpu.memory_space<vmem_shared>>
      %dma_start3A_168 = tpu.memref_squeeze %dma_start3A_167 : memref<1x640xf32, #tpu.memory_space<vmem_shared>> -> memref<640xf32, #tpu.memory_space<vmem_shared>>
      tpu.enqueue_dma source(%dma_start3A_168 : memref<640xf32, #tpu.memory_space<vmem_shared>>) target(%dma_start3A_166 : memref<640xf32, #tpu.memory_space<vmem>>) target_semaphore(%run_scoped3A_159 : memref<!tpu.dma_semaphore, #tpu.memory_space<semaphore_mem>>)
      %dma_wait3A = arith.constant 0 : i32
      %dma_wait3A_169 = tpu.memref_slice %arg10[%run_scoped3A_67, %dma_wait3A] : memref<16x640xf32, #tpu.memory_space<vmem>> -> memref<1x640xf32, #tpu.memory_space<vmem>>
      %dma_wait3A_170 = tpu.memref_squeeze %dma_wait3A_169 : memref<1x640xf32, #tpu.memory_space<vmem>> -> memref<640xf32, #tpu.memory_space<vmem>>
      %dma_wait3A_171 = tpu.memref_slice %arg12[%run_scoped3A_66, %mul3A_65] : memref<16x10240xf32, #tpu.memory_space<vmem_shared>> -> memref<1x640xf32, #tpu.memory_space<vmem_shared>>
      %dma_wait3A_172 = tpu.memref_squeeze %dma_wait3A_171 : memref<1x640xf32, #tpu.memory_space<vmem_shared>> -> memref<640xf32, #tpu.memory_space<vmem_shared>>
      %dma_wait3A_173 = arith.constant 0 : i32
      %dma_wait3A_174 = tpu.memref_slice %arg10[%run_scoped3A_67, %dma_wait3A_173] : memref<16x640xf32, #tpu.memory_space<vmem>> -> memref<1x640xf32, #tpu.memory_space<vmem>>
      %dma_wait3A_175 = tpu.memref_squeeze %dma_wait3A_174 : memref<1x640xf32, #tpu.memory_space<vmem>> -> memref<640xf32, #tpu.memory_space<vmem>>
      %dma_wait3A_176 = tpu.memref_slice %arg12[%run_scoped3A_66, %mul3A_65] : memref<16x10240xf32, #tpu.memory_space<vmem_shared>> -> memref<1x640xf32, #tpu.memory_space<vmem_shared>>
      %dma_wait3A_177 = tpu.memref_squeeze %dma_wait3A_176 : memref<1x640xf32, #tpu.memory_space<vmem_shared>> -> memref<640xf32, #tpu.memory_space<vmem_shared>>
      tpu.wait_dma2 semaphore(%run_scoped3A_159 : memref<!tpu.dma_semaphore, #tpu.memory_space<semaphore_mem>>) src(%dma_wait3A_177 : memref<640xf32, #tpu.memory_space<vmem_shared>>) dst(%dma_wait3A_175 : memref<640xf32, #tpu.memory_space<vmem>>)
      tpu.yield
    }) : () -> ()
    %mul3A_68 = arith.constant 640 : i32
    %mul3A_69 = arith.muli %arg1, %mul3A_68 : i32
    %run_scoped3A_70 = arith.constant 14 : i32
    %run_scoped3A_71 = arith.constant 14 : i32
    "tpu.region"() ({
      %run_scoped3A_159 = tpu.sem_alloc : memref<!tpu.dma_semaphore, #tpu.memory_space<semaphore_mem>>
      %dma_start3A = arith.constant 0 : i32
      %dma_start3A_160 = tpu.memref_slice %arg10[%run_scoped3A_71, %dma_start3A] : memref<16x640xf32, #tpu.memory_space<vmem>> -> memref<1x640xf32, #tpu.memory_space<vmem>>
      %dma_start3A_161 = tpu.memref_squeeze %dma_start3A_160 : memref<1x640xf32, #tpu.memory_space<vmem>> -> memref<640xf32, #tpu.memory_space<vmem>>
      %dma_start3A_162 = tpu.memref_slice %arg12[%run_scoped3A_70, %mul3A_69] : memref<16x10240xf32, #tpu.memory_space<vmem_shared>> -> memref<1x640xf32, #tpu.memory_space<vmem_shared>>
      %dma_start3A_163 = tpu.memref_squeeze %dma_start3A_162 : memref<1x640xf32, #tpu.memory_space<vmem_shared>> -> memref<640xf32, #tpu.memory_space<vmem_shared>>
      %dma_start3A_164 = arith.constant 0 : i32
      %dma_start3A_165 = tpu.memref_slice %arg10[%run_scoped3A_71, %dma_start3A_164] : memref<16x640xf32, #tpu.memory_space<vmem>> -> memref<1x640xf32, #tpu.memory_space<vmem>>
      %dma_start3A_166 = tpu.memref_squeeze %dma_start3A_165 : memref<1x640xf32, #tpu.memory_space<vmem>> -> memref<640xf32, #tpu.memory_space<vmem>>
      %dma_start3A_167 = tpu.memref_slice %arg12[%run_scoped3A_70, %mul3A_69] : memref<16x10240xf32, #tpu.memory_space<vmem_shared>> -> memref<1x640xf32, #tpu.memory_space<vmem_shared>>
      %dma_start3A_168 = tpu.memref_squeeze %dma_start3A_167 : memref<1x640xf32, #tpu.memory_space<vmem_shared>> -> memref<640xf32, #tpu.memory_space<vmem_shared>>
      tpu.enqueue_dma source(%dma_start3A_168 : memref<640xf32, #tpu.memory_space<vmem_shared>>) target(%dma_start3A_166 : memref<640xf32, #tpu.memory_space<vmem>>) target_semaphore(%run_scoped3A_159 : memref<!tpu.dma_semaphore, #tpu.memory_space<semaphore_mem>>)
      %dma_wait3A = arith.constant 0 : i32
      %dma_wait3A_169 = tpu.memref_slice %arg10[%run_scoped3A_71, %dma_wait3A] : memref<16x640xf32, #tpu.memory_space<vmem>> -> memref<1x640xf32, #tpu.memory_space<vmem>>
      %dma_wait3A_170 = tpu.memref_squeeze %dma_wait3A_169 : memref<1x640xf32, #tpu.memory_space<vmem>> -> memref<640xf32, #tpu.memory_space<vmem>>
      %dma_wait3A_171 = tpu.memref_slice %arg12[%run_scoped3A_70, %mul3A_69] : memref<16x10240xf32, #tpu.memory_space<vmem_shared>> -> memref<1x640xf32, #tpu.memory_space<vmem_shared>>
      %dma_wait3A_172 = tpu.memref_squeeze %dma_wait3A_171 : memref<1x640xf32, #tpu.memory_space<vmem_shared>> -> memref<640xf32, #tpu.memory_space<vmem_shared>>
      %dma_wait3A_173 = arith.constant 0 : i32
      %dma_wait3A_174 = tpu.memref_slice %arg10[%run_scoped3A_71, %dma_wait3A_173] : memref<16x640xf32, #tpu.memory_space<vmem>> -> memref<1x640xf32, #tpu.memory_space<vmem>>
      %dma_wait3A_175 = tpu.memref_squeeze %dma_wait3A_174 : memref<1x640xf32, #tpu.memory_space<vmem>> -> memref<640xf32, #tpu.memory_space<vmem>>
      %dma_wait3A_176 = tpu.memref_slice %arg12[%run_scoped3A_70, %mul3A_69] : memref<16x10240xf32, #tpu.memory_space<vmem_shared>> -> memref<1x640xf32, #tpu.memory_space<vmem_shared>>
      %dma_wait3A_177 = tpu.memref_squeeze %dma_wait3A_176 : memref<1x640xf32, #tpu.memory_space<vmem_shared>> -> memref<640xf32, #tpu.memory_space<vmem_shared>>
      tpu.wait_dma2 semaphore(%run_scoped3A_159 : memref<!tpu.dma_semaphore, #tpu.memory_space<semaphore_mem>>) src(%dma_wait3A_177 : memref<640xf32, #tpu.memory_space<vmem_shared>>) dst(%dma_wait3A_175 : memref<640xf32, #tpu.memory_space<vmem>>)
      tpu.yield
    }) : () -> ()
    %mul3A_72 = arith.constant 640 : i32
    %mul3A_73 = arith.muli %arg1, %mul3A_72 : i32
    %run_scoped3A_74 = arith.constant 15 : i32
    %run_scoped3A_75 = arith.constant 15 : i32
    "tpu.region"() ({
      %run_scoped3A_159 = tpu.sem_alloc : memref<!tpu.dma_semaphore, #tpu.memory_space<semaphore_mem>>
      %dma_start3A = arith.constant 0 : i32
      %dma_start3A_160 = tpu.memref_slice %arg10[%run_scoped3A_75, %dma_start3A] : memref<16x640xf32, #tpu.memory_space<vmem>> -> memref<1x640xf32, #tpu.memory_space<vmem>>
      %dma_start3A_161 = tpu.memref_squeeze %dma_start3A_160 : memref<1x640xf32, #tpu.memory_space<vmem>> -> memref<640xf32, #tpu.memory_space<vmem>>
      %dma_start3A_162 = tpu.memref_slice %arg12[%run_scoped3A_74, %mul3A_73] : memref<16x10240xf32, #tpu.memory_space<vmem_shared>> -> memref<1x640xf32, #tpu.memory_space<vmem_shared>>
      %dma_start3A_163 = tpu.memref_squeeze %dma_start3A_162 : memref<1x640xf32, #tpu.memory_space<vmem_shared>> -> memref<640xf32, #tpu.memory_space<vmem_shared>>
      %dma_start3A_164 = arith.constant 0 : i32
      %dma_start3A_165 = tpu.memref_slice %arg10[%run_scoped3A_75, %dma_start3A_164] : memref<16x640xf32, #tpu.memory_space<vmem>> -> memref<1x640xf32, #tpu.memory_space<vmem>>
      %dma_start3A_166 = tpu.memref_squeeze %dma_start3A_165 : memref<1x640xf32, #tpu.memory_space<vmem>> -> memref<640xf32, #tpu.memory_space<vmem>>
      %dma_start3A_167 = tpu.memref_slice %arg12[%run_scoped3A_74, %mul3A_73] : memref<16x10240xf32, #tpu.memory_space<vmem_shared>> -> memref<1x640xf32, #tpu.memory_space<vmem_shared>>
      %dma_start3A_168 = tpu.memref_squeeze %dma_start3A_167 : memref<1x640xf32, #tpu.memory_space<vmem_shared>> -> memref<640xf32, #tpu.memory_space<vmem_shared>>
      tpu.enqueue_dma source(%dma_start3A_168 : memref<640xf32, #tpu.memory_space<vmem_shared>>) target(%dma_start3A_166 : memref<640xf32, #tpu.memory_space<vmem>>) target_semaphore(%run_scoped3A_159 : memref<!tpu.dma_semaphore, #tpu.memory_space<semaphore_mem>>)
      %dma_wait3A = arith.constant 0 : i32
      %dma_wait3A_169 = tpu.memref_slice %arg10[%run_scoped3A_75, %dma_wait3A] : memref<16x640xf32, #tpu.memory_space<vmem>> -> memref<1x640xf32, #tpu.memory_space<vmem>>
      %dma_wait3A_170 = tpu.memref_squeeze %dma_wait3A_169 : memref<1x640xf32, #tpu.memory_space<vmem>> -> memref<640xf32, #tpu.memory_space<vmem>>
      %dma_wait3A_171 = tpu.memref_slice %arg12[%run_scoped3A_74, %mul3A_73] : memref<16x10240xf32, #tpu.memory_space<vmem_shared>> -> memref<1x640xf32, #tpu.memory_space<vmem_shared>>
      %dma_wait3A_172 = tpu.memref_squeeze %dma_wait3A_171 : memref<1x640xf32, #tpu.memory_space<vmem_shared>> -> memref<640xf32, #tpu.memory_space<vmem_shared>>
      %dma_wait3A_173 = arith.constant 0 : i32
      %dma_wait3A_174 = tpu.memref_slice %arg10[%run_scoped3A_75, %dma_wait3A_173] : memref<16x640xf32, #tpu.memory_space<vmem>> -> memref<1x640xf32, #tpu.memory_space<vmem>>
      %dma_wait3A_175 = tpu.memref_squeeze %dma_wait3A_174 : memref<1x640xf32, #tpu.memory_space<vmem>> -> memref<640xf32, #tpu.memory_space<vmem>>
      %dma_wait3A_176 = tpu.memref_slice %arg12[%run_scoped3A_74, %mul3A_73] : memref<16x10240xf32, #tpu.memory_space<vmem_shared>> -> memref<1x640xf32, #tpu.memory_space<vmem_shared>>
      %dma_wait3A_177 = tpu.memref_squeeze %dma_wait3A_176 : memref<1x640xf32, #tpu.memory_space<vmem_shared>> -> memref<640xf32, #tpu.memory_space<vmem_shared>>
      tpu.wait_dma2 semaphore(%run_scoped3A_159 : memref<!tpu.dma_semaphore, #tpu.memory_space<semaphore_mem>>) src(%dma_wait3A_177 : memref<640xf32, #tpu.memory_space<vmem_shared>>) dst(%dma_wait3A_175 : memref<640xf32, #tpu.memory_space<vmem>>)
      tpu.yield
    }) : () -> ()
    %scan3A_76 = arith.constant 0 : i32
    %scan3A_77 = arith.constant 0 : i32
    %scan3A_78 = arith.constant 40 : i32
    %scan3A_79 = arith.addi %scan3A_77, %scan3A_78 : i32
    %scan3A_80 = arith.constant 1 : i32
    scf.for %scan3A_159 = %scan3A_77 to %scan3A_79 step %scan3A_80  : i32 {
      %mul3A_160 = arith.constant 16 : i32
      %mul3A_161 = arith.muli %scan3A_159, %mul3A_160 : i32
      %get3A = arith.constant 0 : i32
      %get3A_162 = arith.index_cast %get3A : i32 to index
      %get3A_163 = arith.index_cast %mul3A_161 : i32 to index
      %get3A_164 = tpu.vector_load %arg10[%get3A_162, %get3A_163] {strides = array<i32>} : memref<16x640xf32, #tpu.memory_space<vmem>>, vector<16xf32>,
      %mul3A_165 = arith.constant 16 : i32
      %mul3A_166 = arith.muli %scan3A_159, %mul3A_165 : i32
      %get3A_167 = arith.constant 1 : i32
      %get3A_168 = arith.index_cast %get3A_167 : i32 to index
      %get3A_169 = arith.index_cast %mul3A_166 : i32 to index
      %get3A_170 = tpu.vector_load %arg10[%get3A_168, %get3A_169] {strides = array<i32>} : memref<16x640xf32, #tpu.memory_space<vmem>>, vector<16xf32>,
      %add3A_171 = arith.addf %get3A_164, %get3A_170 : vector<16xf32>
      %mul3A_172 = arith.constant 16 : i32
      %mul3A_173 = arith.muli %scan3A_159, %mul3A_172 : i32
      %get3A_174 = arith.constant 2 : i32
      %get3A_175 = arith.index_cast %get3A_174 : i32 to index
      %get3A_176 = arith.index_cast %mul3A_173 : i32 to index
      %get3A_177 = tpu.vector_load %arg10[%get3A_175, %get3A_176] {strides = array<i32>} : memref<16x640xf32, #tpu.memory_space<vmem>>, vector<16xf32>,
      %add3A_178 = arith.addf %add3A_171, %get3A_177 : vector<16xf32>
      %mul3A_179 = arith.constant 16 : i32
      %mul3A_180 = arith.muli %scan3A_159, %mul3A_179 : i32
      %get3A_181 = arith.constant 3 : i32
      %get3A_182 = arith.index_cast %get3A_181 : i32 to index
      %get3A_183 = arith.index_cast %mul3A_180 : i32 to index
      %get3A_184 = tpu.vector_load %arg10[%get3A_182, %get3A_183] {strides = array<i32>} : memref<16x640xf32, #tpu.memory_space<vmem>>, vector<16xf32>,
      %add3A_185 = arith.addf %add3A_178, %get3A_184 : vector<16xf32>
      %mul3A_186 = arith.constant 16 : i32
      %mul3A_187 = arith.muli %scan3A_159, %mul3A_186 : i32
      %get3A_188 = arith.constant 4 : i32
      %get3A_189 = arith.index_cast %get3A_188 : i32 to index
      %get3A_190 = arith.index_cast %mul3A_187 : i32 to index
      %get3A_191 = tpu.vector_load %arg10[%get3A_189, %get3A_190] {strides = array<i32>} : memref<16x640xf32, #tpu.memory_space<vmem>>, vector<16xf32>,
      %add3A_192 = arith.addf %add3A_185, %get3A_191 : vector<16xf32>
      %mul3A_193 = arith.constant 16 : i32
      %mul3A_194 = arith.muli %scan3A_159, %mul3A_193 : i32
      %get3A_195 = arith.constant 5 : i32
      %get3A_196 = arith.index_cast %get3A_195 : i32 to index
      %get3A_197 = arith.index_cast %mul3A_194 : i32 to index
      %get3A_198 = tpu.vector_load %arg10[%get3A_196, %get3A_197] {strides = array<i32>} : memref<16x640xf32, #tpu.memory_space<vmem>>, vector<16xf32>,
      %add3A_199 = arith.addf %add3A_192, %get3A_198 : vector<16xf32>
      %mul3A_200 = arith.constant 16 : i32
      %mul3A_201 = arith.muli %scan3A_159, %mul3A_200 : i32
      %get3A_202 = arith.constant 6 : i32
      %get3A_203 = arith.index_cast %get3A_202 : i32 to index
      %get3A_204 = arith.index_cast %mul3A_201 : i32 to index
      %get3A_205 = tpu.vector_load %arg10[%get3A_203, %get3A_204] {strides = array<i32>} : memref<16x640xf32, #tpu.memory_space<vmem>>, vector<16xf32>,
      %add3A_206 = arith.addf %add3A_199, %get3A_205 : vector<16xf32>
      %mul3A_207 = arith.constant 16 : i32
      %mul3A_208 = arith.muli %scan3A_159, %mul3A_207 : i32
      %get3A_209 = arith.constant 7 : i32
      %get3A_210 = arith.index_cast %get3A_209 : i32 to index
      %get3A_211 = arith.index_cast %mul3A_208 : i32 to index
      %get3A_212 = tpu.vector_load %arg10[%get3A_210, %get3A_211] {strides = array<i32>} : memref<16x640xf32, #tpu.memory_space<vmem>>, vector<16xf32>,
      %add3A_213 = arith.addf %add3A_206, %get3A_212 : vector<16xf32>
      %mul3A_214 = arith.constant 16 : i32
      %mul3A_215 = arith.muli %scan3A_159, %mul3A_214 : i32
      %get3A_216 = arith.constant 8 : i32
      %get3A_217 = arith.index_cast %get3A_216 : i32 to index
      %get3A_218 = arith.index_cast %mul3A_215 : i32 to index
      %get3A_219 = tpu.vector_load %arg10[%get3A_217, %get3A_218] {strides = array<i32>} : memref<16x640xf32, #tpu.memory_space<vmem>>, vector<16xf32>,
      %add3A_220 = arith.addf %add3A_213, %get3A_219 : vector<16xf32>
      %mul3A_221 = arith.constant 16 : i32
      %mul3A_222 = arith.muli %scan3A_159, %mul3A_221 : i32
      %get3A_223 = arith.constant 9 : i32
      %get3A_224 = arith.index_cast %get3A_223 : i32 to index
      %get3A_225 = arith.index_cast %mul3A_222 : i32 to index
      %get3A_226 = tpu.vector_load %arg10[%get3A_224, %get3A_225] {strides = array<i32>} : memref<16x640xf32, #tpu.memory_space<vmem>>, vector<16xf32>,
      %add3A_227 = arith.addf %add3A_220, %get3A_226 : vector<16xf32>
      %mul3A_228 = arith.constant 16 : i32
      %mul3A_229 = arith.muli %scan3A_159, %mul3A_228 : i32
      %get3A_230 = arith.constant 10 : i32
      %get3A_231 = arith.index_cast %get3A_230 : i32 to index
      %get3A_232 = arith.index_cast %mul3A_229 : i32 to index
      %get3A_233 = tpu.vector_load %arg10[%get3A_231, %get3A_232] {strides = array<i32>} : memref<16x640xf32, #tpu.memory_space<vmem>>, vector<16xf32>,
      %add3A_234 = arith.addf %add3A_227, %get3A_233 : vector<16xf32>
      %mul3A_235 = arith.constant 16 : i32
      %mul3A_236 = arith.muli %scan3A_159, %mul3A_235 : i32
      %get3A_237 = arith.constant 11 : i32
      %get3A_238 = arith.index_cast %get3A_237 : i32 to index
      %get3A_239 = arith.index_cast %mul3A_236 : i32 to index
      %get3A_240 = tpu.vector_load %arg10[%get3A_238, %get3A_239] {strides = array<i32>} : memref<16x640xf32, #tpu.memory_space<vmem>>, vector<16xf32>,
      %add3A_241 = arith.addf %add3A_234, %get3A_240 : vector<16xf32>
      %mul3A_242 = arith.constant 16 : i32
      %mul3A_243 = arith.muli %scan3A_159, %mul3A_242 : i32
      %get3A_244 = arith.constant 12 : i32
      %get3A_245 = arith.index_cast %get3A_244 : i32 to index
      %get3A_246 = arith.index_cast %mul3A_243 : i32 to index
      %get3A_247 = tpu.vector_load %arg10[%get3A_245, %get3A_246] {strides = array<i32>} : memref<16x640xf32, #tpu.memory_space<vmem>>, vector<16xf32>,
      %add3A_248 = arith.addf %add3A_241, %get3A_247 : vector<16xf32>
      %mul3A_249 = arith.constant 16 : i32
      %mul3A_250 = arith.muli %scan3A_159, %mul3A_249 : i32
      %get3A_251 = arith.constant 13 : i32
      %get3A_252 = arith.index_cast %get3A_251 : i32 to index
      %get3A_253 = arith.index_cast %mul3A_250 : i32 to index
      %get3A_254 = tpu.vector_load %arg10[%get3A_252, %get3A_253] {strides = array<i32>} : memref<16x640xf32, #tpu.memory_space<vmem>>, vector<16xf32>,
      %add3A_255 = arith.addf %add3A_248, %get3A_254 : vector<16xf32>
      %mul3A_256 = arith.constant 16 : i32
      %mul3A_257 = arith.muli %scan3A_159, %mul3A_256 : i32
      %get3A_258 = arith.constant 14 : i32
      %get3A_259 = arith.index_cast %get3A_258 : i32 to index
      %get3A_260 = arith.index_cast %mul3A_257 : i32 to index
      %get3A_261 = tpu.vector_load %arg10[%get3A_259, %get3A_260] {strides = array<i32>} : memref<16x640xf32, #tpu.memory_space<vmem>>, vector<16xf32>,
      %add3A_262 = arith.addf %add3A_255, %get3A_261 : vector<16xf32>
      %mul3A_263 = arith.constant 16 : i32
      %mul3A_264 = arith.muli %scan3A_159, %mul3A_263 : i32
      %get3A_265 = arith.constant 15 : i32
      %get3A_266 = arith.index_cast %get3A_265 : i32 to index
      %get3A_267 = arith.index_cast %mul3A_264 : i32 to index
      %get3A_268 = tpu.vector_load %arg10[%get3A_266, %get3A_267] {strides = array<i32>} : memref<16x640xf32, #tpu.memory_space<vmem>>, vector<16xf32>,
      %add3A_269 = arith.addf %add3A_262, %get3A_268 : vector<16xf32>
      %mul3A_270 = arith.constant 16 : i32
      %mul3A_271 = arith.muli %scan3A_159, %mul3A_270 : i32
      %swap3A = arith.index_cast %mul3A_271 : i32 to index
      %swap3A_272 = tpu.vector_load %arg11[%swap3A] {strides = array<i32>} : memref<640xf32, #tpu.memory_space<vmem>>, vector<16xf32>,
      tpu.vector_store %arg11[%swap3A], %add3A_269 {strides = array<i32>} : memref<640xf32, #tpu.memory_space<vmem>>, vector<16xf32>,
    }
    %scan3A_81 = arith.constant 40 : i32
    %mul3A_82 = arith.constant 640 : i32
    %mul3A_83 = arith.muli %arg1, %mul3A_82 : i32
    "tpu.region"() ({
      %run_scoped3A_159 = tpu.sem_alloc : memref<!tpu.dma_semaphore, #tpu.memory_space<semaphore_mem>>
      %dma_start3A = tpu.memref_slice %arg4[%arg0, %mul3A_83] : memref<2x10240xf32, #tpu.memory_space<hbm>> -> memref<1x640xf32, #tpu.memory_space<hbm>>
      %dma_start3A_160 = tpu.memref_squeeze %dma_start3A : memref<1x640xf32, #tpu.memory_space<hbm>> -> memref<640xf32, #tpu.memory_space<hbm>>
      %dma_start3A_161 = tpu.memref_slice %arg4[%arg0, %mul3A_83] : memref<2x10240xf32, #tpu.memory_space<hbm>> -> memref<1x640xf32, #tpu.memory_space<hbm>>
      %dma_start3A_162 = tpu.memref_squeeze %dma_start3A_161 : memref<1x640xf32, #tpu.memory_space<hbm>> -> memref<640xf32, #tpu.memory_space<hbm>>
      tpu.enqueue_dma source(%arg11 : memref<640xf32, #tpu.memory_space<vmem>>) target(%dma_start3A_162 : memref<640xf32, #tpu.memory_space<hbm>>) target_semaphore(%run_scoped3A_159 : memref<!tpu.dma_semaphore, #tpu.memory_space<semaphore_mem>>)
      %dma_wait3A = tpu.memref_slice %arg4[%arg0, %mul3A_83] : memref<2x10240xf32, #tpu.memory_space<hbm>> -> memref<1x640xf32, #tpu.memory_space<hbm>>
      %dma_wait3A_163 = tpu.memref_squeeze %dma_wait3A : memref<1x640xf32, #tpu.memory_space<hbm>> -> memref<640xf32, #tpu.memory_space<hbm>>
      %dma_wait3A_164 = tpu.memref_slice %arg4[%arg0, %mul3A_83] : memref<2x10240xf32, #tpu.memory_space<hbm>> -> memref<1x640xf32, #tpu.memory_space<hbm>>
      %dma_wait3A_165 = tpu.memref_squeeze %dma_wait3A_164 : memref<1x640xf32, #tpu.memory_space<hbm>> -> memref<640xf32, #tpu.memory_space<hbm>>
      tpu.wait_dma2 semaphore(%run_scoped3A_159 : memref<!tpu.dma_semaphore, #tpu.memory_space<semaphore_mem>>) src(%arg11 : memref<640xf32, #tpu.memory_space<vmem>>) dst(%dma_wait3A_165 : memref<640xf32, #tpu.memory_space<hbm>>)
      tpu.yield
    }) : () -> ()
    %barrier3A_84 = arith.constant 0 : index
    tpu.barrier barrier_id(%barrier3A_84)
    "tpu.region"() ({
      %run_scoped3A_159 = tpu.sem_alloc : memref<!tpu.dma_semaphore, #tpu.memory_space<semaphore_mem>>
      %dma_start3A = arith.constant 0 : i32
      %dma_start3A_160 = tpu.memref_slice %arg12[%arg1, %dma_start3A] : memref<16x10240xf32, #tpu.memory_space<vmem_shared>> -> memref<1x10240xf32, #tpu.memory_space<vmem_shared>>
      %dma_start3A_161 = tpu.memref_squeeze %dma_start3A_160 : memref<1x10240xf32, #tpu.memory_space<vmem_shared>> -> memref<10240xf32, #tpu.memory_space<vmem_shared>>
      %dma_start3A_162 = arith.constant 0 : i32
      %dma_start3A_163 = tpu.memref_slice %arg12[%arg1, %dma_start3A_162] : memref<16x10240xf32, #tpu.memory_space<vmem_shared>> -> memref<1x10240xf32, #tpu.memory_space<vmem_shared>>
      %dma_start3A_164 = tpu.memref_squeeze %dma_start3A_163 : memref<1x10240xf32, #tpu.memory_space<vmem_shared>> -> memref<10240xf32, #tpu.memory_space<vmem_shared>>
      tpu.enqueue_dma source(%arg9 : memref<10240xf32, #tpu.memory_space<vmem>>) target(%dma_start3A_164 : memref<10240xf32, #tpu.memory_space<vmem_shared>>) target_semaphore(%run_scoped3A_159 : memref<!tpu.dma_semaphore, #tpu.memory_space<semaphore_mem>>)
      %dma_wait3A = arith.constant 0 : i32
      %dma_wait3A_165 = tpu.memref_slice %arg12[%arg1, %dma_wait3A] : memref<16x10240xf32, #tpu.memory_space<vmem_shared>> -> memref<1x10240xf32, #tpu.memory_space<vmem_shared>>
      %dma_wait3A_166 = tpu.memref_squeeze %dma_wait3A_165 : memref<1x10240xf32, #tpu.memory_space<vmem_shared>> -> memref<10240xf32, #tpu.memory_space<vmem_shared>>
      %dma_wait3A_167 = arith.constant 0 : i32
      %dma_wait3A_168 = tpu.memref_slice %arg12[%arg1, %dma_wait3A_167] : memref<16x10240xf32, #tpu.memory_space<vmem_shared>> -> memref<1x10240xf32, #tpu.memory_space<vmem_shared>>
      %dma_wait3A_169 = tpu.memref_squeeze %dma_wait3A_168 : memref<1x10240xf32, #tpu.memory_space<vmem_shared>> -> memref<10240xf32, #tpu.memory_space<vmem_shared>>
      tpu.wait_dma2 semaphore(%run_scoped3A_159 : memref<!tpu.dma_semaphore, #tpu.memory_space<semaphore_mem>>) src(%arg9 : memref<10240xf32, #tpu.memory_space<vmem>>) dst(%dma_wait3A_169 : memref<10240xf32, #tpu.memory_space<vmem_shared>>)
      tpu.yield
    }) : () -> ()
    %barrier3A_85 = arith.constant 0 : index
    tpu.barrier barrier_id(%barrier3A_85)
    %mul3A_86 = arith.constant 640 : i32
    %mul3A_87 = arith.muli %arg1, %mul3A_86 : i32
    %run_scoped3A_88 = arith.constant 0 : i32
    %run_scoped3A_89 = arith.constant 0 : i32
    "tpu.region"() ({
      %run_scoped3A_159 = tpu.sem_alloc : memref<!tpu.dma_semaphore, #tpu.memory_space<semaphore_mem>>
      %dma_start3A = arith.constant 0 : i32
      %dma_start3A_160 = tpu.memref_slice %arg10[%run_scoped3A_89, %dma_start3A] : memref<16x640xf32, #tpu.memory_space<vmem>> -> memref<1x640xf32, #tpu.memory_space<vmem>>
      %dma_start3A_161 = tpu.memref_squeeze %dma_start3A_160 : memref<1x640xf32, #tpu.memory_space<vmem>> -> memref<640xf32, #tpu.memory_space<vmem>>
      %dma_start3A_162 = tpu.memref_slice %arg12[%run_scoped3A_88, %mul3A_87] : memref<16x10240xf32, #tpu.memory_space<vmem_shared>> -> memref<1x640xf32, #tpu.memory_space<vmem_shared>>
      %dma_start3A_163 = tpu.memref_squeeze %dma_start3A_162 : memref<1x640xf32, #tpu.memory_space<vmem_shared>> -> memref<640xf32, #tpu.memory_space<vmem_shared>>
      %dma_start3A_164 = arith.constant 0 : i32
      %dma_start3A_165 = tpu.memref_slice %arg10[%run_scoped3A_89, %dma_start3A_164] : memref<16x640xf32, #tpu.memory_space<vmem>> -> memref<1x640xf32, #tpu.memory_space<vmem>>
      %dma_start3A_166 = tpu.memref_squeeze %dma_start3A_165 : memref<1x640xf32, #tpu.memory_space<vmem>> -> memref<640xf32, #tpu.memory_space<vmem>>
      %dma_start3A_167 = tpu.memref_slice %arg12[%run_scoped3A_88, %mul3A_87] : memref<16x10240xf32, #tpu.memory_space<vmem_shared>> -> memref<1x640xf32, #tpu.memory_space<vmem_shared>>
      %dma_start3A_168 = tpu.memref_squeeze %dma_start3A_167 : memref<1x640xf32, #tpu.memory_space<vmem_shared>> -> memref<640xf32, #tpu.memory_space<vmem_shared>>
      tpu.enqueue_dma source(%dma_start3A_168 : memref<640xf32, #tpu.memory_space<vmem_shared>>) target(%dma_start3A_166 : memref<640xf32, #tpu.memory_space<vmem>>) target_semaphore(%run_scoped3A_159 : memref<!tpu.dma_semaphore, #tpu.memory_space<semaphore_mem>>)
      %dma_wait3A = arith.constant 0 : i32
      %dma_wait3A_169 = tpu.memref_slice %arg10[%run_scoped3A_89, %dma_wait3A] : memref<16x640xf32, #tpu.memory_space<vmem>> -> memref<1x640xf32, #tpu.memory_space<vmem>>
      %dma_wait3A_170 = tpu.memref_squeeze %dma_wait3A_169 : memref<1x640xf32, #tpu.memory_space<vmem>> -> memref<640xf32, #tpu.memory_space<vmem>>
      %dma_wait3A_171 = tpu.memref_slice %arg12[%run_scoped3A_88, %mul3A_87] : memref<16x10240xf32, #tpu.memory_space<vmem_shared>> -> memref<1x640xf32, #tpu.memory_space<vmem_shared>>
      %dma_wait3A_172 = tpu.memref_squeeze %dma_wait3A_171 : memref<1x640xf32, #tpu.memory_space<vmem_shared>> -> memref<640xf32, #tpu.memory_space<vmem_shared>>
      %dma_wait3A_173 = arith.constant 0 : i32
      %dma_wait3A_174 = tpu.memref_slice %arg10[%run_scoped3A_89, %dma_wait3A_173] : memref<16x640xf32, #tpu.memory_space<vmem>> -> memref<1x640xf32, #tpu.memory_space<vmem>>
      %dma_wait3A_175 = tpu.memref_squeeze %dma_wait3A_174 : memref<1x640xf32, #tpu.memory_space<vmem>> -> memref<640xf32, #tpu.memory_space<vmem>>
      %dma_wait3A_176 = tpu.memref_slice %arg12[%run_scoped3A_88, %mul3A_87] : memref<16x10240xf32, #tpu.memory_space<vmem_shared>> -> memref<1x640xf32, #tpu.memory_space<vmem_shared>>
      %dma_wait3A_177 = tpu.memref_squeeze %dma_wait3A_176 : memref<1x640xf32, #tpu.memory_space<vmem_shared>> -> memref<640xf32, #tpu.memory_space<vmem_shared>>
      tpu.wait_dma2 semaphore(%run_scoped3A_159 : memref<!tpu.dma_semaphore, #tpu.memory_space<semaphore_mem>>) src(%dma_wait3A_177 : memref<640xf32, #tpu.memory_space<vmem_shared>>) dst(%dma_wait3A_175 : memref<640xf32, #tpu.memory_space<vmem>>)
      tpu.yield
    }) : () -> ()
    %mul3A_90 = arith.constant 640 : i32
    %mul3A_91 = arith.muli %arg1, %mul3A_90 : i32
    %run_scoped3A_92 = arith.constant 1 : i32
    %run_scoped3A_93 = arith.constant 1 : i32
    "tpu.region"() ({
      %run_scoped3A_159 = tpu.sem_alloc : memref<!tpu.dma_semaphore, #tpu.memory_space<semaphore_mem>>
      %dma_start3A = arith.constant 0 : i32
      %dma_start3A_160 = tpu.memref_slice %arg10[%run_scoped3A_93, %dma_start3A] : memref<16x640xf32, #tpu.memory_space<vmem>> -> memref<1x640xf32, #tpu.memory_space<vmem>>
      %dma_start3A_161 = tpu.memref_squeeze %dma_start3A_160 : memref<1x640xf32, #tpu.memory_space<vmem>> -> memref<640xf32, #tpu.memory_space<vmem>>
      %dma_start3A_162 = tpu.memref_slice %arg12[%run_scoped3A_92, %mul3A_91] : memref<16x10240xf32, #tpu.memory_space<vmem_shared>> -> memref<1x640xf32, #tpu.memory_space<vmem_shared>>
      %dma_start3A_163 = tpu.memref_squeeze %dma_start3A_162 : memref<1x640xf32, #tpu.memory_space<vmem_shared>> -> memref<640xf32, #tpu.memory_space<vmem_shared>>
      %dma_start3A_164 = arith.constant 0 : i32
      %dma_start3A_165 = tpu.memref_slice %arg10[%run_scoped3A_93, %dma_start3A_164] : memref<16x640xf32, #tpu.memory_space<vmem>> -> memref<1x640xf32, #tpu.memory_space<vmem>>
      %dma_start3A_166 = tpu.memref_squeeze %dma_start3A_165 : memref<1x640xf32, #tpu.memory_space<vmem>> -> memref<640xf32, #tpu.memory_space<vmem>>
      %dma_start3A_167 = tpu.memref_slice %arg12[%run_scoped3A_92, %mul3A_91] : memref<16x10240xf32, #tpu.memory_space<vmem_shared>> -> memref<1x640xf32, #tpu.memory_space<vmem_shared>>
      %dma_start3A_168 = tpu.memref_squeeze %dma_start3A_167 : memref<1x640xf32, #tpu.memory_space<vmem_shared>> -> memref<640xf32, #tpu.memory_space<vmem_shared>>
      tpu.enqueue_dma source(%dma_start3A_168 : memref<640xf32, #tpu.memory_space<vmem_shared>>) target(%dma_start3A_166 : memref<640xf32, #tpu.memory_space<vmem>>) target_semaphore(%run_scoped3A_159 : memref<!tpu.dma_semaphore, #tpu.memory_space<semaphore_mem>>)
      %dma_wait3A = arith.constant 0 : i32
      %dma_wait3A_169 = tpu.memref_slice %arg10[%run_scoped3A_93, %dma_wait3A] : memref<16x640xf32, #tpu.memory_space<vmem>> -> memref<1x640xf32, #tpu.memory_space<vmem>>
      %dma_wait3A_170 = tpu.memref_squeeze %dma_wait3A_169 : memref<1x640xf32, #tpu.memory_space<vmem>> -> memref<640xf32, #tpu.memory_space<vmem>>
      %dma_wait3A_171 = tpu.memref_slice %arg12[%run_scoped3A_92, %mul3A_91] : memref<16x10240xf32, #tpu.memory_space<vmem_shared>> -> memref<1x640xf32, #tpu.memory_space<vmem_shared>>
      %dma_wait3A_172 = tpu.memref_squeeze %dma_wait3A_171 : memref<1x640xf32, #tpu.memory_space<vmem_shared>> -> memref<640xf32, #tpu.memory_space<vmem_shared>>
      %dma_wait3A_173 = arith.constant 0 : i32
      %dma_wait3A_174 = tpu.memref_slice %arg10[%run_scoped3A_93, %dma_wait3A_173] : memref<16x640xf32, #tpu.memory_space<vmem>> -> memref<1x640xf32, #tpu.memory_space<vmem>>
      %dma_wait3A_175 = tpu.memref_squeeze %dma_wait3A_174 : memref<1x640xf32, #tpu.memory_space<vmem>> -> memref<640xf32, #tpu.memory_space<vmem>>
      %dma_wait3A_176 = tpu.memref_slice %arg12[%run_scoped3A_92, %mul3A_91] : memref<16x10240xf32, #tpu.memory_space<vmem_shared>> -> memref<1x640xf32, #tpu.memory_space<vmem_shared>>
      %dma_wait3A_177 = tpu.memref_squeeze %dma_wait3A_176 : memref<1x640xf32, #tpu.memory_space<vmem_shared>> -> memref<640xf32, #tpu.memory_space<vmem_shared>>
      tpu.wait_dma2 semaphore(%run_scoped3A_159 : memref<!tpu.dma_semaphore, #tpu.memory_space<semaphore_mem>>) src(%dma_wait3A_177 : memref<640xf32, #tpu.memory_space<vmem_shared>>) dst(%dma_wait3A_175 : memref<640xf32, #tpu.memory_space<vmem>>)
      tpu.yield
    }) : () -> ()
    %mul3A_94 = arith.constant 640 : i32
    %mul3A_95 = arith.muli %arg1, %mul3A_94 : i32
    %run_scoped3A_96 = arith.constant 2 : i32
    %run_scoped3A_97 = arith.constant 2 : i32
    "tpu.region"() ({
      %run_scoped3A_159 = tpu.sem_alloc : memref<!tpu.dma_semaphore, #tpu.memory_space<semaphore_mem>>
      %dma_start3A = arith.constant 0 : i32
      %dma_start3A_160 = tpu.memref_slice %arg10[%run_scoped3A_97, %dma_start3A] : memref<16x640xf32, #tpu.memory_space<vmem>> -> memref<1x640xf32, #tpu.memory_space<vmem>>
      %dma_start3A_161 = tpu.memref_squeeze %dma_start3A_160 : memref<1x640xf32, #tpu.memory_space<vmem>> -> memref<640xf32, #tpu.memory_space<vmem>>
      %dma_start3A_162 = tpu.memref_slice %arg12[%run_scoped3A_96, %mul3A_95] : memref<16x10240xf32, #tpu.memory_space<vmem_shared>> -> memref<1x640xf32, #tpu.memory_space<vmem_shared>>
      %dma_start3A_163 = tpu.memref_squeeze %dma_start3A_162 : memref<1x640xf32, #tpu.memory_space<vmem_shared>> -> memref<640xf32, #tpu.memory_space<vmem_shared>>
      %dma_start3A_164 = arith.constant 0 : i32
      %dma_start3A_165 = tpu.memref_slice %arg10[%run_scoped3A_97, %dma_start3A_164] : memref<16x640xf32, #tpu.memory_space<vmem>> -> memref<1x640xf32, #tpu.memory_space<vmem>>
      %dma_start3A_166 = tpu.memref_squeeze %dma_start3A_165 : memref<1x640xf32, #tpu.memory_space<vmem>> -> memref<640xf32, #tpu.memory_space<vmem>>
      %dma_start3A_167 = tpu.memref_slice %arg12[%run_scoped3A_96, %mul3A_95] : memref<16x10240xf32, #tpu.memory_space<vmem_shared>> -> memref<1x640xf32, #tpu.memory_space<vmem_shared>>
      %dma_start3A_168 = tpu.memref_squeeze %dma_start3A_167 : memref<1x640xf32, #tpu.memory_space<vmem_shared>> -> memref<640xf32, #tpu.memory_space<vmem_shared>>
      tpu.enqueue_dma source(%dma_start3A_168 : memref<640xf32, #tpu.memory_space<vmem_shared>>) target(%dma_start3A_166 : memref<640xf32, #tpu.memory_space<vmem>>) target_semaphore(%run_scoped3A_159 : memref<!tpu.dma_semaphore, #tpu.memory_space<semaphore_mem>>)
      %dma_wait3A = arith.constant 0 : i32
      %dma_wait3A_169 = tpu.memref_slice %arg10[%run_scoped3A_97, %dma_wait3A] : memref<16x640xf32, #tpu.memory_space<vmem>> -> memref<1x640xf32, #tpu.memory_space<vmem>>
      %dma_wait3A_170 = tpu.memref_squeeze %dma_wait3A_169 : memref<1x640xf32, #tpu.memory_space<vmem>> -> memref<640xf32, #tpu.memory_space<vmem>>
      %dma_wait3A_171 = tpu.memref_slice %arg12[%run_scoped3A_96, %mul3A_95] : memref<16x10240xf32, #tpu.memory_space<vmem_shared>> -> memref<1x640xf32, #tpu.memory_space<vmem_shared>>
      %dma_wait3A_172 = tpu.memref_squeeze %dma_wait3A_171 : memref<1x640xf32, #tpu.memory_space<vmem_shared>> -> memref<640xf32, #tpu.memory_space<vmem_shared>>
      %dma_wait3A_173 = arith.constant 0 : i32
      %dma_wait3A_174 = tpu.memref_slice %arg10[%run_scoped3A_97, %dma_wait3A_173] : memref<16x640xf32, #tpu.memory_space<vmem>> -> memref<1x640xf32, #tpu.memory_space<vmem>>
      %dma_wait3A_175 = tpu.memref_squeeze %dma_wait3A_174 : memref<1x640xf32, #tpu.memory_space<vmem>> -> memref<640xf32, #tpu.memory_space<vmem>>
      %dma_wait3A_176 = tpu.memref_slice %arg12[%run_scoped3A_96, %mul3A_95] : memref<16x10240xf32, #tpu.memory_space<vmem_shared>> -> memref<1x640xf32, #tpu.memory_space<vmem_shared>>
      %dma_wait3A_177 = tpu.memref_squeeze %dma_wait3A_176 : memref<1x640xf32, #tpu.memory_space<vmem_shared>> -> memref<640xf32, #tpu.memory_space<vmem_shared>>
      tpu.wait_dma2 semaphore(%run_scoped3A_159 : memref<!tpu.dma_semaphore, #tpu.memory_space<semaphore_mem>>) src(%dma_wait3A_177 : memref<640xf32, #tpu.memory_space<vmem_shared>>) dst(%dma_wait3A_175 : memref<640xf32, #tpu.memory_space<vmem>>)
      tpu.yield
    }) : () -> ()
    %mul3A_98 = arith.constant 640 : i32
    %mul3A_99 = arith.muli %arg1, %mul3A_98 : i32
    %run_scoped3A_100 = arith.constant 3 : i32
    %run_scoped3A_101 = arith.constant 3 : i32
    "tpu.region"() ({
      %run_scoped3A_159 = tpu.sem_alloc : memref<!tpu.dma_semaphore, #tpu.memory_space<semaphore_mem>>
      %dma_start3A = arith.constant 0 : i32
      %dma_start3A_160 = tpu.memref_slice %arg10[%run_scoped3A_101, %dma_start3A] : memref<16x640xf32, #tpu.memory_space<vmem>> -> memref<1x640xf32, #tpu.memory_space<vmem>>
      %dma_start3A_161 = tpu.memref_squeeze %dma_start3A_160 : memref<1x640xf32, #tpu.memory_space<vmem>> -> memref<640xf32, #tpu.memory_space<vmem>>
      %dma_start3A_162 = tpu.memref_slice %arg12[%run_scoped3A_100, %mul3A_99] : memref<16x10240xf32, #tpu.memory_space<vmem_shared>> -> memref<1x640xf32, #tpu.memory_space<vmem_shared>>
      %dma_start3A_163 = tpu.memref_squeeze %dma_start3A_162 : memref<1x640xf32, #tpu.memory_space<vmem_shared>> -> memref<640xf32, #tpu.memory_space<vmem_shared>>
      %dma_start3A_164 = arith.constant 0 : i32
      %dma_start3A_165 = tpu.memref_slice %arg10[%run_scoped3A_101, %dma_start3A_164] : memref<16x640xf32, #tpu.memory_space<vmem>> -> memref<1x640xf32, #tpu.memory_space<vmem>>
      %dma_start3A_166 = tpu.memref_squeeze %dma_start3A_165 : memref<1x640xf32, #tpu.memory_space<vmem>> -> memref<640xf32, #tpu.memory_space<vmem>>
      %dma_start3A_167 = tpu.memref_slice %arg12[%run_scoped3A_100, %mul3A_99] : memref<16x10240xf32, #tpu.memory_space<vmem_shared>> -> memref<1x640xf32, #tpu.memory_space<vmem_shared>>
      %dma_start3A_168 = tpu.memref_squeeze %dma_start3A_167 : memref<1x640xf32, #tpu.memory_space<vmem_shared>> -> memref<640xf32, #tpu.memory_space<vmem_shared>>
      tpu.enqueue_dma source(%dma_start3A_168 : memref<640xf32, #tpu.memory_space<vmem_shared>>) target(%dma_start3A_166 : memref<640xf32, #tpu.memory_space<vmem>>) target_semaphore(%run_scoped3A_159 : memref<!tpu.dma_semaphore, #tpu.memory_space<semaphore_mem>>)
      %dma_wait3A = arith.constant 0 : i32
      %dma_wait3A_169 = tpu.memref_slice %arg10[%run_scoped3A_101, %dma_wait3A] : memref<16x640xf32, #tpu.memory_space<vmem>> -> memref<1x640xf32, #tpu.memory_space<vmem>>
      %dma_wait3A_170 = tpu.memref_squeeze %dma_wait3A_169 : memref<1x640xf32, #tpu.memory_space<vmem>> -> memref<640xf32, #tpu.memory_space<vmem>>
      %dma_wait3A_171 = tpu.memref_slice %arg12[%run_scoped3A_100, %mul3A_99] : memref<16x10240xf32, #tpu.memory_space<vmem_shared>> -> memref<1x640xf32, #tpu.memory_space<vmem_shared>>
      %dma_wait3A_172 = tpu.memref_squeeze %dma_wait3A_171 : memref<1x640xf32, #tpu.memory_space<vmem_shared>> -> memref<640xf32, #tpu.memory_space<vmem_shared>>
      %dma_wait3A_173 = arith.constant 0 : i32
      %dma_wait3A_174 = tpu.memref_slice %arg10[%run_scoped3A_101, %dma_wait3A_173] : memref<16x640xf32, #tpu.memory_space<vmem>> -> memref<1x640xf32, #tpu.memory_space<vmem>>
      %dma_wait3A_175 = tpu.memref_squeeze %dma_wait3A_174 : memref<1x640xf32, #tpu.memory_space<vmem>> -> memref<640xf32, #tpu.memory_space<vmem>>
      %dma_wait3A_176 = tpu.memref_slice %arg12[%run_scoped3A_100, %mul3A_99] : memref<16x10240xf32, #tpu.memory_space<vmem_shared>> -> memref<1x640xf32, #tpu.memory_space<vmem_shared>>
      %dma_wait3A_177 = tpu.memref_squeeze %dma_wait3A_176 : memref<1x640xf32, #tpu.memory_space<vmem_shared>> -> memref<640xf32, #tpu.memory_space<vmem_shared>>
      tpu.wait_dma2 semaphore(%run_scoped3A_159 : memref<!tpu.dma_semaphore, #tpu.memory_space<semaphore_mem>>) src(%dma_wait3A_177 : memref<640xf32, #tpu.memory_space<vmem_shared>>) dst(%dma_wait3A_175 : memref<640xf32, #tpu.memory_space<vmem>>)
      tpu.yield
    }) : () -> ()
    %mul3A_102 = arith.constant 640 : i32
    %mul3A_103 = arith.muli %arg1, %mul3A_102 : i32
    %run_scoped3A_104 = arith.constant 4 : i32
    %run_scoped3A_105 = arith.constant 4 : i32
    "tpu.region"() ({
      %run_scoped3A_159 = tpu.sem_alloc : memref<!tpu.dma_semaphore, #tpu.memory_space<semaphore_mem>>
      %dma_start3A = arith.constant 0 : i32
      %dma_start3A_160 = tpu.memref_slice %arg10[%run_scoped3A_105, %dma_start3A] : memref<16x640xf32, #tpu.memory_space<vmem>> -> memref<1x640xf32, #tpu.memory_space<vmem>>
      %dma_start3A_161 = tpu.memref_squeeze %dma_start3A_160 : memref<1x640xf32, #tpu.memory_space<vmem>> -> memref<640xf32, #tpu.memory_space<vmem>>
      %dma_start3A_162 = tpu.memref_slice %arg12[%run_scoped3A_104, %mul3A_103] : memref<16x10240xf32, #tpu.memory_space<vmem_shared>> -> memref<1x640xf32, #tpu.memory_space<vmem_shared>>
      %dma_start3A_163 = tpu.memref_squeeze %dma_start3A_162 : memref<1x640xf32, #tpu.memory_space<vmem_shared>> -> memref<640xf32, #tpu.memory_space<vmem_shared>>
      %dma_start3A_164 = arith.constant 0 : i32
      %dma_start3A_165 = tpu.memref_slice %arg10[%run_scoped3A_105, %dma_start3A_164] : memref<16x640xf32, #tpu.memory_space<vmem>> -> memref<1x640xf32, #tpu.memory_space<vmem>>
      %dma_start3A_166 = tpu.memref_squeeze %dma_start3A_165 : memref<1x640xf32, #tpu.memory_space<vmem>> -> memref<640xf32, #tpu.memory_space<vmem>>
      %dma_start3A_167 = tpu.memref_slice %arg12[%run_scoped3A_104, %mul3A_103] : memref<16x10240xf32, #tpu.memory_space<vmem_shared>> -> memref<1x640xf32, #tpu.memory_space<vmem_shared>>
      %dma_start3A_168 = tpu.memref_squeeze %dma_start3A_167 : memref<1x640xf32, #tpu.memory_space<vmem_shared>> -> memref<640xf32, #tpu.memory_space<vmem_shared>>
      tpu.enqueue_dma source(%dma_start3A_168 : memref<640xf32, #tpu.memory_space<vmem_shared>>) target(%dma_start3A_166 : memref<640xf32, #tpu.memory_space<vmem>>) target_semaphore(%run_scoped3A_159 : memref<!tpu.dma_semaphore, #tpu.memory_space<semaphore_mem>>)
      %dma_wait3A = arith.constant 0 : i32
      %dma_wait3A_169 = tpu.memref_slice %arg10[%run_scoped3A_105, %dma_wait3A] : memref<16x640xf32, #tpu.memory_space<vmem>> -> memref<1x640xf32, #tpu.memory_space<vmem>>
      %dma_wait3A_170 = tpu.memref_squeeze %dma_wait3A_169 : memref<1x640xf32, #tpu.memory_space<vmem>> -> memref<640xf32, #tpu.memory_space<vmem>>
      %dma_wait3A_171 = tpu.memref_slice %arg12[%run_scoped3A_104, %mul3A_103] : memref<16x10240xf32, #tpu.memory_space<vmem_shared>> -> memref<1x640xf32, #tpu.memory_space<vmem_shared>>
      %dma_wait3A_172 = tpu.memref_squeeze %dma_wait3A_171 : memref<1x640xf32, #tpu.memory_space<vmem_shared>> -> memref<640xf32, #tpu.memory_space<vmem_shared>>
      %dma_wait3A_173 = arith.constant 0 : i32
      %dma_wait3A_174 = tpu.memref_slice %arg10[%run_scoped3A_105, %dma_wait3A_173] : memref<16x640xf32, #tpu.memory_space<vmem>> -> memref<1x640xf32, #tpu.memory_space<vmem>>
      %dma_wait3A_175 = tpu.memref_squeeze %dma_wait3A_174 : memref<1x640xf32, #tpu.memory_space<vmem>> -> memref<640xf32, #tpu.memory_space<vmem>>
      %dma_wait3A_176 = tpu.memref_slice %arg12[%run_scoped3A_104, %mul3A_103] : memref<16x10240xf32, #tpu.memory_space<vmem_shared>> -> memref<1x640xf32, #tpu.memory_space<vmem_shared>>
      %dma_wait3A_177 = tpu.memref_squeeze %dma_wait3A_176 : memref<1x640xf32, #tpu.memory_space<vmem_shared>> -> memref<640xf32, #tpu.memory_space<vmem_shared>>
      tpu.wait_dma2 semaphore(%run_scoped3A_159 : memref<!tpu.dma_semaphore, #tpu.memory_space<semaphore_mem>>) src(%dma_wait3A_177 : memref<640xf32, #tpu.memory_space<vmem_shared>>) dst(%dma_wait3A_175 : memref<640xf32, #tpu.memory_space<vmem>>)
      tpu.yield
    }) : () -> ()
    %mul3A_106 = arith.constant 640 : i32
    %mul3A_107 = arith.muli %arg1, %mul3A_106 : i32
    %run_scoped3A_108 = arith.constant 5 : i32
    %run_scoped3A_109 = arith.constant 5 : i32
    "tpu.region"() ({
      %run_scoped3A_159 = tpu.sem_alloc : memref<!tpu.dma_semaphore, #tpu.memory_space<semaphore_mem>>
      %dma_start3A = arith.constant 0 : i32
      %dma_start3A_160 = tpu.memref_slice %arg10[%run_scoped3A_109, %dma_start3A] : memref<16x640xf32, #tpu.memory_space<vmem>> -> memref<1x640xf32, #tpu.memory_space<vmem>>
      %dma_start3A_161 = tpu.memref_squeeze %dma_start3A_160 : memref<1x640xf32, #tpu.memory_space<vmem>> -> memref<640xf32, #tpu.memory_space<vmem>>
      %dma_start3A_162 = tpu.memref_slice %arg12[%run_scoped3A_108, %mul3A_107] : memref<16x10240xf32, #tpu.memory_space<vmem_shared>> -> memref<1x640xf32, #tpu.memory_space<vmem_shared>>
      %dma_start3A_163 = tpu.memref_squeeze %dma_start3A_162 : memref<1x640xf32, #tpu.memory_space<vmem_shared>> -> memref<640xf32, #tpu.memory_space<vmem_shared>>
      %dma_start3A_164 = arith.constant 0 : i32
      %dma_start3A_165 = tpu.memref_slice %arg10[%run_scoped3A_109, %dma_start3A_164] : memref<16x640xf32, #tpu.memory_space<vmem>> -> memref<1x640xf32, #tpu.memory_space<vmem>>
      %dma_start3A_166 = tpu.memref_squeeze %dma_start3A_165 : memref<1x640xf32, #tpu.memory_space<vmem>> -> memref<640xf32, #tpu.memory_space<vmem>>
      %dma_start3A_167 = tpu.memref_slice %arg12[%run_scoped3A_108, %mul3A_107] : memref<16x10240xf32, #tpu.memory_space<vmem_shared>> -> memref<1x640xf32, #tpu.memory_space<vmem_shared>>
      %dma_start3A_168 = tpu.memref_squeeze %dma_start3A_167 : memref<1x640xf32, #tpu.memory_space<vmem_shared>> -> memref<640xf32, #tpu.memory_space<vmem_shared>>
      tpu.enqueue_dma source(%dma_start3A_168 : memref<640xf32, #tpu.memory_space<vmem_shared>>) target(%dma_start3A_166 : memref<640xf32, #tpu.memory_space<vmem>>) target_semaphore(%run_scoped3A_159 : memref<!tpu.dma_semaphore, #tpu.memory_space<semaphore_mem>>)
      %dma_wait3A = arith.constant 0 : i32
      %dma_wait3A_169 = tpu.memref_slice %arg10[%run_scoped3A_109, %dma_wait3A] : memref<16x640xf32, #tpu.memory_space<vmem>> -> memref<1x640xf32, #tpu.memory_space<vmem>>
      %dma_wait3A_170 = tpu.memref_squeeze %dma_wait3A_169 : memref<1x640xf32, #tpu.memory_space<vmem>> -> memref<640xf32, #tpu.memory_space<vmem>>
      %dma_wait3A_171 = tpu.memref_slice %arg12[%run_scoped3A_108, %mul3A_107] : memref<16x10240xf32, #tpu.memory_space<vmem_shared>> -> memref<1x640xf32, #tpu.memory_space<vmem_shared>>
      %dma_wait3A_172 = tpu.memref_squeeze %dma_wait3A_171 : memref<1x640xf32, #tpu.memory_space<vmem_shared>> -> memref<640xf32, #tpu.memory_space<vmem_shared>>
      %dma_wait3A_173 = arith.constant 0 : i32
      %dma_wait3A_174 = tpu.memref_slice %arg10[%run_scoped3A_109, %dma_wait3A_173] : memref<16x640xf32, #tpu.memory_space<vmem>> -> memref<1x640xf32, #tpu.memory_space<vmem>>
      %dma_wait3A_175 = tpu.memref_squeeze %dma_wait3A_174 : memref<1x640xf32, #tpu.memory_space<vmem>> -> memref<640xf32, #tpu.memory_space<vmem>>
      %dma_wait3A_176 = tpu.memref_slice %arg12[%run_scoped3A_108, %mul3A_107] : memref<16x10240xf32, #tpu.memory_space<vmem_shared>> -> memref<1x640xf32, #tpu.memory_space<vmem_shared>>
      %dma_wait3A_177 = tpu.memref_squeeze %dma_wait3A_176 : memref<1x640xf32, #tpu.memory_space<vmem_shared>> -> memref<640xf32, #tpu.memory_space<vmem_shared>>
      tpu.wait_dma2 semaphore(%run_scoped3A_159 : memref<!tpu.dma_semaphore, #tpu.memory_space<semaphore_mem>>) src(%dma_wait3A_177 : memref<640xf32, #tpu.memory_space<vmem_shared>>) dst(%dma_wait3A_175 : memref<640xf32, #tpu.memory_space<vmem>>)
      tpu.yield
    }) : () -> ()
    %mul3A_110 = arith.constant 640 : i32
    %mul3A_111 = arith.muli %arg1, %mul3A_110 : i32
    %run_scoped3A_112 = arith.constant 6 : i32
    %run_scoped3A_113 = arith.constant 6 : i32
    "tpu.region"() ({
      %run_scoped3A_159 = tpu.sem_alloc : memref<!tpu.dma_semaphore, #tpu.memory_space<semaphore_mem>>
      %dma_start3A = arith.constant 0 : i32
      %dma_start3A_160 = tpu.memref_slice %arg10[%run_scoped3A_113, %dma_start3A] : memref<16x640xf32, #tpu.memory_space<vmem>> -> memref<1x640xf32, #tpu.memory_space<vmem>>
      %dma_start3A_161 = tpu.memref_squeeze %dma_start3A_160 : memref<1x640xf32, #tpu.memory_space<vmem>> -> memref<640xf32, #tpu.memory_space<vmem>>
      %dma_start3A_162 = tpu.memref_slice %arg12[%run_scoped3A_112, %mul3A_111] : memref<16x10240xf32, #tpu.memory_space<vmem_shared>> -> memref<1x640xf32, #tpu.memory_space<vmem_shared>>
      %dma_start3A_163 = tpu.memref_squeeze %dma_start3A_162 : memref<1x640xf32, #tpu.memory_space<vmem_shared>> -> memref<640xf32, #tpu.memory_space<vmem_shared>>
      %dma_start3A_164 = arith.constant 0 : i32
      %dma_start3A_165 = tpu.memref_slice %arg10[%run_scoped3A_113, %dma_start3A_164] : memref<16x640xf32, #tpu.memory_space<vmem>> -> memref<1x640xf32, #tpu.memory_space<vmem>>
      %dma_start3A_166 = tpu.memref_squeeze %dma_start3A_165 : memref<1x640xf32, #tpu.memory_space<vmem>> -> memref<640xf32, #tpu.memory_space<vmem>>
      %dma_start3A_167 = tpu.memref_slice %arg12[%run_scoped3A_112, %mul3A_111] : memref<16x10240xf32, #tpu.memory_space<vmem_shared>> -> memref<1x640xf32, #tpu.memory_space<vmem_shared>>
      %dma_start3A_168 = tpu.memref_squeeze %dma_start3A_167 : memref<1x640xf32, #tpu.memory_space<vmem_shared>> -> memref<640xf32, #tpu.memory_space<vmem_shared>>
      tpu.enqueue_dma source(%dma_start3A_168 : memref<640xf32, #tpu.memory_space<vmem_shared>>) target(%dma_start3A_166 : memref<640xf32, #tpu.memory_space<vmem>>) target_semaphore(%run_scoped3A_159 : memref<!tpu.dma_semaphore, #tpu.memory_space<semaphore_mem>>)
      %dma_wait3A = arith.constant 0 : i32
      %dma_wait3A_169 = tpu.memref_slice %arg10[%run_scoped3A_113, %dma_wait3A] : memref<16x640xf32, #tpu.memory_space<vmem>> -> memref<1x640xf32, #tpu.memory_space<vmem>>
      %dma_wait3A_170 = tpu.memref_squeeze %dma_wait3A_169 : memref<1x640xf32, #tpu.memory_space<vmem>> -> memref<640xf32, #tpu.memory_space<vmem>>
      %dma_wait3A_171 = tpu.memref_slice %arg12[%run_scoped3A_112, %mul3A_111] : memref<16x10240xf32, #tpu.memory_space<vmem_shared>> -> memref<1x640xf32, #tpu.memory_space<vmem_shared>>
      %dma_wait3A_172 = tpu.memref_squeeze %dma_wait3A_171 : memref<1x640xf32, #tpu.memory_space<vmem_shared>> -> memref<640xf32, #tpu.memory_space<vmem_shared>>
      %dma_wait3A_173 = arith.constant 0 : i32
      %dma_wait3A_174 = tpu.memref_slice %arg10[%run_scoped3A_113, %dma_wait3A_173] : memref<16x640xf32, #tpu.memory_space<vmem>> -> memref<1x640xf32, #tpu.memory_space<vmem>>
      %dma_wait3A_175 = tpu.memref_squeeze %dma_wait3A_174 : memref<1x640xf32, #tpu.memory_space<vmem>> -> memref<640xf32, #tpu.memory_space<vmem>>
      %dma_wait3A_176 = tpu.memref_slice %arg12[%run_scoped3A_112, %mul3A_111] : memref<16x10240xf32, #tpu.memory_space<vmem_shared>> -> memref<1x640xf32, #tpu.memory_space<vmem_shared>>
      %dma_wait3A_177 = tpu.memref_squeeze %dma_wait3A_176 : memref<1x640xf32, #tpu.memory_space<vmem_shared>> -> memref<640xf32, #tpu.memory_space<vmem_shared>>
      tpu.wait_dma2 semaphore(%run_scoped3A_159 : memref<!tpu.dma_semaphore, #tpu.memory_space<semaphore_mem>>) src(%dma_wait3A_177 : memref<640xf32, #tpu.memory_space<vmem_shared>>) dst(%dma_wait3A_175 : memref<640xf32, #tpu.memory_space<vmem>>)
      tpu.yield
    }) : () -> ()
    %mul3A_114 = arith.constant 640 : i32
    %mul3A_115 = arith.muli %arg1, %mul3A_114 : i32
    %run_scoped3A_116 = arith.constant 7 : i32
    %run_scoped3A_117 = arith.constant 7 : i32
    "tpu.region"() ({
      %run_scoped3A_159 = tpu.sem_alloc : memref<!tpu.dma_semaphore, #tpu.memory_space<semaphore_mem>>
      %dma_start3A = arith.constant 0 : i32
      %dma_start3A_160 = tpu.memref_slice %arg10[%run_scoped3A_117, %dma_start3A] : memref<16x640xf32, #tpu.memory_space<vmem>> -> memref<1x640xf32, #tpu.memory_space<vmem>>
      %dma_start3A_161 = tpu.memref_squeeze %dma_start3A_160 : memref<1x640xf32, #tpu.memory_space<vmem>> -> memref<640xf32, #tpu.memory_space<vmem>>
      %dma_start3A_162 = tpu.memref_slice %arg12[%run_scoped3A_116, %mul3A_115] : memref<16x10240xf32, #tpu.memory_space<vmem_shared>> -> memref<1x640xf32, #tpu.memory_space<vmem_shared>>
      %dma_start3A_163 = tpu.memref_squeeze %dma_start3A_162 : memref<1x640xf32, #tpu.memory_space<vmem_shared>> -> memref<640xf32, #tpu.memory_space<vmem_shared>>
      %dma_start3A_164 = arith.constant 0 : i32
      %dma_start3A_165 = tpu.memref_slice %arg10[%run_scoped3A_117, %dma_start3A_164] : memref<16x640xf32, #tpu.memory_space<vmem>> -> memref<1x640xf32, #tpu.memory_space<vmem>>
      %dma_start3A_166 = tpu.memref_squeeze %dma_start3A_165 : memref<1x640xf32, #tpu.memory_space<vmem>> -> memref<640xf32, #tpu.memory_space<vmem>>
      %dma_start3A_167 = tpu.memref_slice %arg12[%run_scoped3A_116, %mul3A_115] : memref<16x10240xf32, #tpu.memory_space<vmem_shared>> -> memref<1x640xf32, #tpu.memory_space<vmem_shared>>
      %dma_start3A_168 = tpu.memref_squeeze %dma_start3A_167 : memref<1x640xf32, #tpu.memory_space<vmem_shared>> -> memref<640xf32, #tpu.memory_space<vmem_shared>>
      tpu.enqueue_dma source(%dma_start3A_168 : memref<640xf32, #tpu.memory_space<vmem_shared>>) target(%dma_start3A_166 : memref<640xf32, #tpu.memory_space<vmem>>) target_semaphore(%run_scoped3A_159 : memref<!tpu.dma_semaphore, #tpu.memory_space<semaphore_mem>>)
      %dma_wait3A = arith.constant 0 : i32
      %dma_wait3A_169 = tpu.memref_slice %arg10[%run_scoped3A_117, %dma_wait3A] : memref<16x640xf32, #tpu.memory_space<vmem>> -> memref<1x640xf32, #tpu.memory_space<vmem>>
      %dma_wait3A_170 = tpu.memref_squeeze %dma_wait3A_169 : memref<1x640xf32, #tpu.memory_space<vmem>> -> memref<640xf32, #tpu.memory_space<vmem>>
      %dma_wait3A_171 = tpu.memref_slice %arg12[%run_scoped3A_116, %mul3A_115] : memref<16x10240xf32, #tpu.memory_space<vmem_shared>> -> memref<1x640xf32, #tpu.memory_space<vmem_shared>>
      %dma_wait3A_172 = tpu.memref_squeeze %dma_wait3A_171 : memref<1x640xf32, #tpu.memory_space<vmem_shared>> -> memref<640xf32, #tpu.memory_space<vmem_shared>>
      %dma_wait3A_173 = arith.constant 0 : i32
      %dma_wait3A_174 = tpu.memref_slice %arg10[%run_scoped3A_117, %dma_wait3A_173] : memref<16x640xf32, #tpu.memory_space<vmem>> -> memref<1x640xf32, #tpu.memory_space<vmem>>
      %dma_wait3A_175 = tpu.memref_squeeze %dma_wait3A_174 : memref<1x640xf32, #tpu.memory_space<vmem>> -> memref<640xf32, #tpu.memory_space<vmem>>
      %dma_wait3A_176 = tpu.memref_slice %arg12[%run_scoped3A_116, %mul3A_115] : memref<16x10240xf32, #tpu.memory_space<vmem_shared>> -> memref<1x640xf32, #tpu.memory_space<vmem_shared>>
      %dma_wait3A_177 = tpu.memref_squeeze %dma_wait3A_176 : memref<1x640xf32, #tpu.memory_space<vmem_shared>> -> memref<640xf32, #tpu.memory_space<vmem_shared>>
      tpu.wait_dma2 semaphore(%run_scoped3A_159 : memref<!tpu.dma_semaphore, #tpu.memory_space<semaphore_mem>>) src(%dma_wait3A_177 : memref<640xf32, #tpu.memory_space<vmem_shared>>) dst(%dma_wait3A_175 : memref<640xf32, #tpu.memory_space<vmem>>)
      tpu.yield
    }) : () -> ()
    %mul3A_118 = arith.constant 640 : i32
    %mul3A_119 = arith.muli %arg1, %mul3A_118 : i32
    %run_scoped3A_120 = arith.constant 8 : i32
    %run_scoped3A_121 = arith.constant 8 : i32
    "tpu.region"() ({
      %run_scoped3A_159 = tpu.sem_alloc : memref<!tpu.dma_semaphore, #tpu.memory_space<semaphore_mem>>
      %dma_start3A = arith.constant 0 : i32
      %dma_start3A_160 = tpu.memref_slice %arg10[%run_scoped3A_121, %dma_start3A] : memref<16x640xf32, #tpu.memory_space<vmem>> -> memref<1x640xf32, #tpu.memory_space<vmem>>
      %dma_start3A_161 = tpu.memref_squeeze %dma_start3A_160 : memref<1x640xf32, #tpu.memory_space<vmem>> -> memref<640xf32, #tpu.memory_space<vmem>>
      %dma_start3A_162 = tpu.memref_slice %arg12[%run_scoped3A_120, %mul3A_119] : memref<16x10240xf32, #tpu.memory_space<vmem_shared>> -> memref<1x640xf32, #tpu.memory_space<vmem_shared>>
      %dma_start3A_163 = tpu.memref_squeeze %dma_start3A_162 : memref<1x640xf32, #tpu.memory_space<vmem_shared>> -> memref<640xf32, #tpu.memory_space<vmem_shared>>
      %dma_start3A_164 = arith.constant 0 : i32
      %dma_start3A_165 = tpu.memref_slice %arg10[%run_scoped3A_121, %dma_start3A_164] : memref<16x640xf32, #tpu.memory_space<vmem>> -> memref<1x640xf32, #tpu.memory_space<vmem>>
      %dma_start3A_166 = tpu.memref_squeeze %dma_start3A_165 : memref<1x640xf32, #tpu.memory_space<vmem>> -> memref<640xf32, #tpu.memory_space<vmem>>
      %dma_start3A_167 = tpu.memref_slice %arg12[%run_scoped3A_120, %mul3A_119] : memref<16x10240xf32, #tpu.memory_space<vmem_shared>> -> memref<1x640xf32, #tpu.memory_space<vmem_shared>>
      %dma_start3A_168 = tpu.memref_squeeze %dma_start3A_167 : memref<1x640xf32, #tpu.memory_space<vmem_shared>> -> memref<640xf32, #tpu.memory_space<vmem_shared>>
      tpu.enqueue_dma source(%dma_start3A_168 : memref<640xf32, #tpu.memory_space<vmem_shared>>) target(%dma_start3A_166 : memref<640xf32, #tpu.memory_space<vmem>>) target_semaphore(%run_scoped3A_159 : memref<!tpu.dma_semaphore, #tpu.memory_space<semaphore_mem>>)
      %dma_wait3A = arith.constant 0 : i32
      %dma_wait3A_169 = tpu.memref_slice %arg10[%run_scoped3A_121, %dma_wait3A] : memref<16x640xf32, #tpu.memory_space<vmem>> -> memref<1x640xf32, #tpu.memory_space<vmem>>
      %dma_wait3A_170 = tpu.memref_squeeze %dma_wait3A_169 : memref<1x640xf32, #tpu.memory_space<vmem>> -> memref<640xf32, #tpu.memory_space<vmem>>
      %dma_wait3A_171 = tpu.memref_slice %arg12[%run_scoped3A_120, %mul3A_119] : memref<16x10240xf32, #tpu.memory_space<vmem_shared>> -> memref<1x640xf32, #tpu.memory_space<vmem_shared>>
      %dma_wait3A_172 = tpu.memref_squeeze %dma_wait3A_171 : memref<1x640xf32, #tpu.memory_space<vmem_shared>> -> memref<640xf32, #tpu.memory_space<vmem_shared>>
      %dma_wait3A_173 = arith.constant 0 : i32
      %dma_wait3A_174 = tpu.memref_slice %arg10[%run_scoped3A_121, %dma_wait3A_173] : memref<16x640xf32, #tpu.memory_space<vmem>> -> memref<1x640xf32, #tpu.memory_space<vmem>>
      %dma_wait3A_175 = tpu.memref_squeeze %dma_wait3A_174 : memref<1x640xf32, #tpu.memory_space<vmem>> -> memref<640xf32, #tpu.memory_space<vmem>>
      %dma_wait3A_176 = tpu.memref_slice %arg12[%run_scoped3A_120, %mul3A_119] : memref<16x10240xf32, #tpu.memory_space<vmem_shared>> -> memref<1x640xf32, #tpu.memory_space<vmem_shared>>
      %dma_wait3A_177 = tpu.memref_squeeze %dma_wait3A_176 : memref<1x640xf32, #tpu.memory_space<vmem_shared>> -> memref<640xf32, #tpu.memory_space<vmem_shared>>
      tpu.wait_dma2 semaphore(%run_scoped3A_159 : memref<!tpu.dma_semaphore, #tpu.memory_space<semaphore_mem>>) src(%dma_wait3A_177 : memref<640xf32, #tpu.memory_space<vmem_shared>>) dst(%dma_wait3A_175 : memref<640xf32, #tpu.memory_space<vmem>>)
      tpu.yield
    }) : () -> ()
    %mul3A_122 = arith.constant 640 : i32
    %mul3A_123 = arith.muli %arg1, %mul3A_122 : i32
    %run_scoped3A_124 = arith.constant 9 : i32
    %run_scoped3A_125 = arith.constant 9 : i32
    "tpu.region"() ({
      %run_scoped3A_159 = tpu.sem_alloc : memref<!tpu.dma_semaphore, #tpu.memory_space<semaphore_mem>>
      %dma_start3A = arith.constant 0 : i32
      %dma_start3A_160 = tpu.memref_slice %arg10[%run_scoped3A_125, %dma_start3A] : memref<16x640xf32, #tpu.memory_space<vmem>> -> memref<1x640xf32, #tpu.memory_space<vmem>>
      %dma_start3A_161 = tpu.memref_squeeze %dma_start3A_160 : memref<1x640xf32, #tpu.memory_space<vmem>> -> memref<640xf32, #tpu.memory_space<vmem>>
      %dma_start3A_162 = tpu.memref_slice %arg12[%run_scoped3A_124, %mul3A_123] : memref<16x10240xf32, #tpu.memory_space<vmem_shared>> -> memref<1x640xf32, #tpu.memory_space<vmem_shared>>
      %dma_start3A_163 = tpu.memref_squeeze %dma_start3A_162 : memref<1x640xf32, #tpu.memory_space<vmem_shared>> -> memref<640xf32, #tpu.memory_space<vmem_shared>>
      %dma_start3A_164 = arith.constant 0 : i32
      %dma_start3A_165 = tpu.memref_slice %arg10[%run_scoped3A_125, %dma_start3A_164] : memref<16x640xf32, #tpu.memory_space<vmem>> -> memref<1x640xf32, #tpu.memory_space<vmem>>
      %dma_start3A_166 = tpu.memref_squeeze %dma_start3A_165 : memref<1x640xf32, #tpu.memory_space<vmem>> -> memref<640xf32, #tpu.memory_space<vmem>>
      %dma_start3A_167 = tpu.memref_slice %arg12[%run_scoped3A_124, %mul3A_123] : memref<16x10240xf32, #tpu.memory_space<vmem_shared>> -> memref<1x640xf32, #tpu.memory_space<vmem_shared>>
      %dma_start3A_168 = tpu.memref_squeeze %dma_start3A_167 : memref<1x640xf32, #tpu.memory_space<vmem_shared>> -> memref<640xf32, #tpu.memory_space<vmem_shared>>
      tpu.enqueue_dma source(%dma_start3A_168 : memref<640xf32, #tpu.memory_space<vmem_shared>>) target(%dma_start3A_166 : memref<640xf32, #tpu.memory_space<vmem>>) target_semaphore(%run_scoped3A_159 : memref<!tpu.dma_semaphore, #tpu.memory_space<semaphore_mem>>)
      %dma_wait3A = arith.constant 0 : i32
      %dma_wait3A_169 = tpu.memref_slice %arg10[%run_scoped3A_125, %dma_wait3A] : memref<16x640xf32, #tpu.memory_space<vmem>> -> memref<1x640xf32, #tpu.memory_space<vmem>>
      %dma_wait3A_170 = tpu.memref_squeeze %dma_wait3A_169 : memref<1x640xf32, #tpu.memory_space<vmem>> -> memref<640xf32, #tpu.memory_space<vmem>>
      %dma_wait3A_171 = tpu.memref_slice %arg12[%run_scoped3A_124, %mul3A_123] : memref<16x10240xf32, #tpu.memory_space<vmem_shared>> -> memref<1x640xf32, #tpu.memory_space<vmem_shared>>
      %dma_wait3A_172 = tpu.memref_squeeze %dma_wait3A_171 : memref<1x640xf32, #tpu.memory_space<vmem_shared>> -> memref<640xf32, #tpu.memory_space<vmem_shared>>
      %dma_wait3A_173 = arith.constant 0 : i32
      %dma_wait3A_174 = tpu.memref_slice %arg10[%run_scoped3A_125, %dma_wait3A_173] : memref<16x640xf32, #tpu.memory_space<vmem>> -> memref<1x640xf32, #tpu.memory_space<vmem>>
      %dma_wait3A_175 = tpu.memref_squeeze %dma_wait3A_174 : memref<1x640xf32, #tpu.memory_space<vmem>> -> memref<640xf32, #tpu.memory_space<vmem>>
      %dma_wait3A_176 = tpu.memref_slice %arg12[%run_scoped3A_124, %mul3A_123] : memref<16x10240xf32, #tpu.memory_space<vmem_shared>> -> memref<1x640xf32, #tpu.memory_space<vmem_shared>>
      %dma_wait3A_177 = tpu.memref_squeeze %dma_wait3A_176 : memref<1x640xf32, #tpu.memory_space<vmem_shared>> -> memref<640xf32, #tpu.memory_space<vmem_shared>>
      tpu.wait_dma2 semaphore(%run_scoped3A_159 : memref<!tpu.dma_semaphore, #tpu.memory_space<semaphore_mem>>) src(%dma_wait3A_177 : memref<640xf32, #tpu.memory_space<vmem_shared>>) dst(%dma_wait3A_175 : memref<640xf32, #tpu.memory_space<vmem>>)
      tpu.yield
    }) : () -> ()
    %mul3A_126 = arith.constant 640 : i32
    %mul3A_127 = arith.muli %arg1, %mul3A_126 : i32
    %run_scoped3A_128 = arith.constant 10 : i32
    %run_scoped3A_129 = arith.constant 10 : i32
    "tpu.region"() ({
      %run_scoped3A_159 = tpu.sem_alloc : memref<!tpu.dma_semaphore, #tpu.memory_space<semaphore_mem>>
      %dma_start3A = arith.constant 0 : i32
      %dma_start3A_160 = tpu.memref_slice %arg10[%run_scoped3A_129, %dma_start3A] : memref<16x640xf32, #tpu.memory_space<vmem>> -> memref<1x640xf32, #tpu.memory_space<vmem>>
      %dma_start3A_161 = tpu.memref_squeeze %dma_start3A_160 : memref<1x640xf32, #tpu.memory_space<vmem>> -> memref<640xf32, #tpu.memory_space<vmem>>
      %dma_start3A_162 = tpu.memref_slice %arg12[%run_scoped3A_128, %mul3A_127] : memref<16x10240xf32, #tpu.memory_space<vmem_shared>> -> memref<1x640xf32, #tpu.memory_space<vmem_shared>>
      %dma_start3A_163 = tpu.memref_squeeze %dma_start3A_162 : memref<1x640xf32, #tpu.memory_space<vmem_shared>> -> memref<640xf32, #tpu.memory_space<vmem_shared>>
      %dma_start3A_164 = arith.constant 0 : i32
      %dma_start3A_165 = tpu.memref_slice %arg10[%run_scoped3A_129, %dma_start3A_164] : memref<16x640xf32, #tpu.memory_space<vmem>> -> memref<1x640xf32, #tpu.memory_space<vmem>>
      %dma_start3A_166 = tpu.memref_squeeze %dma_start3A_165 : memref<1x640xf32, #tpu.memory_space<vmem>> -> memref<640xf32, #tpu.memory_space<vmem>>
      %dma_start3A_167 = tpu.memref_slice %arg12[%run_scoped3A_128, %mul3A_127] : memref<16x10240xf32, #tpu.memory_space<vmem_shared>> -> memref<1x640xf32, #tpu.memory_space<vmem_shared>>
      %dma_start3A_168 = tpu.memref_squeeze %dma_start3A_167 : memref<1x640xf32, #tpu.memory_space<vmem_shared>> -> memref<640xf32, #tpu.memory_space<vmem_shared>>
      tpu.enqueue_dma source(%dma_start3A_168 : memref<640xf32, #tpu.memory_space<vmem_shared>>) target(%dma_start3A_166 : memref<640xf32, #tpu.memory_space<vmem>>) target_semaphore(%run_scoped3A_159 : memref<!tpu.dma_semaphore, #tpu.memory_space<semaphore_mem>>)
      %dma_wait3A = arith.constant 0 : i32
      %dma_wait3A_169 = tpu.memref_slice %arg10[%run_scoped3A_129, %dma_wait3A] : memref<16x640xf32, #tpu.memory_space<vmem>> -> memref<1x640xf32, #tpu.memory_space<vmem>>
      %dma_wait3A_170 = tpu.memref_squeeze %dma_wait3A_169 : memref<1x640xf32, #tpu.memory_space<vmem>> -> memref<640xf32, #tpu.memory_space<vmem>>
      %dma_wait3A_171 = tpu.memref_slice %arg12[%run_scoped3A_128, %mul3A_127] : memref<16x10240xf32, #tpu.memory_space<vmem_shared>> -> memref<1x640xf32, #tpu.memory_space<vmem_shared>>
      %dma_wait3A_172 = tpu.memref_squeeze %dma_wait3A_171 : memref<1x640xf32, #tpu.memory_space<vmem_shared>> -> memref<640xf32, #tpu.memory_space<vmem_shared>>
      %dma_wait3A_173 = arith.constant 0 : i32
      %dma_wait3A_174 = tpu.memref_slice %arg10[%run_scoped3A_129, %dma_wait3A_173] : memref<16x640xf32, #tpu.memory_space<vmem>> -> memref<1x640xf32, #tpu.memory_space<vmem>>
      %dma_wait3A_175 = tpu.memref_squeeze %dma_wait3A_174 : memref<1x640xf32, #tpu.memory_space<vmem>> -> memref<640xf32, #tpu.memory_space<vmem>>
      %dma_wait3A_176 = tpu.memref_slice %arg12[%run_scoped3A_128, %mul3A_127] : memref<16x10240xf32, #tpu.memory_space<vmem_shared>> -> memref<1x640xf32, #tpu.memory_space<vmem_shared>>
      %dma_wait3A_177 = tpu.memref_squeeze %dma_wait3A_176 : memref<1x640xf32, #tpu.memory_space<vmem_shared>> -> memref<640xf32, #tpu.memory_space<vmem_shared>>
      tpu.wait_dma2 semaphore(%run_scoped3A_159 : memref<!tpu.dma_semaphore, #tpu.memory_space<semaphore_mem>>) src(%dma_wait3A_177 : memref<640xf32, #tpu.memory_space<vmem_shared>>) dst(%dma_wait3A_175 : memref<640xf32, #tpu.memory_space<vmem>>)
      tpu.yield
    }) : () -> ()
    %mul3A_130 = arith.constant 640 : i32
    %mul3A_131 = arith.muli %arg1, %mul3A_130 : i32
    %run_scoped3A_132 = arith.constant 11 : i32
    %run_scoped3A_133 = arith.constant 11 : i32
    "tpu.region"() ({
      %run_scoped3A_159 = tpu.sem_alloc : memref<!tpu.dma_semaphore, #tpu.memory_space<semaphore_mem>>
      %dma_start3A = arith.constant 0 : i32
      %dma_start3A_160 = tpu.memref_slice %arg10[%run_scoped3A_133, %dma_start3A] : memref<16x640xf32, #tpu.memory_space<vmem>> -> memref<1x640xf32, #tpu.memory_space<vmem>>
      %dma_start3A_161 = tpu.memref_squeeze %dma_start3A_160 : memref<1x640xf32, #tpu.memory_space<vmem>> -> memref<640xf32, #tpu.memory_space<vmem>>
      %dma_start3A_162 = tpu.memref_slice %arg12[%run_scoped3A_132, %mul3A_131] : memref<16x10240xf32, #tpu.memory_space<vmem_shared>> -> memref<1x640xf32, #tpu.memory_space<vmem_shared>>
      %dma_start3A_163 = tpu.memref_squeeze %dma_start3A_162 : memref<1x640xf32, #tpu.memory_space<vmem_shared>> -> memref<640xf32, #tpu.memory_space<vmem_shared>>
      %dma_start3A_164 = arith.constant 0 : i32
      %dma_start3A_165 = tpu.memref_slice %arg10[%run_scoped3A_133, %dma_start3A_164] : memref<16x640xf32, #tpu.memory_space<vmem>> -> memref<1x640xf32, #tpu.memory_space<vmem>>
      %dma_start3A_166 = tpu.memref_squeeze %dma_start3A_165 : memref<1x640xf32, #tpu.memory_space<vmem>> -> memref<640xf32, #tpu.memory_space<vmem>>
      %dma_start3A_167 = tpu.memref_slice %arg12[%run_scoped3A_132, %mul3A_131] : memref<16x10240xf32, #tpu.memory_space<vmem_shared>> -> memref<1x640xf32, #tpu.memory_space<vmem_shared>>
      %dma_start3A_168 = tpu.memref_squeeze %dma_start3A_167 : memref<1x640xf32, #tpu.memory_space<vmem_shared>> -> memref<640xf32, #tpu.memory_space<vmem_shared>>
      tpu.enqueue_dma source(%dma_start3A_168 : memref<640xf32, #tpu.memory_space<vmem_shared>>) target(%dma_start3A_166 : memref<640xf32, #tpu.memory_space<vmem>>) target_semaphore(%run_scoped3A_159 : memref<!tpu.dma_semaphore, #tpu.memory_space<semaphore_mem>>)
      %dma_wait3A = arith.constant 0 : i32
      %dma_wait3A_169 = tpu.memref_slice %arg10[%run_scoped3A_133, %dma_wait3A] : memref<16x640xf32, #tpu.memory_space<vmem>> -> memref<1x640xf32, #tpu.memory_space<vmem>>
      %dma_wait3A_170 = tpu.memref_squeeze %dma_wait3A_169 : memref<1x640xf32, #tpu.memory_space<vmem>> -> memref<640xf32, #tpu.memory_space<vmem>>
      %dma_wait3A_171 = tpu.memref_slice %arg12[%run_scoped3A_132, %mul3A_131] : memref<16x10240xf32, #tpu.memory_space<vmem_shared>> -> memref<1x640xf32, #tpu.memory_space<vmem_shared>>
      %dma_wait3A_172 = tpu.memref_squeeze %dma_wait3A_171 : memref<1x640xf32, #tpu.memory_space<vmem_shared>> -> memref<640xf32, #tpu.memory_space<vmem_shared>>
      %dma_wait3A_173 = arith.constant 0 : i32
      %dma_wait3A_174 = tpu.memref_slice %arg10[%run_scoped3A_133, %dma_wait3A_173] : memref<16x640xf32, #tpu.memory_space<vmem>> -> memref<1x640xf32, #tpu.memory_space<vmem>>
      %dma_wait3A_175 = tpu.memref_squeeze %dma_wait3A_174 : memref<1x640xf32, #tpu.memory_space<vmem>> -> memref<640xf32, #tpu.memory_space<vmem>>
      %dma_wait3A_176 = tpu.memref_slice %arg12[%run_scoped3A_132, %mul3A_131] : memref<16x10240xf32, #tpu.memory_space<vmem_shared>> -> memref<1x640xf32, #tpu.memory_space<vmem_shared>>
      %dma_wait3A_177 = tpu.memref_squeeze %dma_wait3A_176 : memref<1x640xf32, #tpu.memory_space<vmem_shared>> -> memref<640xf32, #tpu.memory_space<vmem_shared>>
      tpu.wait_dma2 semaphore(%run_scoped3A_159 : memref<!tpu.dma_semaphore, #tpu.memory_space<semaphore_mem>>) src(%dma_wait3A_177 : memref<640xf32, #tpu.memory_space<vmem_shared>>) dst(%dma_wait3A_175 : memref<640xf32, #tpu.memory_space<vmem>>)
      tpu.yield
    }) : () -> ()
    %mul3A_134 = arith.constant 640 : i32
    %mul3A_135 = arith.muli %arg1, %mul3A_134 : i32
    %run_scoped3A_136 = arith.constant 12 : i32
    %run_scoped3A_137 = arith.constant 12 : i32
    "tpu.region"() ({
      %run_scoped3A_159 = tpu.sem_alloc : memref<!tpu.dma_semaphore, #tpu.memory_space<semaphore_mem>>
      %dma_start3A = arith.constant 0 : i32
      %dma_start3A_160 = tpu.memref_slice %arg10[%run_scoped3A_137, %dma_start3A] : memref<16x640xf32, #tpu.memory_space<vmem>> -> memref<1x640xf32, #tpu.memory_space<vmem>>
      %dma_start3A_161 = tpu.memref_squeeze %dma_start3A_160 : memref<1x640xf32, #tpu.memory_space<vmem>> -> memref<640xf32, #tpu.memory_space<vmem>>
      %dma_start3A_162 = tpu.memref_slice %arg12[%run_scoped3A_136, %mul3A_135] : memref<16x10240xf32, #tpu.memory_space<vmem_shared>> -> memref<1x640xf32, #tpu.memory_space<vmem_shared>>
      %dma_start3A_163 = tpu.memref_squeeze %dma_start3A_162 : memref<1x640xf32, #tpu.memory_space<vmem_shared>> -> memref<640xf32, #tpu.memory_space<vmem_shared>>
      %dma_start3A_164 = arith.constant 0 : i32
      %dma_start3A_165 = tpu.memref_slice %arg10[%run_scoped3A_137, %dma_start3A_164] : memref<16x640xf32, #tpu.memory_space<vmem>> -> memref<1x640xf32, #tpu.memory_space<vmem>>
      %dma_start3A_166 = tpu.memref_squeeze %dma_start3A_165 : memref<1x640xf32, #tpu.memory_space<vmem>> -> memref<640xf32, #tpu.memory_space<vmem>>
      %dma_start3A_167 = tpu.memref_slice %arg12[%run_scoped3A_136, %mul3A_135] : memref<16x10240xf32, #tpu.memory_space<vmem_shared>> -> memref<1x640xf32, #tpu.memory_space<vmem_shared>>
      %dma_start3A_168 = tpu.memref_squeeze %dma_start3A_167 : memref<1x640xf32, #tpu.memory_space<vmem_shared>> -> memref<640xf32, #tpu.memory_space<vmem_shared>>
      tpu.enqueue_dma source(%dma_start3A_168 : memref<640xf32, #tpu.memory_space<vmem_shared>>) target(%dma_start3A_166 : memref<640xf32, #tpu.memory_space<vmem>>) target_semaphore(%run_scoped3A_159 : memref<!tpu.dma_semaphore, #tpu.memory_space<semaphore_mem>>)
      %dma_wait3A = arith.constant 0 : i32
      %dma_wait3A_169 = tpu.memref_slice %arg10[%run_scoped3A_137, %dma_wait3A] : memref<16x640xf32, #tpu.memory_space<vmem>> -> memref<1x640xf32, #tpu.memory_space<vmem>>
      %dma_wait3A_170 = tpu.memref_squeeze %dma_wait3A_169 : memref<1x640xf32, #tpu.memory_space<vmem>> -> memref<640xf32, #tpu.memory_space<vmem>>
      %dma_wait3A_171 = tpu.memref_slice %arg12[%run_scoped3A_136, %mul3A_135] : memref<16x10240xf32, #tpu.memory_space<vmem_shared>> -> memref<1x640xf32, #tpu.memory_space<vmem_shared>>
      %dma_wait3A_172 = tpu.memref_squeeze %dma_wait3A_171 : memref<1x640xf32, #tpu.memory_space<vmem_shared>> -> memref<640xf32, #tpu.memory_space<vmem_shared>>
      %dma_wait3A_173 = arith.constant 0 : i32
      %dma_wait3A_174 = tpu.memref_slice %arg10[%run_scoped3A_137, %dma_wait3A_173] : memref<16x640xf32, #tpu.memory_space<vmem>> -> memref<1x640xf32, #tpu.memory_space<vmem>>
      %dma_wait3A_175 = tpu.memref_squeeze %dma_wait3A_174 : memref<1x640xf32, #tpu.memory_space<vmem>> -> memref<640xf32, #tpu.memory_space<vmem>>
      %dma_wait3A_176 = tpu.memref_slice %arg12[%run_scoped3A_136, %mul3A_135] : memref<16x10240xf32, #tpu.memory_space<vmem_shared>> -> memref<1x640xf32, #tpu.memory_space<vmem_shared>>
      %dma_wait3A_177 = tpu.memref_squeeze %dma_wait3A_176 : memref<1x640xf32, #tpu.memory_space<vmem_shared>> -> memref<640xf32, #tpu.memory_space<vmem_shared>>
      tpu.wait_dma2 semaphore(%run_scoped3A_159 : memref<!tpu.dma_semaphore, #tpu.memory_space<semaphore_mem>>) src(%dma_wait3A_177 : memref<640xf32, #tpu.memory_space<vmem_shared>>) dst(%dma_wait3A_175 : memref<640xf32, #tpu.memory_space<vmem>>)
      tpu.yield
    }) : () -> ()
    %mul3A_138 = arith.constant 640 : i32
    %mul3A_139 = arith.muli %arg1, %mul3A_138 : i32
    %run_scoped3A_140 = arith.constant 13 : i32
    %run_scoped3A_141 = arith.constant 13 : i32
    "tpu.region"() ({
      %run_scoped3A_159 = tpu.sem_alloc : memref<!tpu.dma_semaphore, #tpu.memory_space<semaphore_mem>>
      %dma_start3A = arith.constant 0 : i32
      %dma_start3A_160 = tpu.memref_slice %arg10[%run_scoped3A_141, %dma_start3A] : memref<16x640xf32, #tpu.memory_space<vmem>> -> memref<1x640xf32, #tpu.memory_space<vmem>>
      %dma_start3A_161 = tpu.memref_squeeze %dma_start3A_160 : memref<1x640xf32, #tpu.memory_space<vmem>> -> memref<640xf32, #tpu.memory_space<vmem>>
      %dma_start3A_162 = tpu.memref_slice %arg12[%run_scoped3A_140, %mul3A_139] : memref<16x10240xf32, #tpu.memory_space<vmem_shared>> -> memref<1x640xf32, #tpu.memory_space<vmem_shared>>
      %dma_start3A_163 = tpu.memref_squeeze %dma_start3A_162 : memref<1x640xf32, #tpu.memory_space<vmem_shared>> -> memref<640xf32, #tpu.memory_space<vmem_shared>>
      %dma_start3A_164 = arith.constant 0 : i32
      %dma_start3A_165 = tpu.memref_slice %arg10[%run_scoped3A_141, %dma_start3A_164] : memref<16x640xf32, #tpu.memory_space<vmem>> -> memref<1x640xf32, #tpu.memory_space<vmem>>
      %dma_start3A_166 = tpu.memref_squeeze %dma_start3A_165 : memref<1x640xf32, #tpu.memory_space<vmem>> -> memref<640xf32, #tpu.memory_space<vmem>>
      %dma_start3A_167 = tpu.memref_slice %arg12[%run_scoped3A_140, %mul3A_139] : memref<16x10240xf32, #tpu.memory_space<vmem_shared>> -> memref<1x640xf32, #tpu.memory_space<vmem_shared>>
      %dma_start3A_168 = tpu.memref_squeeze %dma_start3A_167 : memref<1x640xf32, #tpu.memory_space<vmem_shared>> -> memref<640xf32, #tpu.memory_space<vmem_shared>>
      tpu.enqueue_dma source(%dma_start3A_168 : memref<640xf32, #tpu.memory_space<vmem_shared>>) target(%dma_start3A_166 : memref<640xf32, #tpu.memory_space<vmem>>) target_semaphore(%run_scoped3A_159 : memref<!tpu.dma_semaphore, #tpu.memory_space<semaphore_mem>>)
      %dma_wait3A = arith.constant 0 : i32
      %dma_wait3A_169 = tpu.memref_slice %arg10[%run_scoped3A_141, %dma_wait3A] : memref<16x640xf32, #tpu.memory_space<vmem>> -> memref<1x640xf32, #tpu.memory_space<vmem>>
      %dma_wait3A_170 = tpu.memref_squeeze %dma_wait3A_169 : memref<1x640xf32, #tpu.memory_space<vmem>> -> memref<640xf32, #tpu.memory_space<vmem>>
      %dma_wait3A_171 = tpu.memref_slice %arg12[%run_scoped3A_140, %mul3A_139] : memref<16x10240xf32, #tpu.memory_space<vmem_shared>> -> memref<1x640xf32, #tpu.memory_space<vmem_shared>>
      %dma_wait3A_172 = tpu.memref_squeeze %dma_wait3A_171 : memref<1x640xf32, #tpu.memory_space<vmem_shared>> -> memref<640xf32, #tpu.memory_space<vmem_shared>>
      %dma_wait3A_173 = arith.constant 0 : i32
      %dma_wait3A_174 = tpu.memref_slice %arg10[%run_scoped3A_141, %dma_wait3A_173] : memref<16x640xf32, #tpu.memory_space<vmem>> -> memref<1x640xf32, #tpu.memory_space<vmem>>
      %dma_wait3A_175 = tpu.memref_squeeze %dma_wait3A_174 : memref<1x640xf32, #tpu.memory_space<vmem>> -> memref<640xf32, #tpu.memory_space<vmem>>
      %dma_wait3A_176 = tpu.memref_slice %arg12[%run_scoped3A_140, %mul3A_139] : memref<16x10240xf32, #tpu.memory_space<vmem_shared>> -> memref<1x640xf32, #tpu.memory_space<vmem_shared>>
      %dma_wait3A_177 = tpu.memref_squeeze %dma_wait3A_176 : memref<1x640xf32, #tpu.memory_space<vmem_shared>> -> memref<640xf32, #tpu.memory_space<vmem_shared>>
      tpu.wait_dma2 semaphore(%run_scoped3A_159 : memref<!tpu.dma_semaphore, #tpu.memory_space<semaphore_mem>>) src(%dma_wait3A_177 : memref<640xf32, #tpu.memory_space<vmem_shared>>) dst(%dma_wait3A_175 : memref<640xf32, #tpu.memory_space<vmem>>)
      tpu.yield
    }) : () -> ()
    %mul3A_142 = arith.constant 640 : i32
    %mul3A_143 = arith.muli %arg1, %mul3A_142 : i32
    %run_scoped3A_144 = arith.constant 14 : i32
    %run_scoped3A_145 = arith.constant 14 : i32
    "tpu.region"() ({
      %run_scoped3A_159 = tpu.sem_alloc : memref<!tpu.dma_semaphore, #tpu.memory_space<semaphore_mem>>
      %dma_start3A = arith.constant 0 : i32
      %dma_start3A_160 = tpu.memref_slice %arg10[%run_scoped3A_145, %dma_start3A] : memref<16x640xf32, #tpu.memory_space<vmem>> -> memref<1x640xf32, #tpu.memory_space<vmem>>
      %dma_start3A_161 = tpu.memref_squeeze %dma_start3A_160 : memref<1x640xf32, #tpu.memory_space<vmem>> -> memref<640xf32, #tpu.memory_space<vmem>>
      %dma_start3A_162 = tpu.memref_slice %arg12[%run_scoped3A_144, %mul3A_143] : memref<16x10240xf32, #tpu.memory_space<vmem_shared>> -> memref<1x640xf32, #tpu.memory_space<vmem_shared>>
      %dma_start3A_163 = tpu.memref_squeeze %dma_start3A_162 : memref<1x640xf32, #tpu.memory_space<vmem_shared>> -> memref<640xf32, #tpu.memory_space<vmem_shared>>
      %dma_start3A_164 = arith.constant 0 : i32
      %dma_start3A_165 = tpu.memref_slice %arg10[%run_scoped3A_145, %dma_start3A_164] : memref<16x640xf32, #tpu.memory_space<vmem>> -> memref<1x640xf32, #tpu.memory_space<vmem>>
      %dma_start3A_166 = tpu.memref_squeeze %dma_start3A_165 : memref<1x640xf32, #tpu.memory_space<vmem>> -> memref<640xf32, #tpu.memory_space<vmem>>
      %dma_start3A_167 = tpu.memref_slice %arg12[%run_scoped3A_144, %mul3A_143] : memref<16x10240xf32, #tpu.memory_space<vmem_shared>> -> memref<1x640xf32, #tpu.memory_space<vmem_shared>>
      %dma_start3A_168 = tpu.memref_squeeze %dma_start3A_167 : memref<1x640xf32, #tpu.memory_space<vmem_shared>> -> memref<640xf32, #tpu.memory_space<vmem_shared>>
      tpu.enqueue_dma source(%dma_start3A_168 : memref<640xf32, #tpu.memory_space<vmem_shared>>) target(%dma_start3A_166 : memref<640xf32, #tpu.memory_space<vmem>>) target_semaphore(%run_scoped3A_159 : memref<!tpu.dma_semaphore, #tpu.memory_space<semaphore_mem>>)
      %dma_wait3A = arith.constant 0 : i32
      %dma_wait3A_169 = tpu.memref_slice %arg10[%run_scoped3A_145, %dma_wait3A] : memref<16x640xf32, #tpu.memory_space<vmem>> -> memref<1x640xf32, #tpu.memory_space<vmem>>
      %dma_wait3A_170 = tpu.memref_squeeze %dma_wait3A_169 : memref<1x640xf32, #tpu.memory_space<vmem>> -> memref<640xf32, #tpu.memory_space<vmem>>
      %dma_wait3A_171 = tpu.memref_slice %arg12[%run_scoped3A_144, %mul3A_143] : memref<16x10240xf32, #tpu.memory_space<vmem_shared>> -> memref<1x640xf32, #tpu.memory_space<vmem_shared>>
      %dma_wait3A_172 = tpu.memref_squeeze %dma_wait3A_171 : memref<1x640xf32, #tpu.memory_space<vmem_shared>> -> memref<640xf32, #tpu.memory_space<vmem_shared>>
      %dma_wait3A_173 = arith.constant 0 : i32
      %dma_wait3A_174 = tpu.memref_slice %arg10[%run_scoped3A_145, %dma_wait3A_173] : memref<16x640xf32, #tpu.memory_space<vmem>> -> memref<1x640xf32, #tpu.memory_space<vmem>>
      %dma_wait3A_175 = tpu.memref_squeeze %dma_wait3A_174 : memref<1x640xf32, #tpu.memory_space<vmem>> -> memref<640xf32, #tpu.memory_space<vmem>>
      %dma_wait3A_176 = tpu.memref_slice %arg12[%run_scoped3A_144, %mul3A_143] : memref<16x10240xf32, #tpu.memory_space<vmem_shared>> -> memref<1x640xf32, #tpu.memory_space<vmem_shared>>
      %dma_wait3A_177 = tpu.memref_squeeze %dma_wait3A_176 : memref<1x640xf32, #tpu.memory_space<vmem_shared>> -> memref<640xf32, #tpu.memory_space<vmem_shared>>
      tpu.wait_dma2 semaphore(%run_scoped3A_159 : memref<!tpu.dma_semaphore, #tpu.memory_space<semaphore_mem>>) src(%dma_wait3A_177 : memref<640xf32, #tpu.memory_space<vmem_shared>>) dst(%dma_wait3A_175 : memref<640xf32, #tpu.memory_space<vmem>>)
      tpu.yield
    }) : () -> ()
    %mul3A_146 = arith.constant 640 : i32
    %mul3A_147 = arith.muli %arg1, %mul3A_146 : i32
    %run_scoped3A_148 = arith.constant 15 : i32
    %run_scoped3A_149 = arith.constant 15 : i32
    "tpu.region"() ({
      %run_scoped3A_159 = tpu.sem_alloc : memref<!tpu.dma_semaphore, #tpu.memory_space<semaphore_mem>>
      %dma_start3A = arith.constant 0 : i32
      %dma_start3A_160 = tpu.memref_slice %arg10[%run_scoped3A_149, %dma_start3A] : memref<16x640xf32, #tpu.memory_space<vmem>> -> memref<1x640xf32, #tpu.memory_space<vmem>>
      %dma_start3A_161 = tpu.memref_squeeze %dma_start3A_160 : memref<1x640xf32, #tpu.memory_space<vmem>> -> memref<640xf32, #tpu.memory_space<vmem>>
      %dma_start3A_162 = tpu.memref_slice %arg12[%run_scoped3A_148, %mul3A_147] : memref<16x10240xf32, #tpu.memory_space<vmem_shared>> -> memref<1x640xf32, #tpu.memory_space<vmem_shared>>
      %dma_start3A_163 = tpu.memref_squeeze %dma_start3A_162 : memref<1x640xf32, #tpu.memory_space<vmem_shared>> -> memref<640xf32, #tpu.memory_space<vmem_shared>>
      %dma_start3A_164 = arith.constant 0 : i32
      %dma_start3A_165 = tpu.memref_slice %arg10[%run_scoped3A_149, %dma_start3A_164] : memref<16x640xf32, #tpu.memory_space<vmem>> -> memref<1x640xf32, #tpu.memory_space<vmem>>
      %dma_start3A_166 = tpu.memref_squeeze %dma_start3A_165 : memref<1x640xf32, #tpu.memory_space<vmem>> -> memref<640xf32, #tpu.memory_space<vmem>>
      %dma_start3A_167 = tpu.memref_slice %arg12[%run_scoped3A_148, %mul3A_147] : memref<16x10240xf32, #tpu.memory_space<vmem_shared>> -> memref<1x640xf32, #tpu.memory_space<vmem_shared>>
      %dma_start3A_168 = tpu.memref_squeeze %dma_start3A_167 : memref<1x640xf32, #tpu.memory_space<vmem_shared>> -> memref<640xf32, #tpu.memory_space<vmem_shared>>
      tpu.enqueue_dma source(%dma_start3A_168 : memref<640xf32, #tpu.memory_space<vmem_shared>>) target(%dma_start3A_166 : memref<640xf32, #tpu.memory_space<vmem>>) target_semaphore(%run_scoped3A_159 : memref<!tpu.dma_semaphore, #tpu.memory_space<semaphore_mem>>)
      %dma_wait3A = arith.constant 0 : i32
      %dma_wait3A_169 = tpu.memref_slice %arg10[%run_scoped3A_149, %dma_wait3A] : memref<16x640xf32, #tpu.memory_space<vmem>> -> memref<1x640xf32, #tpu.memory_space<vmem>>
      %dma_wait3A_170 = tpu.memref_squeeze %dma_wait3A_169 : memref<1x640xf32, #tpu.memory_space<vmem>> -> memref<640xf32, #tpu.memory_space<vmem>>
      %dma_wait3A_171 = tpu.memref_slice %arg12[%run_scoped3A_148, %mul3A_147] : memref<16x10240xf32, #tpu.memory_space<vmem_shared>> -> memref<1x640xf32, #tpu.memory_space<vmem_shared>>
      %dma_wait3A_172 = tpu.memref_squeeze %dma_wait3A_171 : memref<1x640xf32, #tpu.memory_space<vmem_shared>> -> memref<640xf32, #tpu.memory_space<vmem_shared>>
      %dma_wait3A_173 = arith.constant 0 : i32
      %dma_wait3A_174 = tpu.memref_slice %arg10[%run_scoped3A_149, %dma_wait3A_173] : memref<16x640xf32, #tpu.memory_space<vmem>> -> memref<1x640xf32, #tpu.memory_space<vmem>>
      %dma_wait3A_175 = tpu.memref_squeeze %dma_wait3A_174 : memref<1x640xf32, #tpu.memory_space<vmem>> -> memref<640xf32, #tpu.memory_space<vmem>>
      %dma_wait3A_176 = tpu.memref_slice %arg12[%run_scoped3A_148, %mul3A_147] : memref<16x10240xf32, #tpu.memory_space<vmem_shared>> -> memref<1x640xf32, #tpu.memory_space<vmem_shared>>
      %dma_wait3A_177 = tpu.memref_squeeze %dma_wait3A_176 : memref<1x640xf32, #tpu.memory_space<vmem_shared>> -> memref<640xf32, #tpu.memory_space<vmem_shared>>
      tpu.wait_dma2 semaphore(%run_scoped3A_159 : memref<!tpu.dma_semaphore, #tpu.memory_space<semaphore_mem>>) src(%dma_wait3A_177 : memref<640xf32, #tpu.memory_space<vmem_shared>>) dst(%dma_wait3A_175 : memref<640xf32, #tpu.memory_space<vmem>>)
      tpu.yield
    }) : () -> ()
    %scan3A_150 = arith.constant 0 : i32
    %scan3A_151 = arith.constant 0 : i32
    %scan3A_152 = arith.constant 40 : i32
    %scan3A_153 = arith.addi %scan3A_151, %scan3A_152 : i32
    %scan3A_154 = arith.constant 1 : i32
    scf.for %scan3A_159 = %scan3A_151 to %scan3A_153 step %scan3A_154  : i32 {
      %mul3A_160 = arith.constant 16 : i32
      %mul3A_161 = arith.muli %scan3A_159, %mul3A_160 : i32
      %get3A = arith.constant 0 : i32
      %get3A_162 = arith.index_cast %get3A : i32 to index
      %get3A_163 = arith.index_cast %mul3A_161 : i32 to index
      %get3A_164 = tpu.vector_load %arg10[%get3A_162, %get3A_163] {strides = array<i32>} : memref<16x640xf32, #tpu.memory_space<vmem>>, vector<16xf32>,
      %mul3A_165 = arith.constant 16 : i32
      %mul3A_166 = arith.muli %scan3A_159, %mul3A_165 : i32
      %get3A_167 = arith.constant 1 : i32
      %get3A_168 = arith.index_cast %get3A_167 : i32 to index
      %get3A_169 = arith.index_cast %mul3A_166 : i32 to index
      %get3A_170 = tpu.vector_load %arg10[%get3A_168, %get3A_169] {strides = array<i32>} : memref<16x640xf32, #tpu.memory_space<vmem>>, vector<16xf32>,
      %add3A_171 = arith.addf %get3A_164, %get3A_170 : vector<16xf32>
      %mul3A_172 = arith.constant 16 : i32
      %mul3A_173 = arith.muli %scan3A_159, %mul3A_172 : i32
      %get3A_174 = arith.constant 2 : i32
      %get3A_175 = arith.index_cast %get3A_174 : i32 to index
      %get3A_176 = arith.index_cast %mul3A_173 : i32 to index
      %get3A_177 = tpu.vector_load %arg10[%get3A_175, %get3A_176] {strides = array<i32>} : memref<16x640xf32, #tpu.memory_space<vmem>>, vector<16xf32>,
      %add3A_178 = arith.addf %add3A_171, %get3A_177 : vector<16xf32>
      %mul3A_179 = arith.constant 16 : i32
      %mul3A_180 = arith.muli %scan3A_159, %mul3A_179 : i32
      %get3A_181 = arith.constant 3 : i32
      %get3A_182 = arith.index_cast %get3A_181 : i32 to index
      %get3A_183 = arith.index_cast %mul3A_180 : i32 to index
      %get3A_184 = tpu.vector_load %arg10[%get3A_182, %get3A_183] {strides = array<i32>} : memref<16x640xf32, #tpu.memory_space<vmem>>, vector<16xf32>,
      %add3A_185 = arith.addf %add3A_178, %get3A_184 : vector<16xf32>
      %mul3A_186 = arith.constant 16 : i32
      %mul3A_187 = arith.muli %scan3A_159, %mul3A_186 : i32
      %get3A_188 = arith.constant 4 : i32
      %get3A_189 = arith.index_cast %get3A_188 : i32 to index
      %get3A_190 = arith.index_cast %mul3A_187 : i32 to index
      %get3A_191 = tpu.vector_load %arg10[%get3A_189, %get3A_190] {strides = array<i32>} : memref<16x640xf32, #tpu.memory_space<vmem>>, vector<16xf32>,
      %add3A_192 = arith.addf %add3A_185, %get3A_191 : vector<16xf32>
      %mul3A_193 = arith.constant 16 : i32
      %mul3A_194 = arith.muli %scan3A_159, %mul3A_193 : i32
      %get3A_195 = arith.constant 5 : i32
      %get3A_196 = arith.index_cast %get3A_195 : i32 to index
      %get3A_197 = arith.index_cast %mul3A_194 : i32 to index
      %get3A_198 = tpu.vector_load %arg10[%get3A_196, %get3A_197] {strides = array<i32>} : memref<16x640xf32, #tpu.memory_space<vmem>>, vector<16xf32>,
      %add3A_199 = arith.addf %add3A_192, %get3A_198 : vector<16xf32>
      %mul3A_200 = arith.constant 16 : i32
      %mul3A_201 = arith.muli %scan3A_159, %mul3A_200 : i32
      %get3A_202 = arith.constant 6 : i32
      %get3A_203 = arith.index_cast %get3A_202 : i32 to index
      %get3A_204 = arith.index_cast %mul3A_201 : i32 to index
      %get3A_205 = tpu.vector_load %arg10[%get3A_203, %get3A_204] {strides = array<i32>} : memref<16x640xf32, #tpu.memory_space<vmem>>, vector<16xf32>,
      %add3A_206 = arith.addf %add3A_199, %get3A_205 : vector<16xf32>
      %mul3A_207 = arith.constant 16 : i32
      %mul3A_208 = arith.muli %scan3A_159, %mul3A_207 : i32
      %get3A_209 = arith.constant 7 : i32
      %get3A_210 = arith.index_cast %get3A_209 : i32 to index
      %get3A_211 = arith.index_cast %mul3A_208 : i32 to index
      %get3A_212 = tpu.vector_load %arg10[%get3A_210, %get3A_211] {strides = array<i32>} : memref<16x640xf32, #tpu.memory_space<vmem>>, vector<16xf32>,
      %add3A_213 = arith.addf %add3A_206, %get3A_212 : vector<16xf32>
      %mul3A_214 = arith.constant 16 : i32
      %mul3A_215 = arith.muli %scan3A_159, %mul3A_214 : i32
      %get3A_216 = arith.constant 8 : i32
      %get3A_217 = arith.index_cast %get3A_216 : i32 to index
      %get3A_218 = arith.index_cast %mul3A_215 : i32 to index
      %get3A_219 = tpu.vector_load %arg10[%get3A_217, %get3A_218] {strides = array<i32>} : memref<16x640xf32, #tpu.memory_space<vmem>>, vector<16xf32>,
      %add3A_220 = arith.addf %add3A_213, %get3A_219 : vector<16xf32>
      %mul3A_221 = arith.constant 16 : i32
      %mul3A_222 = arith.muli %scan3A_159, %mul3A_221 : i32
      %get3A_223 = arith.constant 9 : i32
      %get3A_224 = arith.index_cast %get3A_223 : i32 to index
      %get3A_225 = arith.index_cast %mul3A_222 : i32 to index
      %get3A_226 = tpu.vector_load %arg10[%get3A_224, %get3A_225] {strides = array<i32>} : memref<16x640xf32, #tpu.memory_space<vmem>>, vector<16xf32>,
      %add3A_227 = arith.addf %add3A_220, %get3A_226 : vector<16xf32>
      %mul3A_228 = arith.constant 16 : i32
      %mul3A_229 = arith.muli %scan3A_159, %mul3A_228 : i32
      %get3A_230 = arith.constant 10 : i32
      %get3A_231 = arith.index_cast %get3A_230 : i32 to index
      %get3A_232 = arith.index_cast %mul3A_229 : i32 to index
      %get3A_233 = tpu.vector_load %arg10[%get3A_231, %get3A_232] {strides = array<i32>} : memref<16x640xf32, #tpu.memory_space<vmem>>, vector<16xf32>,
      %add3A_234 = arith.addf %add3A_227, %get3A_233 : vector<16xf32>
      %mul3A_235 = arith.constant 16 : i32
      %mul3A_236 = arith.muli %scan3A_159, %mul3A_235 : i32
      %get3A_237 = arith.constant 11 : i32
      %get3A_238 = arith.index_cast %get3A_237 : i32 to index
      %get3A_239 = arith.index_cast %mul3A_236 : i32 to index
      %get3A_240 = tpu.vector_load %arg10[%get3A_238, %get3A_239] {strides = array<i32>} : memref<16x640xf32, #tpu.memory_space<vmem>>, vector<16xf32>,
      %add3A_241 = arith.addf %add3A_234, %get3A_240 : vector<16xf32>
      %mul3A_242 = arith.constant 16 : i32
      %mul3A_243 = arith.muli %scan3A_159, %mul3A_242 : i32
      %get3A_244 = arith.constant 12 : i32
      %get3A_245 = arith.index_cast %get3A_244 : i32 to index
      %get3A_246 = arith.index_cast %mul3A_243 : i32 to index
      %get3A_247 = tpu.vector_load %arg10[%get3A_245, %get3A_246] {strides = array<i32>} : memref<16x640xf32, #tpu.memory_space<vmem>>, vector<16xf32>,
      %add3A_248 = arith.addf %add3A_241, %get3A_247 : vector<16xf32>
      %mul3A_249 = arith.constant 16 : i32
      %mul3A_250 = arith.muli %scan3A_159, %mul3A_249 : i32
      %get3A_251 = arith.constant 13 : i32
      %get3A_252 = arith.index_cast %get3A_251 : i32 to index
      %get3A_253 = arith.index_cast %mul3A_250 : i32 to index
      %get3A_254 = tpu.vector_load %arg10[%get3A_252, %get3A_253] {strides = array<i32>} : memref<16x640xf32, #tpu.memory_space<vmem>>, vector<16xf32>,
      %add3A_255 = arith.addf %add3A_248, %get3A_254 : vector<16xf32>
      %mul3A_256 = arith.constant 16 : i32
      %mul3A_257 = arith.muli %scan3A_159, %mul3A_256 : i32
      %get3A_258 = arith.constant 14 : i32
      %get3A_259 = arith.index_cast %get3A_258 : i32 to index
      %get3A_260 = arith.index_cast %mul3A_257 : i32 to index
      %get3A_261 = tpu.vector_load %arg10[%get3A_259, %get3A_260] {strides = array<i32>} : memref<16x640xf32, #tpu.memory_space<vmem>>, vector<16xf32>,
      %add3A_262 = arith.addf %add3A_255, %get3A_261 : vector<16xf32>
      %mul3A_263 = arith.constant 16 : i32
      %mul3A_264 = arith.muli %scan3A_159, %mul3A_263 : i32
      %get3A_265 = arith.constant 15 : i32
      %get3A_266 = arith.index_cast %get3A_265 : i32 to index
      %get3A_267 = arith.index_cast %mul3A_264 : i32 to index
      %get3A_268 = tpu.vector_load %arg10[%get3A_266, %get3A_267] {strides = array<i32>} : memref<16x640xf32, #tpu.memory_space<vmem>>, vector<16xf32>,
      %add3A_269 = arith.addf %add3A_262, %get3A_268 : vector<16xf32>
      %mul3A_270 = arith.constant 16 : i32
      %mul3A_271 = arith.muli %scan3A_159, %mul3A_270 : i32
      %swap3A = arith.index_cast %mul3A_271 : i32 to index
      %swap3A_272 = tpu.vector_load %arg11[%swap3A] {strides = array<i32>} : memref<640xf32, #tpu.memory_space<vmem>>, vector<16xf32>,
      tpu.vector_store %arg11[%swap3A], %add3A_269 {strides = array<i32>} : memref<640xf32, #tpu.memory_space<vmem>>, vector<16xf32>,
    }
    %scan3A_155 = arith.constant 40 : i32
    %mul3A_156 = arith.constant 640 : i32
    %mul3A_157 = arith.muli %arg1, %mul3A_156 : i32
    "tpu.region"() ({
      %run_scoped3A_159 = tpu.sem_alloc : memref<!tpu.dma_semaphore, #tpu.memory_space<semaphore_mem>>
      %dma_start3A = tpu.memref_slice %arg5[%arg0, %mul3A_157] : memref<2x10240xf32, #tpu.memory_space<hbm>> -> memref<1x640xf32, #tpu.memory_space<hbm>>
      %dma_start3A_160 = tpu.memref_squeeze %dma_start3A : memref<1x640xf32, #tpu.memory_space<hbm>> -> memref<640xf32, #tpu.memory_space<hbm>>
      %dma_start3A_161 = tpu.memref_slice %arg5[%arg0, %mul3A_157] : memref<2x10240xf32, #tpu.memory_space<hbm>> -> memref<1x640xf32, #tpu.memory_space<hbm>>
      %dma_start3A_162 = tpu.memref_squeeze %dma_start3A_161 : memref<1x640xf32, #tpu.memory_space<hbm>> -> memref<640xf32, #tpu.memory_space<hbm>>
      tpu.enqueue_dma source(%arg11 : memref<640xf32, #tpu.memory_space<vmem>>) target(%dma_start3A_162 : memref<640xf32, #tpu.memory_space<hbm>>) target_semaphore(%run_scoped3A_159 : memref<!tpu.dma_semaphore, #tpu.memory_space<semaphore_mem>>)
      %dma_wait3A = tpu.memref_slice %arg5[%arg0, %mul3A_157] : memref<2x10240xf32, #tpu.memory_space<hbm>> -> memref<1x640xf32, #tpu.memory_space<hbm>>
      %dma_wait3A_163 = tpu.memref_squeeze %dma_wait3A : memref<1x640xf32, #tpu.memory_space<hbm>> -> memref<640xf32, #tpu.memory_space<hbm>>
      %dma_wait3A_164 = tpu.memref_slice %arg5[%arg0, %mul3A_157] : memref<2x10240xf32, #tpu.memory_space<hbm>> -> memref<1x640xf32, #tpu.memory_space<hbm>>
      %dma_wait3A_165 = tpu.memref_squeeze %dma_wait3A_164 : memref<1x640xf32, #tpu.memory_space<hbm>> -> memref<640xf32, #tpu.memory_space<hbm>>
      tpu.wait_dma2 semaphore(%run_scoped3A_159 : memref<!tpu.dma_semaphore, #tpu.memory_space<semaphore_mem>>) src(%arg11 : memref<640xf32, #tpu.memory_space<vmem>>) dst(%dma_wait3A_165 : memref<640xf32, #tpu.memory_space<hbm>>)
      tpu.yield
    }) : () -> ()
    %barrier3A_158 = arith.constant 0 : index
    tpu.barrier barrier_id(%barrier3A_158)
    return
  }
}

module attributes {stable_mosaic.version = 14 : i64} {
  func.func @_scale_body(%arg0: memref<2x10240xf32, #tpu.memory_space<vmem>>, %arg1: memref<10240x128xf32, #tpu.memory_space<vmem>>, %arg2: memref<10240x128xf32, #tpu.memory_space<vmem>>) attributes {dimension_semantics = [], scalar_prefetch = 0 : i64, scratch_operands = 0 : i64, tpu.core_type = #tpu.core_type<tc>} {
    %get3A = arith.constant 0 : index
    %get3A_0 = arith.constant 0 : index
    %get3A_1 = vector.load %arg0[%get3A, %get3A_0] : memref<2x10240xf32, #tpu.memory_space<vmem>>, vector<1x10240xf32>
    %get3A_2 = vector.shape_cast %get3A_1 : vector<1x10240xf32> to vector<10240xf32>
    %get3A_3 = arith.constant 1 : index
    %get3A_4 = arith.constant 0 : index
    %get3A_5 = vector.load %arg0[%get3A_3, %get3A_4] : memref<2x10240xf32, #tpu.memory_space<vmem>>, vector<1x10240xf32>
    %get3A_6 = vector.shape_cast %get3A_5 : vector<1x10240xf32> to vector<10240xf32>
    %add3A = arith.addf %get3A_2, %get3A_6 : vector<10240xf32>
    %max3A = arith.constant 1.000000e+00 : f32
    %max3A_7 = vector.broadcast %max3A : f32 to vector<10240xf32>
    %max3A_8 = arith.maximumf %add3A, %max3A_7 : vector<10240xf32>
    %rsqrt3A = math.rsqrt %max3A_8 : vector<10240xf32>
    %get3A_9 = arith.constant 0 : index
    %get3A_10 = arith.constant 0 : index
    %get3A_11 = vector.load %arg1[%get3A_9, %get3A_10] : memref<10240x128xf32, #tpu.memory_space<vmem>>, vector<10240x128xf32>
    %broadcast_in_dim3A = vector.shape_cast %rsqrt3A : vector<10240xf32> to vector<10240x1xf32>
    %mul3A = vector.broadcast %broadcast_in_dim3A : vector<10240x1xf32> to vector<10240x128xf32>
    %mul3A_12 = arith.mulf %get3A_11, %mul3A : vector<10240x128xf32>
    %swap3A = arith.constant 0 : index
    %swap3A_13 = arith.constant 0 : index
    %swap3A_14 = vector.load %arg2[%swap3A, %swap3A_13] : memref<10240x128xf32, #tpu.memory_space<vmem>>, vector<10240x128xf32>
    tpu.vector_store %arg2[%swap3A, %swap3A_13], %mul3A_12 {strides = array<i32>} : memref<10240x128xf32, #tpu.memory_space<vmem>>, vector<10240x128xf32>,
    return
  }
}

module attributes {stable_mosaic.version = 14 : i64} {
  func.func @_out_body(%arg0: memref<2x10240xf32, #tpu.memory_space<vmem>>, %arg1: memref<2x10240x128xf32, #tpu.memory_space<vmem>>, %arg2: memref<10000x128xf32, #tpu.memory_space<vmem>>, %arg3: memref<128x128xf32, #tpu.memory_space<vmem>>, %arg4: memref<128xf32, #tpu.memory_space<vmem>>, %arg5: memref<10000x128xf32, #tpu.memory_space<vmem>>) attributes {dimension_semantics = [], scalar_prefetch = 0 : i64, scratch_operands = 0 : i64, tpu.core_type = #tpu.core_type<tc>} {
    %get3A = arith.constant 0 : index
    %get3A_0 = arith.constant 0 : index
    %get3A_1 = vector.load %arg0[%get3A, %get3A_0] : memref<2x10240xf32, #tpu.memory_space<vmem>>, vector<1x10240xf32>
    %get3A_2 = vector.shape_cast %get3A_1 : vector<1x10240xf32> to vector<10240xf32>
    %get3A_3 = arith.constant 1 : index
    %get3A_4 = arith.constant 0 : index
    %get3A_5 = vector.load %arg0[%get3A_3, %get3A_4] : memref<2x10240xf32, #tpu.memory_space<vmem>>, vector<1x10240xf32>
    %get3A_6 = vector.shape_cast %get3A_5 : vector<1x10240xf32> to vector<10240xf32>
    %add3A = arith.addf %get3A_2, %get3A_6 : vector<10240xf32>
    %max3A = arith.constant 1.000000e+00 : f32
    %max3A_7 = vector.broadcast %max3A : f32 to vector<10240xf32>
    %max3A_8 = arith.maximumf %add3A, %max3A_7 : vector<10240xf32>
    %rsqrt3A = math.rsqrt %max3A_8 : vector<10240xf32>
    %get3A_9 = arith.constant 0 : index
    %get3A_10 = arith.constant 0 : index
    %get3A_11 = arith.constant 0 : index
    %get3A_12 = vector.load %arg1[%get3A_9, %get3A_10, %get3A_11] : memref<2x10240x128xf32, #tpu.memory_space<vmem>>, vector<1x10240x128xf32>
    %get3A_13 = vector.shape_cast %get3A_12 : vector<1x10240x128xf32> to vector<10240x128xf32>
    %get3A_14 = arith.constant 1 : index
    %get3A_15 = arith.constant 0 : index
    %get3A_16 = arith.constant 0 : index
    %get3A_17 = vector.load %arg1[%get3A_14, %get3A_15, %get3A_16] : memref<2x10240x128xf32, #tpu.memory_space<vmem>>, vector<1x10240x128xf32>
    %get3A_18 = vector.shape_cast %get3A_17 : vector<1x10240x128xf32> to vector<10240x128xf32>
    %add3A_19 = arith.addf %get3A_13, %get3A_18 : vector<10240x128xf32>
    %broadcast_in_dim3A = vector.shape_cast %rsqrt3A : vector<10240xf32> to vector<10240x1xf32>
    %mul3A = vector.broadcast %broadcast_in_dim3A : vector<10240x1xf32> to vector<10240x128xf32>
    %mul3A_20 = arith.mulf %add3A_19, %mul3A : vector<10240x128xf32>
    %slice3A = vector.extract_strided_slice %mul3A_20 {offsets = [0, 0], sizes = [10000, 128], strides = [1, 1]} : vector<10240x128xf32> to vector<10000x128xf32>
    %get3A_21 = arith.constant 0 : index
    %get3A_22 = arith.constant 0 : index
    %get3A_23 = vector.load %arg3[%get3A_21, %get3A_22] : memref<128x128xf32, #tpu.memory_space<vmem>>, vector<128x128xf32>
    %dot_general3A = arith.constant dense<0.000000e+00> : vector<10000x128xf32>
    %dot_general3A_24 = tpu.matmul %slice3A, %get3A_23, %dot_general3A {dimension_numbers = #tpu.dot_dimension_numbers<[1], [0], [0], [1], [0, 0, 1, 1], [], []>, transpose_lhs_hint = false} : vector<10000x128xf32>, vector<128x128xf32>, vector<10000x128xf32> -> vector<10000x128xf32>
    %get3A_25 = arith.constant 0 : index
    %get3A_26 = vector.load %arg4[%get3A_25] : memref<128xf32, #tpu.memory_space<vmem>>, vector<128xf32>
    %broadcast_in_dim3A_27 = vector.shape_cast %get3A_26 : vector<128xf32> to vector<1x128xf32>
    %add3A_28 = vector.broadcast %broadcast_in_dim3A_27 : vector<1x128xf32> to vector<10000x128xf32>
    %add3A_29 = arith.addf %dot_general3A_24, %add3A_28 : vector<10000x128xf32>
    %get3A_30 = arith.constant 0 : index
    %get3A_31 = arith.constant 0 : index
    %get3A_32 = vector.load %arg2[%get3A_30, %get3A_31] : memref<10000x128xf32, #tpu.memory_space<vmem>>, vector<10000x128xf32>
    %add3A_33 = arith.addf %add3A_29, %get3A_32 : vector<10000x128xf32>
    %swap3A = arith.constant 0 : index
    %swap3A_34 = arith.constant 0 : index
    %swap3A_35 = vector.load %arg5[%swap3A, %swap3A_34] : memref<10000x128xf32, #tpu.memory_space<vmem>>, vector<10000x128xf32>
    tpu.vector_store %arg5[%swap3A, %swap3A_34], %add3A_33 {strides = array<i32>} : memref<10000x128xf32, #tpu.memory_space<vmem>>, vector<10000x128xf32>,
    return
  }
}

</mosaic_0001>

<sc_bundles>
// kernel: kernel.6.cloned.1.call-start
scs
__scs_entry_jumppad:
0x0: {  	(pc) =	sbr.rel $0x88, $3  }
0x1: {  	(tag) =	ssettag $0x0;
	lr =	simm.s32 $0x1  }
0x2: {  	[smem:$0x3F9D] =	sst lr;
	_ =	strace $0xD0000000  }
0x3: {  	_ = 	snop  }
0x4: {  	_ = 	snop  }
0x5: {  	_ = 	snop  }
0x6: {  	_ = 	snop  }
0x7: {  	_ = 	snop  }
__scs_overlays_trampoline_lowered:
0x8: {  	[smem:$0x3FAC] =	sst s0  }
0x9: {  	[smem:$0x3FAD] =	sst s1  }
0xa: {  	[smem:$0x3FAE] =	sst s2  }
0xb: {  	[smem:$0x3FAF] =	sst s3  }
0xc: {  	[smem:$0x3FB0] =	sst s4  }
0xd: {  	[smem:$0x3FB1] =	sst s5  }
0xe: {  	[smem:$0x3FB2] =	sst s6  }
0xf: {  	[smem:$0x3FB3] =	sst s7  }
0x10: {  	[smem:$0x3FB4] =	sst s8  }
0x11: {  	[smem:$0x3FB5] =	sst s9;
	s0 =	simm.s32 @!p0 $0x0  }
0x12: {  	s1 =	sld [smem:$0x3F9B];
	s0 =	simm.s32 @p0 $0x1  }
0x13: {  	[smem:$0x3FB6] =	sst s0;
	s0 =	simm.s32 @!p1 $0x0  }
0x14: {  	s2 =	sld [smem:$0x3F9A];
	s0 =	simm.s32 @p1 $0x1  }
0x15: {  	[smem:$0x3FB7] =	sst s0;
	s0 =	simm.s32 @!p2 $0x0  }
0x16: {  	s3 =	sld [smem:$0x3FDB];
	s0 =	simm.s32 @p2 $0x1  }
0x17: {  	s4 =	simm.s32 $0x1BF5;
	[smem:$0x3FB9] =	sst s0  }
0x18: {  	s0 =	sld [smem:$0x3F9C];
	_ =	swait.ge [sflag:s4], $0x0  }
0x19: {  	s7 =	sld [smem:$0x3F9D]  }
0x1a: {  	s8 =	sadd.s32 $0xFFFFE003, lr  }
0x1b: {  	s9 =	sadd.s32 $0xFFFFFEF7, lr;
	s5 =	simm.s32 $0xFFFFFFFF;
	p2 =	slt.u32 s8, $0xFFFFF086  }
0x1c: {  	p1 =	slt.u32 s9, $0xF7A;
	s5 =	simm.s32 @!p2 $0x0  }
0x1d: {  	s5 =	simm.s32 @p1 $0x1;
	p0 =	seq.s32 s7, s2  }
0x1e: {  	s7 =	smul.u32 @!p0 $0xF7A, s2;
	p2 =	seq.s32 @!p0 s5, $0x0  }
0x1f: {  	s9 =	smul.u32 $0xF7A, s1;
	s8 =	simm.s32 @!p0 $0x1BF5;
	p2 =	por !p2, p0  }
0x20: {  	[sflag:s8] =	ssyncset.s32 @!p0 $0xFFFFF086;
	s6 =	sadd.s32 @!p0 s3, s7;
	s7 =	simm.s32 @!p0 $0x108  }
0x21: {  	s3 =	sadd.s32 s3, s9;
	s6 =	sadd.s32 @!p0 $0x88, s6;
	s7 =	simm.s32 @p2 $0x1082  }
0x22: {  	[simem:s7], [sflag:s8] =	dma.local @!p0 [hbm:s6], $0xF7A  }
0x23: {  	s9 =	sor.u32 $0xD0000000, s2;
	s6 =	simm.s32 $0x108;
	_ =	swait.ge @!p0 [sflag:s8], $0x0  }
0x24: {  	s3 =	sadd.s32 $0x88, s3;
	s6 =	simm.s32 @!p1 $0x1082;
	[sflag:s4] =	ssyncset.s32 $0xFFFFF086  }
0x25: {  	[simem:s6], [sflag:s4] =	dma.local [hbm:s3], $0xF7A  }
0x26: {  	[smem:$0x3F9D] =	sst s1;
	(tag) =	ssettag s2;
	_ =	strace s9  }
0x27: {  	s1 =	sld [smem:$0x3FAD]  }
0x28: {  	s2 =	sld [smem:$0x3FAE]  }
0x29: {  	s4 =	sld [smem:$0x3FB0]  }
0x2a: {  	p0 =	seq.s32 s5, $0x0;
	s5 =	sld [smem:$0x3FB1]  }
0x2b: {  	s6 =	sld [smem:$0x3FB2]  }
0x2c: {  	s7 =	sld [smem:$0x3FB3]  }
0x2d: {  	s3 =	simm.s32 $0x108;
	s8 =	sld [smem:$0x3FB4]  }
0x2e: {  	s3 =	simm.s32 @!p0 $0x1082;
	s9 =	sld [smem:$0x3FB5]  }
0x2f: {  	lr =	sadd.s32 s0, s3;
	s0 =	sld [smem:$0x3FAC]  }
0x30: {  	s3 =	sld [smem:$0x3FAF]  }
0x31: {  	[smem:$0x3FB8] =	sst s10  }
0x32: {  	s10 =	sld [smem:$0x3FB6];
	_ =	sdelay $0x3  }
0x33: {  	p0 =	seq.s32 s10, $0x1;
	s10 =	sld [smem:$0x3FB8];
	_ =	sdelay $0x3  }
0x34: {  	[smem:$0x3FB8] =	sst s10  }
0x35: {  	s10 =	sld [smem:$0x3FB7];
	_ =	sdelay $0x3  }
0x36: {  	p1 =	seq.s32 s10, $0x1;
	s10 =	sld [smem:$0x3FB8];
	_ =	sdelay $0x3  }
0x37: {  	[smem:$0x3FB8] =	sst s10  }
0x38: {  	s10 =	sld [smem:$0x3FB9]  }
0x39: {  	_ = 	snop;
	(pc) =	sbr.ind lr, $3  }
0x3a: {  	_ = 	snop  }
0x3b: {  	_ = 	snop  }
0x3c: {  	p2 =	seq.s32 s10, $0x1;
	s10 =	sld [smem:$0x3FB8]  }
0x3d: {  	_ =	shalt  }
0x3e: {  	_ =	shalt  }
0x3f: {  	_ =	shalt  }
0x40: {  	_ =	shalt  }
0x41: {  	_ =	shalt  }
0x42: {  	_ =	shalt  }
0x43: {  	_ =	shalt  }
0x44: {  	_ =	shalt  }
0x45: {  	_ =	shalt  }
0x46: {  	_ =	shalt  }
0x47: {  	_ =	shalt  }
0x48: {  	_ =	shalt  }
0x49: {  	_ =	shalt  }
0x4a: {  	_ =	shalt  }
0x4b: {  	_ =	shalt  }
0x4c: {  	_ =	shalt  }
0x4d: {  	_ =	shalt  }
0x4e: {  	_ =	shalt  }
0x4f: {  	_ =	shalt  }
0x50: {  	_ =	shalt  }
0x51: {  	_ =	shalt  }
0x52: {  	_ =	shalt  }
0x53: {  	_ =	shalt  }
0x54: {  	_ =	shalt  }
0x55: {  	_ =	shalt  }
0x56: {  	_ =	shalt  }
0x57: {  	_ =	shalt  }
0x58: {  	_ =	shalt  }
0x59: {  	_ =	shalt  }
0x5a: {  	_ =	shalt  }
0x5b: {  	_ =	shalt  }
0x5c: {  	_ =	shalt  }
0x5d: {  	_ =	shalt  }
0x5e: {  	_ =	shalt  }
0x5f: {  	_ =	shalt  }
0x60: {  	_ =	shalt  }
0x61: {  	_ =	shalt  }
0x62: {  	_ =	shalt  }
0x63: {  	_ =	shalt  }
0x64: {  	_ =	shalt  }
0x65: {  	_ =	shalt  }
0x66: {  	_ =	shalt  }
0x67: {  	_ =	shalt  }
0x68: {  	_ =	shalt  }
0x69: {  	_ =	shalt  }
0x6a: {  	_ =	shalt  }
0x6b: {  	_ =	shalt  }
0x6c: {  	_ =	shalt  }
0x6d: {  	_ =	shalt  }
0x6e: {  	_ =	shalt  }
0x6f: {  	_ =	shalt  }
0x70: {  	_ =	shalt  }
0x71: {  	_ =	shalt  }
0x72: {  	_ =	shalt  }
0x73: {  	_ =	shalt  }
0x74: {  	_ =	shalt  }
0x75: {  	_ =	shalt  }
0x76: {  	_ =	shalt  }
0x77: {  	_ =	shalt  }
0x78: {  	_ =	shalt  }
0x79: {  	_ =	shalt  }
0x7a: {  	_ =	shalt  }
0x7b: {  	_ =	shalt  }
0x7c: {  	_ =	shalt  }
0x7d: {  	_ =	shalt  }
0x7e: {  	_ =	shalt  }
0x7f: {  	_ =	shalt  }
0x80: {  	_ =	shalt  }
0x81: {  	_ =	shalt  }
0x82: {  	_ =	shalt  }
0x83: {  	_ =	shalt  }
0x84: {  	_ =	shalt  }
0x85: {  	_ =	shalt  }
0x86: {  	_ =	shalt  }
0x87: {  	_ =	shalt  }
.Lfunc_end0:
.L_simem_size_0:
called_computation_lowered:
.L_overlay_start_0:
0x88: {  	s2 =	sld [smem:$0x3FD9]  }
0x89: {  	s3 =	sld [smem:$0x3FFE];
	_ =	sdelay $0x1  }
0x8a: {  	s1 =	srdreg.scid  }
0x8b: {  	s0 =	sand.u32 $0x1, s1  }
0x8c: {  	s16 =	sshll.u32 s0, $0xA;
	s2 =	sadd.s32 s3, s2  }
0x8d: {  	s2 =	sadd.s32 s2, s16  }
0x8e: {  	[smem:$0x3FC4] =	sst s2  }
0x8f: {  	_ = 	snop  }
0x90: {  	(tm) =	ssettm $0x1  }
0x91: {  	s17 =	sld [smem:$0x3FFB];
	_ =	sdelay $0x3  }
0x92: {  	_ =	strace s17  }
0x93: {  	s2 =	sld [smem:$0x3FFC];
	_ =	sdelay $0x3  }
0x94: {  	_ =	strace s2  }
0x95: {  	s2 =	sld [smem:$0x3FFD];
	_ =	sdelay $0x3  }
0x96: {  	_ =	strace s2  }
0x97: {  	_ =	strace $0x8FFFFFFF  }
0x98: {  	s18 =	sld [smem:$0x3FDB];
	_ =	sdelay $0x1  }
0x99: {  	s19 =	simm.s32 $_scs_section_size  }
0x9a: {  	s4 =	simm.s32 $_size__tile_overlayer_lowered;
	s5 =	simm.s32 $_tile_overlayer_lowered  }
0x9b: {  	s22 =	simm.s32 $0x1BFF;
	s21 =	sshll.u32 s5, $0x1;
	s2 =	sadd.s32 s19, s18  }
0x9c: {  	s6 =	simm.s32 $0x0;
	s20 =	sshll.u32 s4, $0x1;
	s4 =	sadd.s32 s21, s2  }
0x9d: {  	[timem:s6], [sflag:s22] =	dma.local [hbm:s4], s20  }
0x9e: {  	_ =	swait.ge [sflag:s22], s20  }
0x9f: {  	s3 =	ssub.s32 $0x0, s20;
	[sflag:s22] =	ssyncset.done $0x0  }
0xa0: {  	[sflag:s22] =	ssyncadd.s32 s3;
	_ =	sdelay $0x1  }
0xa1: {  	s23 =	simm.s32 $0x1B8B  }
0xa2: {  	_ =	swait.ge [sflag:s23], $0x1  }
0xa3: {  	[sflag:s23] =	ssyncset.done $0x0  }
0xa4: {  	s25 =	simm.s32 $0x1B8E;
	s24 =	sld [smem:$0x3FFE];
	[sflag:s23] =	ssyncadd.s32 $0xFFFFFFFF  }
0xa5: {  	s26 =	simm.s32 $execute0_lowered;
	[smem:$0x3FD2] =	sst s25  }
0xa6: {  	s4 =	sshll.u32 s26, $0x1;
	_ =	strace $0x80000046;
	[dreg:$0x1] =	wrdreg $0xFFFFFFFF  }
0xa7: {  	s28 =	simm.s32 $_size_execute0_lowered;
	s2 =	sadd.s32 s2, s4;
	[dreg:$0x0] =	wrdreg $0x0  }
0xa8: {  	s4 =	sshll.u32 s28, $0x1;
	[dreg:$0x2] =	wrdreg s2  }
0xa9: {  	[dreg:$0x3] =	wrdreg s4  }
0xaa: {  	[dreg:$0x4] =	wrdreg $0xC0  }
0xab: {  	_ =	task [dreg:s6], $0x5FFFF  }
0xac: {  	[dreg:$0x1] =	wrdreg $0xFFFFFFFF  }
0xad: {  	[dreg:$0x0] =	wrdreg $0x60  }
0xae: {  	[dreg:$0x2] =	wrdreg s24  }
0xaf: {  	[dreg:$0x3] =	wrdreg $0xCA800  }
0xb0: {  	[dreg:$0x4] =	wrdreg $0x9  }
0xb1: {  	_ =	task.clear_ibuf [dreg:s6], $0x5FFFF;
	_ =	strace $0x90000046  }
0xb2: {  	s29 =	simm.s32 $0x9;
	_ =	strace $0x80000048  }
0xb3: {  	_ =	swait.ge [sflag:s29], $0x1  }
0xb4: {  	[sflag:s29] =	ssyncadd.s32 $0xFFFFFFFF  }
0xb5: {  	_ =	strace $0x90000048  }
0xb6: {  	_ =	sfence  }
0xb7: {  	s30 =	sld [smem:$0x0];
	_ =	sdelay $0x2  }
0xb8: {  	s31 =	sshll.u32 s1, $0xD;
	s1 =	sshrl.u32 s1, $0x2  }
0xb9: {  	s3 =	sand.u32 $0x4000, s31;
	s1 =	sadd.s32 s1, s30  }
0xba: {  	s0 =	sor.u32 s3, s0;
	s1 =	sshll.u32 s1, $0x11  }
0xbb: {  	s0 =	sor.u32 s1, s0  }
0xbc: {  	s0 =	sadd.s32 $0x8F2B, s0  }
0xbd: {  	[sflag:s0] =	ssyncadd.remote.s32 $0x1  }
0xbe: {  	_ =	sfence.sel $0xFFFF  }
0xbf: {  	[dreg:$0x0] =	wrdreg $0xFFFFFFFF;
	(pc) =	sbr.abs _section_cstart, $3  }
0xc0: {  	[dreg:$0x1] =	wrdreg $0xFFFFFFFF  }
0xc1: {  	_ =	task.clear_ibuf [dreg:s6], $0x2FFFF;
	_ =	strace $0x9FFFFFFF  }
0xc2: {  	(tm) =	ssettm $0x7FFFFFFF  }
0xc3: {  	_ =	shalt  }
tec
execute0_lowered:
.L_overlay_start_1:
0x0: {  	(tag) =	ssettag $0x1  }
0x1: {  	s0 =	srdreg.scid;
	s8 =	stileid.u32  }
0x2: {  	s1 =	rddreg [dreg:$0x0];
	s5 =	smul.u32 $0x500, s8  }
0x3: {  	s3 =	rddreg [dreg:$0x1];
	s0 =	sand.u32 $0x1, s0;
	s7 =	smul.u32 $0x5000, s8  }
0x4: {  	s2 =	sshll.u32 s0, $0x4;
	s6 =	sshll.u32 s0, $0x7;
	s0 =	ssub.s32 $0x2, s0  }
0x5: {  	s4 =	sor.u32 s8, s2;
	s2 =	simm.s32 $0x0;
	s5 =	sor.u32 s6, s5  }
0x6: {  	s25 =	sshrl.u32 s0, $0x1;
	s10 =	sshrl.u32 s7, $0x2;
	s4 =	smul.u32 $0x500, s4  }
0x7: {  	[smem:$0x7FF] =	sst s2;
	s5 =	sshrl.u32 s5, $0x3;
	s0 =	ssub.s32 s0, s25  }
0x8: {  	_ =	strace $0x80000047;
	s0 =	smax.u32 s0, $0x1;
	s4 =	sadd.s32 s4, s1  }
0x9: {  	s1 =	sadd.s32 s5, s1;
	[dreg:$0x17] =	wrdreg s0;
	s26 =	sadd.s32 $0xBA00, s4  }
0xa: {  	s5 =	sadd.s32 s10, s3;
	s4 =	sadd.s32 $0x1A00, s4;
	[dreg:$0x3] =	wrdreg s26  }
0xb: {  	s13 =	sadd.s32 $0x80, s5;
	[dreg:$0x4] =	wrdreg s4  }
0xc: {  	s14 =	sadd.s32 $0x100, s5;
	[dreg:$0x6] =	wrdreg s13  }
0xd: {  	s15 =	sadd.s32 $0x180, s5;
	[dreg:$0x7] =	wrdreg s14  }
0xe: {  	s16 =	sadd.s32 $0x200, s5;
	[dreg:$0x8] =	wrdreg s15  }
0xf: {  	s17 =	sadd.s32 $0x280, s5;
	[dreg:$0x9] =	wrdreg s16  }
0x10: {  	s18 =	sadd.s32 $0x300, s5;
	[dreg:$0xa] =	wrdreg s17  }
0x11: {  	s19 =	sadd.s32 $0x380, s5;
	[dreg:$0xb] =	wrdreg s18  }
0x12: {  	s20 =	sadd.s32 $0x14000, s5;
	[dreg:$0xc] =	wrdreg s19  }
0x13: {  	s21 =	sadd.s32 $0x14080, s5;
	[dreg:$0xd] =	wrdreg s20  }
0x14: {  	s22 =	sadd.s32 $0x14100, s5;
	[dreg:$0xe] =	wrdreg s21  }
0x15: {  	s24 =	sshrl.u32 s8, $0x3;
	s23 =	sadd.s32 $0x14180, s5;
	[dreg:$0xf] =	wrdreg s22  }
0x16: {  	s6 =	smul.u32 $0x50000, s24;
	s24 =	sadd.s32 $0x14200, s5;
	[dreg:$0x10] =	wrdreg s23  }
0x17: {  	s25 =	sadd.s32 $0x14280, s5;
	[dreg:$0x11] =	wrdreg s24  }
0x18: {  	s9 =	sshrl.u32 s6, $0x2;
	s6 =	sadd.s32 $0x1FA00, s1;
	[dreg:$0x12] =	wrdreg s25  }
0x19: {  	s1 =	sadd.s32 $0x20400, s1;
	[dreg:$0x15] =	wrdreg s6  }
0x1a: {  	s7 =	sadd.s32 $0x400, s5;
	[dreg:$0x16] =	wrdreg s1  }
0x1b: {  	s11 =	sadd.s32 s9, s3;
	s9 =	sadd.s32 $0xC00, s5;
	[dreg:$0x18] =	wrdreg s7  }
0x1c: {  	s10 =	sadd.s32 $0x1000, s5;
	[dreg:$0x1a] =	wrdreg s9  }
0x1d: {  	s3 =	sadd.s32 $0xA80, s5;
	[dreg:$0x1b] =	wrdreg s10  }
0x1e: {  	s8 =	sshll.u32 s8, $0x7;
	s26 =	sadd.s32 $0x14300, s5;
	[smem:$0x7E7] =	sst s3  }
0x1f: {  	s4 =	sand.u32 $0x380, s8;
	s8 =	sadd.s32 $0x800, s5;
	[dreg:$0x13] =	wrdreg s26  }
0x20: {  	s13 =	sadd.s32 $0xC80, s5;
	[dreg:$0x19] =	wrdreg s8  }
0x21: {  	s14 =	sadd.s32 $0x1080, s5;
	[dreg:$0x1e] =	wrdreg s13  }
0x22: {  	s15 =	sadd.s32 $0x500, s5;
	[dreg:$0x1f] =	wrdreg s14  }
0x23: {  	s16 =	sadd.s32 $0x900, s5;
	[smem:$0x7DA] =	sst s15  }
0x24: {  	s17 =	sadd.s32 $0xD00, s5;
	[smem:$0x7DB] =	sst s16  }
0x25: {  	s18 =	sadd.s32 $0x1100, s5;
	[smem:$0x7DC] =	sst s17  }
0x26: {  	s19 =	sadd.s32 $0x580, s5;
	[smem:$0x7DD] =	sst s18  }
0x27: {  	s20 =	sadd.s32 $0x980, s5;
	[smem:$0x7DE] =	sst s19  }
0x28: {  	s21 =	sadd.s32 $0xD80, s5;
	[smem:$0x7DF] =	sst s20  }
0x29: {  	s22 =	sadd.s32 $0x1180, s5;
	[smem:$0x7E0] =	sst s21  }
0x2a: {  	s23 =	sadd.s32 $0x600, s5;
	[smem:$0x7E1] =	sst s22  }
0x2b: {  	s24 =	sadd.s32 $0xA00, s5;
	[smem:$0x7E2] =	sst s23  }
0x2c: {  	s25 =	sadd.s32 $0xE00, s5;
	[smem:$0x7E3] =	sst s24  }
0x2d: {  	s1 =	sadd.s32 $0x680, s5;
	[smem:$0x7E4] =	sst s25  }
0x2e: {  	s6 =	sadd.s32 $0x1280, s5;
	[smem:$0x7E6] =	sst s1  }
0x2f: {  	s7 =	sadd.s32 $0x700, s5;
	[smem:$0x7E9] =	sst s6  }
0x30: {  	s9 =	sadd.s32 $0xF00, s5;
	[smem:$0x7EA] =	sst s7  }
0x31: {  	s10 =	sadd.s32 $0x1300, s5;
	[smem:$0x7EC] =	sst s9  }
0x32: {  	s12 =	sadd.s32 s4, s11;
	[smem:$0x7ED] =	sst s10  }
0x33: {  	s4 =	sadd.s32 $0x14380, s5;
	[dreg:$0x5] =	wrdreg s12  }
0x34: {  	s11 =	sadd.s32 $0x480, s5;
	[dreg:$0x14] =	wrdreg s4  }
0x35: {  	s26 =	sadd.s32 $0x1200, s5;
	[dreg:$0x1c] =	wrdreg s11  }
0x36: {  	s8 =	sadd.s32 $0xB00, s5;
	[smem:$0x7E5] =	sst s26  }
0x37: {  	s13 =	sadd.s32 $0xF80, s5;
	[smem:$0x7EB] =	sst s8  }
0x38: {  	s14 =	sadd.s32 $0x1380, s5;
	[smem:$0x7F0] =	sst s13  }
0x39: {  	s0 =	simm.s32 $0x5000;
	s15 =	sadd.s32 $0x14400, s5;
	[smem:$0x7F1] =	sst s14  }
0x3a: {  	s28 =	sadd.s32 $0x14780, s5;
	s16 =	sadd.s32 $0x14800, s5;
	[smem:$0x7F2] =	sst s15  }
0x3b: {  	s29 =	sadd.s32 $0x14B80, s5;
	s17 =	sadd.s32 $0x14C00, s5;
	[smem:$0x7F3] =	sst s16  }
0x3c: {  	s30 =	sadd.s32 $0x14F80, s5;
	s18 =	sadd.s32 $0x15000, s5;
	[smem:$0x7F4] =	sst s17  }
0x3d: {  	s31 =	sadd.s32 $0x15380, s5;
	s19 =	sadd.s32 $0x14480, s5;
	[smem:$0x7F5] =	sst s18  }
0x3e: {  	s3 =	simm.s32 $0x7800;
	s20 =	sadd.s32 $0x14880, s5;
	[smem:$0x7F6] =	sst s19  }
0x3f: {  	s21 =	sadd.s32 $0x14C80, s5;
	s22 =	sadd.s32 $0x15080, s5;
	[smem:$0x7F7] =	sst s20  }
0x40: {  	s23 =	sadd.s32 $0x14500, s5;
	s24 =	sadd.s32 $0x14900, s5;
	[smem:$0x7F8] =	sst s21  }
0x41: {  	s25 =	sadd.s32 $0x14D00, s5;
	s9 =	sadd.s32 $0x14980, s5;
	[smem:$0x7F9] =	sst s22  }
0x42: {  	s10 =	sadd.s32 $0x14D80, s5;
	s1 =	simm.s32 $0x1;
	[smem:$0x7FA] =	sst s23  }
0x43: {  	s12 =	sadd.s32 $0x880, s5;
	s4 =	sadd.s32 $0xE80, s5;
	[smem:$0x7FB] =	sst s24  }
0x44: {  	s11 =	sadd.s32 $0x780, s5;
	[smem:$0x7FC] =	sst s25;
	s26 =	sadd.s32 $0x15100, s5  }
0x45: {  	s8 =	sadd.s32 $0x14580, s5;
	s13 =	sadd.s32 $0x14A00, s5;
	s14 =	sadd.s32 $0x14E00, s5  }
0x46: {  	s15 =	sadd.s32 $0x15200, s5;
	s16 =	sadd.s32 $0x14680, s5;
	s17 =	sadd.s32 $0x14A80, s5  }
0x47: {  	s18 =	sadd.s32 $0x14E80, s5;
	s19 =	sadd.s32 $0x15280, s5;
	[dreg:$0x1d] =	wrdreg s12  }
0x48: {  	s20 =	sadd.s32 $0x14700, s5;
	s21 =	sadd.s32 $0x14B00, s5;
	[smem:$0x7E8] =	sst s4  }
0x49: {  	s25 =	sadd.s32 $0x14F00, s5;
	[smem:$0x7EE] =	sst s11;
	s12 =	sadd.s32 $0xB80, s5  }
0x4a: {  	[smem:$0x7FD] =	sst s26;
	s11 =	sadd.s32 $0x15180, s5;
	s26 =	sadd.s32 $0x15300, s5  }
0x4b: {  	v0 =	vimm.f32 $0.0e+00;
	v1 =	vimm.f32 $1.000000000e+00;
	s4 =	simm.s32 $0x80;
	[smem:$0x7EF] =	sst s12;
	s12 =	sadd.s32 $0x14600, s5  }
.LBB2_1:
0x4c: {  	s6 =	simm.s32 $0x40;
	s22 =	simm.s32 $0x0  }
.LBB2_2:
0x4d: {  	p0 =	sne.s32 s6, $0x9FC0;
	[tilespmem:s22+$0x5000] =	vst v0;
	s23 =	smov.u32 s6;
	s6 =	sadd.s32 $0x40, s6  }
.Ltmp0:
0x4e: {  	[tilespmem:s22+$0x7800] =	vst v0;
	(pc) =	sbr.rel @p0 .LBB2_2-.Ltmp0, $2  }
0x4f: {  	_ =	sdelay $0x2  }
0x50: {  	s22 =	sshra.s32 s23, $0x2  }
0x51: {  	[tilespmem:s22+$0x5000] =	vst v0  }
0x52: {  	[tilespmem:s22+$0x7800] =	vst v0;
	s6 =	simm.s32 $0x0;
	s7 =	rddreg [dreg:$0x3]  }
0x53: {  	[tilespmem:s6], [sflag:$0x1] =	stream.linear.gather [hbm4b:s7+s6], $0x2800, $0x38;
	[tilespmem:$0xF280] =	vst v63  }
0x54: {  	_ =	swait.ge [sflag:s1], $0x2800  }
0x55: {  	[sflag:s1] =	ssyncset.done $0x0  }
0x56: {  	s24 =	simm.s32 $0x2800;
	s23 =	rddreg [dreg:$0x4];
	[sflag:s1] =	ssyncadd.s32 $0xFFFFD800  }
0x57: {  	[tilespmem:s24], [sflag:$0x1] =	stream.linear.gather [hbm4b:s23+s6], $0x2800, $0x38;
	[tilespmem:$0xF280] =	vst v63  }
0x58: {  	_ =	swait.ge [sflag:s1], $0x2800  }
0x59: {  	[sflag:s1] =	ssyncset.done $0x0  }
0x5a: {  	[sflag:s1] =	ssyncadd.s32 $0xFFFFD800  }
.LBB2_4:
0x5b: {  	s22 =	sshra.s32 s6, $0x2  }
0x5c: {  	v2 =	vld [tilespmem:s22+$0x0];
	_ =	sdelay $0x7  }
0x5d: {  	[tilespmem:v2+s0+$0x0] =	vst.idx.add.f32.msk $0xffff, v1  }
0x5e: {  	v2 =	vld [tilespmem:s22+$0x2800];
	_ =	sdelay $0x7  }
0x5f: {  	[tilespmem:v2+s3+$0x0] =	vst.idx.add.f32.msk $0xffff, v1  }
0x60: {  	v2 =	vld [tilespmem:s22+$0x10];
	_ =	sdelay $0x7  }
0x61: {  	[tilespmem:v2+s0+$0x0] =	vst.idx.add.f32.msk $0xffff, v1  }
0x62: {  	v2 =	vld [tilespmem:s22+$0x2810];
	_ =	sdelay $0x7  }
0x63: {  	[tilespmem:v2+s3+$0x0] =	vst.idx.add.f32.msk $0xffff, v1  }
0x64: {  	v2 =	vld [tilespmem:s22+$0x20];
	_ =	sdelay $0x7  }
0x65: {  	[tilespmem:v2+s0+$0x0] =	vst.idx.add.f32.msk $0xffff, v1  }
0x66: {  	v2 =	vld [tilespmem:s22+$0x2820];
	_ =	sdelay $0x7  }
0x67: {  	[tilespmem:v2+s3+$0x0] =	vst.idx.add.f32.msk $0xffff, v1  }
0x68: {  	v2 =	vld [tilespmem:s22+$0x30];
	_ =	sdelay $0x7  }
0x69: {  	[tilespmem:v2+s0+$0x0] =	vst.idx.add.f32.msk $0xffff, v1  }
0x6a: {  	v2 =	vld [tilespmem:s22+$0x2830];
	_ =	sdelay $0x7  }
0x6b: {  	[tilespmem:v2+s3+$0x0] =	vst.idx.add.f32.msk $0xffff, v1  }
0x6c: {  	v2 =	vld [tilespmem:s22+$0x40];
	_ =	sdelay $0x7  }
0x6d: {  	[tilespmem:v2+s0+$0x0] =	vst.idx.add.f32.msk $0xffff, v1  }
0x6e: {  	v2 =	vld [tilespmem:s22+$0x2840];
	_ =	sdelay $0x7  }
0x6f: {  	[tilespmem:v2+s3+$0x0] =	vst.idx.add.f32.msk $0xffff, v1  }
0x70: {  	v2 =	vld [tilespmem:s22+$0x50];
	_ =	sdelay $0x7  }
0x71: {  	[tilespmem:v2+s0+$0x0] =	vst.idx.add.f32.msk $0xffff, v1  }
0x72: {  	v2 =	vld [tilespmem:s22+$0x2850];
	_ =	sdelay $0x7  }
0x73: {  	[tilespmem:v2+s3+$0x0] =	vst.idx.add.f32.msk $0xffff, v1  }
0x74: {  	v2 =	vld [tilespmem:s22+$0x60];
	_ =	sdelay $0x7  }
0x75: {  	[tilespmem:v2+s0+$0x0] =	vst.idx.add.f32.msk $0xffff, v1  }
0x76: {  	v2 =	vld [tilespmem:s22+$0x2860];
	_ =	sdelay $0x7  }
0x77: {  	[tilespmem:v2+s3+$0x0] =	vst.idx.add.f32.msk $0xffff, v1  }
0x78: {  	v2 =	vld [tilespmem:s22+$0x70];
	_ =	sdelay $0x7  }
0x79: {  	[tilespmem:v2+s0+$0x0] =	vst.idx.add.f32.msk $0xffff, v1  }
0x7a: {  	v2 =	vld [tilespmem:s22+$0x2870];
	_ =	sdelay $0x2  }
0x7b: {  	p0 =	sne.s32 s6, $0x9E00  }
.Ltmp1:
0x7c: {  	_ = 	snop;
	(pc) =	sbr.rel @p0 .LBB2_4-.Ltmp1, $2  }
0x7d: {  	_ =	sdelay $0x2  }
0x7e: {  	s6 =	sadd.s32 $0x200, s6;
	[tilespmem:v2+s3+$0x0] =	vst.idx.add.f32.msk $0xffff, v1  }
0x7f: {  	s6 =	rddreg [dreg:$0x5];
	s7 =	simm.s32 $0x400  }
0x80: {  	[spmem:s6] =	stream.strided.scatter [tilespmem:s0], [sflag:$0x1], $0x2800, s7, s4, $0x38;
	[tilespmem:$0xF280] =	vst v63  }
0x81: {  	_ =	swait.ge [sflag:s1], $0x2800  }
0x82: {  	[sflag:s1] =	ssyncset.done $0x0  }
0x83: {  	[sflag:s1] =	ssyncadd.s32 $0xFFFFD800  }
0x84: {  	s22 =	simm.s32 $0xA000;
	[bflag:$0x0] =	sbarrier.arrive $0xFFFF  }
0x85: {  	[tilespmem:s22], [sflag:$0x1] =	stream.linear.gather [spmem:s5], $0x80, $0x38;
	[tilespmem:$0xF280] =	vst v63  }
0x86: {  	s24 =	simm.s32 $0xA400;
	s23 =	rddreg [dreg:$0x18]  }
0x87: {  	[tilespmem:s24], [sflag:$0x1] =	stream.linear.gather [spmem:s23], $0x80, $0x38;
	[tilespmem:$0xF280] =	vst v63  }
0x88: {  	s7 =	rddreg [dreg:$0x19];
	s22 =	simm.s32 $0xA800  }
0x89: {  	[tilespmem:s22], [sflag:$0x1] =	stream.linear.gather [spmem:s7], $0x80, $0x38;
	[tilespmem:$0xF280] =	vst v63  }
0x8a: {  	s23 =	rddreg [dreg:$0x1a];
	s24 =	simm.s32 $0xAC00  }
0x8b: {  	[tilespmem:s24], [sflag:$0x1] =	stream.linear.gather [spmem:s23], $0x80, $0x38;
	[tilespmem:$0xF280] =	vst v63  }
0x8c: {  	s7 =	rddreg [dreg:$0x1b];
	s22 =	simm.s32 $0xB000  }
0x8d: {  	[tilespmem:s22], [sflag:$0x1] =	stream.linear.gather [spmem:s7], $0x80, $0x38;
	[tilespmem:$0xF280] =	vst v63  }
0x8e: {  	_ =	swait.ge [sflag:s1], $0x280  }
0x8f: {  	[sflag:s1] =	ssyncset.done $0x0  }
0x90: {  	s24 =	simm.s32 $0xA080;
	s23 =	rddreg [dreg:$0x6];
	[sflag:s1] =	ssyncadd.s32 $0xFFFFFD80  }
0x91: {  	[tilespmem:s24], [sflag:$0x1] =	stream.linear.gather [spmem:s23], $0x80, $0x38;
	[tilespmem:$0xF280] =	vst v63  }
0x92: {  	s22 =	simm.s32 $0xA480;
	s7 =	rddreg [dreg:$0x1c]  }
0x93: {  	[tilespmem:s22], [sflag:$0x1] =	stream.linear.gather [spmem:s7], $0x80, $0x38;
	[tilespmem:$0xF280] =	vst v63  }
0x94: {  	s23 =	rddreg [dreg:$0x1d];
	s24 =	simm.s32 $0xA880  }
0x95: {  	[tilespmem:s24], [sflag:$0x1] =	stream.linear.gather [spmem:s23], $0x80, $0x38;
	[tilespmem:$0xF280] =	vst v63  }
0x96: {  	s7 =	rddreg [dreg:$0x1e];
	s22 =	simm.s32 $0xAC80  }
0x97: {  	[tilespmem:s22], [sflag:$0x1] =	stream.linear.gather [spmem:s7], $0x80, $0x38;
	[tilespmem:$0xF280] =	vst v63  }
0x98: {  	s23 =	rddreg [dreg:$0x1f];
	s24 =	simm.s32 $0xB080  }
0x99: {  	[tilespmem:s24], [sflag:$0x1] =	stream.linear.gather [spmem:s23], $0x80, $0x38;
	[tilespmem:$0xF280] =	vst v63  }
0x9a: {  	_ =	swait.ge [sflag:s1], $0x280  }
0x9b: {  	[sflag:s1] =	ssyncset.done $0x0;
	s7 =	rddreg [dreg:$0x7]  }
0x9c: {  	s22 =	simm.s32 $0xA100;
	s23 =	sld [smem:$0x7DA];
	[sflag:s1] =	ssyncadd.s32 $0xFFFFFD80  }
0x9d: {  	[tilespmem:s22], [sflag:$0x1] =	stream.linear.gather [spmem:s7], $0x80, $0x38;
	[tilespmem:$0xF280] =	vst v63  }
0x9e: {  	s24 =	simm.s32 $0xA500;
	s7 =	sld [smem:$0x7DB]  }
0x9f: {  	[tilespmem:s24], [sflag:$0x1] =	stream.linear.gather [spmem:s23], $0x80, $0x38;
	[tilespmem:$0xF280] =	vst v63  }
0xa0: {  	s22 =	simm.s32 $0xA900;
	s23 =	sld [smem:$0x7DC]  }
0xa1: {  	[tilespmem:s22], [sflag:$0x1] =	stream.linear.gather [spmem:s7], $0x80, $0x38;
	[tilespmem:$0xF280] =	vst v63  }
0xa2: {  	s24 =	simm.s32 $0xAD00;
	s7 =	sld [smem:$0x7DD]  }
0xa3: {  	[tilespmem:s24], [sflag:$0x1] =	stream.linear.gather [spmem:s23], $0x80, $0x38;
	[tilespmem:$0xF280] =	vst v63  }
0xa4: {  	s22 =	simm.s32 $0xB100  }
0xa5: {  	[tilespmem:s22], [sflag:$0x1] =	stream.linear.gather [spmem:s7], $0x80, $0x38;
	[tilespmem:$0xF280] =	vst v63  }
0xa6: {  	_ =	swait.ge [sflag:s1], $0x280  }
0xa7: {  	[sflag:s1] =	ssyncset.done $0x0;
	s23 =	rddreg [dreg:$0x8]  }
0xa8: {  	s24 =	simm.s32 $0xA180;
	s7 =	sld [smem:$0x7DE];
	[sflag:s1] =	ssyncadd.s32 $0xFFFFFD80  }
0xa9: {  	[tilespmem:s24], [sflag:$0x1] =	stream.linear.gather [spmem:s23], $0x80, $0x38;
	[tilespmem:$0xF280] =	vst v63  }
0xaa: {  	s22 =	simm.s32 $0xA580;
	s23 =	sld [smem:$0x7DF]  }
0xab: {  	[tilespmem:s22], [sflag:$0x1] =	stream.linear.gather [spmem:s7], $0x80, $0x38;
	[tilespmem:$0xF280] =	vst v63  }
0xac: {  	s24 =	simm.s32 $0xA980;
	s7 =	sld [smem:$0x7E0]  }
0xad: {  	[tilespmem:s24], [sflag:$0x1] =	stream.linear.gather [spmem:s23], $0x80, $0x38;
	[tilespmem:$0xF280] =	vst v63  }
0xae: {  	s22 =	simm.s32 $0xAD80;
	s23 =	sld [smem:$0x7E1]  }
0xaf: {  	[tilespmem:s22], [sflag:$0x1] =	stream.linear.gather [spmem:s7], $0x80, $0x38;
	[tilespmem:$0xF280] =	vst v63  }
0xb0: {  	s24 =	simm.s32 $0xB180  }
0xb1: {  	[tilespmem:s24], [sflag:$0x1] =	stream.linear.gather [spmem:s23], $0x80, $0x38;
	[tilespmem:$0xF280] =	vst v63  }
0xb2: {  	_ =	swait.ge [sflag:s1], $0x280  }
0xb3: {  	[sflag:s1] =	ssyncset.done $0x0;
	s7 =	rddreg [dreg:$0x9]  }
0xb4: {  	s22 =	simm.s32 $0xA200;
	s23 =	sld [smem:$0x7E2];
	[sflag:s1] =	ssyncadd.s32 $0xFFFFFD80  }
0xb5: {  	[tilespmem:s22], [sflag:$0x1] =	stream.linear.gather [spmem:s7], $0x80, $0x38;
	[tilespmem:$0xF280] =	vst v63  }
0xb6: {  	s24 =	simm.s32 $0xA600;
	s7 =	sld [smem:$0x7E3]  }
0xb7: {  	[tilespmem:s24], [sflag:$0x1] =	stream.linear.gather [spmem:s23], $0x80, $0x38;
	[tilespmem:$0xF280] =	vst v63  }
0xb8: {  	s22 =	simm.s32 $0xAA00;
	s23 =	sld [smem:$0x7E4]  }
0xb9: {  	[tilespmem:s22], [sflag:$0x1] =	stream.linear.gather [spmem:s7], $0x80, $0x38;
	[tilespmem:$0xF280] =	vst v63  }
0xba: {  	s24 =	simm.s32 $0xAE00;
	s7 =	sld [smem:$0x7E5]  }
0xbb: {  	[tilespmem:s24], [sflag:$0x1] =	stream.linear.gather [spmem:s23], $0x80, $0x38;
	[tilespmem:$0xF280] =	vst v63  }
0xbc: {  	s22 =	simm.s32 $0xB200  }
0xbd: {  	[tilespmem:s22], [sflag:$0x1] =	stream.linear.gather [spmem:s7], $0x80, $0x38;
	[tilespmem:$0xF280] =	vst v63  }
0xbe: {  	_ =	swait.ge [sflag:s1], $0x280  }
0xbf: {  	[sflag:s1] =	ssyncset.done $0x0;
	s23 =	rddreg [dreg:$0xa]  }
0xc0: {  	s24 =	simm.s32 $0xA280;
	s7 =	sld [smem:$0x7E6];
	[sflag:s1] =	ssyncadd.s32 $0xFFFFFD80  }
0xc1: {  	[tilespmem:s24], [sflag:$0x1] =	stream.linear.gather [spmem:s23], $0x80, $0x38;
	[tilespmem:$0xF280] =	vst v63  }
0xc2: {  	s22 =	simm.s32 $0xA680;
	s23 =	sld [smem:$0x7E7]  }
0xc3: {  	[tilespmem:s22], [sflag:$0x1] =	stream.linear.gather [spmem:s7], $0x80, $0x38;
	[tilespmem:$0xF280] =	vst v63  }
0xc4: {  	s24 =	simm.s32 $0xAA80;
	s7 =	sld [smem:$0x7E8]  }
0xc5: {  	[tilespmem:s24], [sflag:$0x1] =	stream.linear.gather [spmem:s23], $0x80, $0x38;
	[tilespmem:$0xF280] =	vst v63  }
0xc6: {  	s22 =	simm.s32 $0xAE80;
	s23 =	sld [smem:$0x7E9]  }
0xc7: {  	[tilespmem:s22], [sflag:$0x1] =	stream.linear.gather [spmem:s7], $0x80, $0x38;
	[tilespmem:$0xF280] =	vst v63  }
0xc8: {  	s24 =	simm.s32 $0xB280  }
0xc9: {  	[tilespmem:s24], [sflag:$0x1] =	stream.linear.gather [spmem:s23], $0x80, $0x38;
	[tilespmem:$0xF280] =	vst v63  }
0xca: {  	_ =	swait.ge [sflag:s1], $0x280  }
0xcb: {  	[sflag:s1] =	ssyncset.done $0x0;
	s7 =	rddreg [dreg:$0xb]  }
0xcc: {  	s22 =	simm.s32 $0xA300;
	s23 =	sld [smem:$0x7EA];
	[sflag:s1] =	ssyncadd.s32 $0xFFFFFD80  }
0xcd: {  	[tilespmem:s22], [sflag:$0x1] =	stream.linear.gather [spmem:s7], $0x80, $0x38;
	[tilespmem:$0xF280] =	vst v63  }
0xce: {  	s24 =	simm.s32 $0xA700;
	s7 =	sld [smem:$0x7EB]  }
0xcf: {  	[tilespmem:s24], [sflag:$0x1] =	stream.linear.gather [spmem:s23], $0x80, $0x38;
	[tilespmem:$0xF280] =	vst v63  }
0xd0: {  	s22 =	simm.s32 $0xAB00;
	s23 =	sld [smem:$0x7EC]  }
0xd1: {  	[tilespmem:s22], [sflag:$0x1] =	stream.linear.gather [spmem:s7], $0x80, $0x38;
	[tilespmem:$0xF280] =	vst v63  }
0xd2: {  	s24 =	simm.s32 $0xAF00;
	s7 =	sld [smem:$0x7ED]  }
0xd3: {  	[tilespmem:s24], [sflag:$0x1] =	stream.linear.gather [spmem:s23], $0x80, $0x38;
	[tilespmem:$0xF280] =	vst v63  }
0xd4: {  	s22 =	simm.s32 $0xB300  }
0xd5: {  	[tilespmem:s22], [sflag:$0x1] =	stream.linear.gather [spmem:s7], $0x80, $0x38;
	[tilespmem:$0xF280] =	vst v63  }
0xd6: {  	_ =	swait.ge [sflag:s1], $0x280  }
0xd7: {  	[sflag:s1] =	ssyncset.done $0x0;
	s23 =	rddreg [dreg:$0xc]  }
0xd8: {  	s24 =	simm.s32 $0xA380;
	s7 =	sld [smem:$0x7EE];
	[sflag:s1] =	ssyncadd.s32 $0xFFFFFD80  }
0xd9: {  	[tilespmem:s24], [sflag:$0x1] =	stream.linear.gather [spmem:s23], $0x80, $0x38;
	[tilespmem:$0xF280] =	vst v63  }
0xda: {  	s22 =	simm.s32 $0xA780;
	s23 =	sld [smem:$0x7EF]  }
0xdb: {  	[tilespmem:s22], [sflag:$0x1] =	stream.linear.gather [spmem:s7], $0x80, $0x38;
	[tilespmem:$0xF280] =	vst v63  }
0xdc: {  	s24 =	simm.s32 $0xAB80;
	s7 =	sld [smem:$0x7F0]  }
0xdd: {  	[tilespmem:s24], [sflag:$0x1] =	stream.linear.gather [spmem:s23], $0x80, $0x38;
	[tilespmem:$0xF280] =	vst v63  }
0xde: {  	s22 =	simm.s32 $0xAF80;
	s23 =	sld [smem:$0x7F1]  }
0xdf: {  	[tilespmem:s22], [sflag:$0x1] =	stream.linear.gather [spmem:s7], $0x80, $0x38;
	[tilespmem:$0xF280] =	vst v63  }
0xe0: {  	s24 =	simm.s32 $0xB380  }
0xe1: {  	[tilespmem:s24], [sflag:$0x1] =	stream.linear.gather [spmem:s23], $0x80, $0x38;
	[tilespmem:$0xF280] =	vst v63  }
0xe2: {  	_ =	swait.ge [sflag:s1], $0x280  }
0xe3: {  	[sflag:s1] =	ssyncset.done $0x0;
	s7 =	rddreg [dreg:$0xd]  }
0xe4: {  	s22 =	simm.s32 $0xB400;
	s23 =	sld [smem:$0x7F2];
	[sflag:s1] =	ssyncadd.s32 $0xFFFFFD80  }
0xe5: {  	[tilespmem:s22], [sflag:$0x1] =	stream.linear.gather [spmem:s7], $0x80, $0x38;
	[tilespmem:$0xF280] =	vst v63  }
0xe6: {  	s24 =	simm.s32 $0xB800;
	s7 =	sld [smem:$0x7F3]  }
0xe7: {  	[tilespmem:s24], [sflag:$0x1] =	stream.linear.gather [spmem:s23], $0x80, $0x38;
	[tilespmem:$0xF280] =	vst v63  }
0xe8: {  	s22 =	simm.s32 $0xBC00;
	s23 =	sld [smem:$0x7F4]  }
0xe9: {  	[tilespmem:s22], [sflag:$0x1] =	stream.linear.gather [spmem:s7], $0x80, $0x38;
	[tilespmem:$0xF280] =	vst v63  }
0xea: {  	s24 =	simm.s32 $0xC000;
	s7 =	sld [smem:$0x7F5]  }
0xeb: {  	[tilespmem:s24], [sflag:$0x1] =	stream.linear.gather [spmem:s23], $0x80, $0x38;
	[tilespmem:$0xF280] =	vst v63  }
0xec: {  	s22 =	simm.s32 $0xC400  }
0xed: {  	[tilespmem:s22], [sflag:$0x1] =	stream.linear.gather [spmem:s7], $0x80, $0x38;
	[tilespmem:$0xF280] =	vst v63  }
0xee: {  	_ =	swait.ge [sflag:s1], $0x280  }
0xef: {  	[sflag:s1] =	ssyncset.done $0x0;
	s23 =	rddreg [dreg:$0xe]  }
0xf0: {  	s24 =	simm.s32 $0xB480;
	s7 =	sld [smem:$0x7F6];
	[sflag:s1] =	ssyncadd.s32 $0xFFFFFD80  }
0xf1: {  	[tilespmem:s24], [sflag:$0x1] =	stream.linear.gather [spmem:s23], $0x80, $0x38;
	[tilespmem:$0xF280] =	vst v63  }
0xf2: {  	s22 =	simm.s32 $0xB880;
	s23 =	sld [smem:$0x7F7]  }
0xf3: {  	[tilespmem:s22], [sflag:$0x1] =	stream.linear.gather [spmem:s7], $0x80, $0x38;
	[tilespmem:$0xF280] =	vst v63  }
0xf4: {  	s24 =	simm.s32 $0xBC80;
	s7 =	sld [smem:$0x7F8]  }
0xf5: {  	[tilespmem:s24], [sflag:$0x1] =	stream.linear.gather [spmem:s23], $0x80, $0x38;
	[tilespmem:$0xF280] =	vst v63  }
0xf6: {  	s22 =	simm.s32 $0xC080;
	s23 =	sld [smem:$0x7F9]  }
0xf7: {  	[tilespmem:s22], [sflag:$0x1] =	stream.linear.gather [spmem:s7], $0x80, $0x38;
	[tilespmem:$0xF280] =	vst v63  }
0xf8: {  	s24 =	simm.s32 $0xC480  }
0xf9: {  	[tilespmem:s24], [sflag:$0x1] =	stream.linear.gather [spmem:s23], $0x80, $0x38;
	[tilespmem:$0xF280] =	vst v63  }
0xfa: {  	_ =	swait.ge [sflag:s1], $0x280  }
0xfb: {  	[sflag:s1] =	ssyncset.done $0x0;
	s7 =	rddreg [dreg:$0xf]  }
0xfc: {  	s22 =	simm.s32 $0xB500;
	s23 =	sld [smem:$0x7FA];
	[sflag:s1] =	ssyncadd.s32 $0xFFFFFD80  }
0xfd: {  	[tilespmem:s22], [sflag:$0x1] =	stream.linear.gather [spmem:s7], $0x80, $0x38;
	[tilespmem:$0xF280] =	vst v63  }
0xfe: {  	s24 =	simm.s32 $0xB900;
	s7 =	sld [smem:$0x7FB]  }
0xff: {  	[tilespmem:s24], [sflag:$0x1] =	stream.linear.gather [spmem:s23], $0x80, $0x38;
	[tilespmem:$0xF280] =	vst v63  }
0x100: {  	s22 =	simm.s32 $0xBD00;
	s23 =	sld [smem:$0x7FC]  }
0x101: {  	[tilespmem:s22], [sflag:$0x1] =	stream.linear.gather [spmem:s7], $0x80, $0x38;
	[tilespmem:$0xF280] =	vst v63  }
0x102: {  	s24 =	simm.s32 $0xC100;
	s7 =	sld [smem:$0x7FD]  }
0x103: {  	[tilespmem:s24], [sflag:$0x1] =	stream.linear.gather [spmem:s23], $0x80, $0x38;
	[tilespmem:$0xF280] =	vst v63  }
0x104: {  	s22 =	simm.s32 $0xC500  }
0x105: {  	[tilespmem:s22], [sflag:$0x1] =	stream.linear.gather [spmem:s7], $0x80, $0x38;
	[tilespmem:$0xF280] =	vst v63  }
0x106: {  	_ =	swait.ge [sflag:s1], $0x280  }
0x107: {  	[sflag:s1] =	ssyncset.done $0x0  }
0x108: {  	s24 =	simm.s32 $0xB580;
	s23 =	rddreg [dreg:$0x10];
	[sflag:s1] =	ssyncadd.s32 $0xFFFFFD80  }
0x109: {  	[tilespmem:s24], [sflag:$0x1] =	stream.linear.gather [spmem:s23], $0x80, $0x38;
	[tilespmem:$0xF280] =	vst v63  }
0x10a: {  	s7 =	simm.s32 $0xB980  }
0x10b: {  	[tilespmem:s7], [sflag:$0x1] =	stream.linear.gather [spmem:s8], $0x80, $0x38;
	[tilespmem:$0xF280] =	vst v63  }
0x10c: {  	s22 =	simm.s32 $0xBD80  }
0x10d: {  	[tilespmem:s22], [sflag:$0x1] =	stream.linear.gather [spmem:s9], $0x80, $0x38;
	[tilespmem:$0xF280] =	vst v63  }
0x10e: {  	s23 =	simm.s32 $0xC180  }
0x10f: {  	[tilespmem:s23], [sflag:$0x1] =	stream.linear.gather [spmem:s10], $0x80, $0x38;
	[tilespmem:$0xF280] =	vst v63  }
0x110: {  	s24 =	simm.s32 $0xC580  }
0x111: {  	[tilespmem:s24], [sflag:$0x1] =	stream.linear.gather [spmem:s11], $0x80, $0x38;
	[tilespmem:$0xF280] =	vst v63  }
0x112: {  	_ =	swait.ge [sflag:s1], $0x280  }
0x113: {  	[sflag:s1] =	ssyncset.done $0x0  }
0x114: {  	s22 =	simm.s32 $0xB600;
	s7 =	rddreg [dreg:$0x11];
	[sflag:s1] =	ssyncadd.s32 $0xFFFFFD80  }
0x115: {  	[tilespmem:s22], [sflag:$0x1] =	stream.linear.gather [spmem:s7], $0x80, $0x38;
	[tilespmem:$0xF280] =	vst v63  }
0x116: {  	s23 =	simm.s32 $0xBA00  }
0x117: {  	[tilespmem:s23], [sflag:$0x1] =	stream.linear.gather [spmem:s12], $0x80, $0x38;
	[tilespmem:$0xF280] =	vst v63  }
0x118: {  	s24 =	simm.s32 $0xBE00  }
0x119: {  	[tilespmem:s24], [sflag:$0x1] =	stream.linear.gather [spmem:s13], $0x80, $0x38;
	[tilespmem:$0xF280] =	vst v63  }
0x11a: {  	s7 =	simm.s32 $0xC200  }
0x11b: {  	[tilespmem:s7], [sflag:$0x1] =	stream.linear.gather [spmem:s14], $0x80, $0x38;
	[tilespmem:$0xF280] =	vst v63  }
0x11c: {  	s22 =	simm.s32 $0xC600  }
0x11d: {  	[tilespmem:s22], [sflag:$0x1] =	stream.linear.gather [spmem:s15], $0x80, $0x38;
	[tilespmem:$0xF280] =	vst v63  }
0x11e: {  	_ =	swait.ge [sflag:s1], $0x280  }
0x11f: {  	[sflag:s1] =	ssyncset.done $0x0  }
0x120: {  	s24 =	simm.s32 $0xB680;
	s23 =	rddreg [dreg:$0x12];
	[sflag:s1] =	ssyncadd.s32 $0xFFFFFD80  }
0x121: {  	[tilespmem:s24], [sflag:$0x1] =	stream.linear.gather [spmem:s23], $0x80, $0x38;
	[tilespmem:$0xF280] =	vst v63  }
0x122: {  	s7 =	simm.s32 $0xBA80  }
0x123: {  	[tilespmem:s7], [sflag:$0x1] =	stream.linear.gather [spmem:s16], $0x80, $0x38;
	[tilespmem:$0xF280] =	vst v63  }
0x124: {  	s22 =	simm.s32 $0xBE80  }
0x125: {  	[tilespmem:s22], [sflag:$0x1] =	stream.linear.gather [spmem:s17], $0x80, $0x38;
	[tilespmem:$0xF280] =	vst v63  }
0x126: {  	s23 =	simm.s32 $0xC280  }
0x127: {  	[tilespmem:s23], [sflag:$0x1] =	stream.linear.gather [spmem:s18], $0x80, $0x38;
	[tilespmem:$0xF280] =	vst v63  }
0x128: {  	s24 =	simm.s32 $0xC680  }
0x129: {  	[tilespmem:s24], [sflag:$0x1] =	stream.linear.gather [spmem:s19], $0x80, $0x38;
	[tilespmem:$0xF280] =	vst v63  }
0x12a: {  	_ =	swait.ge [sflag:s1], $0x280  }
0x12b: {  	[sflag:s1] =	ssyncset.done $0x0  }
0x12c: {  	s22 =	simm.s32 $0xB700;
	s7 =	rddreg [dreg:$0x13];
	[sflag:s1] =	ssyncadd.s32 $0xFFFFFD80  }
0x12d: {  	[tilespmem:s22], [sflag:$0x1] =	stream.linear.gather [spmem:s7], $0x80, $0x38;
	[tilespmem:$0xF280] =	vst v63  }
0x12e: {  	s23 =	simm.s32 $0xBB00  }
0x12f: {  	[tilespmem:s23], [sflag:$0x1] =	stream.linear.gather [spmem:s20], $0x80, $0x38;
	[tilespmem:$0xF280] =	vst v63  }
0x130: {  	s24 =	simm.s32 $0xBF00  }
0x131: {  	[tilespmem:s24], [sflag:$0x1] =	stream.linear.gather [spmem:s21], $0x80, $0x38;
	[tilespmem:$0xF280] =	vst v63  }
0x132: {  	s7 =	simm.s32 $0xC300  }
0x133: {  	[tilespmem:s7], [sflag:$0x1] =	stream.linear.gather [spmem:s25], $0x80, $0x38;
	[tilespmem:$0xF280] =	vst v63  }
0x134: {  	s22 =	simm.s32 $0xC700  }
0x135: {  	[tilespmem:s22], [sflag:$0x1] =	stream.linear.gather [spmem:s26], $0x80, $0x38;
	[tilespmem:$0xF280] =	vst v63  }
0x136: {  	_ =	swait.ge [sflag:s1], $0x280  }
0x137: {  	[sflag:s1] =	ssyncset.done $0x0  }
0x138: {  	s24 =	simm.s32 $0xB780;
	s23 =	rddreg [dreg:$0x14];
	[sflag:s1] =	ssyncadd.s32 $0xFFFFFD80  }
0x139: {  	[tilespmem:s24], [sflag:$0x1] =	stream.linear.gather [spmem:s23], $0x80, $0x38;
	[tilespmem:$0xF280] =	vst v63  }
0x13a: {  	s7 =	simm.s32 $0xBB80  }
0x13b: {  	[tilespmem:s7], [sflag:$0x1] =	stream.linear.gather [spmem:s28], $0x80, $0x38;
	[tilespmem:$0xF280] =	vst v63  }
0x13c: {  	s22 =	simm.s32 $0xBF80  }
0x13d: {  	[tilespmem:s22], [sflag:$0x1] =	stream.linear.gather [spmem:s29], $0x80, $0x38;
	[tilespmem:$0xF280] =	vst v63  }
0x13e: {  	s23 =	simm.s32 $0xC380  }
0x13f: {  	[tilespmem:s23], [sflag:$0x1] =	stream.linear.gather [spmem:s30], $0x80, $0x38;
	[tilespmem:$0xF280] =	vst v63  }
0x140: {  	s24 =	simm.s32 $0xC780  }
0x141: {  	[tilespmem:s24], [sflag:$0x1] =	stream.linear.gather [spmem:s31], $0x80, $0x38;
	[tilespmem:$0xF280] =	vst v63  }
0x142: {  	s7 =	simm.s32 $0x0;
	_ =	swait.ge [sflag:s1], $0x280  }
0x143: {  	s6 =	sand.u32 $0x1C00, s7;
	s22 =	sand.u32 $0x70, s7;
	[sflag:s1] =	ssyncset.done $0x0  }
0x144: {  	s6 =	sor.u32 s22, s6;
	[sflag:s1] =	ssyncadd.s32 $0xFFFFFD80  }
0x145: {  	v2 =	vld [tilespmem:s6+$0xA080]  }
0x146: {  	v3 =	vld [tilespmem:s6+$0xA000];
	_ =	sdelay $0x1  }
0x147: {  	v4 =	vld [tilespmem:s6+$0xA100];
	_ =	sdelay $0x1  }
0x148: {  	v5 =	vld [tilespmem:s6+$0xA180]  }
0x149: {  	v2 =	vadd.f32 v2, v3  }
0x14a: {  	v3 =	vld [tilespmem:s6+$0xA200]  }
0x14b: {  	v2 =	vadd.f32 v4, v2  }
0x14c: {  	v56 =	vld [tilespmem:s6+$0xA280]  }
0x14d: {  	v2 =	vadd.f32 v5, v2  }
0x14e: {  	v57 =	vld [tilespmem:s6+$0xA300]  }
0x14f: {  	v2 =	vadd.f32 v3, v2  }
0x150: {  	v3 =	vld [tilespmem:s6+$0xA380]  }
0x151: {  	v2 =	vadd.f32 v56, v2  }
0x152: {  	v58 =	vld [tilespmem:s6+$0xB400]  }
0x153: {  	v2 =	vadd.f32 v57, v2  }
0x154: {  	v59 =	vld [tilespmem:s6+$0xB480]  }
0x155: {  	v2 =	vadd.f32 v3, v2  }
0x156: {  	v3 =	vld [tilespmem:s6+$0xB500]  }
0x157: {  	v2 =	vadd.f32 v58, v2  }
0x158: {  	v60 =	vld [tilespmem:s6+$0xB580]  }
0x159: {  	v2 =	vadd.f32 v59, v2  }
0x15a: {  	v61 =	vld [tilespmem:s6+$0xB600]  }
0x15b: {  	v2 =	vadd.f32 v3, v2  }
0x15c: {  	v3 =	vld [tilespmem:s6+$0xB680]  }
0x15d: {  	v2 =	vadd.f32 v60, v2  }
0x15e: {  	v62 =	vld [tilespmem:s6+$0xB700]  }
0x15f: {  	v2 =	vadd.f32 v61, v2  }
0x160: {  	v63 =	vld [tilespmem:s6+$0xB780]  }
0x161: {  	v2 =	vadd.f32 v3, v2;
	_ =	sdelay $0x1  }
0x162: {  	v2 =	vadd.f32 v62, v2;
	_ =	sdelay $0x1  }
0x163: {  	s23 =	simm.s32 $0x10;
	s24 =	simm.s32 $0x80;
	v2 =	vadd.f32 v63, v2  }
0x164: {  	s22 =	simm.s32 $0xC800;
	s6 =	sand.u32 $0x70, s23;
	s23 =	sand.u32 $0x1C00, s24  }
0x165: {  	s23 =	sor.u32 s6, s23;
	s6 =	simm.s32 $0x20;
	[tilespmem:s22+$0x0] =	vst v2  }
.LBB2_6:
0x166: {  	p0 =	sne.s32 s6, $0x270;
	v2 =	vld [tilespmem:s23+$0xA080]  }
0x167: {  	v3 =	vld [tilespmem:s23+$0xA000];
	_ =	sdelay $0x1  }
0x168: {  	v4 =	vld [tilespmem:s23+$0xA100];
	_ =	sdelay $0x1  }
0x169: {  	v5 =	vld [tilespmem:s23+$0xA180]  }
0x16a: {  	v2 =	vadd.f32 v2, v3  }
0x16b: {  	v3 =	vld [tilespmem:s23+$0xA200]  }
0x16c: {  	v2 =	vadd.f32 v4, v2  }
0x16d: {  	v4 =	vld [tilespmem:s23+$0xA280]  }
0x16e: {  	v2 =	vadd.f32 v5, v2  }
0x16f: {  	v5 =	vld [tilespmem:s23+$0xA300]  }
0x170: {  	v2 =	vadd.f32 v3, v2  }
0x171: {  	v3 =	vld [tilespmem:s23+$0xA380]  }
0x172: {  	v2 =	vadd.f32 v4, v2  }
0x173: {  	v4 =	vld [tilespmem:s23+$0xB400]  }
0x174: {  	v2 =	vadd.f32 v5, v2  }
0x175: {  	v5 =	vld [tilespmem:s23+$0xB480]  }
0x176: {  	v2 =	vadd.f32 v3, v2  }
0x177: {  	v3 =	vld [tilespmem:s23+$0xB500]  }
0x178: {  	v2 =	vadd.f32 v4, v2  }
0x179: {  	v4 =	vld [tilespmem:s23+$0xB580]  }
0x17a: {  	v2 =	vadd.f32 v5, v2  }
0x17b: {  	v5 =	vld [tilespmem:s23+$0xB600]  }
0x17c: {  	v2 =	vadd.f32 v3, v2  }
0x17d: {  	v3 =	vld [tilespmem:s23+$0xB680]  }
0x17e: {  	v2 =	vadd.f32 v4, v2  }
0x17f: {  	v4 =	vld [tilespmem:s23+$0xB700]  }
0x180: {  	v2 =	vadd.f32 v5, v2  }
0x181: {  	v5 =	vld [tilespmem:s23+$0xB780]  }
0x182: {  	v2 =	vadd.f32 v3, v2;
	_ =	sdelay $0x1  }
.Ltmp2:
0x183: {  	v2 =	vadd.f32 v4, v2;
	(pc) =	sbr.rel @p0 .LBB2_6-.Ltmp2, $4  }
0x184: {  	_ = 	snop  }
0x185: {  	s24 =	sadd.s32 $0x80, s24;
	v2 =	vadd.f32 v5, v2  }
0x186: {  	s22 =	sadd.s32 $0x10, s22;
	s7 =	sand.u32 $0x1C00, s24;
	s23 =	sand.u32 $0x70, s6  }
0x187: {  	s6 =	sadd.s32 $0x10, s6;
	s23 =	sor.u32 s23, s7;
	[tilespmem:s22+$0x0] =	vst v2  }
0x188: {  	v2 =	vld [tilespmem:s23+$0xA080]  }
0x189: {  	v3 =	vld [tilespmem:s23+$0xA000];
	_ =	sdelay $0x1  }
0x18a: {  	v4 =	vld [tilespmem:s23+$0xA100];
	_ =	sdelay $0x1  }
0x18b: {  	v5 =	vld [tilespmem:s23+$0xA180]  }
0x18c: {  	v2 =	vadd.f32 v2, v3  }
0x18d: {  	v3 =	vld [tilespmem:s23+$0xA200]  }
0x18e: {  	v2 =	vadd.f32 v4, v2  }
0x18f: {  	v46 =	vld [tilespmem:s23+$0xA280]  }
0x190: {  	v2 =	vadd.f32 v5, v2  }
0x191: {  	v47 =	vld [tilespmem:s23+$0xA300]  }
0x192: {  	v2 =	vadd.f32 v3, v2  }
0x193: {  	v3 =	vld [tilespmem:s23+$0xA380]  }
0x194: {  	v2 =	vadd.f32 v46, v2  }
0x195: {  	v48 =	vld [tilespmem:s23+$0xB400]  }
0x196: {  	v2 =	vadd.f32 v47, v2  }
0x197: {  	v49 =	vld [tilespmem:s23+$0xB480]  }
0x198: {  	v2 =	vadd.f32 v3, v2  }
0x199: {  	v3 =	vld [tilespmem:s23+$0xB500]  }
0x19a: {  	v2 =	vadd.f32 v48, v2  }
0x19b: {  	v50 =	vld [tilespmem:s23+$0xB580]  }
0x19c: {  	v2 =	vadd.f32 v49, v2  }
0x19d: {  	v51 =	vld [tilespmem:s23+$0xB600]  }
0x19e: {  	v2 =	vadd.f32 v3, v2  }
0x19f: {  	v3 =	vld [tilespmem:s23+$0xB680]  }
0x1a0: {  	v2 =	vadd.f32 v50, v2  }
0x1a1: {  	v52 =	vld [tilespmem:s23+$0xB700]  }
0x1a2: {  	v2 =	vadd.f32 v51, v2  }
0x1a3: {  	v53 =	vld [tilespmem:s23+$0xB780]  }
0x1a4: {  	v2 =	vadd.f32 v3, v2;
	_ =	sdelay $0x1  }
0x1a5: {  	v2 =	vadd.f32 v52, v2;
	_ =	sdelay $0x1  }
0x1a6: {  	v2 =	vadd.f32 v53, v2  }
0x1a7: {  	s6 =	sadd.s32 $0x10, s22  }
0x1a8: {  	s22 =	simm.s32 $0xC800;
	s24 =	rddreg [dreg:$0x15];
	s7 =	simm.s32 $0x100;
	[tilespmem:s6+$0x0] =	vst v2  }
0x1a9: {  	[hbm4b:s24+s4] =	stream.strided.scatter [tilespmem:s22], [sflag:$0x1], $0x280, s7, s4, $0x38;
	[tilespmem:$0xF280] =	vst v63  }
0x1aa: {  	_ =	swait.ge [sflag:s1], $0x280  }
0x1ab: {  	[sflag:s1] =	ssyncset.done $0x0  }
0x1ac: {  	[sflag:s1] =	ssyncadd.s32 $0xFFFFFD80  }
0x1ad: {  	[bflag:$0x0] =	sbarrier.arrive $0xFFFF  }
0x1ae: {  	s24 =	simm.s32 $0x400;
	s23 =	rddreg [dreg:$0x5]  }
0x1af: {  	[spmem:s23] =	stream.strided.scatter [tilespmem:s3], [sflag:$0x1], $0x2800, s24, s4, $0x38;
	[tilespmem:$0xF280] =	vst v63  }
0x1b0: {  	_ =	swait.ge [sflag:s1], $0x2800  }
0x1b1: {  	[sflag:s1] =	ssyncset.done $0x0  }
0x1b2: {  	[sflag:s1] =	ssyncadd.s32 $0xFFFFD800  }
0x1b3: {  	s7 =	simm.s32 $0xA000;
	[bflag:$0x0] =	sbarrier.arrive $0xFFFF  }
0x1b4: {  	[tilespmem:s7], [sflag:$0x1] =	stream.linear.gather [spmem:s5], $0x80, $0x38;
	[tilespmem:$0xF280] =	vst v63  }
0x1b5: {  	s24 =	simm.s32 $0xA400;
	s23 =	rddreg [dreg:$0x18]  }
0x1b6: {  	[tilespmem:s24], [sflag:$0x1] =	stream.linear.gather [spmem:s23], $0x80, $0x38;
	[tilespmem:$0xF280] =	vst v63  }
0x1b7: {  	s23 =	rddreg [dreg:$0x19];
	s24 =	simm.s32 $0xA800  }
0x1b8: {  	[tilespmem:s24], [sflag:$0x1] =	stream.linear.gather [spmem:s23], $0x80, $0x38;
	[tilespmem:$0xF280] =	vst v63  }
0x1b9: {  	s23 =	rddreg [dreg:$0x1a];
	s24 =	simm.s32 $0xAC00  }
0x1ba: {  	[tilespmem:s24], [sflag:$0x1] =	stream.linear.gather [spmem:s23], $0x80, $0x38;
	[tilespmem:$0xF280] =	vst v63  }
0x1bb: {  	s23 =	rddreg [dreg:$0x1b];
	s24 =	simm.s32 $0xB000  }
0x1bc: {  	[tilespmem:s24], [sflag:$0x1] =	stream.linear.gather [spmem:s23], $0x80, $0x38;
	[tilespmem:$0xF280] =	vst v63  }
0x1bd: {  	_ =	swait.ge [sflag:s1], $0x280  }
0x1be: {  	[sflag:s1] =	ssyncset.done $0x0  }
0x1bf: {  	s24 =	simm.s32 $0xA080;
	s23 =	rddreg [dreg:$0x6];
	[sflag:s1] =	ssyncadd.s32 $0xFFFFFD80  }
0x1c0: {  	[tilespmem:s24], [sflag:$0x1] =	stream.linear.gather [spmem:s23], $0x80, $0x38;
	[tilespmem:$0xF280] =	vst v63  }
0x1c1: {  	s23 =	rddreg [dreg:$0x1c];
	s24 =	simm.s32 $0xA480  }
0x1c2: {  	[tilespmem:s24], [sflag:$0x1] =	stream.linear.gather [spmem:s23], $0x80, $0x38;
	[tilespmem:$0xF280] =	vst v63  }
0x1c3: {  	s23 =	rddreg [dreg:$0x1d];
	s24 =	simm.s32 $0xA880  }
0x1c4: {  	[tilespmem:s24], [sflag:$0x1] =	stream.linear.gather [spmem:s23], $0x80, $0x38;
	[tilespmem:$0xF280] =	vst v63  }
0x1c5: {  	s23 =	rddreg [dreg:$0x1e];
	s24 =	simm.s32 $0xAC80  }
0x1c6: {  	[tilespmem:s24], [sflag:$0x1] =	stream.linear.gather [spmem:s23], $0x80, $0x38;
	[tilespmem:$0xF280] =	vst v63  }
0x1c7: {  	s23 =	rddreg [dreg:$0x1f];
	s24 =	simm.s32 $0xB080  }
0x1c8: {  	[tilespmem:s24], [sflag:$0x1] =	stream.linear.gather [spmem:s23], $0x80, $0x38;
	[tilespmem:$0xF280] =	vst v63  }
0x1c9: {  	_ =	swait.ge [sflag:s1], $0x280  }
0x1ca: {  	[sflag:s1] =	ssyncset.done $0x0  }
0x1cb: {  	s24 =	simm.s32 $0xA100;
	s23 =	rddreg [dreg:$0x7];
	[sflag:s1] =	ssyncadd.s32 $0xFFFFFD80  }
0x1cc: {  	[tilespmem:s24], [sflag:$0x1] =	stream.linear.gather [spmem:s23], $0x80, $0x38;
	[tilespmem:$0xF280] =	vst v63  }
0x1cd: {  	s23 =	sld [smem:$0x7DA];
	_ =	sdelay $0x1  }
0x1ce: {  	s24 =	simm.s32 $0xA500  }
0x1cf: {  	[tilespmem:s24], [sflag:$0x1] =	stream.linear.gather [spmem:s23], $0x80, $0x38;
	[tilespmem:$0xF280] =	vst v63  }
0x1d0: {  	s23 =	sld [smem:$0x7DB];
	_ =	sdelay $0x1  }
0x1d1: {  	s24 =	simm.s32 $0xA900  }
0x1d2: {  	[tilespmem:s24], [sflag:$0x1] =	stream.linear.gather [spmem:s23], $0x80, $0x38;
	[tilespmem:$0xF280] =	vst v63  }
0x1d3: {  	s23 =	sld [smem:$0x7DC];
	_ =	sdelay $0x1  }
0x1d4: {  	s24 =	simm.s32 $0xAD00  }
0x1d5: {  	[tilespmem:s24], [sflag:$0x1] =	stream.linear.gather [spmem:s23], $0x80, $0x38;
	[tilespmem:$0xF280] =	vst v63  }
0x1d6: {  	s23 =	sld [smem:$0x7DD];
	_ =	sdelay $0x1  }
0x1d7: {  	s24 =	simm.s32 $0xB100  }
0x1d8: {  	[tilespmem:s24], [sflag:$0x1] =	stream.linear.gather [spmem:s23], $0x80, $0x38;
	[tilespmem:$0xF280] =	vst v63  }
0x1d9: {  	_ =	swait.ge [sflag:s1], $0x280  }
0x1da: {  	[sflag:s1] =	ssyncset.done $0x0  }
0x1db: {  	s24 =	simm.s32 $0xA180;
	s23 =	rddreg [dreg:$0x8];
	[sflag:s1] =	ssyncadd.s32 $0xFFFFFD80  }
0x1dc: {  	[tilespmem:s24], [sflag:$0x1] =	stream.linear.gather [spmem:s23], $0x80, $0x38;
	[tilespmem:$0xF280] =	vst v63  }
0x1dd: {  	s23 =	sld [smem:$0x7DE];
	_ =	sdelay $0x1  }
0x1de: {  	s24 =	simm.s32 $0xA580  }
0x1df: {  	[tilespmem:s24], [sflag:$0x1] =	stream.linear.gather [spmem:s23], $0x80, $0x38;
	[tilespmem:$0xF280] =	vst v63  }
0x1e0: {  	s23 =	sld [smem:$0x7DF];
	_ =	sdelay $0x1  }
0x1e1: {  	s24 =	simm.s32 $0xA980  }
0x1e2: {  	[tilespmem:s24], [sflag:$0x1] =	stream.linear.gather [spmem:s23], $0x80, $0x38;
	[tilespmem:$0xF280] =	vst v63  }
0x1e3: {  	s23 =	sld [smem:$0x7E0];
	_ =	sdelay $0x1  }
0x1e4: {  	s24 =	simm.s32 $0xAD80  }
0x1e5: {  	[tilespmem:s24], [sflag:$0x1] =	stream.linear.gather [spmem:s23], $0x80, $0x38;
	[tilespmem:$0xF280] =	vst v63  }
0x1e6: {  	s23 =	sld [smem:$0x7E1];
	_ =	sdelay $0x1  }
0x1e7: {  	s24 =	simm.s32 $0xB180  }
0x1e8: {  	[tilespmem:s24], [sflag:$0x1] =	stream.linear.gather [spmem:s23], $0x80, $0x38;
	[tilespmem:$0xF280] =	vst v63  }
0x1e9: {  	_ =	swait.ge [sflag:s1], $0x280  }
0x1ea: {  	[sflag:s1] =	ssyncset.done $0x0  }
0x1eb: {  	s24 =	simm.s32 $0xA200;
	s23 =	rddreg [dreg:$0x9];
	[sflag:s1] =	ssyncadd.s32 $0xFFFFFD80  }
0x1ec: {  	[tilespmem:s24], [sflag:$0x1] =	stream.linear.gather [spmem:s23], $0x80, $0x38;
	[tilespmem:$0xF280] =	vst v63  }
0x1ed: {  	s23 =	sld [smem:$0x7E2];
	_ =	sdelay $0x1  }
0x1ee: {  	s24 =	simm.s32 $0xA600  }
0x1ef: {  	[tilespmem:s24], [sflag:$0x1] =	stream.linear.gather [spmem:s23], $0x80, $0x38;
	[tilespmem:$0xF280] =	vst v63  }
0x1f0: {  	s23 =	sld [smem:$0x7E3];
	_ =	sdelay $0x1  }
0x1f1: {  	s24 =	simm.s32 $0xAA00  }
0x1f2: {  	[tilespmem:s24], [sflag:$0x1] =	stream.linear.gather [spmem:s23], $0x80, $0x38;
	[tilespmem:$0xF280] =	vst v63  }
0x1f3: {  	s23 =	sld [smem:$0x7E4];
	_ =	sdelay $0x1  }
0x1f4: {  	s24 =	simm.s32 $0xAE00  }
0x1f5: {  	[tilespmem:s24], [sflag:$0x1] =	stream.linear.gather [spmem:s23], $0x80, $0x38;
	[tilespmem:$0xF280] =	vst v63  }
0x1f6: {  	s23 =	sld [smem:$0x7E5];
	_ =	sdelay $0x1  }
0x1f7: {  	s24 =	simm.s32 $0xB200  }
0x1f8: {  	[tilespmem:s24], [sflag:$0x1] =	stream.linear.gather [spmem:s23], $0x80, $0x38;
	[tilespmem:$0xF280] =	vst v63  }
0x1f9: {  	_ =	swait.ge [sflag:s1], $0x280  }
0x1fa: {  	[sflag:s1] =	ssyncset.done $0x0  }
0x1fb: {  	s24 =	simm.s32 $0xA280;
	s23 =	rddreg [dreg:$0xa];
	[sflag:s1] =	ssyncadd.s32 $0xFFFFFD80  }
0x1fc: {  	[tilespmem:s24], [sflag:$0x1] =	stream.linear.gather [spmem:s23], $0x80, $0x38;
	[tilespmem:$0xF280] =	vst v63  }
0x1fd: {  	s23 =	sld [smem:$0x7E6];
	_ =	sdelay $0x1  }
0x1fe: {  	s24 =	simm.s32 $0xA680  }
0x1ff: {  	[tilespmem:s24], [sflag:$0x1] =	stream.linear.gather [spmem:s23], $0x80, $0x38;
	[tilespmem:$0xF280] =	vst v63  }
0x200: {  	s23 =	sld [smem:$0x7E7];
	_ =	sdelay $0x1  }
0x201: {  	s24 =	simm.s32 $0xAA80  }
0x202: {  	[tilespmem:s24], [sflag:$0x1] =	stream.linear.gather [spmem:s23], $0x80, $0x38;
	[tilespmem:$0xF280] =	vst v63  }
0x203: {  	s23 =	sld [smem:$0x7E8];
	_ =	sdelay $0x1  }
0x204: {  	s24 =	simm.s32 $0xAE80  }
0x205: {  	[tilespmem:s24], [sflag:$0x1] =	stream.linear.gather [spmem:s23], $0x80, $0x38;
	[tilespmem:$0xF280] =	vst v63  }
0x206: {  	s23 =	sld [smem:$0x7E9];
	_ =	sdelay $0x1  }
0x207: {  	s24 =	simm.s32 $0xB280  }
0x208: {  	[tilespmem:s24], [sflag:$0x1] =	stream.linear.gather [spmem:s23], $0x80, $0x38;
	[tilespmem:$0xF280] =	vst v63  }
0x209: {  	_ =	swait.ge [sflag:s1], $0x280  }
0x20a: {  	[sflag:s1] =	ssyncset.done $0x0  }
0x20b: {  	s24 =	simm.s32 $0xA300;
	s23 =	rddreg [dreg:$0xb];
	[sflag:s1] =	ssyncadd.s32 $0xFFFFFD80  }
0x20c: {  	[tilespmem:s24], [sflag:$0x1] =	stream.linear.gather [spmem:s23], $0x80, $0x38;
	[tilespmem:$0xF280] =	vst v63  }
0x20d: {  	s23 =	sld [smem:$0x7EA];
	_ =	sdelay $0x1  }
0x20e: {  	s24 =	simm.s32 $0xA700  }
0x20f: {  	[tilespmem:s24], [sflag:$0x1] =	stream.linear.gather [spmem:s23], $0x80, $0x38;
	[tilespmem:$0xF280] =	vst v63  }
0x210: {  	s23 =	sld [smem:$0x7EB];
	_ =	sdelay $0x1  }
0x211: {  	s24 =	simm.s32 $0xAB00  }
0x212: {  	[tilespmem:s24], [sflag:$0x1] =	stream.linear.gather [spmem:s23], $0x80, $0x38;
	[tilespmem:$0xF280] =	vst v63  }
0x213: {  	s23 =	sld [smem:$0x7EC];
	_ =	sdelay $0x1  }
0x214: {  	s24 =	simm.s32 $0xAF00  }
0x215: {  	[tilespmem:s24], [sflag:$0x1] =	stream.linear.gather [spmem:s23], $0x80, $0x38;
	[tilespmem:$0xF280] =	vst v63  }
0x216: {  	s23 =	sld [smem:$0x7ED];
	_ =	sdelay $0x1  }
0x217: {  	s24 =	simm.s32 $0xB300  }
0x218: {  	[tilespmem:s24], [sflag:$0x1] =	stream.linear.gather [spmem:s23], $0x80, $0x38;
	[tilespmem:$0xF280] =	vst v63  }
0x219: {  	_ =	swait.ge [sflag:s1], $0x280  }
0x21a: {  	[sflag:s1] =	ssyncset.done $0x0  }
0x21b: {  	s24 =	simm.s32 $0xA380;
	s23 =	rddreg [dreg:$0xc];
	[sflag:s1] =	ssyncadd.s32 $0xFFFFFD80  }
0x21c: {  	[tilespmem:s24], [sflag:$0x1] =	stream.linear.gather [spmem:s23], $0x80, $0x38;
	[tilespmem:$0xF280] =	vst v63  }
0x21d: {  	s23 =	sld [smem:$0x7EE];
	_ =	sdelay $0x1  }
0x21e: {  	s24 =	simm.s32 $0xA780  }
0x21f: {  	[tilespmem:s24], [sflag:$0x1] =	stream.linear.gather [spmem:s23], $0x80, $0x38;
	[tilespmem:$0xF280] =	vst v63  }
0x220: {  	s23 =	sld [smem:$0x7EF];
	_ =	sdelay $0x1  }
0x221: {  	s24 =	simm.s32 $0xAB80  }
0x222: {  	[tilespmem:s24], [sflag:$0x1] =	stream.linear.gather [spmem:s23], $0x80, $0x38;
	[tilespmem:$0xF280] =	vst v63  }
0x223: {  	s23 =	sld [smem:$0x7F0];
	_ =	sdelay $0x1  }
0x224: {  	s24 =	simm.s32 $0xAF80  }
0x225: {  	[tilespmem:s24], [sflag:$0x1] =	stream.linear.gather [spmem:s23], $0x80, $0x38;
	[tilespmem:$0xF280] =	vst v63  }
0x226: {  	s23 =	sld [smem:$0x7F1];
	_ =	sdelay $0x1  }
0x227: {  	s24 =	simm.s32 $0xB380  }
0x228: {  	[tilespmem:s24], [sflag:$0x1] =	stream.linear.gather [spmem:s23], $0x80, $0x38;
	[tilespmem:$0xF280] =	vst v63  }
0x229: {  	_ =	swait.ge [sflag:s1], $0x280  }
0x22a: {  	[sflag:s1] =	ssyncset.done $0x0  }
0x22b: {  	s24 =	simm.s32 $0xB400;
	s23 =	rddreg [dreg:$0xd];
	[sflag:s1] =	ssyncadd.s32 $0xFFFFFD80  }
0x22c: {  	[tilespmem:s24], [sflag:$0x1] =	stream.linear.gather [spmem:s23], $0x80, $0x38;
	[tilespmem:$0xF280] =	vst v63  }
0x22d: {  	s23 =	sld [smem:$0x7F2];
	_ =	sdelay $0x1  }
0x22e: {  	s24 =	simm.s32 $0xB800  }
0x22f: {  	[tilespmem:s24], [sflag:$0x1] =	stream.linear.gather [spmem:s23], $0x80, $0x38;
	[tilespmem:$0xF280] =	vst v63  }
0x230: {  	s23 =	sld [smem:$0x7F3];
	_ =	sdelay $0x1  }
0x231: {  	s24 =	simm.s32 $0xBC00  }
0x232: {  	[tilespmem:s24], [sflag:$0x1] =	stream.linear.gather [spmem:s23], $0x80, $0x38;
	[tilespmem:$0xF280] =	vst v63  }
0x233: {  	s23 =	sld [smem:$0x7F4];
	_ =	sdelay $0x1  }
0x234: {  	s24 =	simm.s32 $0xC000  }
0x235: {  	[tilespmem:s24], [sflag:$0x1] =	stream.linear.gather [spmem:s23], $0x80, $0x38;
	[tilespmem:$0xF280] =	vst v63  }
0x236: {  	s23 =	sld [smem:$0x7F5];
	_ =	sdelay $0x1  }
0x237: {  	s24 =	simm.s32 $0xC400  }
0x238: {  	[tilespmem:s24], [sflag:$0x1] =	stream.linear.gather [spmem:s23], $0x80, $0x38;
	[tilespmem:$0xF280] =	vst v63  }
0x239: {  	_ =	swait.ge [sflag:s1], $0x280  }
0x23a: {  	[sflag:s1] =	ssyncset.done $0x0  }
0x23b: {  	s24 =	simm.s32 $0xB480;
	s23 =	rddreg [dreg:$0xe];
	[sflag:s1] =	ssyncadd.s32 $0xFFFFFD80  }
0x23c: {  	[tilespmem:s24], [sflag:$0x1] =	stream.linear.gather [spmem:s23], $0x80, $0x38;
	[tilespmem:$0xF280] =	vst v63  }
0x23d: {  	s23 =	sld [smem:$0x7F6];
	_ =	sdelay $0x1  }
0x23e: {  	s24 =	simm.s32 $0xB880  }
0x23f: {  	[tilespmem:s24], [sflag:$0x1] =	stream.linear.gather [spmem:s23], $0x80, $0x38;
	[tilespmem:$0xF280] =	vst v63  }
0x240: {  	s23 =	sld [smem:$0x7F7];
	_ =	sdelay $0x1  }
0x241: {  	s24 =	simm.s32 $0xBC80  }
0x242: {  	[tilespmem:s24], [sflag:$0x1] =	stream.linear.gather [spmem:s23], $0x80, $0x38;
	[tilespmem:$0xF280] =	vst v63  }
0x243: {  	s23 =	sld [smem:$0x7F8];
	_ =	sdelay $0x1  }
0x244: {  	s24 =	simm.s32 $0xC080  }
0x245: {  	[tilespmem:s24], [sflag:$0x1] =	stream.linear.gather [spmem:s23], $0x80, $0x38;
	[tilespmem:$0xF280] =	vst v63  }
0x246: {  	s23 =	sld [smem:$0x7F9];
	_ =	sdelay $0x1  }
0x247: {  	s24 =	simm.s32 $0xC480  }
0x248: {  	[tilespmem:s24], [sflag:$0x1] =	stream.linear.gather [spmem:s23], $0x80, $0x38;
	[tilespmem:$0xF280] =	vst v63  }
0x249: {  	_ =	swait.ge [sflag:s1], $0x280  }
0x24a: {  	[sflag:s1] =	ssyncset.done $0x0  }
0x24b: {  	s24 =	simm.s32 $0xB500;
	s23 =	rddreg [dreg:$0xf];
	[sflag:s1] =	ssyncadd.s32 $0xFFFFFD80  }
0x24c: {  	[tilespmem:s24], [sflag:$0x1] =	stream.linear.gather [spmem:s23], $0x80, $0x38;
	[tilespmem:$0xF280] =	vst v63  }
0x24d: {  	s23 =	sld [smem:$0x7FA];
	_ =	sdelay $0x1  }
0x24e: {  	s24 =	simm.s32 $0xB900  }
0x24f: {  	[tilespmem:s24], [sflag:$0x1] =	stream.linear.gather [spmem:s23], $0x80, $0x38;
	[tilespmem:$0xF280] =	vst v63  }
0x250: {  	s23 =	sld [smem:$0x7FB];
	_ =	sdelay $0x1  }
0x251: {  	s24 =	simm.s32 $0xBD00  }
0x252: {  	[tilespmem:s24], [sflag:$0x1] =	stream.linear.gather [spmem:s23], $0x80, $0x38;
	[tilespmem:$0xF280] =	vst v63  }
0x253: {  	s23 =	sld [smem:$0x7FC];
	_ =	sdelay $0x1  }
0x254: {  	s24 =	simm.s32 $0xC100  }
0x255: {  	[tilespmem:s24], [sflag:$0x1] =	stream.linear.gather [spmem:s23], $0x80, $0x38;
	[tilespmem:$0xF280] =	vst v63  }
0x256: {  	s23 =	sld [smem:$0x7FD];
	_ =	sdelay $0x1  }
0x257: {  	s24 =	simm.s32 $0xC500  }
0x258: {  	[tilespmem:s24], [sflag:$0x1] =	stream.linear.gather [spmem:s23], $0x80, $0x38;
	[tilespmem:$0xF280] =	vst v63  }
0x259: {  	_ =	swait.ge [sflag:s1], $0x280  }
0x25a: {  	[sflag:s1] =	ssyncset.done $0x0  }
0x25b: {  	s24 =	simm.s32 $0xB580;
	s23 =	rddreg [dreg:$0x10];
	[sflag:s1] =	ssyncadd.s32 $0xFFFFFD80  }
0x25c: {  	[tilespmem:s24], [sflag:$0x1] =	stream.linear.gather [spmem:s23], $0x80, $0x38;
	[tilespmem:$0xF280] =	vst v63  }
0x25d: {  	s7 =	simm.s32 $0xB980  }
0x25e: {  	[tilespmem:s7], [sflag:$0x1] =	stream.linear.gather [spmem:s8], $0x80, $0x38;
	[tilespmem:$0xF280] =	vst v63  }
0x25f: {  	s23 =	simm.s32 $0xBD80  }
0x260: {  	[tilespmem:s23], [sflag:$0x1] =	stream.linear.gather [spmem:s9], $0x80, $0x38;
	[tilespmem:$0xF280] =	vst v63  }
0x261: {  	s24 =	simm.s32 $0xC180  }
0x262: {  	[tilespmem:s24], [sflag:$0x1] =	stream.linear.gather [spmem:s10], $0x80, $0x38;
	[tilespmem:$0xF280] =	vst v63  }
0x263: {  	s7 =	simm.s32 $0xC580  }
0x264: {  	[tilespmem:s7], [sflag:$0x1] =	stream.linear.gather [spmem:s11], $0x80, $0x38;
	[tilespmem:$0xF280] =	vst v63  }
0x265: {  	_ =	swait.ge [sflag:s1], $0x280  }
0x266: {  	[sflag:s1] =	ssyncset.done $0x0  }
0x267: {  	s24 =	simm.s32 $0xB600;
	s23 =	rddreg [dreg:$0x11];
	[sflag:s1] =	ssyncadd.s32 $0xFFFFFD80  }
0x268: {  	[tilespmem:s24], [sflag:$0x1] =	stream.linear.gather [spmem:s23], $0x80, $0x38;
	[tilespmem:$0xF280] =	vst v63  }
0x269: {  	s7 =	simm.s32 $0xBA00  }
0x26a: {  	[tilespmem:s7], [sflag:$0x1] =	stream.linear.gather [spmem:s12], $0x80, $0x38;
	[tilespmem:$0xF280] =	vst v63  }
0x26b: {  	s23 =	simm.s32 $0xBE00  }
0x26c: {  	[tilespmem:s23], [sflag:$0x1] =	stream.linear.gather [spmem:s13], $0x80, $0x38;
	[tilespmem:$0xF280] =	vst v63  }
0x26d: {  	s24 =	simm.s32 $0xC200  }
0x26e: {  	[tilespmem:s24], [sflag:$0x1] =	stream.linear.gather [spmem:s14], $0x80, $0x38;
	[tilespmem:$0xF280] =	vst v63  }
0x26f: {  	s7 =	simm.s32 $0xC600  }
0x270: {  	[tilespmem:s7], [sflag:$0x1] =	stream.linear.gather [spmem:s15], $0x80, $0x38;
	[tilespmem:$0xF280] =	vst v63  }
0x271: {  	_ =	swait.ge [sflag:s1], $0x280  }
0x272: {  	[sflag:s1] =	ssyncset.done $0x0  }
0x273: {  	s24 =	simm.s32 $0xB680;
	s23 =	rddreg [dreg:$0x12];
	[sflag:s1] =	ssyncadd.s32 $0xFFFFFD80  }
0x274: {  	[tilespmem:s24], [sflag:$0x1] =	stream.linear.gather [spmem:s23], $0x80, $0x38;
	[tilespmem:$0xF280] =	vst v63  }
0x275: {  	s7 =	simm.s32 $0xBA80  }
0x276: {  	[tilespmem:s7], [sflag:$0x1] =	stream.linear.gather [spmem:s16], $0x80, $0x38;
	[tilespmem:$0xF280] =	vst v63  }
0x277: {  	s23 =	simm.s32 $0xBE80  }
0x278: {  	[tilespmem:s23], [sflag:$0x1] =	stream.linear.gather [spmem:s17], $0x80, $0x38;
	[tilespmem:$0xF280] =	vst v63  }
0x279: {  	s24 =	simm.s32 $0xC280  }
0x27a: {  	[tilespmem:s24], [sflag:$0x1] =	stream.linear.gather [spmem:s18], $0x80, $0x38;
	[tilespmem:$0xF280] =	vst v63  }
0x27b: {  	s7 =	simm.s32 $0xC680  }
0x27c: {  	[tilespmem:s7], [sflag:$0x1] =	stream.linear.gather [spmem:s19], $0x80, $0x38;
	[tilespmem:$0xF280] =	vst v63  }
0x27d: {  	_ =	swait.ge [sflag:s1], $0x280  }
0x27e: {  	[sflag:s1] =	ssyncset.done $0x0  }
0x27f: {  	s24 =	simm.s32 $0xB700;
	s23 =	rddreg [dreg:$0x13];
	[sflag:s1] =	ssyncadd.s32 $0xFFFFFD80  }
0x280: {  	[tilespmem:s24], [sflag:$0x1] =	stream.linear.gather [spmem:s23], $0x80, $0x38;
	[tilespmem:$0xF280] =	vst v63  }
0x281: {  	s7 =	simm.s32 $0xBB00  }
0x282: {  	[tilespmem:s7], [sflag:$0x1] =	stream.linear.gather [spmem:s20], $0x80, $0x38;
	[tilespmem:$0xF280] =	vst v63  }
0x283: {  	s23 =	simm.s32 $0xBF00  }
0x284: {  	[tilespmem:s23], [sflag:$0x1] =	stream.linear.gather [spmem:s21], $0x80, $0x38;
	[tilespmem:$0xF280] =	vst v63  }
0x285: {  	s24 =	simm.s32 $0xC300  }
0x286: {  	[tilespmem:s24], [sflag:$0x1] =	stream.linear.gather [spmem:s25], $0x80, $0x38;
	[tilespmem:$0xF280] =	vst v63  }
0x287: {  	s7 =	simm.s32 $0xC700  }
0x288: {  	[tilespmem:s7], [sflag:$0x1] =	stream.linear.gather [spmem:s26], $0x80, $0x38;
	[tilespmem:$0xF280] =	vst v63  }
0x289: {  	_ =	swait.ge [sflag:s1], $0x280  }
0x28a: {  	[sflag:s1] =	ssyncset.done $0x0  }
0x28b: {  	s24 =	simm.s32 $0xB780;
	s23 =	rddreg [dreg:$0x14];
	[sflag:s1] =	ssyncadd.s32 $0xFFFFFD80  }
0x28c: {  	[tilespmem:s24], [sflag:$0x1] =	stream.linear.gather [spmem:s23], $0x80, $0x38;
	[tilespmem:$0xF280] =	vst v63  }
0x28d: {  	s7 =	simm.s32 $0xBB80  }
0x28e: {  	[tilespmem:s7], [sflag:$0x1] =	stream.linear.gather [spmem:s28], $0x80, $0x38;
	[tilespmem:$0xF280] =	vst v63  }
0x28f: {  	s23 =	simm.s32 $0xBF80  }
0x290: {  	[tilespmem:s23], [sflag:$0x1] =	stream.linear.gather [spmem:s29], $0x80, $0x38;
	[tilespmem:$0xF280] =	vst v63  }
0x291: {  	s24 =	simm.s32 $0xC380  }
0x292: {  	[tilespmem:s24], [sflag:$0x1] =	stream.linear.gather [spmem:s30], $0x80, $0x38;
	[tilespmem:$0xF280] =	vst v63  }
0x293: {  	s7 =	simm.s32 $0xC780  }
0x294: {  	[tilespmem:s7], [sflag:$0x1] =	stream.linear.gather [spmem:s31], $0x80, $0x38;
	[tilespmem:$0xF280] =	vst v63  }
0x295: {  	s23 =	simm.s32 $0x0;
	_ =	swait.ge [sflag:s1], $0x280  }
0x296: {  	s6 =	sand.u32 $0x1C00, s23;
	s24 =	sand.u32 $0x70, s23;
	[sflag:s1] =	ssyncset.done $0x0  }
0x297: {  	s6 =	sor.u32 s24, s6;
	[sflag:s1] =	ssyncadd.s32 $0xFFFFFD80  }
0x298: {  	v2 =	vld [tilespmem:s6+$0xA080]  }
0x299: {  	v3 =	vld [tilespmem:s6+$0xA000];
	_ =	sdelay $0x1  }
0x29a: {  	v54 =	vld [tilespmem:s6+$0xA100];
	_ =	sdelay $0x1  }
0x29b: {  	v55 =	vld [tilespmem:s6+$0xA180]  }
0x29c: {  	v2 =	vadd.f32 v2, v3  }
0x29d: {  	v3 =	vld [tilespmem:s6+$0xA200]  }
0x29e: {  	v2 =	vadd.f32 v54, v2  }
0x29f: {  	v56 =	vld [tilespmem:s6+$0xA280]  }
0x2a0: {  	v2 =	vadd.f32 v55, v2  }
0x2a1: {  	v57 =	vld [tilespmem:s6+$0xA300]  }
0x2a2: {  	v2 =	vadd.f32 v3, v2  }
0x2a3: {  	v3 =	vld [tilespmem:s6+$0xA380]  }
0x2a4: {  	v2 =	vadd.f32 v56, v2  }
0x2a5: {  	v58 =	vld [tilespmem:s6+$0xB400]  }
0x2a6: {  	v2 =	vadd.f32 v57, v2  }
0x2a7: {  	v59 =	vld [tilespmem:s6+$0xB480]  }
0x2a8: {  	v2 =	vadd.f32 v3, v2  }
0x2a9: {  	v3 =	vld [tilespmem:s6+$0xB500]  }
0x2aa: {  	v2 =	vadd.f32 v58, v2  }
0x2ab: {  	v60 =	vld [tilespmem:s6+$0xB580]  }
0x2ac: {  	v2 =	vadd.f32 v59, v2  }
0x2ad: {  	v61 =	vld [tilespmem:s6+$0xB600]  }
0x2ae: {  	v2 =	vadd.f32 v3, v2  }
0x2af: {  	v3 =	vld [tilespmem:s6+$0xB680]  }
0x2b0: {  	v2 =	vadd.f32 v60, v2  }
0x2b1: {  	v62 =	vld [tilespmem:s6+$0xB700]  }
0x2b2: {  	v2 =	vadd.f32 v61, v2  }
0x2b3: {  	v63 =	vld [tilespmem:s6+$0xB780]  }
0x2b4: {  	v2 =	vadd.f32 v3, v2;
	_ =	sdelay $0x1  }
0x2b5: {  	v2 =	vadd.f32 v62, v2;
	_ =	sdelay $0x1  }
0x2b6: {  	s24 =	simm.s32 $0x80;
	s7 =	simm.s32 $0x10;
	v2 =	vadd.f32 v63, v2  }
0x2b7: {  	s23 =	sand.u32 $0x1C00, s24;
	s6 =	sand.u32 $0x70, s7  }
0x2b8: {  	s23 =	sor.u32 s6, s23;
	s6 =	simm.s32 $0x20;
	[tilespmem:s22+$0x0] =	vst v2  }
.LBB2_8:
0x2b9: {  	p0 =	sne.s32 s6, $0x270;
	v2 =	vld [tilespmem:s23+$0xA080]  }
0x2ba: {  	v3 =	vld [tilespmem:s23+$0xA000];
	_ =	sdelay $0x1  }
0x2bb: {  	v4 =	vld [tilespmem:s23+$0xA100];
	_ =	sdelay $0x1  }
0x2bc: {  	v5 =	vld [tilespmem:s23+$0xA180]  }
0x2bd: {  	v2 =	vadd.f32 v2, v3  }
0x2be: {  	v3 =	vld [tilespmem:s23+$0xA200]  }
0x2bf: {  	v2 =	vadd.f32 v4, v2  }
0x2c0: {  	v4 =	vld [tilespmem:s23+$0xA280]  }
0x2c1: {  	v2 =	vadd.f32 v5, v2  }
0x2c2: {  	v5 =	vld [tilespmem:s23+$0xA300]  }
0x2c3: {  	v2 =	vadd.f32 v3, v2  }
0x2c4: {  	v3 =	vld [tilespmem:s23+$0xA380]  }
0x2c5: {  	v2 =	vadd.f32 v4, v2  }
0x2c6: {  	v4 =	vld [tilespmem:s23+$0xB400]  }
0x2c7: {  	v2 =	vadd.f32 v5, v2  }
0x2c8: {  	v5 =	vld [tilespmem:s23+$0xB480]  }
0x2c9: {  	v2 =	vadd.f32 v3, v2  }
0x2ca: {  	v3 =	vld [tilespmem:s23+$0xB500]  }
0x2cb: {  	v2 =	vadd.f32 v4, v2  }
0x2cc: {  	v4 =	vld [tilespmem:s23+$0xB580]  }
0x2cd: {  	v2 =	vadd.f32 v5, v2  }
0x2ce: {  	v5 =	vld [tilespmem:s23+$0xB600]  }
0x2cf: {  	v2 =	vadd.f32 v3, v2  }
0x2d0: {  	v3 =	vld [tilespmem:s23+$0xB680]  }
0x2d1: {  	v2 =	vadd.f32 v4, v2  }
0x2d2: {  	v4 =	vld [tilespmem:s23+$0xB700]  }
0x2d3: {  	v2 =	vadd.f32 v5, v2  }
0x2d4: {  	v5 =	vld [tilespmem:s23+$0xB780]  }
0x2d5: {  	v2 =	vadd.f32 v3, v2;
	_ =	sdelay $0x1  }
.Ltmp3:
0x2d6: {  	v2 =	vadd.f32 v4, v2;
	(pc) =	sbr.rel @p0 .LBB2_8-.Ltmp3, $4  }
0x2d7: {  	_ = 	snop  }
0x2d8: {  	s24 =	sadd.s32 $0x80, s24;
	v2 =	vadd.f32 v5, v2  }
0x2d9: {  	s7 =	sand.u32 $0x70, s6;
	s22 =	sadd.s32 $0x10, s22;
	s23 =	sand.u32 $0x1C00, s24  }
0x2da: {  	s6 =	sadd.s32 $0x10, s6;
	s23 =	sor.u32 s7, s23;
	[tilespmem:s22+$0x0] =	vst v2  }
0x2db: {  	v2 =	vld [tilespmem:s23+$0xA080]  }
0x2dc: {  	v3 =	vld [tilespmem:s23+$0xA000];
	_ =	sdelay $0x1  }
0x2dd: {  	v4 =	vld [tilespmem:s23+$0xA100];
	_ =	sdelay $0x1  }
0x2de: {  	v5 =	vld [tilespmem:s23+$0xA180]  }
0x2df: {  	v2 =	vadd.f32 v2, v3  }
0x2e0: {  	v3 =	vld [tilespmem:s23+$0xA200]  }
0x2e1: {  	v2 =	vadd.f32 v4, v2  }
0x2e2: {  	v56 =	vld [tilespmem:s23+$0xA280]  }
0x2e3: {  	v2 =	vadd.f32 v5, v2  }
0x2e4: {  	v57 =	vld [tilespmem:s23+$0xA300]  }
0x2e5: {  	v2 =	vadd.f32 v3, v2  }
0x2e6: {  	v3 =	vld [tilespmem:s23+$0xA380]  }
0x2e7: {  	v2 =	vadd.f32 v56, v2  }
0x2e8: {  	v58 =	vld [tilespmem:s23+$0xB400]  }
0x2e9: {  	v2 =	vadd.f32 v57, v2  }
0x2ea: {  	v59 =	vld [tilespmem:s23+$0xB480]  }
0x2eb: {  	v2 =	vadd.f32 v3, v2  }
0x2ec: {  	v3 =	vld [tilespmem:s23+$0xB500]  }
0x2ed: {  	v2 =	vadd.f32 v58, v2  }
0x2ee: {  	v60 =	vld [tilespmem:s23+$0xB580]  }
0x2ef: {  	v2 =	vadd.f32 v59, v2  }
0x2f0: {  	v61 =	vld [tilespmem:s23+$0xB600]  }
0x2f1: {  	v2 =	vadd.f32 v3, v2  }
0x2f2: {  	v3 =	vld [tilespmem:s23+$0xB680]  }
0x2f3: {  	v2 =	vadd.f32 v60, v2  }
0x2f4: {  	v62 =	vld [tilespmem:s23+$0xB700]  }
0x2f5: {  	v2 =	vadd.f32 v61, v2  }
0x2f6: {  	v63 =	vld [tilespmem:s23+$0xB780]  }
0x2f7: {  	v2 =	vadd.f32 v3, v2;
	_ =	sdelay $0x1  }
0x2f8: {  	v2 =	vadd.f32 v62, v2;
	_ =	sdelay $0x1  }
0x2f9: {  	v2 =	vadd.f32 v63, v2  }
0x2fa: {  	s6 =	sadd.s32 $0x10, s22  }
0x2fb: {  	s22 =	rddreg [dreg:$0x16];
	s7 =	simm.s32 $0x100;
	s23 =	simm.s32 $0xC800;
	[tilespmem:s6+$0x0] =	vst v2  }
0x2fc: {  	[hbm4b:s22+s4] =	stream.strided.scatter [tilespmem:s23], [sflag:$0x1], $0x280, s7, s4, $0x38;
	[tilespmem:$0xF280] =	vst v63  }
0x2fd: {  	_ =	swait.ge [sflag:s1], $0x280  }
0x2fe: {  	s2 =	sadd.s32 $0x1, s2;
	s24 =	rddreg [dreg:$0x17]  }
0x2ff: {  	p0 =	sne.s32 s2, s24  }
.Ltmp4:
0x300: {  	_ = 	snop;
	(pc) =	sbr.rel @p0 .LBB2_1-.Ltmp4, $3  }
0x301: {  	[sflag:s1] =	ssyncset.done $0x0  }
0x302: {  	[sflag:s1] =	ssyncadd.s32 $0xFFFFFD80  }
0x303: {  	[bflag:$0x0] =	sbarrier.arrive $0xFFFF;
	_ =	sdelay $0x1  }
0x304: {  	_ =	sfence.sel $0x180000  }
0x305: {  	[bflag:$0x0] =	sbarrier.arrive $0xFFFF  }
0x306: {  	_ =	strace $0x90000047  }
0x307: {  	s0 =	stileid.u32;
	[bflag:$0x2] =	sbarrier.arrive $0xFFFF  }
0x308: {  	p0 =	sne.s32 s0, $0x0;
	s0 =	rddreg [dreg:$0x2]  }
0x309: {  	s0 =	sadd.s32 @!p0 $0x100000, s0  }
0x30a: {  	[sflag:s0] =	ssyncadd.tile.s32 @!p0 $0x1;
	_ =	shalt  }
.Lfunc_end2:
_tile_overlayer_lowered:
.L_overlay_start_2:
0x30b: {  	(tag) =	ssettag $0x2  }
0x30c: {  	s0 =	rddreg [dreg:$0x0];
	s2 =	stileid.u32  }
0x30d: {  	s1 =	rddreg [dreg:$0x1];
	p0 =	sne.s32 s2, $0x0  }
0x30e: {  	s3 =	rddreg [dreg:$0x2];
	[bflag:$0x3] =	sbarrier.arrive $0xFFFF;
	s2 =	simm.s32 @!p0 $0x1C01  }
0x30f: {  	[timem:s3], [sflag:s2] =	dma.local @!p0 [hbm:s0], s1  }
0x310: {  	s0 =	simm.s32 @!p0 $0x1  }
0x311: {  	_ =	swait.ge @!p0 [sflag:s0], s1  }
0x312: {  	s1 =	ssub.s32 @!p0 $0x0, s1;
	[sflag:s0] =	ssyncset.done @!p0 $0x0  }
0x313: {  	[sflag:s0] =	ssyncadd.s32 @!p0 s1  }
0x314: {  	[bflag:$0x3] =	sbarrier.arrive $0xFFFF  }
0x315: {  	_ =	shalt  }

// kernel: kernel.9.cloned.1.call-start
scs
__scs_entry_jumppad:
0x0: {  	(pc) =	sbr.rel $0x88, $3  }
0x1: {  	(tag) =	ssettag $0x0;
	lr =	simm.s32 $0x1  }
0x2: {  	[smem:$0x3F9D] =	sst lr;
	_ =	strace $0xD0000000  }
0x3: {  	_ = 	snop  }
0x4: {  	_ = 	snop  }
0x5: {  	_ = 	snop  }
0x6: {  	_ = 	snop  }
0x7: {  	_ = 	snop  }
__scs_overlays_trampoline_lowered:
0x8: {  	[smem:$0x3FAC] =	sst s0  }
0x9: {  	[smem:$0x3FAD] =	sst s1  }
0xa: {  	[smem:$0x3FAE] =	sst s2  }
0xb: {  	[smem:$0x3FAF] =	sst s3  }
0xc: {  	[smem:$0x3FB0] =	sst s4  }
0xd: {  	[smem:$0x3FB1] =	sst s5  }
0xe: {  	[smem:$0x3FB2] =	sst s6  }
0xf: {  	[smem:$0x3FB3] =	sst s7  }
0x10: {  	[smem:$0x3FB4] =	sst s8  }
0x11: {  	[smem:$0x3FB5] =	sst s9;
	s0 =	simm.s32 @!p0 $0x0  }
0x12: {  	s1 =	sld [smem:$0x3F9B];
	s0 =	simm.s32 @p0 $0x1  }
0x13: {  	[smem:$0x3FB6] =	sst s0;
	s0 =	simm.s32 @!p1 $0x0  }
0x14: {  	s2 =	sld [smem:$0x3F9A];
	s0 =	simm.s32 @p1 $0x1  }
0x15: {  	[smem:$0x3FB7] =	sst s0;
	s0 =	simm.s32 @!p2 $0x0  }
0x16: {  	s3 =	sld [smem:$0x3FDB];
	s0 =	simm.s32 @p2 $0x1  }
0x17: {  	s4 =	simm.s32 $0x1BF5;
	[smem:$0x3FB9] =	sst s0  }
0x18: {  	s0 =	sld [smem:$0x3F9C];
	_ =	swait.ge [sflag:s4], $0x0  }
0x19: {  	s7 =	sld [smem:$0x3F9D]  }
0x1a: {  	s8 =	sadd.s32 $0xFFFFE003, lr  }
0x1b: {  	s9 =	sadd.s32 $0xFFFFFEF7, lr;
	s5 =	simm.s32 $0xFFFFFFFF;
	p2 =	slt.u32 s8, $0xFFFFF086  }
0x1c: {  	p1 =	slt.u32 s9, $0xF7A;
	s5 =	simm.s32 @!p2 $0x0  }
0x1d: {  	s5 =	simm.s32 @p1 $0x1;
	p0 =	seq.s32 s7, s2  }
0x1e: {  	s7 =	smul.u32 @!p0 $0xF7A, s2;
	p2 =	seq.s32 @!p0 s5, $0x0  }
0x1f: {  	s9 =	smul.u32 $0xF7A, s1;
	s8 =	simm.s32 @!p0 $0x1BF5;
	p2 =	por !p2, p0  }
0x20: {  	[sflag:s8] =	ssyncset.s32 @!p0 $0xFFFFF086;
	s6 =	sadd.s32 @!p0 s3, s7;
	s7 =	simm.s32 @!p0 $0x108  }
0x21: {  	s3 =	sadd.s32 s3, s9;
	s6 =	sadd.s32 @!p0 $0x88, s6;
	s7 =	simm.s32 @p2 $0x1082  }
0x22: {  	[simem:s7], [sflag:s8] =	dma.local @!p0 [hbm:s6], $0xF7A  }
0x23: {  	s9 =	sor.u32 $0xD0000000, s2;
	s6 =	simm.s32 $0x108;
	_ =	swait.ge @!p0 [sflag:s8], $0x0  }
0x24: {  	s3 =	sadd.s32 $0x88, s3;
	s6 =	simm.s32 @!p1 $0x1082;
	[sflag:s4] =	ssyncset.s32 $0xFFFFF086  }
0x25: {  	[simem:s6], [sflag:s4] =	dma.local [hbm:s3], $0xF7A  }
0x26: {  	[smem:$0x3F9D] =	sst s1;
	(tag) =	ssettag s2;
	_ =	strace s9  }
0x27: {  	s1 =	sld [smem:$0x3FAD]  }
0x28: {  	s2 =	sld [smem:$0x3FAE]  }
0x29: {  	s4 =	sld [smem:$0x3FB0]  }
0x2a: {  	p0 =	seq.s32 s5, $0x0;
	s5 =	sld [smem:$0x3FB1]  }
0x2b: {  	s6 =	sld [smem:$0x3FB2]  }
0x2c: {  	s7 =	sld [smem:$0x3FB3]  }
0x2d: {  	s3 =	simm.s32 $0x108;
	s8 =	sld [smem:$0x3FB4]  }
0x2e: {  	s3 =	simm.s32 @!p0 $0x1082;
	s9 =	sld [smem:$0x3FB5]  }
0x2f: {  	lr =	sadd.s32 s0, s3;
	s0 =	sld [smem:$0x3FAC]  }
0x30: {  	s3 =	sld [smem:$0x3FAF]  }
0x31: {  	[smem:$0x3FB8] =	sst s10  }
0x32: {  	s10 =	sld [smem:$0x3FB6];
	_ =	sdelay $0x3  }
0x33: {  	p0 =	seq.s32 s10, $0x1;
	s10 =	sld [smem:$0x3FB8];
	_ =	sdelay $0x3  }
0x34: {  	[smem:$0x3FB8] =	sst s10  }
0x35: {  	s10 =	sld [smem:$0x3FB7];
	_ =	sdelay $0x3  }
0x36: {  	p1 =	seq.s32 s10, $0x1;
	s10 =	sld [smem:$0x3FB8];
	_ =	sdelay $0x3  }
0x37: {  	[smem:$0x3FB8] =	sst s10  }
0x38: {  	s10 =	sld [smem:$0x3FB9]  }
0x39: {  	_ = 	snop;
	(pc) =	sbr.ind lr, $3  }
0x3a: {  	_ = 	snop  }
0x3b: {  	_ = 	snop  }
0x3c: {  	p2 =	seq.s32 s10, $0x1;
	s10 =	sld [smem:$0x3FB8]  }
0x3d: {  	_ =	shalt  }
0x3e: {  	_ =	shalt  }
0x3f: {  	_ =	shalt  }
0x40: {  	_ =	shalt  }
0x41: {  	_ =	shalt  }
0x42: {  	_ =	shalt  }
0x43: {  	_ =	shalt  }
0x44: {  	_ =	shalt  }
0x45: {  	_ =	shalt  }
0x46: {  	_ =	shalt  }
0x47: {  	_ =	shalt  }
0x48: {  	_ =	shalt  }
0x49: {  	_ =	shalt  }
0x4a: {  	_ =	shalt  }
0x4b: {  	_ =	shalt  }
0x4c: {  	_ =	shalt  }
0x4d: {  	_ =	shalt  }
0x4e: {  	_ =	shalt  }
0x4f: {  	_ =	shalt  }
0x50: {  	_ =	shalt  }
0x51: {  	_ =	shalt  }
0x52: {  	_ =	shalt  }
0x53: {  	_ =	shalt  }
0x54: {  	_ =	shalt  }
0x55: {  	_ =	shalt  }
0x56: {  	_ =	shalt  }
0x57: {  	_ =	shalt  }
0x58: {  	_ =	shalt  }
0x59: {  	_ =	shalt  }
0x5a: {  	_ =	shalt  }
0x5b: {  	_ =	shalt  }
0x5c: {  	_ =	shalt  }
0x5d: {  	_ =	shalt  }
0x5e: {  	_ =	shalt  }
0x5f: {  	_ =	shalt  }
0x60: {  	_ =	shalt  }
0x61: {  	_ =	shalt  }
0x62: {  	_ =	shalt  }
0x63: {  	_ =	shalt  }
0x64: {  	_ =	shalt  }
0x65: {  	_ =	shalt  }
0x66: {  	_ =	shalt  }
0x67: {  	_ =	shalt  }
0x68: {  	_ =	shalt  }
0x69: {  	_ =	shalt  }
0x6a: {  	_ =	shalt  }
0x6b: {  	_ =	shalt  }
0x6c: {  	_ =	shalt  }
0x6d: {  	_ =	shalt  }
0x6e: {  	_ =	shalt  }
0x6f: {  	_ =	shalt  }
0x70: {  	_ =	shalt  }
0x71: {  	_ =	shalt  }
0x72: {  	_ =	shalt  }
0x73: {  	_ =	shalt  }
0x74: {  	_ =	shalt  }
0x75: {  	_ =	shalt  }
0x76: {  	_ =	shalt  }
0x77: {  	_ =	shalt  }
0x78: {  	_ =	shalt  }
0x79: {  	_ =	shalt  }
0x7a: {  	_ =	shalt  }
0x7b: {  	_ =	shalt  }
0x7c: {  	_ =	shalt  }
0x7d: {  	_ =	shalt  }
0x7e: {  	_ =	shalt  }
0x7f: {  	_ =	shalt  }
0x80: {  	_ =	shalt  }
0x81: {  	_ =	shalt  }
0x82: {  	_ =	shalt  }
0x83: {  	_ =	shalt  }
0x84: {  	_ =	shalt  }
0x85: {  	_ =	shalt  }
0x86: {  	_ =	shalt  }
0x87: {  	_ =	shalt  }
.Lfunc_end0:
.L_simem_size_0:
called_computation.1_lowered:
.L_overlay_start_0:
0x88: {  	s2 =	sld [smem:$0x3FD9]  }
0x89: {  	s3 =	sld [smem:$0x3FFE];
	_ =	sdelay $0x1  }
0x8a: {  	s1 =	srdreg.scid  }
0x8b: {  	s0 =	sand.u32 $0x1, s1  }
0x8c: {  	s17 =	sshll.u32 s0, $0xA;
	s2 =	sadd.s32 s3, s2  }
0x8d: {  	s2 =	sadd.s32 s2, s17  }
0x8e: {  	[smem:$0x3FC4] =	sst s2  }
0x8f: {  	_ = 	snop  }
0x90: {  	s2 =	sld [smem:$0x3FD0];
	(tm) =	ssettm $0x1  }
0x91: {  	s18 =	sld [smem:$0x3FFB];
	_ =	sdelay $0x3  }
0x92: {  	_ =	strace s18  }
0x93: {  	s3 =	sld [smem:$0x3FFC];
	_ =	sdelay $0x3  }
0x94: {  	_ =	strace s3  }
0x95: {  	s3 =	sld [smem:$0x3FFD];
	_ =	sdelay $0x3  }
0x96: {  	_ =	strace s3  }
0x97: {  	_ =	strace $0x8FFFFFFF  }
0x98: {  	s19 =	sld [smem:$0x3FDB];
	_ =	sdelay $0x1  }
0x99: {  	s4 =	simm.s32 $_scs_section_size  }
0x9a: {  	s5 =	simm.s32 $_size__tile_overlayer_lowered;
	s6 =	simm.s32 $_tile_overlayer_lowered  }
0x9b: {  	s22 =	simm.s32 $0x1BFF;
	s21 =	sshll.u32 s6, $0x1;
	s3 =	sadd.s32 s4, s19  }
0x9c: {  	s7 =	simm.s32 $0x0;
	s20 =	sshll.u32 s5, $0x1;
	s5 =	sadd.s32 s21, s3  }
0x9d: {  	[timem:s7], [sflag:s22] =	dma.local [hbm:s5], s20  }
0x9e: {  	_ =	swait.ge [sflag:s22], s20  }
0x9f: {  	s4 =	ssub.s32 $0x0, s20;
	[sflag:s22] =	ssyncset.done $0x0  }
0xa0: {  	[sflag:s22] =	ssyncadd.s32 s4;
	_ =	sdelay $0x1  }
0xa1: {  	s23 =	simm.s32 $0x1B8B  }
0xa2: {  	_ =	swait.ge [sflag:s23], $0x1  }
0xa3: {  	[sflag:s23] =	ssyncset.done $0x0  }
0xa4: {  	s25 =	simm.s32 $0x1B8E;
	s24 =	sld [smem:$0x3FFE];
	[sflag:s23] =	ssyncadd.s32 $0xFFFFFFFF  }
0xa5: {  	s26 =	simm.s32 $execute0_lowered;
	[smem:$0x3FD2] =	sst s25  }
0xa6: {  	s5 =	sshll.u32 s26, $0x1;
	_ =	strace $0x80000049;
	[dreg:$0x1] =	wrdreg $0xFFFFFFFF  }
0xa7: {  	s28 =	simm.s32 $_size_execute0_lowered;
	s3 =	sadd.s32 s3, s5;
	[dreg:$0x0] =	wrdreg $0x0  }
0xa8: {  	s5 =	sshll.u32 s28, $0x1;
	[dreg:$0x2] =	wrdreg s3  }
0xa9: {  	[dreg:$0x3] =	wrdreg s5  }
0xaa: {  	[dreg:$0x4] =	wrdreg $0xC0  }
0xab: {  	_ =	task [dreg:s7], $0x5FFFF  }
0xac: {  	[dreg:$0x1] =	wrdreg $0xFFFFFFFF  }
0xad: {  	[dreg:$0x0] =	wrdreg $0x60  }
0xae: {  	[dreg:$0x2] =	wrdreg s24  }
0xaf: {  	[dreg:$0x3] =	wrdreg s2  }
0xb0: {  	[dreg:$0x4] =	wrdreg $0xA8000  }
0xb1: {  	[dreg:$0x5] =	wrdreg $0x9  }
0xb2: {  	_ =	task.clear_ibuf [dreg:s7], $0x6FFFF;
	_ =	strace $0x90000049  }
0xb3: {  	s29 =	simm.s32 $0x9;
	_ =	strace $0x8000004B  }
0xb4: {  	_ =	swait.ge [sflag:s29], $0x1  }
0xb5: {  	[sflag:s29] =	ssyncadd.s32 $0xFFFFFFFF  }
0xb6: {  	_ =	strace $0x9000004B  }
0xb7: {  	_ =	sfence  }
0xb8: {  	s30 =	sld [smem:$0x0];
	_ =	sdelay $0x2  }
0xb9: {  	s31 =	sshll.u32 s1, $0xD;
	s1 =	sshrl.u32 s1, $0x2  }
0xba: {  	s3 =	sand.u32 $0x4000, s31;
	s1 =	sadd.s32 s1, s30  }
0xbb: {  	s0 =	sor.u32 s3, s0;
	s1 =	sshll.u32 s1, $0x11  }
0xbc: {  	s0 =	sor.u32 s1, s0  }
0xbd: {  	s0 =	sadd.s32 $0x8F2B, s0  }
0xbe: {  	[sflag:s0] =	ssyncadd.remote.s32 $0x1  }
0xbf: {  	_ =	sfence.sel $0xFFFF  }
0xc0: {  	[dreg:$0x0] =	wrdreg $0xFFFFFFFF;
	(pc) =	sbr.abs _section_cstart, $3  }
0xc1: {  	[dreg:$0x1] =	wrdreg $0xFFFFFFFF  }
0xc2: {  	_ =	task.clear_ibuf [dreg:s7], $0x2FFFF;
	_ =	strace $0x9FFFFFFF  }
0xc3: {  	(tm) =	ssettm $0x7FFFFFFF  }
tec
execute0_lowered:
.L_overlay_start_1:
0x0: {  	(tag) =	ssettag $0x1  }
0x1: {  	s7 =	rddreg [dreg:$0x0]  }
0x2: {  	s1 =	rddreg [dreg:$0x1]  }
0x3: {  	s2 =	rddreg [dreg:$0x2]  }
0x4: {  	s3 =	srdreg.scid;
	s0 =	rddreg [dreg:$0x3]  }
0x5: {  	s4 =	simm.s32 $0x0;
	s16 =	simm.s32 $0x3;
	s17 =	simm.s32 $0x1400  }
0x6: {  	s18 =	simm.s32 $0x80;
	s19 =	simm.s32 $0x6800;
	s20 =	simm.s32 $0x1  }
0x7: {  	s21 =	simm.s32 $0x2;
	s22 =	simm.s32 $0x2700;
	s15 =	sand.u32 $0x1, s3  }
0x8: {  	s23 =	simm.s32 $0x2780;
	s3 =	stileid.u32;
	s8 =	smul.u32 $0x140000, s15  }
0x9: {  	[smem:$0x7FF] =	sst s4;
	s5 =	sadd.s32 $0x20E00, s7;
	s9 =	smul.u32 $0x14000, s3  }
0xa: {  	s6 =	sadd.s32 $0x15A00, s7;
	_ =	strace $0x8000004A;
	s10 =	smul.u32 $0x50000, s3  }
0xb: {  	s30 =	ssub.s32 $0x2, s15;
	s12 =	smul.u32 $0xF, s3;
	p0 =	sne.s32 s15, $0x0  }
.Ltmp0:
0xc: {  	s15 =	simm.s32 $0x2800;
	s8 =	sadd.s32 s9, s8;
	(pc) =	sbr.rel .LBB2_1-.Ltmp0, $4  }
0xd: {  	s31 =	sshrl.u32 s30, $0x1;
	s10 =	sshrl.u32 s10, $0x2;
	s8 =	sshrl.u32 s8, $0x3  }
0xe: {  	s14 =	ssub.s32 s30, s31;
	s13 =	sadd.s32 s8, s7;
	s7 =	sadd.s32 s10, s2  }
0xf: {  	s14 =	smax.u32 s14, $0x1;
	s8 =	sadd.s32 $0x4000, s7;
	s9 =	sadd.s32 $0x8000, s7  }
0x10: {  	v0 =	vimm.f32 $0.0e+00;
	s10 =	sadd.s32 $0xC000, s7;
	s11 =	sadd.s32 $0x10000, s7;
	s13 =	sadd.s32 $0x48E00, s13  }
.LBB2_7:
0x11: {  	s4 =	sadd.s32 $0x1, s4  }
0x12: {  	s24 =	sshll.u32 s3, $0x6;
	[bflag:$0x0] =	sbarrier.arrive $0xFFFF;
	p1 =	sne.s32 s4, s14  }
.Ltmp1:
0x13: {  	s25 =	sshrl.u32 s7, $0x3;
	s24 =	sor.u32 $0x1C03, s24;
	(pc) =	sbr.rel @!p1 .LBB2_8-.Ltmp1, $4  }
0x14: {  	[hbm:s13], [sflag:s24] =	dma.local [spmem:s25], $0x2800  }
0x15: {  	_ =	swait.ge [sflag:s16], $0x2800  }
0x16: {  	[sflag:s16] =	ssyncset.done $0x0  }
0x17: {  	[sflag:s16] =	ssyncadd.s32 $0xFFFFD800  }
.LBB2_1:
0x18: {  	s24 =	simm.s32 $0x0;
	s25 =	simm.s32 $0x200  }
.LBB2_2:
0x19: {  	p1 =	sne.s32 s25, $0xFE00;
	[tilespmem:s24+$0x2870] =	vst v0  }
0x1a: {  	[tilespmem:s24+$0x2800] =	vst v0  }
0x1b: {  	[tilespmem:s24+$0x2810] =	vst v0  }
.Ltmp2:
0x1c: {  	[tilespmem:s24+$0x2820] =	vst v0;
	(pc) =	sbr.rel @p1 .LBB2_2-.Ltmp2, $4  }
0x1d: {  	[tilespmem:s24+$0x2830] =	vst v0  }
0x1e: {  	[tilespmem:s24+$0x2840] =	vst v0  }
0x1f: {  	[tilespmem:s24+$0x2850] =	vst v0  }
0x20: {  	[tilespmem:s24+$0x2860] =	vst v0;
	s24 =	sshra.s32 s25, $0x2;
	s25 =	sadd.s32 $0x200, s25  }
0x21: {  	[tilespmem:s24+$0x2870] =	vst v0  }
0x22: {  	[tilespmem:s24+$0x2800] =	vst v0  }
0x23: {  	[tilespmem:s24+$0x2810] =	vst v0  }
0x24: {  	[tilespmem:s24+$0x2820] =	vst v0  }
0x25: {  	[tilespmem:s24+$0x2830] =	vst v0  }
0x26: {  	[tilespmem:s24+$0x2840] =	vst v0  }
0x27: {  	[tilespmem:s24+$0x2850] =	vst v0  }
0x28: {  	[tilespmem:s24+$0x2860] =	vst v0  }
0x29: {  	[spmem:s7] =	stream.linear.scatter [tilespmem:s15], [sflag:$0x3], $0x4000, $0x38;
	[tilespmem:$0x1E800] =	vst v63  }
0x2a: {  	_ =	swait.ge [sflag:s16], $0x4000  }
0x2b: {  	[sflag:s16] =	ssyncset.done $0x0  }
0x2c: {  	[sflag:s16] =	ssyncadd.s32 $0xFFFFC000  }
0x2d: {  	[spmem:s8] =	stream.linear.scatter [tilespmem:s15], [sflag:$0x3], $0x4000, $0x38;
	[tilespmem:$0x1E800] =	vst v63  }
0x2e: {  	_ =	swait.ge [sflag:s16], $0x4000  }
0x2f: {  	[sflag:s16] =	ssyncset.done $0x0  }
0x30: {  	[sflag:s16] =	ssyncadd.s32 $0xFFFFC000  }
0x31: {  	[spmem:s9] =	stream.linear.scatter [tilespmem:s15], [sflag:$0x3], $0x4000, $0x38;
	[tilespmem:$0x1E800] =	vst v63  }
0x32: {  	_ =	swait.ge [sflag:s16], $0x4000  }
0x33: {  	[sflag:s16] =	ssyncset.done $0x0  }
0x34: {  	[sflag:s16] =	ssyncadd.s32 $0xFFFFC000  }
0x35: {  	[spmem:s10] =	stream.linear.scatter [tilespmem:s15], [sflag:$0x3], $0x4000, $0x38;
	[tilespmem:$0x1E800] =	vst v63  }
0x36: {  	_ =	swait.ge [sflag:s16], $0x4000  }
0x37: {  	[sflag:s16] =	ssyncset.done $0x0  }
0x38: {  	[sflag:s16] =	ssyncadd.s32 $0xFFFFC000  }
0x39: {  	[spmem:s11] =	stream.linear.scatter [tilespmem:s15], [sflag:$0x3], $0x4000, $0x38;
	[tilespmem:$0x1E800] =	vst v63  }
.Ltmp3:
0x3a: {  	_ =	swait.ge [sflag:s16], $0x4000;
	(pc) =	sbr.rel @p0 .LBB2_7-.Ltmp3, $4  }
0x3b: {  	[sflag:s16] =	ssyncset.done $0x0  }
0x3c: {  	[sflag:s16] =	ssyncadd.s32 $0xFFFFC000  }
0x3d: {  	[bflag:$0x0] =	sbarrier.arrive $0xFFFF  }
0x3e: {  	s24 =	simm.s32 $0x0;
	s25 =	simm.s32 $0x0  }
.LBB2_4:
0x3f: {  	s26 =	smul.u32 $0x5, s25;
	_ =	sdelay $0x1  }
0x40: {  	s26 =	sadd.s32 s12, s26  }
0x41: {  	s26 =	sshll.u32 s26, $0x7  }
0x42: {  	s28 =	sadd.s32 s6, s26  }
0x43: {  	[tilespmem:s24], [sflag:$0x3] =	stream.linear.gather [hbm4b:s28+s24], $0x1400, $0x38;
	[tilespmem:$0x1E800] =	vst v63  }
0x44: {  	_ =	swait.ge [sflag:s16], $0x1400  }
0x45: {  	[sflag:s16] =	ssyncset.done $0x0  }
0x46: {  	s26 =	sadd.s32 s1, s26;
	[sflag:s16] =	ssyncadd.s32 $0xFFFFEC00  }
0x47: {  	[tilespmem:s17], [sflag:$0x3] =	stream.linear.gather [hbm4b:s26+s24], $0x1400, $0x38;
	[tilespmem:$0x1E800] =	vst v63  }
0x48: {  	_ =	swait.ge [sflag:s16], $0x1400  }
0x49: {  	[sflag:s16] =	ssyncset.done $0x0  }
0x4a: {  	[sflag:s16] =	ssyncadd.s32 $0xFFFFEC00  }
0x4b: {  	[tilespmem:s15], [sflag:$0x1] =	stream.indirect.gather [hbm4b:s5+s18], $0x80, s24, s18, $0xb8;
	[tilespmem:$0x1E800] =	vst v63  }
0x4c: {  	_ = 	snop  }
0x4d: {  	[tilespmem:s19], [sflag:$0x2] =	stream.indirect.gather [hbm4b:s5+s18], $0x80, s18, s18, $0xb8;
	[tilespmem:$0x1E800] =	vst v63  }
0x4e: {  	_ =	swait.ge [sflag:s20], $0x4000  }
0x4f: {  	[sflag:s20] =	ssyncset.done $0x0  }
0x50: {  	s29 =	simm.s32 $0x1400;
	[sflag:s20] =	ssyncadd.s32 $0xFFFFC000  }
0x51: {  	[spmem:s2] =	stream.indirect.scatter.add.f32 [tilespmem:s15], [sflag:$0x3], $0x80, s29, s18, $0xb8;
	[tilespmem:$0x1E800] =	vst v63  }
0x52: {  	_ =	swait.ge [sflag:s16], $0x4000  }
0x53: {  	[sflag:s16] =	ssyncset.done $0x0  }
0x54: {  	s30 =	simm.s32 $0x100;
	[sflag:s16] =	ssyncadd.s32 $0xFFFFC000  }
0x55: {  	[tilespmem:s15], [sflag:$0x1] =	stream.indirect.gather [hbm4b:s5+s18], $0x80, s30, s18, $0xb8;
	[tilespmem:$0x1E800] =	vst v63  }
0x56: {  	_ =	swait.ge [sflag:s21], $0x4000  }
0x57: {  	[sflag:s21] =	ssyncset.done $0x0  }
0x58: {  	s31 =	simm.s32 $0x1480;
	[sflag:s21] =	ssyncadd.s32 $0xFFFFC000  }
0x59: {  	[spmem:s2] =	stream.indirect.scatter.add.f32 [tilespmem:s19], [sflag:$0x3], $0x80, s31, s18, $0xb8;
	[tilespmem:$0x1E800] =	vst v63  }
0x5a: {  	_ =	swait.ge [sflag:s16], $0x4000  }
0x5b: {  	[sflag:s16] =	ssyncset.done $0x0  }
0x5c: {  	s28 =	simm.s32 $0x180;
	s26 =	simm.s32 $0x400;
	[sflag:s16] =	ssyncadd.s32 $0xFFFFC000  }
.LBB2_5:
0x5d: {  	[tilespmem:s19], [sflag:$0x2] =	stream.indirect.gather [hbm4b:s5+s18], $0x80, s28, s18, $0xb8;
	[tilespmem:$0x1E800] =	vst v63  }
0x5e: {  	s28 =	smov.u32 s26  }
0x5f: {  	p1 =	sne.s32 s26, $0x4800;
	s26 =	sadd.s32 $0x400, s26;
	_ =	swait.ge [sflag:s20], $0x4000  }
0x60: {  	s28 =	sshra.s32 s28, $0x2;
	[sflag:s20] =	ssyncset.done $0x0  }
0x61: {  	s29 =	sadd.s32 $0x1400, s28;
	[sflag:s20] =	ssyncadd.s32 $0xFFFFC000  }
0x62: {  	[spmem:s2] =	stream.indirect.scatter.add.f32 [tilespmem:s15], [sflag:$0x3], $0x80, s29, s18, $0xb8;
	[tilespmem:$0x1E800] =	vst v63  }
0x63: {  	_ =	swait.ge [sflag:s16], $0x4000  }
0x64: {  	[sflag:s16] =	ssyncset.done $0x0  }
0x65: {  	s29 =	sadd.s32 $0x100, s28;
	[sflag:s16] =	ssyncadd.s32 $0xFFFFC000  }
0x66: {  	[tilespmem:s15], [sflag:$0x1] =	stream.indirect.gather [hbm4b:s5+s18], $0x80, s29, s18, $0xb8;
	[tilespmem:$0x1E800] =	vst v63  }
0x67: {  	_ =	swait.ge [sflag:s21], $0x4000  }
0x68: {  	[sflag:s21] =	ssyncset.done $0x0  }
.Ltmp4:
0x69: {  	s29 =	sadd.s32 $0x1480, s28;
	[sflag:s21] =	ssyncadd.s32 $0xFFFFC000;
	(pc) =	sbr.rel @p1 .LBB2_5-.Ltmp4, $4  }
0x6a: {  	[spmem:s2] =	stream.indirect.scatter.add.f32 [tilespmem:s19], [sflag:$0x3], $0x80, s29, s18, $0xb8;
	[tilespmem:$0x1E800] =	vst v63  }
0x6b: {  	_ =	swait.ge [sflag:s16], $0x4000  }
0x6c: {  	[sflag:s16] =	ssyncset.done $0x0  }
0x6d: {  	s28 =	sadd.s32 $0x180, s28;
	[sflag:s16] =	ssyncadd.s32 $0xFFFFC000  }
0x6e: {  	[tilespmem:s19], [sflag:$0x2] =	stream.indirect.gather [hbm4b:s5+s18], $0x80, s28, s18, $0xb8;
	[tilespmem:$0x1E800] =	vst v63  }
0x6f: {  	_ =	swait.ge [sflag:s20], $0x4000  }
0x70: {  	[sflag:s20] =	ssyncset.done $0x0  }
0x71: {  	[sflag:s20] =	ssyncadd.s32 $0xFFFFC000  }
0x72: {  	[spmem:s2] =	stream.indirect.scatter.add.f32 [tilespmem:s15], [sflag:$0x3], $0x80, s22, s18, $0xb8;
	[tilespmem:$0x1E800] =	vst v63  }
0x73: {  	_ =	swait.ge [sflag:s16], $0x4000  }
0x74: {  	[sflag:s16] =	ssyncset.done $0x0  }
0x75: {  	[sflag:s16] =	ssyncadd.s32 $0xFFFFC000  }
0x76: {  	_ =	swait.ge [sflag:s21], $0x4000  }
0x77: {  	s25 =	sadd.s32 $0x1, s25;
	[sflag:s21] =	ssyncset.done $0x0  }
0x78: {  	p1 =	sne.s32 s25, $0x3;
	[sflag:s21] =	ssyncadd.s32 $0xFFFFC000  }
0x79: {  	[spmem:s2] =	stream.indirect.scatter.add.f32 [tilespmem:s19], [sflag:$0x3], $0x80, s23, s18, $0xb8;
	[tilespmem:$0x1E800] =	vst v63  }
.Ltmp5:
0x7a: {  	_ = 	snop;
	(pc) =	sbr.rel @p1 .LBB2_4-.Ltmp5, $4  }
.Ltmp6:
0x7b: {  	_ = 	snop;
	(pc) =	sbr.rel @!p1 .LBB2_7-.Ltmp6, $4  }
0x7c: {  	_ =	swait.ge [sflag:s16], $0x4000  }
0x7d: {  	[sflag:s16] =	ssyncset.done $0x0  }
0x7e: {  	[sflag:s16] =	ssyncadd.s32 $0xFFFFC000  }
0x7f: {  	_ = 	snop  }
.LBB2_8:
0x80: {  	_ =	sfence.sel $0x180000  }
0x81: {  	[bflag:$0x0] =	sbarrier.arrive $0xFFFF  }
0x82: {  	p0 =	sne.s32 s3, $0x0;
	_ =	strace $0x9000004A  }
0x83: {  	s0 =	sadd.s32 @!p0 $0x100000, s0;
	[bflag:$0x2] =	sbarrier.arrive $0xFFFF  }
0x84: {  	[sflag:s0] =	ssyncadd.tile.s32 @!p0 $0x1;
	_ =	shalt  }
.Lfunc_end2:
_tile_overlayer_lowered:
.L_overlay_start_2:
0x85: {  	(tag) =	ssettag $0x2  }
0x86: {  	s0 =	rddreg [dreg:$0x0];
	s2 =	stileid.u32  }
0x87: {  	s1 =	rddreg [dreg:$0x1];
	p0 =	sne.s32 s2, $0x0  }
0x88: {  	s3 =	rddreg [dreg:$0x2];
	[bflag:$0x3] =	sbarrier.arrive $0xFFFF;
	s2 =	simm.s32 @!p0 $0x1C03  }
0x89: {  	[timem:s3], [sflag:s2] =	dma.local @!p0 [hbm:s0], s1  }
0x8a: {  	s0 =	simm.s32 @!p0 $0x3  }
0x8b: {  	_ =	swait.ge @!p0 [sflag:s0], s1  }
0x8c: {  	s1 =	ssub.s32 @!p0 $0x0, s1;
	[sflag:s0] =	ssyncset.done @!p0 $0x0  }
0x8d: {  	[sflag:s0] =	ssyncadd.s32 @!p0 s1  }
0x8e: {  	[bflag:$0x3] =	sbarrier.arrive $0xFFFF  }
0x8f: {  	_ =	shalt  }

</sc_bundles>
